<compile_context>
chip_gen: v7x
topology: tpu7x:2x2x1
jax: 0.10.2.dev20260603
libtpu: 0.0.44.dev20260713+nightly
codegen_flags: <defaults>
</compile_context>

<pallas_src>
import functools

import jax
import jax.numpy as jnp
import numpy as np
from jax import lax
from jax.experimental import pallas as pl
from jax.experimental.pallas import tpu as pltpu
from jax.experimental.pallas import tpu_sc as plsc

B, N, C = 4, 65536, 128
NCLS, KPTS, MID = 3, 4096, 128
EPS = 1e-5
NB = 2048
FR, FC = 512, 128
SR, SC_ = 32, 128
NW = 32
SHARD = B * KPTS // NW
CPW = C // (NW // B)


def _erfc_xla(z):
    one = jnp.float32(1.0)
    ax = jnp.abs(z)
    z2 = z * z
    p = jnp.float32(7.85386146e-05)
    for c in (-0.000801019371, 0.00518832775, -0.0268538129, 0.112835854,
              -0.37612626, 1.12837911):
        p = p * z2 + jnp.float32(c)
    res_a = one - z * p
    nz2 = -z2
    e = jnp.exp(nz2)
    q = e * (one / ax)
    w = one / z2
    r = w * jnp.float32(0.0232682) + jnp.float32(-0.138703942)
    for c in (0.368742466, -0.582473278, 0.621000469, -0.494451523, 0.340488,
              -0.274112701, 0.563825965):
        r = r * w + jnp.float32(c)
    s = w * jnp.float32(-10.477664) + jnp.float32(12.9772)
    for c in (-7.49551868, 2.92101908, -1.01526523, 0.42184633, -0.282076746,
              0.564189494):
        s = s * w + jnp.float32(c)
    poly = jnp.where(ax < jnp.float32(2.0), r, s)
    val = q * poly
    val = jnp.where(nz2 < jnp.float32(-88.7228394), jnp.float32(0.0), val)
    res_b = jnp.where(z < jnp.float32(0.0), jnp.float32(2.0) - val, val)
    return jnp.where(ax < one, res_a, res_b)


def _gelu_xla(x):
    z = (-x) * jnp.float32(0.707106769)
    return (x * jnp.float32(0.5)) * _erfc_xla(z)



def _conf_kernel(scale1_r, b1_r, wc1_r, wc2_r, bc2_r, f_r, cls_r, s_r, ft_r):
    f = f_r[0]
    h = lax.dot_general(wc1_r[...], f, (((1,), (0,)), ((), ())),
                        preferred_element_type=jnp.float32)
    h = h * scale1_r[...] + b1_r[...]
    h = _gelu_xla(h)
    cls = lax.dot_general(wc2_r[...], h, (((1,), (0,)), ((), ())),
                          preferred_element_type=jnp.float32)
    cls = cls + bc2_r[...]
    cls_r[0] = cls
    s_r[0] = jax.nn.sigmoid(jnp.max(cls, axis=0)).reshape(NB // FC, FC)
    ft_r[0] = jnp.transpose(f, (1, 0))


def _run_conf(feats, scale1, b1c, Wc1, Wc2, bc2c):
    zz = lambda b, n: (0, 0)
    return pl.pallas_call(
        _conf_kernel,
        grid=(B, N // NB),
        in_specs=[
            pl.BlockSpec((C, 1), zz),
            pl.BlockSpec((C, 1), zz),
            pl.BlockSpec((C, C), zz),
            pl.BlockSpec((NCLS, C), zz),
            pl.BlockSpec((NCLS, 1), zz),
            pl.BlockSpec((1, C, NB), lambda b, n: (b, 0, n)),
        ],
        out_specs=[
            pl.BlockSpec((1, NCLS, NB), lambda b, n: (b, 0, n)),
            pl.BlockSpec((1, NB // FC, FC), lambda b, n: (b, n, 0)),
            pl.BlockSpec((1, NB, C), lambda b, n: (b, n, 0)),
        ],
        out_shape=[
            jax.ShapeDtypeStruct((B, NCLS, N), jnp.float32),
            jax.ShapeDtypeStruct((B, FR, FC), jnp.float32),
            jax.ShapeDtypeStruct((B, N, C), jnp.float32),
        ],
        compiler_params=pltpu.CompilerParams(
            dimension_semantics=("parallel", "arbitrary")),
    )(scale1, b1c, Wc1, Wc2, bc2c, feats)



def _rot(x, s, axis):
    if s == 0:
        return x
    if axis == 1:
        return jnp.concatenate([x[:, s:], x[:, :s]], axis=1)
    return jnp.concatenate([x[s:], x[:s]], axis=0)


def _cumsum_flat(m):
    lane = lax.broadcasted_iota(jnp.int32, (FR, FC), 1)
    x = m
    s = 1
    while s < FC:
        sh = _rot(x, FC - s, 1)
        x = x + jnp.where(lane >= s, sh, 0)
        s *= 2
    tot = x[:, FC - 1:FC]
    sub = lax.broadcasted_iota(jnp.int32, (FR, 1), 0)
    t = tot
    s = 1
    while s < FR:
        sh = _rot(t, FR - s, 0)
        t = t + jnp.where(sub >= s, sh, 0)
        s *= 2
    return x + (t - tot)


def _flat_shift_left(x, b):
    if b % FC == 0:
        return _rot(x, b // FC, 0)
    bl = b % FC
    a = _rot(x, bl, 1)
    ab = _rot(a, b // FC + 1, 0)
    if b // FC:
        a = _rot(a, b // FC, 0)
    lane = lax.broadcasted_iota(jnp.int32, (FR, FC), 1)
    return jnp.where(lane < FC - bl, a, ab)


def _topk_kernel(s_r, idx_r):
    k = lax.bitcast_convert_type(s_r[0], jnp.int32)
    kpts = jnp.int32(KPTS)

    def bs_body(_, carry):
        lo, hi = carry
        mid = lax.div(lo + hi, jnp.int32(2))
        cnt = jnp.sum((k > mid).astype(jnp.int32))
        take_hi = cnt >= kpts
        lo = jnp.where(take_hi, mid, lo)
        hi = jnp.where(take_hi, hi, mid)
        return lo, hi

    _, kth = lax.fori_loop(0, 31, bs_body, (jnp.int32(0), jnp.int32(0x3F800000)))
    c_gt = jnp.sum((k > kth).astype(jnp.int32))
    r_ties = kpts - c_gt

    eq = k == kth
    cum2 = _cumsum_flat(eq.astype(jnp.int32))
    sel = (k > kth) | (eq & (cum2 <= r_ties))
    cum = _cumsum_flat(sel.astype(jnp.int32))

    fi = (lax.broadcasted_iota(jnp.int32, (FR, FC), 0) * FC
          + lax.broadcasted_iota(jnp.int32, (FR, FC), 1))
    sh = jnp.where(sel, fi - (cum - 1), 0)
    kv = jnp.where(sel, k, 0)
    b = 1
    while b < N:
        ksrc = _flat_shift_left(kv, b)
        ssrc = _flat_shift_left(sh, b)
        incoming = (jnp.bitwise_and(ssrc, b) != 0) & (fi < N - b)
        vacate = jnp.bitwise_and(sh, b) != 0
        zero = jnp.int32(0)
        kv = jnp.where(incoming, ksrc, jnp.where(vacate, zero, kv))
        sh = jnp.where(incoming, ssrc, jnp.where(vacate, zero, sh))
        b *= 2

    kv32 = kv[:SR, :]
    flat_j = (lax.broadcasted_iota(jnp.int32, (SR, SC_), 0) * SC_
              + lax.broadcasted_iota(jnp.int32, (SR, SC_), 1))
    ix32 = flat_j + sh[:SR, :]

    def partner(x, s):
        if s < SC_:
            left = _rot(x, s, 1)
            right = _rot(x, SC_ - s, 1)
        else:
            rs = s // SC_
            left = _rot(x, rs, 0)
            right = _rot(x, SR - rs, 0)
        return left, right

    kk = 2
    while kk <= KPTS:
        s = kk // 2
        while s >= 1:
            bit_s = jnp.bitwise_and(flat_j, s) == 0
            dir_asc = jnp.bitwise_and(flat_j, kk) == 0
            vl, vr = partner(kv32, s)
            il, ir = partner(ix32, s)
            bv = jnp.where(bit_s, vl, vr)
            bi = jnp.where(bit_s, il, ir)
            a_first = (kv32 > bv) | ((kv32 == bv) & (ix32 < bi))
            keep = a_first == (bit_s == dir_asc)
            kv32 = jnp.where(keep, kv32, bv)
            ix32 = jnp.where(keep, ix32, bi)
            s //= 2
        kk *= 2

    idx_r[0] = ix32


def _run_topk(s512):
    return pl.pallas_call(
        _topk_kernel,
        grid=(B,),
        in_specs=[pl.BlockSpec((1, FR, FC), lambda b: (b, 0, 0))],
        out_specs=pl.BlockSpec((1, SR, SC_), lambda b: (b, 0, 0)),
        out_shape=jax.ShapeDtypeStruct((B, SR, SC_), jnp.int32),
    )(s512)



def _sc_gather_kernel(px, py, pz, ft, idxo_hbm,
                      gpx, gpy, gpz, gf,
                      idxo_v, b0, b1_, b2, rows_v, sem, fsem):
    wid = lax.axis_index("s") * 2 + lax.axis_index("c")
    base = wid * SHARD
    pltpu.sync_copy(idxo_hbm.at[pl.ds(base, SHARD)], idxo_v)
    fcp = pltpu.async_copy(ft.at[idxo_v], rows_v, fsem)
    cps = []
    for tab, buf in ((px, b0), (py, b1_), (pz, b2)):
        cps.append(pltpu.async_copy(tab.at[idxo_v], buf, sem))
    for cp in cps:
        cp.wait()
    for out, buf in ((gpx, b0), (gpy, b1_), (gpz, b2)):
        pltpu.sync_copy(buf, out.at[pl.ds(base, SHARD)])
    fcp.wait()
    pltpu.sync_copy(rows_v, gf.at[pl.ds(base, SHARD)])


def _run_sc_gather(px, py, pz, feats_t, idx_off):
    mesh = plsc.VectorSubcoreMesh(core_axis_name="c", subcore_axis_name="s")
    out_t = [jax.ShapeDtypeStruct((B * KPTS,), jnp.float32)] * 3 + [
        jax.ShapeDtypeStruct((B * KPTS, C), jnp.float32)]
    scratch = ([pltpu.VMEM((SHARD,), jnp.int32)]
               + [pltpu.VMEM((SHARD,), jnp.float32)] * 3
               + [pltpu.VMEM((SHARD, C), jnp.float32)]
               + [pltpu.SemaphoreType.DMA, pltpu.SemaphoreType.DMA])
    fn = functools.partial(pl.kernel, mesh=mesh, out_type=out_t,
                           scratch_types=scratch)(_sc_gather_kernel)
    return fn(px, py, pz, feats_t, idx_off)



def _reg_kernel(scaler_r, brr_r, wr1_r, wr2_r, br2_r, g_r, org_r,
                off_r, pred_r):
    g = g_r[0]
    hr = lax.dot_general(g, wr1_r[...], (((1,), (1,)), ((), ())),
                         preferred_element_type=jnp.float32)
    hr = hr * scaler_r[...] + brr_r[...]
    hr = _gelu_xla(hr)
    off = lax.dot_general(hr, wr2_r[...], (((1,), (1,)), ((), ())),
                          preferred_element_type=jnp.float32)
    off = off + br2_r[...]
    off_r[0] = off
    lane = lax.broadcasted_iota(jnp.int32, (KPTS, NCLS), 1)
    lim = jnp.where(lane < 2, jnp.float32(3.0), jnp.float32(2.0))
    limited = jnp.where(off > lim, lim, off)
    limited = jnp.where(limited < -lim, -lim, limited)
    pred_r[0] = org_r[0] + limited


def _run_reg(gfeats, org, scaler, brc, Wr1, Wr2, br2c):
    zz = lambda b: (0, 0)
    return pl.pallas_call(
        _reg_kernel,
        grid=(B,),
        in_specs=[
            pl.BlockSpec((1, MID), zz),
            pl.BlockSpec((1, MID), zz),
            pl.BlockSpec((MID, C), zz),
            pl.BlockSpec((NCLS, MID), zz),
            pl.BlockSpec((1, NCLS), zz),
            pl.BlockSpec((1, KPTS, C), lambda b: (b, 0, 0)),
            pl.BlockSpec((1, KPTS, NCLS), lambda b: (b, 0, 0)),
        ],
        out_specs=[
            pl.BlockSpec((1, KPTS, NCLS), lambda b: (b, 0, 0)),
            pl.BlockSpec((1, KPTS, NCLS), lambda b: (b, 0, 0)),
        ],
        out_shape=[
            jax.ShapeDtypeStruct((B, KPTS, NCLS), jnp.float32),
            jax.ShapeDtypeStruct((B, KPTS, NCLS), jnp.float32),
        ],
    )(scaler, brc, Wr1, Wr2, br2c, gfeats, org)



def kernel(points, feats, Wc1, g1, b1, Wc2, bc2, Wr1, gr, br, Wr2, br2):
    scale1 = (g1 / jnp.sqrt(1.0 + EPS)).astype(jnp.float32).reshape(C, 1)
    b1c = b1.reshape(C, 1)
    bc2c = bc2.reshape(NCLS, 1)
    scaler = (gr / jnp.sqrt(1.0 + EPS)).astype(jnp.float32).reshape(1, MID)
    brc = br.reshape(1, MID)
    br2c = br2.reshape(1, NCLS)

    cls_preds, scores, feats_t = _run_conf(feats, scale1, b1c, Wc1, Wc2, bc2c)

    idx32 = _run_topk(scores)
    sidx = idx32.reshape(B, KPTS)

    idx_off = (sidx + (jnp.arange(B, dtype=jnp.int32) * N)[:, None]).reshape(-1)

    pts_p = jnp.transpose(points, (2, 0, 1)).reshape(NCLS, B * N)
    gpx, gpy, gpz, gfeats = _run_sc_gather(
        pts_p[0], pts_p[1], pts_p[2], feats_t.reshape(B * N, C), idx_off)

    org_p = jnp.stack([gpx, gpy, gpz], axis=0)
    ctr_origins = org_p.reshape(NCLS, B, KPTS).transpose(1, 2, 0)

    off_b, pred_b = _run_reg(gfeats.reshape(B, KPTS, C), ctr_origins,
                             scaler, brc, Wr1, Wr2, br2c)
    return (cls_preds, pred_b, ctr_origins, off_b)

# --- scband reference (transcript-rebuilt; emitter-appended) ---
"""Pipeline reference for scband-vote-layer-24781961298241 (READ-ONLY COPY).

The authoritative reference and input builder live on the scoring server;
editing this copy changes nothing except your own understanding.
"""

import jax, jax.numpy as jnp
import numpy as np

B, N, C = 4, 65536, 128
N_CLASS, N_POINT, MID = 3, 4096, 128
EPS = 1e-5
MAX_OFFSET = np.array([3.0, 3.0, 2.0], dtype=np.float32)


def _conv1x1(x, W):
    # x: [B, Cin, N], W: [Cout, Cin] -> [B, Cout, N]
    return jnp.einsum('oc,bcn->bon', W, x)


def _bn_eval(x, gamma, beta):
    # BatchNorm1d in eval mode with running_mean=0, running_var=1
    scale = gamma / jnp.sqrt(1.0 + EPS)
    return x * scale[None, :, None] + beta[None, :, None]


def setup_inputs(seed: int = 0) -> dict:
    key = jax.random.key(seed)
    ks = jax.random.split(key, 8)
    points = jax.random.normal(ks[0], (B, N, 3), dtype=jnp.float32)
    feats = jax.random.normal(ks[1], (B, C, N), dtype=jnp.float32)
    Wc1 = jax.random.normal(ks[2], (C, C), dtype=jnp.float32) * 0.05
    g1 = jnp.ones((C,), dtype=jnp.float32)
    b1 = jnp.zeros((C,), dtype=jnp.float32)
    Wc2 = jax.random.normal(ks[3], (N_CLASS, C), dtype=jnp.float32) * 0.05
    bc2 = jnp.zeros((N_CLASS,), dtype=jnp.float32)
    Wr1 = jax.random.normal(ks[4], (MID, C), dtype=jnp.float32) * 0.05
    gr = jnp.ones((MID,), dtype=jnp.float32)
    br = jnp.zeros((MID,), dtype=jnp.float32)
    Wr2 = jax.random.normal(ks[5], (3, MID), dtype=jnp.float32) * 0.05
    br2 = jnp.zeros((3,), dtype=jnp.float32)
    return {'points': points, 'feats': feats, 'Wc1': Wc1, 'g1': g1, 'b1': b1,
            'Wc2': Wc2, 'bc2': bc2, 'Wr1': Wr1, 'gr': gr, 'br': br,
            'Wr2': Wr2, 'br2': br2}


def reference(points, feats, Wc1, g1, b1, Wc2, bc2, Wr1, gr, br, Wr2, br2):
    # confidence_layer
    h = _conv1x1(feats, Wc1)
    h = _bn_eval(h, g1, b1)
    h = jax.nn.gelu(h, approximate=False)
    cls_preds = _conv1x1(h, Wc2) + bc2[None, :, None]  # [B, n_class, N]
    # max over class channel, sigmoid, topk over N
    cls_features_max = jnp.max(cls_preds, axis=1)  # [B, N]
    score_pred = jax.nn.sigmoid(cls_features_max)
    _, sample_indices = jax.lax.top_k(score_pred, N_POINT)  # [B, n_point]
    # masked_gather (indices are all valid/non-negative here)
    ctr_origins = jnp.take_along_axis(points, sample_indices[:, :, None], axis=1)  # [B, n_point, 3]
    feats_t = jnp.transpose(feats, (0, 2, 1))  # [B, N, C]
    gathered = jnp.take_along_axis(feats_t, sample_indices[:, :, None], axis=1)  # [B, n_point, C]
    # ctr_reg
    x = jnp.transpose(gathered, (0, 2, 1))  # [B, C, n_point]
    x = _conv1x1(x, Wr1)
    x = _bn_eval(x, gr, br)
    x = jax.nn.gelu(x, approximate=False)
    x = _conv1x1(x, Wr2) + br2[None, :, None]  # [B, 3, n_point]
    ctr_offsets = jnp.transpose(x, (0, 2, 1))  # [B, n_point, 3]
    lim = jnp.asarray(MAX_OFFSET).reshape(1, 1, 3)
    lim = jnp.broadcast_to(lim, ctr_origins.shape)
    limited = jnp.where(ctr_offsets > lim, lim, ctr_offsets)
    limited = jnp.where(limited < -lim, -lim, limited)
    ctr_preds = ctr_origins + limited
    return (cls_preds, ctr_preds, ctr_origins, ctr_offsets)

if __name__ == "__main__":
    import jax
    _d = setup_inputs()
    print(jax.jit(kernel)(*tuple(_d.values())))

</pallas_src>

<mosaic_0001>
#map = affine_map<(d0, d1) -> (0)>
#map1 = affine_map<(d0, d1) -> (0, 0)>
module attributes {stable_mosaic.version = 14 : i64} {
  func.func @_sc_gather_kernel(%arg0: i32, %arg1: i32, %arg2: memref<262144xf32, #tpu.memory_space<hbm>>, %arg3: memref<262144xf32, #tpu.memory_space<hbm>>, %arg4: memref<262144xf32, #tpu.memory_space<hbm>>, %arg5: memref<262144x128xf32, #tpu.memory_space<hbm>>, %arg6: memref<16384xi32, #tpu.memory_space<hbm>>, %arg7: memref<16384xf32, #tpu.memory_space<hbm>>, %arg8: memref<16384xf32, #tpu.memory_space<hbm>>, %arg9: memref<16384xf32, #tpu.memory_space<hbm>>, %arg10: memref<16384x128xf32, #tpu.memory_space<hbm>>, %arg11: memref<512xi32, #tpu.memory_space<vmem>>, %arg12: memref<512xf32, #tpu.memory_space<vmem>>, %arg13: memref<512xf32, #tpu.memory_space<vmem>>, %arg14: memref<512xf32, #tpu.memory_space<vmem>>, %arg15: memref<512x128xf32, #tpu.memory_space<vmem>>, %arg16: memref<!tpu.dma_semaphore, #tpu.memory_space<semaphore_mem>>, %arg17: memref<!tpu.dma_semaphore, #tpu.memory_space<semaphore_mem>>) attributes {dimension_semantics = [#tpu.dimension_semantics<core_parallel>, #tpu.dimension_semantics<subcore_parallel>], iteration_bounds = array<i64: 2, 16>, scalar_prefetch = 0 : i64, scratch_operands = 7 : i64, tpu.core_type = #tpu.core_type<sc_vector_subcore>, window_params = [{transform_indices = #map}, {transform_indices = #map}, {transform_indices = #map}, {transform_indices = #map1}, {transform_indices = #map}, {transform_indices = #map}, {transform_indices = #map}, {transform_indices = #map}, {transform_indices = #map1}]} {
    %mul3A = arith.constant 2 : i32
    %mul3A_0 = arith.muli %arg1, %mul3A : i32
    %add3A = arith.addi %mul3A_0, %arg0 : i32
    %mul3A_1 = arith.constant 512 : i32
    %mul3A_2 = arith.muli %add3A, %mul3A_1 : i32
    "tpu.region"() ({
      %run_scoped3A = tpu.sem_alloc : memref<!tpu.dma_semaphore, #tpu.memory_space<semaphore_mem>>
      %dma_start3A_19 = tpu.memref_slice %arg6[%mul3A_2] : memref<16384xi32, #tpu.memory_space<hbm>> -> memref<512xi32, #tpu.memory_space<hbm>>
      %dma_start3A_20 = tpu.memref_slice %arg6[%mul3A_2] : memref<16384xi32, #tpu.memory_space<hbm>> -> memref<512xi32, #tpu.memory_space<hbm>>
      tpu.enqueue_dma source(%dma_start3A_20 : memref<512xi32, #tpu.memory_space<hbm>>) target(%arg11 : memref<512xi32, #tpu.memory_space<vmem>>) target_semaphore(%run_scoped3A : memref<!tpu.dma_semaphore, #tpu.memory_space<semaphore_mem>>)
      %dma_wait3A_21 = tpu.memref_slice %arg6[%mul3A_2] : memref<16384xi32, #tpu.memory_space<hbm>> -> memref<512xi32, #tpu.memory_space<hbm>>
      %dma_wait3A_22 = tpu.memref_slice %arg6[%mul3A_2] : memref<16384xi32, #tpu.memory_space<hbm>> -> memref<512xi32, #tpu.memory_space<hbm>>
      tpu.wait_dma2 semaphore(%run_scoped3A : memref<!tpu.dma_semaphore, #tpu.memory_space<semaphore_mem>>) src(%dma_wait3A_22 : memref<512xi32, #tpu.memory_space<hbm>>) dst(%arg11 : memref<512xi32, #tpu.memory_space<vmem>>)
      tpu.yield
    }) : () -> ()
    %dma_start3A = arith.constant 0 : i32
    %dma_start3A_3 = arith.constant 0 : i32
    %dma_start3A_4 = tpu.memref_slice %arg5[%dma_start3A, %dma_start3A_3] : memref<262144x128xf32, #tpu.memory_space<hbm>> -> memref<262144x128xf32, #tpu.memory_space<hbm>>
    tpu.enqueue_indirect_dma source(%dma_start3A_4 : memref<262144x128xf32, #tpu.memory_space<hbm>>) target(%arg15 : memref<512x128xf32, #tpu.memory_space<vmem>>) offsets(%arg11 : memref<512xi32, #tpu.memory_space<vmem>>) semaphore(%arg17 : memref<!tpu.dma_semaphore, #tpu.memory_space<semaphore_mem>>)
    %dma_start3A_5 = arith.constant 0 : i32
    %dma_start3A_6 = tpu.memref_slice %arg2[%dma_start3A_5] : memref<262144xf32, #tpu.memory_space<hbm>> -> memref<262144xf32, #tpu.memory_space<hbm>>
    tpu.enqueue_indirect_dma source(%dma_start3A_6 : memref<262144xf32, #tpu.memory_space<hbm>>) target(%arg12 : memref<512xf32, #tpu.memory_space<vmem>>) offsets(%arg11 : memref<512xi32, #tpu.memory_space<vmem>>) semaphore(%arg16 : memref<!tpu.dma_semaphore, #tpu.memory_space<semaphore_mem>>)
    %dma_start3A_7 = arith.constant 0 : i32
    %dma_start3A_8 = tpu.memref_slice %arg3[%dma_start3A_7] : memref<262144xf32, #tpu.memory_space<hbm>> -> memref<262144xf32, #tpu.memory_space<hbm>>
    tpu.enqueue_indirect_dma source(%dma_start3A_8 : memref<262144xf32, #tpu.memory_space<hbm>>) target(%arg13 : memref<512xf32, #tpu.memory_space<vmem>>) offsets(%arg11 : memref<512xi32, #tpu.memory_space<vmem>>) semaphore(%arg16 : memref<!tpu.dma_semaphore, #tpu.memory_space<semaphore_mem>>)
    %dma_start3A_9 = arith.constant 0 : i32
    %dma_start3A_10 = tpu.memref_slice %arg4[%dma_start3A_9] : memref<262144xf32, #tpu.memory_space<hbm>> -> memref<262144xf32, #tpu.memory_space<hbm>>
    tpu.enqueue_indirect_dma source(%dma_start3A_10 : memref<262144xf32, #tpu.memory_space<hbm>>) target(%arg14 : memref<512xf32, #tpu.memory_space<vmem>>) offsets(%arg11 : memref<512xi32, #tpu.memory_space<vmem>>) semaphore(%arg16 : memref<!tpu.dma_semaphore, #tpu.memory_space<semaphore_mem>>)
    %dma_wait3A = arith.constant 0 : i32
    %dma_wait3A_11 = tpu.memref_slice %arg2[%dma_wait3A] : memref<262144xf32, #tpu.memory_space<hbm>> -> memref<262144xf32, #tpu.memory_space<hbm>>
    tpu.wait_indirect_dma semaphore(%arg16 : memref<!tpu.dma_semaphore, #tpu.memory_space<semaphore_mem>>) src(%dma_wait3A_11 : memref<262144xf32, #tpu.memory_space<hbm>>) dst(%arg12 : memref<512xf32, #tpu.memory_space<vmem>>)
    %dma_wait3A_12 = arith.constant 0 : i32
    %dma_wait3A_13 = tpu.memref_slice %arg3[%dma_wait3A_12] : memref<262144xf32, #tpu.memory_space<hbm>> -> memref<262144xf32, #tpu.memory_space<hbm>>
    tpu.wait_indirect_dma semaphore(%arg16 : memref<!tpu.dma_semaphore, #tpu.memory_space<semaphore_mem>>) src(%dma_wait3A_13 : memref<262144xf32, #tpu.memory_space<hbm>>) dst(%arg13 : memref<512xf32, #tpu.memory_space<vmem>>)
    %dma_wait3A_14 = arith.constant 0 : i32
    %dma_wait3A_15 = tpu.memref_slice %arg4[%dma_wait3A_14] : memref<262144xf32, #tpu.memory_space<hbm>> -> memref<262144xf32, #tpu.memory_space<hbm>>
    tpu.wait_indirect_dma semaphore(%arg16 : memref<!tpu.dma_semaphore, #tpu.memory_space<semaphore_mem>>) src(%dma_wait3A_15 : memref<262144xf32, #tpu.memory_space<hbm>>) dst(%arg14 : memref<512xf32, #tpu.memory_space<vmem>>)
    "tpu.region"() ({
      %run_scoped3A = tpu.sem_alloc : memref<!tpu.dma_semaphore, #tpu.memory_space<semaphore_mem>>
      %dma_start3A_19 = tpu.memref_slice %arg7[%mul3A_2] : memref<16384xf32, #tpu.memory_space<hbm>> -> memref<512xf32, #tpu.memory_space<hbm>>
      %dma_start3A_20 = tpu.memref_slice %arg7[%mul3A_2] : memref<16384xf32, #tpu.memory_space<hbm>> -> memref<512xf32, #tpu.memory_space<hbm>>
      tpu.enqueue_dma source(%arg12 : memref<512xf32, #tpu.memory_space<vmem>>) target(%dma_start3A_20 : memref<512xf32, #tpu.memory_space<hbm>>) target_semaphore(%run_scoped3A : memref<!tpu.dma_semaphore, #tpu.memory_space<semaphore_mem>>)
      %dma_wait3A_21 = tpu.memref_slice %arg7[%mul3A_2] : memref<16384xf32, #tpu.memory_space<hbm>> -> memref<512xf32, #tpu.memory_space<hbm>>
      %dma_wait3A_22 = tpu.memref_slice %arg7[%mul3A_2] : memref<16384xf32, #tpu.memory_space<hbm>> -> memref<512xf32, #tpu.memory_space<hbm>>
      tpu.wait_dma2 semaphore(%run_scoped3A : memref<!tpu.dma_semaphore, #tpu.memory_space<semaphore_mem>>) src(%arg12 : memref<512xf32, #tpu.memory_space<vmem>>) dst(%dma_wait3A_22 : memref<512xf32, #tpu.memory_space<hbm>>)
      tpu.yield
    }) : () -> ()
    "tpu.region"() ({
      %run_scoped3A = tpu.sem_alloc : memref<!tpu.dma_semaphore, #tpu.memory_space<semaphore_mem>>
      %dma_start3A_19 = tpu.memref_slice %arg8[%mul3A_2] : memref<16384xf32, #tpu.memory_space<hbm>> -> memref<512xf32, #tpu.memory_space<hbm>>
      %dma_start3A_20 = tpu.memref_slice %arg8[%mul3A_2] : memref<16384xf32, #tpu.memory_space<hbm>> -> memref<512xf32, #tpu.memory_space<hbm>>
      tpu.enqueue_dma source(%arg13 : memref<512xf32, #tpu.memory_space<vmem>>) target(%dma_start3A_20 : memref<512xf32, #tpu.memory_space<hbm>>) target_semaphore(%run_scoped3A : memref<!tpu.dma_semaphore, #tpu.memory_space<semaphore_mem>>)
      %dma_wait3A_21 = tpu.memref_slice %arg8[%mul3A_2] : memref<16384xf32, #tpu.memory_space<hbm>> -> memref<512xf32, #tpu.memory_space<hbm>>
      %dma_wait3A_22 = tpu.memref_slice %arg8[%mul3A_2] : memref<16384xf32, #tpu.memory_space<hbm>> -> memref<512xf32, #tpu.memory_space<hbm>>
      tpu.wait_dma2 semaphore(%run_scoped3A : memref<!tpu.dma_semaphore, #tpu.memory_space<semaphore_mem>>) src(%arg13 : memref<512xf32, #tpu.memory_space<vmem>>) dst(%dma_wait3A_22 : memref<512xf32, #tpu.memory_space<hbm>>)
      tpu.yield
    }) : () -> ()
    "tpu.region"() ({
      %run_scoped3A = tpu.sem_alloc : memref<!tpu.dma_semaphore, #tpu.memory_space<semaphore_mem>>
      %dma_start3A_19 = tpu.memref_slice %arg9[%mul3A_2] : memref<16384xf32, #tpu.memory_space<hbm>> -> memref<512xf32, #tpu.memory_space<hbm>>
      %dma_start3A_20 = tpu.memref_slice %arg9[%mul3A_2] : memref<16384xf32, #tpu.memory_space<hbm>> -> memref<512xf32, #tpu.memory_space<hbm>>
      tpu.enqueue_dma source(%arg14 : memref<512xf32, #tpu.memory_space<vmem>>) target(%dma_start3A_20 : memref<512xf32, #tpu.memory_space<hbm>>) target_semaphore(%run_scoped3A : memref<!tpu.dma_semaphore, #tpu.memory_space<semaphore_mem>>)
      %dma_wait3A_21 = tpu.memref_slice %arg9[%mul3A_2] : memref<16384xf32, #tpu.memory_space<hbm>> -> memref<512xf32, #tpu.memory_space<hbm>>
      %dma_wait3A_22 = tpu.memref_slice %arg9[%mul3A_2] : memref<16384xf32, #tpu.memory_space<hbm>> -> memref<512xf32, #tpu.memory_space<hbm>>
      tpu.wait_dma2 semaphore(%run_scoped3A : memref<!tpu.dma_semaphore, #tpu.memory_space<semaphore_mem>>) src(%arg14 : memref<512xf32, #tpu.memory_space<vmem>>) dst(%dma_wait3A_22 : memref<512xf32, #tpu.memory_space<hbm>>)
      tpu.yield
    }) : () -> ()
    %dma_wait3A_16 = arith.constant 0 : i32
    %dma_wait3A_17 = arith.constant 0 : i32
    %dma_wait3A_18 = tpu.memref_slice %arg5[%dma_wait3A_16, %dma_wait3A_17] : memref<262144x128xf32, #tpu.memory_space<hbm>> -> memref<262144x128xf32, #tpu.memory_space<hbm>>
    tpu.wait_indirect_dma semaphore(%arg17 : memref<!tpu.dma_semaphore, #tpu.memory_space<semaphore_mem>>) src(%dma_wait3A_18 : memref<262144x128xf32, #tpu.memory_space<hbm>>) dst(%arg15 : memref<512x128xf32, #tpu.memory_space<vmem>>)
    "tpu.region"() ({
      %run_scoped3A = tpu.sem_alloc : memref<!tpu.dma_semaphore, #tpu.memory_space<semaphore_mem>>
      %dma_start3A_19 = arith.constant 0 : i32
      %dma_start3A_20 = tpu.memref_slice %arg10[%mul3A_2, %dma_start3A_19] : memref<16384x128xf32, #tpu.memory_space<hbm>> -> memref<512x128xf32, #tpu.memory_space<hbm>>
      %dma_start3A_21 = arith.constant 0 : i32
      %dma_start3A_22 = tpu.memref_slice %arg10[%mul3A_2, %dma_start3A_21] : memref<16384x128xf32, #tpu.memory_space<hbm>> -> memref<512x128xf32, #tpu.memory_space<hbm>>
      tpu.enqueue_dma source(%arg15 : memref<512x128xf32, #tpu.memory_space<vmem>>) target(%dma_start3A_22 : memref<512x128xf32, #tpu.memory_space<hbm>>) target_semaphore(%run_scoped3A : memref<!tpu.dma_semaphore, #tpu.memory_space<semaphore_mem>>)
      %dma_wait3A_23 = arith.constant 0 : i32
      %dma_wait3A_24 = tpu.memref_slice %arg10[%mul3A_2, %dma_wait3A_23] : memref<16384x128xf32, #tpu.memory_space<hbm>> -> memref<512x128xf32, #tpu.memory_space<hbm>>
      %dma_wait3A_25 = arith.constant 0 : i32
      %dma_wait3A_26 = tpu.memref_slice %arg10[%mul3A_2, %dma_wait3A_25] : memref<16384x128xf32, #tpu.memory_space<hbm>> -> memref<512x128xf32, #tpu.memory_space<hbm>>
      tpu.wait_dma2 semaphore(%run_scoped3A : memref<!tpu.dma_semaphore, #tpu.memory_space<semaphore_mem>>) src(%arg15 : memref<512x128xf32, #tpu.memory_space<vmem>>) dst(%dma_wait3A_26 : memref<512x128xf32, #tpu.memory_space<hbm>>)
      tpu.yield
    }) : () -> ()
    return
  }
}

module attributes {stable_mosaic.version = 14 : i64} {
  func.func @_conf_kernel(%arg0: i32, %arg1: i32, %arg2: memref<128x1xf32, #tpu.memory_space<vmem>>, %arg3: memref<128x1xf32, #tpu.memory_space<vmem>>, %arg4: memref<128x128xf32, #tpu.memory_space<vmem>>, %arg5: memref<3x128xf32, #tpu.memory_space<vmem>>, %arg6: memref<3x1xf32, #tpu.memory_space<vmem>>, %arg7: memref<1x128x2048xf32, #tpu.memory_space<vmem>>, %arg8: memref<1x3x2048xf32, #tpu.memory_space<vmem>>, %arg9: memref<1x16x128xf32, #tpu.memory_space<vmem>>, %arg10: memref<1x2048x128xf32, #tpu.memory_space<vmem>>) attributes {dimension_semantics = [#tpu.dimension_semantics<parallel>, #tpu.dimension_semantics<arbitrary>], iteration_bounds = array<i64: 4, 32>, scalar_prefetch = 0 : i64, scratch_operands = 0 : i64, tpu.core_type = #tpu.core_type<tc>, window_params = [{pipeline_mode = #tpu.pipeline_mode<synchronous>, transform_indices = @transform_0, window_bounds = array<i64: 128, 1>}, {pipeline_mode = #tpu.pipeline_mode<synchronous>, transform_indices = @transform_1, window_bounds = array<i64: 128, 1>}, {pipeline_mode = #tpu.pipeline_mode<synchronous>, transform_indices = @transform_2, window_bounds = array<i64: 128, 128>}, {pipeline_mode = #tpu.pipeline_mode<synchronous>, transform_indices = @transform_3, window_bounds = array<i64: 3, 128>}, {pipeline_mode = #tpu.pipeline_mode<synchronous>, transform_indices = @transform_4, window_bounds = array<i64: 3, 1>}, {transform_indices = @transform_5, window_bounds = array<i64: 1, 128, 2048>}, {transform_indices = @transform_6, window_bounds = array<i64: 1, 3, 2048>}, {transform_indices = @transform_7, window_bounds = array<i64: 1, 16, 128>}, {transform_indices = @transform_8, window_bounds = array<i64: 1, 2048, 128>}]} {
    %get3A = arith.constant 0 : index
    %get3A_0 = arith.constant 0 : index
    %get3A_1 = arith.constant 0 : index
    %get3A_2 = vector.load %arg7[%get3A, %get3A_0, %get3A_1] : memref<1x128x2048xf32, #tpu.memory_space<vmem>>, vector<1x128x2048xf32>
    %get3A_3 = vector.shape_cast %get3A_2 : vector<1x128x2048xf32> to vector<128x2048xf32>
    %get3A_4 = arith.constant 0 : index
    %get3A_5 = arith.constant 0 : index
    %get3A_6 = vector.load %arg4[%get3A_4, %get3A_5] : memref<128x128xf32, #tpu.memory_space<vmem>>, vector<128x128xf32>
    %dot_general3A = arith.constant dense<0.000000e+00> : vector<128x2048xf32>
    %dot_general3A_7 = tpu.matmul %get3A_6, %get3A_3, %dot_general3A {dimension_numbers = #tpu.dot_dimension_numbers<[1], [0], [0], [1], [0, 0, 1, 1], [], []>, transpose_lhs_hint = false} : vector<128x128xf32>, vector<128x2048xf32>, vector<128x2048xf32> -> vector<128x2048xf32>
    %get3A_8 = arith.constant 0 : index
    %get3A_9 = arith.constant 0 : index
    %get3A_10 = vector.load %arg2[%get3A_8, %get3A_9] : memref<128x1xf32, #tpu.memory_space<vmem>>, vector<128x1xf32>
    %mul3A = vector.broadcast %get3A_10 : vector<128x1xf32> to vector<128x2048xf32>
    %mul3A_11 = arith.mulf %dot_general3A_7, %mul3A : vector<128x2048xf32>
    %get3A_12 = arith.constant 0 : index
    %get3A_13 = arith.constant 0 : index
    %get3A_14 = vector.load %arg3[%get3A_12, %get3A_13] : memref<128x1xf32, #tpu.memory_space<vmem>>, vector<128x1xf32>
    %add3A = vector.broadcast %get3A_14 : vector<128x1xf32> to vector<128x2048xf32>
    %add3A_15 = arith.addf %mul3A_11, %add3A : vector<128x2048xf32>
    %neg3A = arith.constant 0.000000e+00 : f32
    %neg3A_16 = vector.broadcast %neg3A : f32 to vector<128x2048xf32>
    %neg3A_17 = arith.subf %neg3A_16, %add3A_15 : vector<128x2048xf32>
    %mul3A_18 = arith.constant 0.707106769 : f32
    %mul3A_19 = vector.broadcast %mul3A_18 : f32 to vector<128x2048xf32>
    %mul3A_20 = arith.mulf %neg3A_17, %mul3A_19 : vector<128x2048xf32>
    %mul3A_21 = arith.constant 5.000000e-01 : f32
    %mul3A_22 = vector.broadcast %mul3A_21 : f32 to vector<128x2048xf32>
    %mul3A_23 = arith.mulf %add3A_15, %mul3A_22 : vector<128x2048xf32>
    %abs3A = math.absf %mul3A_20 : vector<128x2048xf32>
    %mul3A_24 = arith.mulf %mul3A_20, %mul3A_20 : vector<128x2048xf32>
    %mul3A_25 = arith.constant 7.85386146E-5 : f32
    %mul3A_26 = vector.broadcast %mul3A_25 : f32 to vector<128x2048xf32>
    %mul3A_27 = arith.mulf %mul3A_26, %mul3A_24 : vector<128x2048xf32>
    %add3A_28 = arith.constant -8.0101937E-4 : f32
    %add3A_29 = vector.broadcast %add3A_28 : f32 to vector<128x2048xf32>
    %add3A_30 = arith.addf %mul3A_27, %add3A_29 : vector<128x2048xf32>
    %mul3A_31 = arith.mulf %add3A_30, %mul3A_24 : vector<128x2048xf32>
    %add3A_32 = arith.constant 0.00518832775 : f32
    %add3A_33 = vector.broadcast %add3A_32 : f32 to vector<128x2048xf32>
    %add3A_34 = arith.addf %mul3A_31, %add3A_33 : vector<128x2048xf32>
    %mul3A_35 = arith.mulf %add3A_34, %mul3A_24 : vector<128x2048xf32>
    %add3A_36 = arith.constant -0.0268538129 : f32
    %add3A_37 = vector.broadcast %add3A_36 : f32 to vector<128x2048xf32>
    %add3A_38 = arith.addf %mul3A_35, %add3A_37 : vector<128x2048xf32>
    %mul3A_39 = arith.mulf %add3A_38, %mul3A_24 : vector<128x2048xf32>
    %add3A_40 = arith.constant 0.112835854 : f32
    %add3A_41 = vector.broadcast %add3A_40 : f32 to vector<128x2048xf32>
    %add3A_42 = arith.addf %mul3A_39, %add3A_41 : vector<128x2048xf32>
    %mul3A_43 = arith.mulf %add3A_42, %mul3A_24 : vector<128x2048xf32>
    %add3A_44 = arith.constant -0.37612626 : f32
    %add3A_45 = vector.broadcast %add3A_44 : f32 to vector<128x2048xf32>
    %add3A_46 = arith.addf %mul3A_43, %add3A_45 : vector<128x2048xf32>
    %mul3A_47 = arith.mulf %add3A_46, %mul3A_24 : vector<128x2048xf32>
    %add3A_48 = arith.constant 1.12837911 : f32
    %add3A_49 = vector.broadcast %add3A_48 : f32 to vector<128x2048xf32>
    %add3A_50 = arith.addf %mul3A_47, %add3A_49 : vector<128x2048xf32>
    %mul3A_51 = arith.mulf %mul3A_20, %add3A_50 : vector<128x2048xf32>
    %sub3A = arith.constant 1.000000e+00 : f32
    %sub3A_52 = vector.broadcast %sub3A : f32 to vector<128x2048xf32>
    %sub3A_53 = arith.subf %sub3A_52, %mul3A_51 : vector<128x2048xf32>
    %neg3A_54 = arith.constant 0.000000e+00 : f32
    %neg3A_55 = vector.broadcast %neg3A_54 : f32 to vector<128x2048xf32>
    %neg3A_56 = arith.subf %neg3A_55, %mul3A_24 : vector<128x2048xf32>
    %exp3A = math.exp %neg3A_56 : vector<128x2048xf32>
    %div3A = arith.constant 1.000000e+00 : f32
    %div3A_57 = vector.broadcast %div3A : f32 to vector<128x2048xf32>
    %div3A_58 = arith.divf %div3A_57, %abs3A : vector<128x2048xf32>
    %mul3A_59 = arith.mulf %exp3A, %div3A_58 : vector<128x2048xf32>
    %div3A_60 = arith.constant 1.000000e+00 : f32
    %div3A_61 = vector.broadcast %div3A_60 : f32 to vector<128x2048xf32>
    %div3A_62 = arith.divf %div3A_61, %mul3A_24 : vector<128x2048xf32>
    %mul3A_63 = arith.constant 2.326820e-02 : f32
    %mul3A_64 = vector.broadcast %mul3A_63 : f32 to vector<128x2048xf32>
    %mul3A_65 = arith.mulf %div3A_62, %mul3A_64 : vector<128x2048xf32>
    %add3A_66 = arith.constant -0.138703942 : f32
    %add3A_67 = vector.broadcast %add3A_66 : f32 to vector<128x2048xf32>
    %add3A_68 = arith.addf %mul3A_65, %add3A_67 : vector<128x2048xf32>
    %mul3A_69 = arith.mulf %add3A_68, %div3A_62 : vector<128x2048xf32>
    %add3A_70 = arith.constant 0.368742466 : f32
    %add3A_71 = vector.broadcast %add3A_70 : f32 to vector<128x2048xf32>
    %add3A_72 = arith.addf %mul3A_69, %add3A_71 : vector<128x2048xf32>
    %mul3A_73 = arith.mulf %add3A_72, %div3A_62 : vector<128x2048xf32>
    %add3A_74 = arith.constant -0.582473278 : f32
    %add3A_75 = vector.broadcast %add3A_74 : f32 to vector<128x2048xf32>
    %add3A_76 = arith.addf %mul3A_73, %add3A_75 : vector<128x2048xf32>
    %mul3A_77 = arith.mulf %add3A_76, %div3A_62 : vector<128x2048xf32>
    %add3A_78 = arith.constant 0.621000468 : f32
    %add3A_79 = vector.broadcast %add3A_78 : f32 to vector<128x2048xf32>
    %add3A_80 = arith.addf %mul3A_77, %add3A_79 : vector<128x2048xf32>
    %mul3A_81 = arith.mulf %add3A_80, %div3A_62 : vector<128x2048xf32>
    %add3A_82 = arith.constant -0.494451523 : f32
    %add3A_83 = vector.broadcast %add3A_82 : f32 to vector<128x2048xf32>
    %add3A_84 = arith.addf %mul3A_81, %add3A_83 : vector<128x2048xf32>
    %mul3A_85 = arith.mulf %add3A_84, %div3A_62 : vector<128x2048xf32>
    %add3A_86 = arith.constant 3.404880e-01 : f32
    %add3A_87 = vector.broadcast %add3A_86 : f32 to vector<128x2048xf32>
    %add3A_88 = arith.addf %mul3A_85, %add3A_87 : vector<128x2048xf32>
    %mul3A_89 = arith.mulf %add3A_88, %div3A_62 : vector<128x2048xf32>
    %add3A_90 = arith.constant -0.274112701 : f32
    %add3A_91 = vector.broadcast %add3A_90 : f32 to vector<128x2048xf32>
    %add3A_92 = arith.addf %mul3A_89, %add3A_91 : vector<128x2048xf32>
    %mul3A_93 = arith.mulf %add3A_92, %div3A_62 : vector<128x2048xf32>
    %add3A_94 = arith.constant 0.563825965 : f32
    %add3A_95 = vector.broadcast %add3A_94 : f32 to vector<128x2048xf32>
    %add3A_96 = arith.addf %mul3A_93, %add3A_95 : vector<128x2048xf32>
    %mul3A_97 = arith.constant -10.477664 : f32
    %mul3A_98 = vector.broadcast %mul3A_97 : f32 to vector<128x2048xf32>
    %mul3A_99 = arith.mulf %div3A_62, %mul3A_98 : vector<128x2048xf32>
    %add3A_100 = arith.constant 1.297720e+01 : f32
    %add3A_101 = vector.broadcast %add3A_100 : f32 to vector<128x2048xf32>
    %add3A_102 = arith.addf %mul3A_99, %add3A_101 : vector<128x2048xf32>
    %mul3A_103 = arith.mulf %add3A_102, %div3A_62 : vector<128x2048xf32>
    %add3A_104 = arith.constant -7.49551868 : f32
    %add3A_105 = vector.broadcast %add3A_104 : f32 to vector<128x2048xf32>
    %add3A_106 = arith.addf %mul3A_103, %add3A_105 : vector<128x2048xf32>
    %mul3A_107 = arith.mulf %add3A_106, %div3A_62 : vector<128x2048xf32>
    %add3A_108 = arith.constant 2.92101908 : f32
    %add3A_109 = vector.broadcast %add3A_108 : f32 to vector<128x2048xf32>
    %add3A_110 = arith.addf %mul3A_107, %add3A_109 : vector<128x2048xf32>
    %mul3A_111 = arith.mulf %add3A_110, %div3A_62 : vector<128x2048xf32>
    %add3A_112 = arith.constant -1.01526523 : f32
    %add3A_113 = vector.broadcast %add3A_112 : f32 to vector<128x2048xf32>
    %add3A_114 = arith.addf %mul3A_111, %add3A_113 : vector<128x2048xf32>
    %mul3A_115 = arith.mulf %add3A_114, %div3A_62 : vector<128x2048xf32>
    %add3A_116 = arith.constant 0.42184633 : f32
    %add3A_117 = vector.broadcast %add3A_116 : f32 to vector<128x2048xf32>
    %add3A_118 = arith.addf %mul3A_115, %add3A_117 : vector<128x2048xf32>
    %mul3A_119 = arith.mulf %add3A_118, %div3A_62 : vector<128x2048xf32>
    %add3A_120 = arith.constant -0.282076746 : f32
    %add3A_121 = vector.broadcast %add3A_120 : f32 to vector<128x2048xf32>
    %add3A_122 = arith.addf %mul3A_119, %add3A_121 : vector<128x2048xf32>
    %mul3A_123 = arith.mulf %add3A_122, %div3A_62 : vector<128x2048xf32>
    %add3A_124 = arith.constant 0.564189494 : f32
    %add3A_125 = vector.broadcast %add3A_124 : f32 to vector<128x2048xf32>
    %add3A_126 = arith.addf %mul3A_123, %add3A_125 : vector<128x2048xf32>
    %lt3A = arith.constant 2.000000e+00 : f32
    %lt3A_127 = vector.broadcast %lt3A : f32 to vector<128x2048xf32>
    %lt3A_128 = arith.cmpf olt, %abs3A, %lt3A_127 : vector<128x2048xf32>
    %select_n3A = arith.select %lt3A_128, %add3A_96, %add3A_126 : vector<128x2048xi1>, vector<128x2048xf32>
    %mul3A_129 = arith.mulf %mul3A_59, %select_n3A : vector<128x2048xf32>
    %lt3A_130 = arith.constant -88.7228394 : f32
    %lt3A_131 = vector.broadcast %lt3A_130 : f32 to vector<128x2048xf32>
    %lt3A_132 = arith.cmpf olt, %neg3A_56, %lt3A_131 : vector<128x2048xf32>
    %jit3A = arith.constant 0.000000e+00 : f32
    %broadcast_in_dim3A = vector.broadcast %jit3A : f32 to vector<128x2048xf32>
    %select_n3A_133 = arith.select %lt3A_132, %broadcast_in_dim3A, %mul3A_129 : vector<128x2048xi1>, vector<128x2048xf32>
    %lt3A_134 = arith.constant 0.000000e+00 : f32
    %lt3A_135 = vector.broadcast %lt3A_134 : f32 to vector<128x2048xf32>
    %lt3A_136 = arith.cmpf olt, %mul3A_20, %lt3A_135 : vector<128x2048xf32>
    %sub3A_137 = arith.constant 2.000000e+00 : f32
    %sub3A_138 = vector.broadcast %sub3A_137 : f32 to vector<128x2048xf32>
    %sub3A_139 = arith.subf %sub3A_138, %select_n3A_133 : vector<128x2048xf32>
    %select_n3A_140 = arith.select %lt3A_136, %sub3A_139, %select_n3A_133 : vector<128x2048xi1>, vector<128x2048xf32>
    %lt3A_141 = arith.constant 1.000000e+00 : f32
    %lt3A_142 = vector.broadcast %lt3A_141 : f32 to vector<128x2048xf32>
    %lt3A_143 = arith.cmpf olt, %abs3A, %lt3A_142 : vector<128x2048xf32>
    %select_n3A_144 = arith.select %lt3A_143, %sub3A_53, %select_n3A_140 : vector<128x2048xi1>, vector<128x2048xf32>
    %mul3A_145 = arith.mulf %mul3A_23, %select_n3A_144 : vector<128x2048xf32>
    %get3A_146 = arith.constant 0 : index
    %get3A_147 = arith.constant 0 : index
    %get3A_148 = vector.load %arg5[%get3A_146, %get3A_147] : memref<3x128xf32, #tpu.memory_space<vmem>>, vector<3x128xf32>
    %dot_general3A_149 = arith.constant dense<0.000000e+00> : vector<3x2048xf32>
    %dot_general3A_150 = tpu.matmul %get3A_148, %mul3A_145, %dot_general3A_149 {dimension_numbers = #tpu.dot_dimension_numbers<[1], [0], [0], [1], [0, 0, 1, 1], [], []>, transpose_lhs_hint = false} : vector<3x128xf32>, vector<128x2048xf32>, vector<3x2048xf32> -> vector<3x2048xf32>
    %get3A_151 = arith.constant 0 : index
    %get3A_152 = arith.constant 0 : index
    %get3A_153 = vector.load %arg6[%get3A_151, %get3A_152] : memref<3x1xf32, #tpu.memory_space<vmem>>, vector<3x1xf32>
    %add3A_154 = vector.broadcast %get3A_153 : vector<3x1xf32> to vector<3x2048xf32>
    %add3A_155 = arith.addf %dot_general3A_150, %add3A_154 : vector<3x2048xf32>
    %swap3A = arith.constant 0 : index
    %swap3A_156 = arith.constant 0 : index
    %swap3A_157 = arith.constant 0 : index
    %swap3A_158 = vector.load %arg8[%swap3A, %swap3A_156, %swap3A_157] : memref<1x3x2048xf32, #tpu.memory_space<vmem>>, vector<1x3x2048xf32>
    %swap3A_159 = vector.shape_cast %swap3A_158 : vector<1x3x2048xf32> to vector<3x2048xf32>
    %swap3A_160 = vector.shape_cast %add3A_155 : vector<3x2048xf32> to vector<1x3x2048xf32>
    tpu.vector_store %arg8[%swap3A, %swap3A_156, %swap3A_157], %swap3A_160 {strides = array<i32>} : memref<1x3x2048xf32, #tpu.memory_space<vmem>>, vector<1x3x2048xf32>,
    %reduce_max3A = arith.constant dense<0xFF800000> : vector<2048xf32>
    %reduce_max3A_161 = vector.multi_reduction <maximumf>, %add3A_155, %reduce_max3A [0] : vector<3x2048xf32> to vector<2048xf32>
    %logistic3A = arith.negf %reduce_max3A_161 : vector<2048xf32>
    %logistic3A_162 = math.exp %logistic3A : vector<2048xf32>
    %logistic3A_163 = arith.constant 1.000000e+00 : f32
    %logistic3A_164 = vector.broadcast %logistic3A_163 : f32 to vector<2048xf32>
    %logistic3A_165 = arith.addf %logistic3A_164, %logistic3A_162 : vector<2048xf32>
    %logistic3A_166 = arith.divf %logistic3A_164, %logistic3A_165 : vector<2048xf32>
    %reshape3A = vector.shape_cast %logistic3A_166 : vector<2048xf32> to vector<16x128xf32>
    %swap3A_167 = arith.constant 0 : index
    %swap3A_168 = arith.constant 0 : index
    %swap3A_169 = arith.constant 0 : index
    %swap3A_170 = vector.load %arg9[%swap3A_167, %swap3A_168, %swap3A_169] : memref<1x16x128xf32, #tpu.memory_space<vmem>>, vector<1x16x128xf32>
    %swap3A_171 = vector.shape_cast %swap3A_170 : vector<1x16x128xf32> to vector<16x128xf32>
    %swap3A_172 = vector.shape_cast %reshape3A : vector<16x128xf32> to vector<1x16x128xf32>
    tpu.vector_store %arg9[%swap3A_167, %swap3A_168, %swap3A_169], %swap3A_172 {strides = array<i32>} : memref<1x16x128xf32, #tpu.memory_space<vmem>>, vector<1x16x128xf32>,
    %transpose3A = tpu.transpose %get3A_3, [1, 0] : vector<128x2048xf32> -> vector<2048x128xf32>
    %swap3A_173 = arith.constant 0 : index
    %swap3A_174 = arith.constant 0 : index
    %swap3A_175 = arith.constant 0 : index
    %swap3A_176 = vector.load %arg10[%swap3A_173, %swap3A_174, %swap3A_175] : memref<1x2048x128xf32, #tpu.memory_space<vmem>>, vector<1x2048x128xf32>
    %swap3A_177 = vector.shape_cast %swap3A_176 : vector<1x2048x128xf32> to vector<2048x128xf32>
    %swap3A_178 = vector.shape_cast %transpose3A : vector<2048x128xf32> to vector<1x2048x128xf32>
    tpu.vector_store %arg10[%swap3A_173, %swap3A_174, %swap3A_175], %swap3A_178 {strides = array<i32>} : memref<1x2048x128xf32, #tpu.memory_space<vmem>>, vector<1x2048x128xf32>,
    return
  }
  func.func @transform_0(%arg0: i32, %arg1: i32) -> (i32, i32) {
    %c0_i32 = arith.constant 0 : i32
    %c0_i32_0 = arith.constant 0 : i32
    %c0_i32_1 = arith.constant 0 : i32
    return %c0_i32, %c0_i32_0 : i32, i32
  }
  func.func @transform_1(%arg0: i32, %arg1: i32) -> (i32, i32) {
    %c0_i32 = arith.constant 0 : i32
    %c0_i32_0 = arith.constant 0 : i32
    %c0_i32_1 = arith.constant 0 : i32
    return %c0_i32, %c0_i32_0 : i32, i32
  }
  func.func @transform_2(%arg0: i32, %arg1: i32) -> (i32, i32) {
    %c0_i32 = arith.constant 0 : i32
    %c0_i32_0 = arith.constant 0 : i32
    %c0_i32_1 = arith.constant 0 : i32
    return %c0_i32, %c0_i32_0 : i32, i32
  }
  func.func @transform_3(%arg0: i32, %arg1: i32) -> (i32, i32) {
    %c0_i32 = arith.constant 0 : i32
    %c0_i32_0 = arith.constant 0 : i32
    %c0_i32_1 = arith.constant 0 : i32
    return %c0_i32, %c0_i32_0 : i32, i32
  }
  func.func @transform_4(%arg0: i32, %arg1: i32) -> (i32, i32) {
    %c0_i32 = arith.constant 0 : i32
    %c0_i32_0 = arith.constant 0 : i32
    %c0_i32_1 = arith.constant 0 : i32
    return %c0_i32, %c0_i32_0 : i32, i32
  }
  func.func @transform_5(%arg0: i32, %arg1: i32) -> (i32, i32, i32) {
    %c0_i32 = arith.constant 0 : i32
    %c0_i32_0 = arith.constant 0 : i32
    return %arg0, %c0_i32, %arg1 : i32, i32, i32
  }
  func.func @transform_6(%arg0: i32, %arg1: i32) -> (i32, i32, i32) {
    %c0_i32 = arith.constant 0 : i32
    %c0_i32_0 = arith.constant 0 : i32
    return %arg0, %c0_i32, %arg1 : i32, i32, i32
  }
  func.func @transform_7(%arg0: i32, %arg1: i32) -> (i32, i32, i32) {
    %c0_i32 = arith.constant 0 : i32
    %c0_i32_0 = arith.constant 0 : i32
    return %arg0, %arg1, %c0_i32 : i32, i32, i32
  }
  func.func @transform_8(%arg0: i32, %arg1: i32) -> (i32, i32, i32) {
    %c0_i32 = arith.constant 0 : i32
    %c0_i32_0 = arith.constant 0 : i32
    return %arg0, %arg1, %c0_i32 : i32, i32, i32
  }
}

module attributes {stable_mosaic.version = 14 : i64} {
  func.func @_topk_kernel(%arg0: i32, %arg1: memref<1x512x128xf32, #tpu.memory_space<vmem>>, %arg2: memref<1x32x128xi32, #tpu.memory_space<vmem>>) attributes {dimension_semantics = [#tpu.dimension_semantics<arbitrary>], iteration_bounds = array<i64: 4>, scalar_prefetch = 0 : i64, scratch_operands = 0 : i64, tpu.core_type = #tpu.core_type<tc>, window_params = [{transform_indices = @transform_0, window_bounds = array<i64: 1, 512, 128>}, {transform_indices = @transform_1, window_bounds = array<i64: 1, 32, 128>}]} {
    %get3A = arith.constant 0 : index
    %get3A_0 = arith.constant 0 : index
    %get3A_1 = arith.constant 0 : index
    %get3A_2 = vector.load %arg1[%get3A, %get3A_0, %get3A_1] : memref<1x512x128xf32, #tpu.memory_space<vmem>>, vector<1x512x128xf32>
    %get3A_3 = vector.shape_cast %get3A_2 : vector<1x512x128xf32> to vector<512x128xf32>
    %bitcast_convert_type3A = tpu.bitcast %get3A_3 : vector<512x128xf32> -> vector<512x128xi32>
    %scan3A = arith.constant 4096 : i32
    %scan3A_4 = arith.constant 0 : i32
    %scan3A_5 = arith.constant 1065353216 : i32
    %scan3A_6 = arith.constant 0 : i32
    %scan3A_7 = arith.constant 31 : i32
    %scan3A_8 = arith.addi %scan3A_6, %scan3A_7 : i32
    %scan3A_9 = arith.constant 1 : i32
    %scan3A_10:2 = scf.for %scan3A_4007 = %scan3A_6 to %scan3A_8 step %scan3A_9 iter_args(%scan3A_4008 = %scan3A_4, %scan3A_4009 = %scan3A_5) -> (i32, i32)  : i32 {
      %add3A_4010 = arith.addi %scan3A_4008, %scan3A_4009 : i32
      %div3A = arith.constant 2 : i32
      %div3A_4011 = arith.divsi %add3A_4010, %div3A : i32
      %gt3A_4012 = vector.broadcast %div3A_4011 : i32 to vector<512x128xi32>
      %gt3A_4013 = arith.cmpi sgt, %bitcast_convert_type3A, %gt3A_4012 : vector<512x128xi32>
      %convert_element_type3A_4014 = arith.extui %gt3A_4013 : vector<512x128xi1> to vector<512x128xi32>
      %reduce_sum3A_4015 = vector.shape_cast %convert_element_type3A_4014 : vector<512x128xi32> to vector<1x512x128xi32>
      %reduce_sum3A_4016 = arith.constant dense<0> : vector<1xi32>
      %reduce_sum3A_4017 = vector.multi_reduction <add>, %reduce_sum3A_4015, %reduce_sum3A_4016 [1, 2] : vector<1x512x128xi32> to vector<1xi32>
      %reduce_sum3A_4018 = vector.shape_cast %reduce_sum3A_4017 : vector<1xi32> to vector<1x1x1xi32>
      %reduce_sum3A_4019 = vector.extract %reduce_sum3A_4018[0, 0, 0] : i32 from vector<1x1x1xi32>
      %ge3A_4020 = arith.cmpi sge, %reduce_sum3A_4019, %scan3A : i32
      %select_n3A_4021 = arith.select %ge3A_4020, %div3A_4011, %scan3A_4008 : i32
      %select_n3A_4022 = arith.select %ge3A_4020, %scan3A_4009, %div3A_4011 : i32
      scf.yield %select_n3A_4021, %select_n3A_4022 : i32, i32
    }
    %gt3A = vector.broadcast %scan3A_10#1 : i32 to vector<512x128xi32>
    %gt3A_11 = arith.cmpi sgt, %bitcast_convert_type3A, %gt3A : vector<512x128xi32>
    %convert_element_type3A = arith.extui %gt3A_11 : vector<512x128xi1> to vector<512x128xi32>
    %reduce_sum3A = vector.shape_cast %convert_element_type3A : vector<512x128xi32> to vector<1x512x128xi32>
    %reduce_sum3A_12 = arith.constant dense<0> : vector<1xi32>
    %reduce_sum3A_13 = vector.multi_reduction <add>, %reduce_sum3A, %reduce_sum3A_12 [1, 2] : vector<1x512x128xi32> to vector<1xi32>
    %reduce_sum3A_14 = vector.shape_cast %reduce_sum3A_13 : vector<1xi32> to vector<1x1x1xi32>
    %reduce_sum3A_15 = vector.extract %reduce_sum3A_14[0, 0, 0] : i32 from vector<1x1x1xi32>
    %sub3A = arith.constant 4096 : i32
    %sub3A_16 = arith.subi %sub3A, %reduce_sum3A_15 : i32
    %eq3A = vector.broadcast %scan3A_10#1 : i32 to vector<512x128xi32>
    %eq3A_17 = arith.cmpi eq, %bitcast_convert_type3A, %eq3A : vector<512x128xi32>
    %convert_element_type3A_18 = arith.extui %eq3A_17 : vector<512x128xi1> to vector<512x128xi32>
    %iota3A = tpu.iota {dimensions = array<i32: 1>} : vector<512x128xi32>
    %slice3A = vector.extract_strided_slice %convert_element_type3A_18 {offsets = [0, 127], sizes = [512, 1], strides = [1, 1]} : vector<512x128xi32> to vector<512x1xi32>
    %slice3A_19 = vector.extract_strided_slice %convert_element_type3A_18 {offsets = [0, 0], sizes = [512, 127], strides = [1, 1]} : vector<512x128xi32> to vector<512x127xi32>
    %concatenate3A = tpu.concatenate %slice3A, %slice3A_19 in 1 : vector<512x1xi32>, vector<512x127xi32> -> vector<512x128xi32>
    %ge3A = arith.constant 1 : i32
    %ge3A_20 = vector.broadcast %ge3A : i32 to vector<512x128xi32>
    %ge3A_21 = arith.cmpi sge, %iota3A, %ge3A_20 : vector<512x128xi32>
    %jit3A = arith.constant 0 : i32
    %broadcast_in_dim3A = vector.broadcast %jit3A : i32 to vector<512x128xi32>
    %select_n3A = arith.select %ge3A_21, %concatenate3A, %broadcast_in_dim3A : vector<512x128xi1>, vector<512x128xi32>
    %add3A = arith.addi %convert_element_type3A_18, %select_n3A : vector<512x128xi32>
    %slice3A_22 = vector.extract_strided_slice %add3A {offsets = [0, 126], sizes = [512, 2], strides = [1, 1]} : vector<512x128xi32> to vector<512x2xi32>
    %slice3A_23 = vector.extract_strided_slice %add3A {offsets = [0, 0], sizes = [512, 126], strides = [1, 1]} : vector<512x128xi32> to vector<512x126xi32>
    %concatenate3A_24 = tpu.concatenate %slice3A_22, %slice3A_23 in 1 : vector<512x2xi32>, vector<512x126xi32> -> vector<512x128xi32>
    %ge3A_25 = arith.constant 2 : i32
    %ge3A_26 = vector.broadcast %ge3A_25 : i32 to vector<512x128xi32>
    %ge3A_27 = arith.cmpi sge, %iota3A, %ge3A_26 : vector<512x128xi32>
    %jit3A_28 = arith.constant 0 : i32
    %broadcast_in_dim3A_29 = vector.broadcast %jit3A_28 : i32 to vector<512x128xi32>
    %select_n3A_30 = arith.select %ge3A_27, %concatenate3A_24, %broadcast_in_dim3A_29 : vector<512x128xi1>, vector<512x128xi32>
    %add3A_31 = arith.addi %add3A, %select_n3A_30 : vector<512x128xi32>
    %slice3A_32 = vector.extract_strided_slice %add3A_31 {offsets = [0, 124], sizes = [512, 4], strides = [1, 1]} : vector<512x128xi32> to vector<512x4xi32>
    %slice3A_33 = vector.extract_strided_slice %add3A_31 {offsets = [0, 0], sizes = [512, 124], strides = [1, 1]} : vector<512x128xi32> to vector<512x124xi32>
    %concatenate3A_34 = tpu.concatenate %slice3A_32, %slice3A_33 in 1 : vector<512x4xi32>, vector<512x124xi32> -> vector<512x128xi32>
    %ge3A_35 = arith.constant 4 : i32
    %ge3A_36 = vector.broadcast %ge3A_35 : i32 to vector<512x128xi32>
    %ge3A_37 = arith.cmpi sge, %iota3A, %ge3A_36 : vector<512x128xi32>
    %jit3A_38 = arith.constant 0 : i32
    %broadcast_in_dim3A_39 = vector.broadcast %jit3A_38 : i32 to vector<512x128xi32>
    %select_n3A_40 = arith.select %ge3A_37, %concatenate3A_34, %broadcast_in_dim3A_39 : vector<512x128xi1>, vector<512x128xi32>
    %add3A_41 = arith.addi %add3A_31, %select_n3A_40 : vector<512x128xi32>
    %slice3A_42 = vector.extract_strided_slice %add3A_41 {offsets = [0, 120], sizes = [512, 8], strides = [1, 1]} : vector<512x128xi32> to vector<512x8xi32>
    %slice3A_43 = vector.extract_strided_slice %add3A_41 {offsets = [0, 0], sizes = [512, 120], strides = [1, 1]} : vector<512x128xi32> to vector<512x120xi32>
    %concatenate3A_44 = tpu.concatenate %slice3A_42, %slice3A_43 in 1 : vector<512x8xi32>, vector<512x120xi32> -> vector<512x128xi32>
    %ge3A_45 = arith.constant 8 : i32
    %ge3A_46 = vector.broadcast %ge3A_45 : i32 to vector<512x128xi32>
    %ge3A_47 = arith.cmpi sge, %iota3A, %ge3A_46 : vector<512x128xi32>
    %jit3A_48 = arith.constant 0 : i32
    %broadcast_in_dim3A_49 = vector.broadcast %jit3A_48 : i32 to vector<512x128xi32>
    %select_n3A_50 = arith.select %ge3A_47, %concatenate3A_44, %broadcast_in_dim3A_49 : vector<512x128xi1>, vector<512x128xi32>
    %add3A_51 = arith.addi %add3A_41, %select_n3A_50 : vector<512x128xi32>
    %slice3A_52 = vector.extract_strided_slice %add3A_51 {offsets = [0, 112], sizes = [512, 16], strides = [1, 1]} : vector<512x128xi32> to vector<512x16xi32>
    %slice3A_53 = vector.extract_strided_slice %add3A_51 {offsets = [0, 0], sizes = [512, 112], strides = [1, 1]} : vector<512x128xi32> to vector<512x112xi32>
    %concatenate3A_54 = tpu.concatenate %slice3A_52, %slice3A_53 in 1 : vector<512x16xi32>, vector<512x112xi32> -> vector<512x128xi32>
    %ge3A_55 = arith.constant 16 : i32
    %ge3A_56 = vector.broadcast %ge3A_55 : i32 to vector<512x128xi32>
    %ge3A_57 = arith.cmpi sge, %iota3A, %ge3A_56 : vector<512x128xi32>
    %jit3A_58 = arith.constant 0 : i32
    %broadcast_in_dim3A_59 = vector.broadcast %jit3A_58 : i32 to vector<512x128xi32>
    %select_n3A_60 = arith.select %ge3A_57, %concatenate3A_54, %broadcast_in_dim3A_59 : vector<512x128xi1>, vector<512x128xi32>
    %add3A_61 = arith.addi %add3A_51, %select_n3A_60 : vector<512x128xi32>
    %slice3A_62 = vector.extract_strided_slice %add3A_61 {offsets = [0, 96], sizes = [512, 32], strides = [1, 1]} : vector<512x128xi32> to vector<512x32xi32>
    %slice3A_63 = vector.extract_strided_slice %add3A_61 {offsets = [0, 0], sizes = [512, 96], strides = [1, 1]} : vector<512x128xi32> to vector<512x96xi32>
    %concatenate3A_64 = tpu.concatenate %slice3A_62, %slice3A_63 in 1 : vector<512x32xi32>, vector<512x96xi32> -> vector<512x128xi32>
    %ge3A_65 = arith.constant 32 : i32
    %ge3A_66 = vector.broadcast %ge3A_65 : i32 to vector<512x128xi32>
    %ge3A_67 = arith.cmpi sge, %iota3A, %ge3A_66 : vector<512x128xi32>
    %jit3A_68 = arith.constant 0 : i32
    %broadcast_in_dim3A_69 = vector.broadcast %jit3A_68 : i32 to vector<512x128xi32>
    %select_n3A_70 = arith.select %ge3A_67, %concatenate3A_64, %broadcast_in_dim3A_69 : vector<512x128xi1>, vector<512x128xi32>
    %add3A_71 = arith.addi %add3A_61, %select_n3A_70 : vector<512x128xi32>
    %slice3A_72 = vector.extract_strided_slice %add3A_71 {offsets = [0, 64], sizes = [512, 64], strides = [1, 1]} : vector<512x128xi32> to vector<512x64xi32>
    %slice3A_73 = vector.extract_strided_slice %add3A_71 {offsets = [0, 0], sizes = [512, 64], strides = [1, 1]} : vector<512x128xi32> to vector<512x64xi32>
    %concatenate3A_74 = tpu.concatenate %slice3A_72, %slice3A_73 in 1 : vector<512x64xi32>, vector<512x64xi32> -> vector<512x128xi32>
    %ge3A_75 = arith.constant 64 : i32
    %ge3A_76 = vector.broadcast %ge3A_75 : i32 to vector<512x128xi32>
    %ge3A_77 = arith.cmpi sge, %iota3A, %ge3A_76 : vector<512x128xi32>
    %jit3A_78 = arith.constant 0 : i32
    %broadcast_in_dim3A_79 = vector.broadcast %jit3A_78 : i32 to vector<512x128xi32>
    %select_n3A_80 = arith.select %ge3A_77, %concatenate3A_74, %broadcast_in_dim3A_79 : vector<512x128xi1>, vector<512x128xi32>
    %add3A_81 = arith.addi %add3A_71, %select_n3A_80 : vector<512x128xi32>
    %slice3A_82 = vector.extract_strided_slice %add3A_81 {offsets = [0, 127], sizes = [512, 1], strides = [1, 1]} : vector<512x128xi32> to vector<512x1xi32>
    %iota3A_83 = tpu.iota {dimensions = array<i32: 0>} : vector<512x1xi32>
    %slice3A_84 = vector.extract_strided_slice %slice3A_82 {offsets = [511, 0], sizes = [1, 1], strides = [1, 1]} : vector<512x1xi32> to vector<1x1xi32>
    %slice3A_85 = vector.extract_strided_slice %slice3A_82 {offsets = [0, 0], sizes = [511, 1], strides = [1, 1]} : vector<512x1xi32> to vector<511x1xi32>
    %concatenate3A_86 = tpu.concatenate %slice3A_84, %slice3A_85 in 0 : vector<1x1xi32>, vector<511x1xi32> -> vector<512x1xi32>
    %ge3A_87 = arith.constant 1 : i32
    %ge3A_88 = vector.broadcast %ge3A_87 : i32 to vector<512x1xi32>
    %ge3A_89 = arith.cmpi sge, %iota3A_83, %ge3A_88 : vector<512x1xi32>
    %jit3A_90 = arith.constant 0 : i32
    %broadcast_in_dim3A_91 = vector.broadcast %jit3A_90 : i32 to vector<512x1xi32>
    %select_n3A_92 = arith.select %ge3A_89, %concatenate3A_86, %broadcast_in_dim3A_91 : vector<512x1xi1>, vector<512x1xi32>
    %add3A_93 = arith.addi %slice3A_82, %select_n3A_92 : vector<512x1xi32>
    %slice3A_94 = vector.extract_strided_slice %add3A_93 {offsets = [510, 0], sizes = [2, 1], strides = [1, 1]} : vector<512x1xi32> to vector<2x1xi32>
    %slice3A_95 = vector.extract_strided_slice %add3A_93 {offsets = [0, 0], sizes = [510, 1], strides = [1, 1]} : vector<512x1xi32> to vector<510x1xi32>
    %concatenate3A_96 = tpu.concatenate %slice3A_94, %slice3A_95 in 0 : vector<2x1xi32>, vector<510x1xi32> -> vector<512x1xi32>
    %ge3A_97 = arith.constant 2 : i32
    %ge3A_98 = vector.broadcast %ge3A_97 : i32 to vector<512x1xi32>
    %ge3A_99 = arith.cmpi sge, %iota3A_83, %ge3A_98 : vector<512x1xi32>
    %jit3A_100 = arith.constant 0 : i32
    %broadcast_in_dim3A_101 = vector.broadcast %jit3A_100 : i32 to vector<512x1xi32>
    %select_n3A_102 = arith.select %ge3A_99, %concatenate3A_96, %broadcast_in_dim3A_101 : vector<512x1xi1>, vector<512x1xi32>
    %add3A_103 = arith.addi %add3A_93, %select_n3A_102 : vector<512x1xi32>
    %slice3A_104 = vector.extract_strided_slice %add3A_103 {offsets = [508, 0], sizes = [4, 1], strides = [1, 1]} : vector<512x1xi32> to vector<4x1xi32>
    %slice3A_105 = vector.extract_strided_slice %add3A_103 {offsets = [0, 0], sizes = [508, 1], strides = [1, 1]} : vector<512x1xi32> to vector<508x1xi32>
    %concatenate3A_106 = tpu.concatenate %slice3A_104, %slice3A_105 in 0 : vector<4x1xi32>, vector<508x1xi32> -> vector<512x1xi32>
    %ge3A_107 = arith.constant 4 : i32
    %ge3A_108 = vector.broadcast %ge3A_107 : i32 to vector<512x1xi32>
    %ge3A_109 = arith.cmpi sge, %iota3A_83, %ge3A_108 : vector<512x1xi32>
    %jit3A_110 = arith.constant 0 : i32
    %broadcast_in_dim3A_111 = vector.broadcast %jit3A_110 : i32 to vector<512x1xi32>
    %select_n3A_112 = arith.select %ge3A_109, %concatenate3A_106, %broadcast_in_dim3A_111 : vector<512x1xi1>, vector<512x1xi32>
    %add3A_113 = arith.addi %add3A_103, %select_n3A_112 : vector<512x1xi32>
    %slice3A_114 = vector.extract_strided_slice %add3A_113 {offsets = [504, 0], sizes = [8, 1], strides = [1, 1]} : vector<512x1xi32> to vector<8x1xi32>
    %slice3A_115 = vector.extract_strided_slice %add3A_113 {offsets = [0, 0], sizes = [504, 1], strides = [1, 1]} : vector<512x1xi32> to vector<504x1xi32>
    %concatenate3A_116 = tpu.concatenate %slice3A_114, %slice3A_115 in 0 : vector<8x1xi32>, vector<504x1xi32> -> vector<512x1xi32>
    %ge3A_117 = arith.constant 8 : i32
    %ge3A_118 = vector.broadcast %ge3A_117 : i32 to vector<512x1xi32>
    %ge3A_119 = arith.cmpi sge, %iota3A_83, %ge3A_118 : vector<512x1xi32>
    %jit3A_120 = arith.constant 0 : i32
    %broadcast_in_dim3A_121 = vector.broadcast %jit3A_120 : i32 to vector<512x1xi32>
    %select_n3A_122 = arith.select %ge3A_119, %concatenate3A_116, %broadcast_in_dim3A_121 : vector<512x1xi1>, vector<512x1xi32>
    %add3A_123 = arith.addi %add3A_113, %select_n3A_122 : vector<512x1xi32>
    %slice3A_124 = vector.extract_strided_slice %add3A_123 {offsets = [496, 0], sizes = [16, 1], strides = [1, 1]} : vector<512x1xi32> to vector<16x1xi32>
    %slice3A_125 = vector.extract_strided_slice %add3A_123 {offsets = [0, 0], sizes = [496, 1], strides = [1, 1]} : vector<512x1xi32> to vector<496x1xi32>
    %concatenate3A_126 = tpu.concatenate %slice3A_124, %slice3A_125 in 0 : vector<16x1xi32>, vector<496x1xi32> -> vector<512x1xi32>
    %ge3A_127 = arith.constant 16 : i32
    %ge3A_128 = vector.broadcast %ge3A_127 : i32 to vector<512x1xi32>
    %ge3A_129 = arith.cmpi sge, %iota3A_83, %ge3A_128 : vector<512x1xi32>
    %jit3A_130 = arith.constant 0 : i32
    %broadcast_in_dim3A_131 = vector.broadcast %jit3A_130 : i32 to vector<512x1xi32>
    %select_n3A_132 = arith.select %ge3A_129, %concatenate3A_126, %broadcast_in_dim3A_131 : vector<512x1xi1>, vector<512x1xi32>
    %add3A_133 = arith.addi %add3A_123, %select_n3A_132 : vector<512x1xi32>
    %slice3A_134 = vector.extract_strided_slice %add3A_133 {offsets = [480, 0], sizes = [32, 1], strides = [1, 1]} : vector<512x1xi32> to vector<32x1xi32>
    %slice3A_135 = vector.extract_strided_slice %add3A_133 {offsets = [0, 0], sizes = [480, 1], strides = [1, 1]} : vector<512x1xi32> to vector<480x1xi32>
    %concatenate3A_136 = tpu.concatenate %slice3A_134, %slice3A_135 in 0 : vector<32x1xi32>, vector<480x1xi32> -> vector<512x1xi32>
    %ge3A_137 = arith.constant 32 : i32
    %ge3A_138 = vector.broadcast %ge3A_137 : i32 to vector<512x1xi32>
    %ge3A_139 = arith.cmpi sge, %iota3A_83, %ge3A_138 : vector<512x1xi32>
    %jit3A_140 = arith.constant 0 : i32
    %broadcast_in_dim3A_141 = vector.broadcast %jit3A_140 : i32 to vector<512x1xi32>
    %select_n3A_142 = arith.select %ge3A_139, %concatenate3A_136, %broadcast_in_dim3A_141 : vector<512x1xi1>, vector<512x1xi32>
    %add3A_143 = arith.addi %add3A_133, %select_n3A_142 : vector<512x1xi32>
    %slice3A_144 = vector.extract_strided_slice %add3A_143 {offsets = [448, 0], sizes = [64, 1], strides = [1, 1]} : vector<512x1xi32> to vector<64x1xi32>
    %slice3A_145 = vector.extract_strided_slice %add3A_143 {offsets = [0, 0], sizes = [448, 1], strides = [1, 1]} : vector<512x1xi32> to vector<448x1xi32>
    %concatenate3A_146 = tpu.concatenate %slice3A_144, %slice3A_145 in 0 : vector<64x1xi32>, vector<448x1xi32> -> vector<512x1xi32>
    %ge3A_147 = arith.constant 64 : i32
    %ge3A_148 = vector.broadcast %ge3A_147 : i32 to vector<512x1xi32>
    %ge3A_149 = arith.cmpi sge, %iota3A_83, %ge3A_148 : vector<512x1xi32>
    %jit3A_150 = arith.constant 0 : i32
    %broadcast_in_dim3A_151 = vector.broadcast %jit3A_150 : i32 to vector<512x1xi32>
    %select_n3A_152 = arith.select %ge3A_149, %concatenate3A_146, %broadcast_in_dim3A_151 : vector<512x1xi1>, vector<512x1xi32>
    %add3A_153 = arith.addi %add3A_143, %select_n3A_152 : vector<512x1xi32>
    %slice3A_154 = vector.extract_strided_slice %add3A_153 {offsets = [384, 0], sizes = [128, 1], strides = [1, 1]} : vector<512x1xi32> to vector<128x1xi32>
    %slice3A_155 = vector.extract_strided_slice %add3A_153 {offsets = [0, 0], sizes = [384, 1], strides = [1, 1]} : vector<512x1xi32> to vector<384x1xi32>
    %concatenate3A_156 = tpu.concatenate %slice3A_154, %slice3A_155 in 0 : vector<128x1xi32>, vector<384x1xi32> -> vector<512x1xi32>
    %ge3A_157 = arith.constant 128 : i32
    %ge3A_158 = vector.broadcast %ge3A_157 : i32 to vector<512x1xi32>
    %ge3A_159 = arith.cmpi sge, %iota3A_83, %ge3A_158 : vector<512x1xi32>
    %jit3A_160 = arith.constant 0 : i32
    %broadcast_in_dim3A_161 = vector.broadcast %jit3A_160 : i32 to vector<512x1xi32>
    %select_n3A_162 = arith.select %ge3A_159, %concatenate3A_156, %broadcast_in_dim3A_161 : vector<512x1xi1>, vector<512x1xi32>
    %add3A_163 = arith.addi %add3A_153, %select_n3A_162 : vector<512x1xi32>
    %slice3A_164 = vector.extract_strided_slice %add3A_163 {offsets = [256, 0], sizes = [256, 1], strides = [1, 1]} : vector<512x1xi32> to vector<256x1xi32>
    %slice3A_165 = vector.extract_strided_slice %add3A_163 {offsets = [0, 0], sizes = [256, 1], strides = [1, 1]} : vector<512x1xi32> to vector<256x1xi32>
    %concatenate3A_166 = tpu.concatenate %slice3A_164, %slice3A_165 in 0 : vector<256x1xi32>, vector<256x1xi32> -> vector<512x1xi32>
    %ge3A_167 = arith.constant 256 : i32
    %ge3A_168 = vector.broadcast %ge3A_167 : i32 to vector<512x1xi32>
    %ge3A_169 = arith.cmpi sge, %iota3A_83, %ge3A_168 : vector<512x1xi32>
    %jit3A_170 = arith.constant 0 : i32
    %broadcast_in_dim3A_171 = vector.broadcast %jit3A_170 : i32 to vector<512x1xi32>
    %select_n3A_172 = arith.select %ge3A_169, %concatenate3A_166, %broadcast_in_dim3A_171 : vector<512x1xi1>, vector<512x1xi32>
    %add3A_173 = arith.addi %add3A_163, %select_n3A_172 : vector<512x1xi32>
    %sub3A_174 = arith.subi %add3A_173, %slice3A_82 : vector<512x1xi32>
    %add3A_175 = vector.broadcast %sub3A_174 : vector<512x1xi32> to vector<512x128xi32>
    %add3A_176 = arith.addi %add3A_81, %add3A_175 : vector<512x128xi32>
    %gt3A_177 = vector.broadcast %scan3A_10#1 : i32 to vector<512x128xi32>
    %gt3A_178 = arith.cmpi sgt, %bitcast_convert_type3A, %gt3A_177 : vector<512x128xi32>
    %le3A = vector.broadcast %sub3A_16 : i32 to vector<512x128xi32>
    %le3A_179 = arith.cmpi sle, %add3A_176, %le3A : vector<512x128xi32>
    %and3A = arith.andi %eq3A_17, %le3A_179 : vector<512x128xi1>
    %or3A = arith.ori %gt3A_178, %and3A : vector<512x128xi1>
    %convert_element_type3A_180 = arith.extui %or3A : vector<512x128xi1> to vector<512x128xi32>
    %iota3A_181 = tpu.iota {dimensions = array<i32: 1>} : vector<512x128xi32>
    %slice3A_182 = vector.extract_strided_slice %convert_element_type3A_180 {offsets = [0, 127], sizes = [512, 1], strides = [1, 1]} : vector<512x128xi32> to vector<512x1xi32>
    %slice3A_183 = vector.extract_strided_slice %convert_element_type3A_180 {offsets = [0, 0], sizes = [512, 127], strides = [1, 1]} : vector<512x128xi32> to vector<512x127xi32>
    %concatenate3A_184 = tpu.concatenate %slice3A_182, %slice3A_183 in 1 : vector<512x1xi32>, vector<512x127xi32> -> vector<512x128xi32>
    %ge3A_185 = arith.constant 1 : i32
    %ge3A_186 = vector.broadcast %ge3A_185 : i32 to vector<512x128xi32>
    %ge3A_187 = arith.cmpi sge, %iota3A_181, %ge3A_186 : vector<512x128xi32>
    %jit3A_188 = arith.constant 0 : i32
    %broadcast_in_dim3A_189 = vector.broadcast %jit3A_188 : i32 to vector<512x128xi32>
    %select_n3A_190 = arith.select %ge3A_187, %concatenate3A_184, %broadcast_in_dim3A_189 : vector<512x128xi1>, vector<512x128xi32>
    %add3A_191 = arith.addi %convert_element_type3A_180, %select_n3A_190 : vector<512x128xi32>
    %slice3A_192 = vector.extract_strided_slice %add3A_191 {offsets = [0, 126], sizes = [512, 2], strides = [1, 1]} : vector<512x128xi32> to vector<512x2xi32>
    %slice3A_193 = vector.extract_strided_slice %add3A_191 {offsets = [0, 0], sizes = [512, 126], strides = [1, 1]} : vector<512x128xi32> to vector<512x126xi32>
    %concatenate3A_194 = tpu.concatenate %slice3A_192, %slice3A_193 in 1 : vector<512x2xi32>, vector<512x126xi32> -> vector<512x128xi32>
    %ge3A_195 = arith.constant 2 : i32
    %ge3A_196 = vector.broadcast %ge3A_195 : i32 to vector<512x128xi32>
    %ge3A_197 = arith.cmpi sge, %iota3A_181, %ge3A_196 : vector<512x128xi32>
    %jit3A_198 = arith.constant 0 : i32
    %broadcast_in_dim3A_199 = vector.broadcast %jit3A_198 : i32 to vector<512x128xi32>
    %select_n3A_200 = arith.select %ge3A_197, %concatenate3A_194, %broadcast_in_dim3A_199 : vector<512x128xi1>, vector<512x128xi32>
    %add3A_201 = arith.addi %add3A_191, %select_n3A_200 : vector<512x128xi32>
    %slice3A_202 = vector.extract_strided_slice %add3A_201 {offsets = [0, 124], sizes = [512, 4], strides = [1, 1]} : vector<512x128xi32> to vector<512x4xi32>
    %slice3A_203 = vector.extract_strided_slice %add3A_201 {offsets = [0, 0], sizes = [512, 124], strides = [1, 1]} : vector<512x128xi32> to vector<512x124xi32>
    %concatenate3A_204 = tpu.concatenate %slice3A_202, %slice3A_203 in 1 : vector<512x4xi32>, vector<512x124xi32> -> vector<512x128xi32>
    %ge3A_205 = arith.constant 4 : i32
    %ge3A_206 = vector.broadcast %ge3A_205 : i32 to vector<512x128xi32>
    %ge3A_207 = arith.cmpi sge, %iota3A_181, %ge3A_206 : vector<512x128xi32>
    %jit3A_208 = arith.constant 0 : i32
    %broadcast_in_dim3A_209 = vector.broadcast %jit3A_208 : i32 to vector<512x128xi32>
    %select_n3A_210 = arith.select %ge3A_207, %concatenate3A_204, %broadcast_in_dim3A_209 : vector<512x128xi1>, vector<512x128xi32>
    %add3A_211 = arith.addi %add3A_201, %select_n3A_210 : vector<512x128xi32>
    %slice3A_212 = vector.extract_strided_slice %add3A_211 {offsets = [0, 120], sizes = [512, 8], strides = [1, 1]} : vector<512x128xi32> to vector<512x8xi32>
    %slice3A_213 = vector.extract_strided_slice %add3A_211 {offsets = [0, 0], sizes = [512, 120], strides = [1, 1]} : vector<512x128xi32> to vector<512x120xi32>
    %concatenate3A_214 = tpu.concatenate %slice3A_212, %slice3A_213 in 1 : vector<512x8xi32>, vector<512x120xi32> -> vector<512x128xi32>
    %ge3A_215 = arith.constant 8 : i32
    %ge3A_216 = vector.broadcast %ge3A_215 : i32 to vector<512x128xi32>
    %ge3A_217 = arith.cmpi sge, %iota3A_181, %ge3A_216 : vector<512x128xi32>
    %jit3A_218 = arith.constant 0 : i32
    %broadcast_in_dim3A_219 = vector.broadcast %jit3A_218 : i32 to vector<512x128xi32>
    %select_n3A_220 = arith.select %ge3A_217, %concatenate3A_214, %broadcast_in_dim3A_219 : vector<512x128xi1>, vector<512x128xi32>
    %add3A_221 = arith.addi %add3A_211, %select_n3A_220 : vector<512x128xi32>
    %slice3A_222 = vector.extract_strided_slice %add3A_221 {offsets = [0, 112], sizes = [512, 16], strides = [1, 1]} : vector<512x128xi32> to vector<512x16xi32>
    %slice3A_223 = vector.extract_strided_slice %add3A_221 {offsets = [0, 0], sizes = [512, 112], strides = [1, 1]} : vector<512x128xi32> to vector<512x112xi32>
    %concatenate3A_224 = tpu.concatenate %slice3A_222, %slice3A_223 in 1 : vector<512x16xi32>, vector<512x112xi32> -> vector<512x128xi32>
    %ge3A_225 = arith.constant 16 : i32
    %ge3A_226 = vector.broadcast %ge3A_225 : i32 to vector<512x128xi32>
    %ge3A_227 = arith.cmpi sge, %iota3A_181, %ge3A_226 : vector<512x128xi32>
    %jit3A_228 = arith.constant 0 : i32
    %broadcast_in_dim3A_229 = vector.broadcast %jit3A_228 : i32 to vector<512x128xi32>
    %select_n3A_230 = arith.select %ge3A_227, %concatenate3A_224, %broadcast_in_dim3A_229 : vector<512x128xi1>, vector<512x128xi32>
    %add3A_231 = arith.addi %add3A_221, %select_n3A_230 : vector<512x128xi32>
    %slice3A_232 = vector.extract_strided_slice %add3A_231 {offsets = [0, 96], sizes = [512, 32], strides = [1, 1]} : vector<512x128xi32> to vector<512x32xi32>
    %slice3A_233 = vector.extract_strided_slice %add3A_231 {offsets = [0, 0], sizes = [512, 96], strides = [1, 1]} : vector<512x128xi32> to vector<512x96xi32>
    %concatenate3A_234 = tpu.concatenate %slice3A_232, %slice3A_233 in 1 : vector<512x32xi32>, vector<512x96xi32> -> vector<512x128xi32>
    %ge3A_235 = arith.constant 32 : i32
    %ge3A_236 = vector.broadcast %ge3A_235 : i32 to vector<512x128xi32>
    %ge3A_237 = arith.cmpi sge, %iota3A_181, %ge3A_236 : vector<512x128xi32>
    %jit3A_238 = arith.constant 0 : i32
    %broadcast_in_dim3A_239 = vector.broadcast %jit3A_238 : i32 to vector<512x128xi32>
    %select_n3A_240 = arith.select %ge3A_237, %concatenate3A_234, %broadcast_in_dim3A_239 : vector<512x128xi1>, vector<512x128xi32>
    %add3A_241 = arith.addi %add3A_231, %select_n3A_240 : vector<512x128xi32>
    %slice3A_242 = vector.extract_strided_slice %add3A_241 {offsets = [0, 64], sizes = [512, 64], strides = [1, 1]} : vector<512x128xi32> to vector<512x64xi32>
    %slice3A_243 = vector.extract_strided_slice %add3A_241 {offsets = [0, 0], sizes = [512, 64], strides = [1, 1]} : vector<512x128xi32> to vector<512x64xi32>
    %concatenate3A_244 = tpu.concatenate %slice3A_242, %slice3A_243 in 1 : vector<512x64xi32>, vector<512x64xi32> -> vector<512x128xi32>
    %ge3A_245 = arith.constant 64 : i32
    %ge3A_246 = vector.broadcast %ge3A_245 : i32 to vector<512x128xi32>
    %ge3A_247 = arith.cmpi sge, %iota3A_181, %ge3A_246 : vector<512x128xi32>
    %jit3A_248 = arith.constant 0 : i32
    %broadcast_in_dim3A_249 = vector.broadcast %jit3A_248 : i32 to vector<512x128xi32>
    %select_n3A_250 = arith.select %ge3A_247, %concatenate3A_244, %broadcast_in_dim3A_249 : vector<512x128xi1>, vector<512x128xi32>
    %add3A_251 = arith.addi %add3A_241, %select_n3A_250 : vector<512x128xi32>
    %slice3A_252 = vector.extract_strided_slice %add3A_251 {offsets = [0, 127], sizes = [512, 1], strides = [1, 1]} : vector<512x128xi32> to vector<512x1xi32>
    %iota3A_253 = tpu.iota {dimensions = array<i32: 0>} : vector<512x1xi32>
    %slice3A_254 = vector.extract_strided_slice %slice3A_252 {offsets = [511, 0], sizes = [1, 1], strides = [1, 1]} : vector<512x1xi32> to vector<1x1xi32>
    %slice3A_255 = vector.extract_strided_slice %slice3A_252 {offsets = [0, 0], sizes = [511, 1], strides = [1, 1]} : vector<512x1xi32> to vector<511x1xi32>
    %concatenate3A_256 = tpu.concatenate %slice3A_254, %slice3A_255 in 0 : vector<1x1xi32>, vector<511x1xi32> -> vector<512x1xi32>
    %ge3A_257 = arith.constant 1 : i32
    %ge3A_258 = vector.broadcast %ge3A_257 : i32 to vector<512x1xi32>
    %ge3A_259 = arith.cmpi sge, %iota3A_253, %ge3A_258 : vector<512x1xi32>
    %jit3A_260 = arith.constant 0 : i32
    %broadcast_in_dim3A_261 = vector.broadcast %jit3A_260 : i32 to vector<512x1xi32>
    %select_n3A_262 = arith.select %ge3A_259, %concatenate3A_256, %broadcast_in_dim3A_261 : vector<512x1xi1>, vector<512x1xi32>
    %add3A_263 = arith.addi %slice3A_252, %select_n3A_262 : vector<512x1xi32>
    %slice3A_264 = vector.extract_strided_slice %add3A_263 {offsets = [510, 0], sizes = [2, 1], strides = [1, 1]} : vector<512x1xi32> to vector<2x1xi32>
    %slice3A_265 = vector.extract_strided_slice %add3A_263 {offsets = [0, 0], sizes = [510, 1], strides = [1, 1]} : vector<512x1xi32> to vector<510x1xi32>
    %concatenate3A_266 = tpu.concatenate %slice3A_264, %slice3A_265 in 0 : vector<2x1xi32>, vector<510x1xi32> -> vector<512x1xi32>
    %ge3A_267 = arith.constant 2 : i32
    %ge3A_268 = vector.broadcast %ge3A_267 : i32 to vector<512x1xi32>
    %ge3A_269 = arith.cmpi sge, %iota3A_253, %ge3A_268 : vector<512x1xi32>
    %jit3A_270 = arith.constant 0 : i32
    %broadcast_in_dim3A_271 = vector.broadcast %jit3A_270 : i32 to vector<512x1xi32>
    %select_n3A_272 = arith.select %ge3A_269, %concatenate3A_266, %broadcast_in_dim3A_271 : vector<512x1xi1>, vector<512x1xi32>
    %add3A_273 = arith.addi %add3A_263, %select_n3A_272 : vector<512x1xi32>
    %slice3A_274 = vector.extract_strided_slice %add3A_273 {offsets = [508, 0], sizes = [4, 1], strides = [1, 1]} : vector<512x1xi32> to vector<4x1xi32>
    %slice3A_275 = vector.extract_strided_slice %add3A_273 {offsets = [0, 0], sizes = [508, 1], strides = [1, 1]} : vector<512x1xi32> to vector<508x1xi32>
    %concatenate3A_276 = tpu.concatenate %slice3A_274, %slice3A_275 in 0 : vector<4x1xi32>, vector<508x1xi32> -> vector<512x1xi32>
    %ge3A_277 = arith.constant 4 : i32
    %ge3A_278 = vector.broadcast %ge3A_277 : i32 to vector<512x1xi32>
    %ge3A_279 = arith.cmpi sge, %iota3A_253, %ge3A_278 : vector<512x1xi32>
    %jit3A_280 = arith.constant 0 : i32
    %broadcast_in_dim3A_281 = vector.broadcast %jit3A_280 : i32 to vector<512x1xi32>
    %select_n3A_282 = arith.select %ge3A_279, %concatenate3A_276, %broadcast_in_dim3A_281 : vector<512x1xi1>, vector<512x1xi32>
    %add3A_283 = arith.addi %add3A_273, %select_n3A_282 : vector<512x1xi32>
    %slice3A_284 = vector.extract_strided_slice %add3A_283 {offsets = [504, 0], sizes = [8, 1], strides = [1, 1]} : vector<512x1xi32> to vector<8x1xi32>
    %slice3A_285 = vector.extract_strided_slice %add3A_283 {offsets = [0, 0], sizes = [504, 1], strides = [1, 1]} : vector<512x1xi32> to vector<504x1xi32>
    %concatenate3A_286 = tpu.concatenate %slice3A_284, %slice3A_285 in 0 : vector<8x1xi32>, vector<504x1xi32> -> vector<512x1xi32>
    %ge3A_287 = arith.constant 8 : i32
    %ge3A_288 = vector.broadcast %ge3A_287 : i32 to vector<512x1xi32>
    %ge3A_289 = arith.cmpi sge, %iota3A_253, %ge3A_288 : vector<512x1xi32>
    %jit3A_290 = arith.constant 0 : i32
    %broadcast_in_dim3A_291 = vector.broadcast %jit3A_290 : i32 to vector<512x1xi32>
    %select_n3A_292 = arith.select %ge3A_289, %concatenate3A_286, %broadcast_in_dim3A_291 : vector<512x1xi1>, vector<512x1xi32>
    %add3A_293 = arith.addi %add3A_283, %select_n3A_292 : vector<512x1xi32>
    %slice3A_294 = vector.extract_strided_slice %add3A_293 {offsets = [496, 0], sizes = [16, 1], strides = [1, 1]} : vector<512x1xi32> to vector<16x1xi32>
    %slice3A_295 = vector.extract_strided_slice %add3A_293 {offsets = [0, 0], sizes = [496, 1], strides = [1, 1]} : vector<512x1xi32> to vector<496x1xi32>
    %concatenate3A_296 = tpu.concatenate %slice3A_294, %slice3A_295 in 0 : vector<16x1xi32>, vector<496x1xi32> -> vector<512x1xi32>
    %ge3A_297 = arith.constant 16 : i32
    %ge3A_298 = vector.broadcast %ge3A_297 : i32 to vector<512x1xi32>
    %ge3A_299 = arith.cmpi sge, %iota3A_253, %ge3A_298 : vector<512x1xi32>
    %jit3A_300 = arith.constant 0 : i32
    %broadcast_in_dim3A_301 = vector.broadcast %jit3A_300 : i32 to vector<512x1xi32>
    %select_n3A_302 = arith.select %ge3A_299, %concatenate3A_296, %broadcast_in_dim3A_301 : vector<512x1xi1>, vector<512x1xi32>
    %add3A_303 = arith.addi %add3A_293, %select_n3A_302 : vector<512x1xi32>
    %slice3A_304 = vector.extract_strided_slice %add3A_303 {offsets = [480, 0], sizes = [32, 1], strides = [1, 1]} : vector<512x1xi32> to vector<32x1xi32>
    %slice3A_305 = vector.extract_strided_slice %add3A_303 {offsets = [0, 0], sizes = [480, 1], strides = [1, 1]} : vector<512x1xi32> to vector<480x1xi32>
    %concatenate3A_306 = tpu.concatenate %slice3A_304, %slice3A_305 in 0 : vector<32x1xi32>, vector<480x1xi32> -> vector<512x1xi32>
    %ge3A_307 = arith.constant 32 : i32
    %ge3A_308 = vector.broadcast %ge3A_307 : i32 to vector<512x1xi32>
    %ge3A_309 = arith.cmpi sge, %iota3A_253, %ge3A_308 : vector<512x1xi32>
    %jit3A_310 = arith.constant 0 : i32
    %broadcast_in_dim3A_311 = vector.broadcast %jit3A_310 : i32 to vector<512x1xi32>
    %select_n3A_312 = arith.select %ge3A_309, %concatenate3A_306, %broadcast_in_dim3A_311 : vector<512x1xi1>, vector<512x1xi32>
    %add3A_313 = arith.addi %add3A_303, %select_n3A_312 : vector<512x1xi32>
    %slice3A_314 = vector.extract_strided_slice %add3A_313 {offsets = [448, 0], sizes = [64, 1], strides = [1, 1]} : vector<512x1xi32> to vector<64x1xi32>
    %slice3A_315 = vector.extract_strided_slice %add3A_313 {offsets = [0, 0], sizes = [448, 1], strides = [1, 1]} : vector<512x1xi32> to vector<448x1xi32>
    %concatenate3A_316 = tpu.concatenate %slice3A_314, %slice3A_315 in 0 : vector<64x1xi32>, vector<448x1xi32> -> vector<512x1xi32>
    %ge3A_317 = arith.constant 64 : i32
    %ge3A_318 = vector.broadcast %ge3A_317 : i32 to vector<512x1xi32>
    %ge3A_319 = arith.cmpi sge, %iota3A_253, %ge3A_318 : vector<512x1xi32>
    %jit3A_320 = arith.constant 0 : i32
    %broadcast_in_dim3A_321 = vector.broadcast %jit3A_320 : i32 to vector<512x1xi32>
    %select_n3A_322 = arith.select %ge3A_319, %concatenate3A_316, %broadcast_in_dim3A_321 : vector<512x1xi1>, vector<512x1xi32>
    %add3A_323 = arith.addi %add3A_313, %select_n3A_322 : vector<512x1xi32>
    %slice3A_324 = vector.extract_strided_slice %add3A_323 {offsets = [384, 0], sizes = [128, 1], strides = [1, 1]} : vector<512x1xi32> to vector<128x1xi32>
    %slice3A_325 = vector.extract_strided_slice %add3A_323 {offsets = [0, 0], sizes = [384, 1], strides = [1, 1]} : vector<512x1xi32> to vector<384x1xi32>
    %concatenate3A_326 = tpu.concatenate %slice3A_324, %slice3A_325 in 0 : vector<128x1xi32>, vector<384x1xi32> -> vector<512x1xi32>
    %ge3A_327 = arith.constant 128 : i32
    %ge3A_328 = vector.broadcast %ge3A_327 : i32 to vector<512x1xi32>
    %ge3A_329 = arith.cmpi sge, %iota3A_253, %ge3A_328 : vector<512x1xi32>
    %jit3A_330 = arith.constant 0 : i32
    %broadcast_in_dim3A_331 = vector.broadcast %jit3A_330 : i32 to vector<512x1xi32>
    %select_n3A_332 = arith.select %ge3A_329, %concatenate3A_326, %broadcast_in_dim3A_331 : vector<512x1xi1>, vector<512x1xi32>
    %add3A_333 = arith.addi %add3A_323, %select_n3A_332 : vector<512x1xi32>
    %slice3A_334 = vector.extract_strided_slice %add3A_333 {offsets = [256, 0], sizes = [256, 1], strides = [1, 1]} : vector<512x1xi32> to vector<256x1xi32>
    %slice3A_335 = vector.extract_strided_slice %add3A_333 {offsets = [0, 0], sizes = [256, 1], strides = [1, 1]} : vector<512x1xi32> to vector<256x1xi32>
    %concatenate3A_336 = tpu.concatenate %slice3A_334, %slice3A_335 in 0 : vector<256x1xi32>, vector<256x1xi32> -> vector<512x1xi32>
    %ge3A_337 = arith.constant 256 : i32
    %ge3A_338 = vector.broadcast %ge3A_337 : i32 to vector<512x1xi32>
    %ge3A_339 = arith.cmpi sge, %iota3A_253, %ge3A_338 : vector<512x1xi32>
    %jit3A_340 = arith.constant 0 : i32
    %broadcast_in_dim3A_341 = vector.broadcast %jit3A_340 : i32 to vector<512x1xi32>
    %select_n3A_342 = arith.select %ge3A_339, %concatenate3A_336, %broadcast_in_dim3A_341 : vector<512x1xi1>, vector<512x1xi32>
    %add3A_343 = arith.addi %add3A_333, %select_n3A_342 : vector<512x1xi32>
    %sub3A_344 = arith.subi %add3A_343, %slice3A_252 : vector<512x1xi32>
    %add3A_345 = vector.broadcast %sub3A_344 : vector<512x1xi32> to vector<512x128xi32>
    %add3A_346 = arith.addi %add3A_251, %add3A_345 : vector<512x128xi32>
    %iota3A_347 = tpu.iota {dimensions = array<i32: 0>} : vector<512x128xi32>
    %mul3A = arith.constant 128 : i32
    %mul3A_348 = vector.broadcast %mul3A : i32 to vector<512x128xi32>
    %mul3A_349 = arith.muli %iota3A_347, %mul3A_348 : vector<512x128xi32>
    %iota3A_350 = tpu.iota {dimensions = array<i32: 1>} : vector<512x128xi32>
    %add3A_351 = arith.addi %mul3A_349, %iota3A_350 : vector<512x128xi32>
    %sub3A_352 = arith.constant 1 : i32
    %sub3A_353 = vector.broadcast %sub3A_352 : i32 to vector<512x128xi32>
    %sub3A_354 = arith.subi %add3A_346, %sub3A_353 : vector<512x128xi32>
    %sub3A_355 = arith.subi %add3A_351, %sub3A_354 : vector<512x128xi32>
    %jit3A_356 = arith.constant 0 : i32
    %broadcast_in_dim3A_357 = vector.broadcast %jit3A_356 : i32 to vector<512x128xi32>
    %select_n3A_358 = arith.select %or3A, %sub3A_355, %broadcast_in_dim3A_357 : vector<512x128xi1>, vector<512x128xi32>
    %jit3A_359 = arith.constant 0 : i32
    %broadcast_in_dim3A_360 = vector.broadcast %jit3A_359 : i32 to vector<512x128xi32>
    %select_n3A_361 = arith.select %or3A, %bitcast_convert_type3A, %broadcast_in_dim3A_360 : vector<512x128xi1>, vector<512x128xi32>
    %slice3A_362 = vector.extract_strided_slice %select_n3A_361 {offsets = [0, 1], sizes = [512, 127], strides = [1, 1]} : vector<512x128xi32> to vector<512x127xi32>
    %slice3A_363 = vector.extract_strided_slice %select_n3A_361 {offsets = [0, 0], sizes = [512, 1], strides = [1, 1]} : vector<512x128xi32> to vector<512x1xi32>
    %concatenate3A_364 = tpu.concatenate %slice3A_362, %slice3A_363 in 1 : vector<512x127xi32>, vector<512x1xi32> -> vector<512x128xi32>
    %slice3A_365 = vector.extract_strided_slice %concatenate3A_364 {offsets = [1, 0], sizes = [511, 128], strides = [1, 1]} : vector<512x128xi32> to vector<511x128xi32>
    %slice3A_366 = vector.extract_strided_slice %concatenate3A_364 {offsets = [0, 0], sizes = [1, 128], strides = [1, 1]} : vector<512x128xi32> to vector<1x128xi32>
    %concatenate3A_367 = tpu.concatenate %slice3A_365, %slice3A_366 in 0 : vector<511x128xi32>, vector<1x128xi32> -> vector<512x128xi32>
    %iota3A_368 = tpu.iota {dimensions = array<i32: 1>} : vector<512x128xi32>
    %lt3A = arith.constant 127 : i32
    %lt3A_369 = vector.broadcast %lt3A : i32 to vector<512x128xi32>
    %lt3A_370 = arith.cmpi slt, %iota3A_368, %lt3A_369 : vector<512x128xi32>
    %select_n3A_371 = arith.select %lt3A_370, %concatenate3A_364, %concatenate3A_367 : vector<512x128xi1>, vector<512x128xi32>
    %slice3A_372 = vector.extract_strided_slice %select_n3A_358 {offsets = [0, 1], sizes = [512, 127], strides = [1, 1]} : vector<512x128xi32> to vector<512x127xi32>
    %slice3A_373 = vector.extract_strided_slice %select_n3A_358 {offsets = [0, 0], sizes = [512, 1], strides = [1, 1]} : vector<512x128xi32> to vector<512x1xi32>
    %concatenate3A_374 = tpu.concatenate %slice3A_372, %slice3A_373 in 1 : vector<512x127xi32>, vector<512x1xi32> -> vector<512x128xi32>
    %slice3A_375 = vector.extract_strided_slice %concatenate3A_374 {offsets = [1, 0], sizes = [511, 128], strides = [1, 1]} : vector<512x128xi32> to vector<511x128xi32>
    %slice3A_376 = vector.extract_strided_slice %concatenate3A_374 {offsets = [0, 0], sizes = [1, 128], strides = [1, 1]} : vector<512x128xi32> to vector<1x128xi32>
    %concatenate3A_377 = tpu.concatenate %slice3A_375, %slice3A_376 in 0 : vector<511x128xi32>, vector<1x128xi32> -> vector<512x128xi32>
    %iota3A_378 = tpu.iota {dimensions = array<i32: 1>} : vector<512x128xi32>
    %lt3A_379 = arith.constant 127 : i32
    %lt3A_380 = vector.broadcast %lt3A_379 : i32 to vector<512x128xi32>
    %lt3A_381 = arith.cmpi slt, %iota3A_378, %lt3A_380 : vector<512x128xi32>
    %select_n3A_382 = arith.select %lt3A_381, %concatenate3A_374, %concatenate3A_377 : vector<512x128xi1>, vector<512x128xi32>
    %and3A_383 = arith.constant 1 : i32
    %and3A_384 = vector.broadcast %and3A_383 : i32 to vector<512x128xi32>
    %and3A_385 = arith.andi %select_n3A_382, %and3A_384 : vector<512x128xi32>
    %ne3A = arith.constant 0 : i32
    %ne3A_386 = vector.broadcast %ne3A : i32 to vector<512x128xi32>
    %ne3A_387 = arith.cmpi ne, %and3A_385, %ne3A_386 : vector<512x128xi32>
    %lt3A_388 = arith.constant 65535 : i32
    %lt3A_389 = vector.broadcast %lt3A_388 : i32 to vector<512x128xi32>
    %lt3A_390 = arith.cmpi slt, %add3A_351, %lt3A_389 : vector<512x128xi32>
    %and3A_391 = arith.andi %ne3A_387, %lt3A_390 : vector<512x128xi1>
    %and3A_392 = arith.constant 1 : i32
    %and3A_393 = vector.broadcast %and3A_392 : i32 to vector<512x128xi32>
    %and3A_394 = arith.andi %select_n3A_358, %and3A_393 : vector<512x128xi32>
    %ne3A_395 = arith.constant 0 : i32
    %ne3A_396 = vector.broadcast %ne3A_395 : i32 to vector<512x128xi32>
    %ne3A_397 = arith.cmpi ne, %and3A_394, %ne3A_396 : vector<512x128xi32>
    %jit3A_398 = arith.constant 0 : i32
    %broadcast_in_dim3A_399 = vector.broadcast %jit3A_398 : i32 to vector<512x128xi32>
    %select_n3A_400 = arith.select %ne3A_397, %broadcast_in_dim3A_399, %select_n3A_361 : vector<512x128xi1>, vector<512x128xi32>
    %select_n3A_401 = arith.select %and3A_391, %select_n3A_371, %select_n3A_400 : vector<512x128xi1>, vector<512x128xi32>
    %jit3A_402 = arith.constant 0 : i32
    %broadcast_in_dim3A_403 = vector.broadcast %jit3A_402 : i32 to vector<512x128xi32>
    %select_n3A_404 = arith.select %ne3A_397, %broadcast_in_dim3A_403, %select_n3A_358 : vector<512x128xi1>, vector<512x128xi32>
    %select_n3A_405 = arith.select %and3A_391, %select_n3A_382, %select_n3A_404 : vector<512x128xi1>, vector<512x128xi32>
    %slice3A_406 = vector.extract_strided_slice %select_n3A_401 {offsets = [0, 2], sizes = [512, 126], strides = [1, 1]} : vector<512x128xi32> to vector<512x126xi32>
    %slice3A_407 = vector.extract_strided_slice %select_n3A_401 {offsets = [0, 0], sizes = [512, 2], strides = [1, 1]} : vector<512x128xi32> to vector<512x2xi32>
    %concatenate3A_408 = tpu.concatenate %slice3A_406, %slice3A_407 in 1 : vector<512x126xi32>, vector<512x2xi32> -> vector<512x128xi32>
    %slice3A_409 = vector.extract_strided_slice %concatenate3A_408 {offsets = [1, 0], sizes = [511, 128], strides = [1, 1]} : vector<512x128xi32> to vector<511x128xi32>
    %slice3A_410 = vector.extract_strided_slice %concatenate3A_408 {offsets = [0, 0], sizes = [1, 128], strides = [1, 1]} : vector<512x128xi32> to vector<1x128xi32>
    %concatenate3A_411 = tpu.concatenate %slice3A_409, %slice3A_410 in 0 : vector<511x128xi32>, vector<1x128xi32> -> vector<512x128xi32>
    %iota3A_412 = tpu.iota {dimensions = array<i32: 1>} : vector<512x128xi32>
    %lt3A_413 = arith.constant 126 : i32
    %lt3A_414 = vector.broadcast %lt3A_413 : i32 to vector<512x128xi32>
    %lt3A_415 = arith.cmpi slt, %iota3A_412, %lt3A_414 : vector<512x128xi32>
    %select_n3A_416 = arith.select %lt3A_415, %concatenate3A_408, %concatenate3A_411 : vector<512x128xi1>, vector<512x128xi32>
    %slice3A_417 = vector.extract_strided_slice %select_n3A_405 {offsets = [0, 2], sizes = [512, 126], strides = [1, 1]} : vector<512x128xi32> to vector<512x126xi32>
    %slice3A_418 = vector.extract_strided_slice %select_n3A_405 {offsets = [0, 0], sizes = [512, 2], strides = [1, 1]} : vector<512x128xi32> to vector<512x2xi32>
    %concatenate3A_419 = tpu.concatenate %slice3A_417, %slice3A_418 in 1 : vector<512x126xi32>, vector<512x2xi32> -> vector<512x128xi32>
    %slice3A_420 = vector.extract_strided_slice %concatenate3A_419 {offsets = [1, 0], sizes = [511, 128], strides = [1, 1]} : vector<512x128xi32> to vector<511x128xi32>
    %slice3A_421 = vector.extract_strided_slice %concatenate3A_419 {offsets = [0, 0], sizes = [1, 128], strides = [1, 1]} : vector<512x128xi32> to vector<1x128xi32>
    %concatenate3A_422 = tpu.concatenate %slice3A_420, %slice3A_421 in 0 : vector<511x128xi32>, vector<1x128xi32> -> vector<512x128xi32>
    %iota3A_423 = tpu.iota {dimensions = array<i32: 1>} : vector<512x128xi32>
    %lt3A_424 = arith.constant 126 : i32
    %lt3A_425 = vector.broadcast %lt3A_424 : i32 to vector<512x128xi32>
    %lt3A_426 = arith.cmpi slt, %iota3A_423, %lt3A_425 : vector<512x128xi32>
    %select_n3A_427 = arith.select %lt3A_426, %concatenate3A_419, %concatenate3A_422 : vector<512x128xi1>, vector<512x128xi32>
    %and3A_428 = arith.constant 2 : i32
    %and3A_429 = vector.broadcast %and3A_428 : i32 to vector<512x128xi32>
    %and3A_430 = arith.andi %select_n3A_427, %and3A_429 : vector<512x128xi32>
    %ne3A_431 = arith.constant 0 : i32
    %ne3A_432 = vector.broadcast %ne3A_431 : i32 to vector<512x128xi32>
    %ne3A_433 = arith.cmpi ne, %and3A_430, %ne3A_432 : vector<512x128xi32>
    %lt3A_434 = arith.constant 65534 : i32
    %lt3A_435 = vector.broadcast %lt3A_434 : i32 to vector<512x128xi32>
    %lt3A_436 = arith.cmpi slt, %add3A_351, %lt3A_435 : vector<512x128xi32>
    %and3A_437 = arith.andi %ne3A_433, %lt3A_436 : vector<512x128xi1>
    %and3A_438 = arith.constant 2 : i32
    %and3A_439 = vector.broadcast %and3A_438 : i32 to vector<512x128xi32>
    %and3A_440 = arith.andi %select_n3A_405, %and3A_439 : vector<512x128xi32>
    %ne3A_441 = arith.constant 0 : i32
    %ne3A_442 = vector.broadcast %ne3A_441 : i32 to vector<512x128xi32>
    %ne3A_443 = arith.cmpi ne, %and3A_440, %ne3A_442 : vector<512x128xi32>
    %jit3A_444 = arith.constant 0 : i32
    %broadcast_in_dim3A_445 = vector.broadcast %jit3A_444 : i32 to vector<512x128xi32>
    %select_n3A_446 = arith.select %ne3A_443, %broadcast_in_dim3A_445, %select_n3A_401 : vector<512x128xi1>, vector<512x128xi32>
    %select_n3A_447 = arith.select %and3A_437, %select_n3A_416, %select_n3A_446 : vector<512x128xi1>, vector<512x128xi32>
    %jit3A_448 = arith.constant 0 : i32
    %broadcast_in_dim3A_449 = vector.broadcast %jit3A_448 : i32 to vector<512x128xi32>
    %select_n3A_450 = arith.select %ne3A_443, %broadcast_in_dim3A_449, %select_n3A_405 : vector<512x128xi1>, vector<512x128xi32>
    %select_n3A_451 = arith.select %and3A_437, %select_n3A_427, %select_n3A_450 : vector<512x128xi1>, vector<512x128xi32>
    %slice3A_452 = vector.extract_strided_slice %select_n3A_447 {offsets = [0, 4], sizes = [512, 124], strides = [1, 1]} : vector<512x128xi32> to vector<512x124xi32>
    %slice3A_453 = vector.extract_strided_slice %select_n3A_447 {offsets = [0, 0], sizes = [512, 4], strides = [1, 1]} : vector<512x128xi32> to vector<512x4xi32>
    %concatenate3A_454 = tpu.concatenate %slice3A_452, %slice3A_453 in 1 : vector<512x124xi32>, vector<512x4xi32> -> vector<512x128xi32>
    %slice3A_455 = vector.extract_strided_slice %concatenate3A_454 {offsets = [1, 0], sizes = [511, 128], strides = [1, 1]} : vector<512x128xi32> to vector<511x128xi32>
    %slice3A_456 = vector.extract_strided_slice %concatenate3A_454 {offsets = [0, 0], sizes = [1, 128], strides = [1, 1]} : vector<512x128xi32> to vector<1x128xi32>
    %concatenate3A_457 = tpu.concatenate %slice3A_455, %slice3A_456 in 0 : vector<511x128xi32>, vector<1x128xi32> -> vector<512x128xi32>
    %iota3A_458 = tpu.iota {dimensions = array<i32: 1>} : vector<512x128xi32>
    %lt3A_459 = arith.constant 124 : i32
    %lt3A_460 = vector.broadcast %lt3A_459 : i32 to vector<512x128xi32>
    %lt3A_461 = arith.cmpi slt, %iota3A_458, %lt3A_460 : vector<512x128xi32>
    %select_n3A_462 = arith.select %lt3A_461, %concatenate3A_454, %concatenate3A_457 : vector<512x128xi1>, vector<512x128xi32>
    %slice3A_463 = vector.extract_strided_slice %select_n3A_451 {offsets = [0, 4], sizes = [512, 124], strides = [1, 1]} : vector<512x128xi32> to vector<512x124xi32>
    %slice3A_464 = vector.extract_strided_slice %select_n3A_451 {offsets = [0, 0], sizes = [512, 4], strides = [1, 1]} : vector<512x128xi32> to vector<512x4xi32>
    %concatenate3A_465 = tpu.concatenate %slice3A_463, %slice3A_464 in 1 : vector<512x124xi32>, vector<512x4xi32> -> vector<512x128xi32>
    %slice3A_466 = vector.extract_strided_slice %concatenate3A_465 {offsets = [1, 0], sizes = [511, 128], strides = [1, 1]} : vector<512x128xi32> to vector<511x128xi32>
    %slice3A_467 = vector.extract_strided_slice %concatenate3A_465 {offsets = [0, 0], sizes = [1, 128], strides = [1, 1]} : vector<512x128xi32> to vector<1x128xi32>
    %concatenate3A_468 = tpu.concatenate %slice3A_466, %slice3A_467 in 0 : vector<511x128xi32>, vector<1x128xi32> -> vector<512x128xi32>
    %iota3A_469 = tpu.iota {dimensions = array<i32: 1>} : vector<512x128xi32>
    %lt3A_470 = arith.constant 124 : i32
    %lt3A_471 = vector.broadcast %lt3A_470 : i32 to vector<512x128xi32>
    %lt3A_472 = arith.cmpi slt, %iota3A_469, %lt3A_471 : vector<512x128xi32>
    %select_n3A_473 = arith.select %lt3A_472, %concatenate3A_465, %concatenate3A_468 : vector<512x128xi1>, vector<512x128xi32>
    %and3A_474 = arith.constant 4 : i32
    %and3A_475 = vector.broadcast %and3A_474 : i32 to vector<512x128xi32>
    %and3A_476 = arith.andi %select_n3A_473, %and3A_475 : vector<512x128xi32>
    %ne3A_477 = arith.constant 0 : i32
    %ne3A_478 = vector.broadcast %ne3A_477 : i32 to vector<512x128xi32>
    %ne3A_479 = arith.cmpi ne, %and3A_476, %ne3A_478 : vector<512x128xi32>
    %lt3A_480 = arith.constant 65532 : i32
    %lt3A_481 = vector.broadcast %lt3A_480 : i32 to vector<512x128xi32>
    %lt3A_482 = arith.cmpi slt, %add3A_351, %lt3A_481 : vector<512x128xi32>
    %and3A_483 = arith.andi %ne3A_479, %lt3A_482 : vector<512x128xi1>
    %and3A_484 = arith.constant 4 : i32
    %and3A_485 = vector.broadcast %and3A_484 : i32 to vector<512x128xi32>
    %and3A_486 = arith.andi %select_n3A_451, %and3A_485 : vector<512x128xi32>
    %ne3A_487 = arith.constant 0 : i32
    %ne3A_488 = vector.broadcast %ne3A_487 : i32 to vector<512x128xi32>
    %ne3A_489 = arith.cmpi ne, %and3A_486, %ne3A_488 : vector<512x128xi32>
    %jit3A_490 = arith.constant 0 : i32
    %broadcast_in_dim3A_491 = vector.broadcast %jit3A_490 : i32 to vector<512x128xi32>
    %select_n3A_492 = arith.select %ne3A_489, %broadcast_in_dim3A_491, %select_n3A_447 : vector<512x128xi1>, vector<512x128xi32>
    %select_n3A_493 = arith.select %and3A_483, %select_n3A_462, %select_n3A_492 : vector<512x128xi1>, vector<512x128xi32>
    %jit3A_494 = arith.constant 0 : i32
    %broadcast_in_dim3A_495 = vector.broadcast %jit3A_494 : i32 to vector<512x128xi32>
    %select_n3A_496 = arith.select %ne3A_489, %broadcast_in_dim3A_495, %select_n3A_451 : vector<512x128xi1>, vector<512x128xi32>
    %select_n3A_497 = arith.select %and3A_483, %select_n3A_473, %select_n3A_496 : vector<512x128xi1>, vector<512x128xi32>
    %slice3A_498 = vector.extract_strided_slice %select_n3A_493 {offsets = [0, 8], sizes = [512, 120], strides = [1, 1]} : vector<512x128xi32> to vector<512x120xi32>
    %slice3A_499 = vector.extract_strided_slice %select_n3A_493 {offsets = [0, 0], sizes = [512, 8], strides = [1, 1]} : vector<512x128xi32> to vector<512x8xi32>
    %concatenate3A_500 = tpu.concatenate %slice3A_498, %slice3A_499 in 1 : vector<512x120xi32>, vector<512x8xi32> -> vector<512x128xi32>
    %slice3A_501 = vector.extract_strided_slice %concatenate3A_500 {offsets = [1, 0], sizes = [511, 128], strides = [1, 1]} : vector<512x128xi32> to vector<511x128xi32>
    %slice3A_502 = vector.extract_strided_slice %concatenate3A_500 {offsets = [0, 0], sizes = [1, 128], strides = [1, 1]} : vector<512x128xi32> to vector<1x128xi32>
    %concatenate3A_503 = tpu.concatenate %slice3A_501, %slice3A_502 in 0 : vector<511x128xi32>, vector<1x128xi32> -> vector<512x128xi32>
    %iota3A_504 = tpu.iota {dimensions = array<i32: 1>} : vector<512x128xi32>
    %lt3A_505 = arith.constant 120 : i32
    %lt3A_506 = vector.broadcast %lt3A_505 : i32 to vector<512x128xi32>
    %lt3A_507 = arith.cmpi slt, %iota3A_504, %lt3A_506 : vector<512x128xi32>
    %select_n3A_508 = arith.select %lt3A_507, %concatenate3A_500, %concatenate3A_503 : vector<512x128xi1>, vector<512x128xi32>
    %slice3A_509 = vector.extract_strided_slice %select_n3A_497 {offsets = [0, 8], sizes = [512, 120], strides = [1, 1]} : vector<512x128xi32> to vector<512x120xi32>
    %slice3A_510 = vector.extract_strided_slice %select_n3A_497 {offsets = [0, 0], sizes = [512, 8], strides = [1, 1]} : vector<512x128xi32> to vector<512x8xi32>
    %concatenate3A_511 = tpu.concatenate %slice3A_509, %slice3A_510 in 1 : vector<512x120xi32>, vector<512x8xi32> -> vector<512x128xi32>
    %slice3A_512 = vector.extract_strided_slice %concatenate3A_511 {offsets = [1, 0], sizes = [511, 128], strides = [1, 1]} : vector<512x128xi32> to vector<511x128xi32>
    %slice3A_513 = vector.extract_strided_slice %concatenate3A_511 {offsets = [0, 0], sizes = [1, 128], strides = [1, 1]} : vector<512x128xi32> to vector<1x128xi32>
    %concatenate3A_514 = tpu.concatenate %slice3A_512, %slice3A_513 in 0 : vector<511x128xi32>, vector<1x128xi32> -> vector<512x128xi32>
    %iota3A_515 = tpu.iota {dimensions = array<i32: 1>} : vector<512x128xi32>
    %lt3A_516 = arith.constant 120 : i32
    %lt3A_517 = vector.broadcast %lt3A_516 : i32 to vector<512x128xi32>
    %lt3A_518 = arith.cmpi slt, %iota3A_515, %lt3A_517 : vector<512x128xi32>
    %select_n3A_519 = arith.select %lt3A_518, %concatenate3A_511, %concatenate3A_514 : vector<512x128xi1>, vector<512x128xi32>
    %and3A_520 = arith.constant 8 : i32
    %and3A_521 = vector.broadcast %and3A_520 : i32 to vector<512x128xi32>
    %and3A_522 = arith.andi %select_n3A_519, %and3A_521 : vector<512x128xi32>
    %ne3A_523 = arith.constant 0 : i32
    %ne3A_524 = vector.broadcast %ne3A_523 : i32 to vector<512x128xi32>
    %ne3A_525 = arith.cmpi ne, %and3A_522, %ne3A_524 : vector<512x128xi32>
    %lt3A_526 = arith.constant 65528 : i32
    %lt3A_527 = vector.broadcast %lt3A_526 : i32 to vector<512x128xi32>
    %lt3A_528 = arith.cmpi slt, %add3A_351, %lt3A_527 : vector<512x128xi32>
    %and3A_529 = arith.andi %ne3A_525, %lt3A_528 : vector<512x128xi1>
    %and3A_530 = arith.constant 8 : i32
    %and3A_531 = vector.broadcast %and3A_530 : i32 to vector<512x128xi32>
    %and3A_532 = arith.andi %select_n3A_497, %and3A_531 : vector<512x128xi32>
    %ne3A_533 = arith.constant 0 : i32
    %ne3A_534 = vector.broadcast %ne3A_533 : i32 to vector<512x128xi32>
    %ne3A_535 = arith.cmpi ne, %and3A_532, %ne3A_534 : vector<512x128xi32>
    %jit3A_536 = arith.constant 0 : i32
    %broadcast_in_dim3A_537 = vector.broadcast %jit3A_536 : i32 to vector<512x128xi32>
    %select_n3A_538 = arith.select %ne3A_535, %broadcast_in_dim3A_537, %select_n3A_493 : vector<512x128xi1>, vector<512x128xi32>
    %select_n3A_539 = arith.select %and3A_529, %select_n3A_508, %select_n3A_538 : vector<512x128xi1>, vector<512x128xi32>
    %jit3A_540 = arith.constant 0 : i32
    %broadcast_in_dim3A_541 = vector.broadcast %jit3A_540 : i32 to vector<512x128xi32>
    %select_n3A_542 = arith.select %ne3A_535, %broadcast_in_dim3A_541, %select_n3A_497 : vector<512x128xi1>, vector<512x128xi32>
    %select_n3A_543 = arith.select %and3A_529, %select_n3A_519, %select_n3A_542 : vector<512x128xi1>, vector<512x128xi32>
    %slice3A_544 = vector.extract_strided_slice %select_n3A_539 {offsets = [0, 16], sizes = [512, 112], strides = [1, 1]} : vector<512x128xi32> to vector<512x112xi32>
    %slice3A_545 = vector.extract_strided_slice %select_n3A_539 {offsets = [0, 0], sizes = [512, 16], strides = [1, 1]} : vector<512x128xi32> to vector<512x16xi32>
    %concatenate3A_546 = tpu.concatenate %slice3A_544, %slice3A_545 in 1 : vector<512x112xi32>, vector<512x16xi32> -> vector<512x128xi32>
    %slice3A_547 = vector.extract_strided_slice %concatenate3A_546 {offsets = [1, 0], sizes = [511, 128], strides = [1, 1]} : vector<512x128xi32> to vector<511x128xi32>
    %slice3A_548 = vector.extract_strided_slice %concatenate3A_546 {offsets = [0, 0], sizes = [1, 128], strides = [1, 1]} : vector<512x128xi32> to vector<1x128xi32>
    %concatenate3A_549 = tpu.concatenate %slice3A_547, %slice3A_548 in 0 : vector<511x128xi32>, vector<1x128xi32> -> vector<512x128xi32>
    %iota3A_550 = tpu.iota {dimensions = array<i32: 1>} : vector<512x128xi32>
    %lt3A_551 = arith.constant 112 : i32
    %lt3A_552 = vector.broadcast %lt3A_551 : i32 to vector<512x128xi32>
    %lt3A_553 = arith.cmpi slt, %iota3A_550, %lt3A_552 : vector<512x128xi32>
    %select_n3A_554 = arith.select %lt3A_553, %concatenate3A_546, %concatenate3A_549 : vector<512x128xi1>, vector<512x128xi32>
    %slice3A_555 = vector.extract_strided_slice %select_n3A_543 {offsets = [0, 16], sizes = [512, 112], strides = [1, 1]} : vector<512x128xi32> to vector<512x112xi32>
    %slice3A_556 = vector.extract_strided_slice %select_n3A_543 {offsets = [0, 0], sizes = [512, 16], strides = [1, 1]} : vector<512x128xi32> to vector<512x16xi32>
    %concatenate3A_557 = tpu.concatenate %slice3A_555, %slice3A_556 in 1 : vector<512x112xi32>, vector<512x16xi32> -> vector<512x128xi32>
    %slice3A_558 = vector.extract_strided_slice %concatenate3A_557 {offsets = [1, 0], sizes = [511, 128], strides = [1, 1]} : vector<512x128xi32> to vector<511x128xi32>
    %slice3A_559 = vector.extract_strided_slice %concatenate3A_557 {offsets = [0, 0], sizes = [1, 128], strides = [1, 1]} : vector<512x128xi32> to vector<1x128xi32>
    %concatenate3A_560 = tpu.concatenate %slice3A_558, %slice3A_559 in 0 : vector<511x128xi32>, vector<1x128xi32> -> vector<512x128xi32>
    %iota3A_561 = tpu.iota {dimensions = array<i32: 1>} : vector<512x128xi32>
    %lt3A_562 = arith.constant 112 : i32
    %lt3A_563 = vector.broadcast %lt3A_562 : i32 to vector<512x128xi32>
    %lt3A_564 = arith.cmpi slt, %iota3A_561, %lt3A_563 : vector<512x128xi32>
    %select_n3A_565 = arith.select %lt3A_564, %concatenate3A_557, %concatenate3A_560 : vector<512x128xi1>, vector<512x128xi32>
    %and3A_566 = arith.constant 16 : i32
    %and3A_567 = vector.broadcast %and3A_566 : i32 to vector<512x128xi32>
    %and3A_568 = arith.andi %select_n3A_565, %and3A_567 : vector<512x128xi32>
    %ne3A_569 = arith.constant 0 : i32
    %ne3A_570 = vector.broadcast %ne3A_569 : i32 to vector<512x128xi32>
    %ne3A_571 = arith.cmpi ne, %and3A_568, %ne3A_570 : vector<512x128xi32>
    %lt3A_572 = arith.constant 65520 : i32
    %lt3A_573 = vector.broadcast %lt3A_572 : i32 to vector<512x128xi32>
    %lt3A_574 = arith.cmpi slt, %add3A_351, %lt3A_573 : vector<512x128xi32>
    %and3A_575 = arith.andi %ne3A_571, %lt3A_574 : vector<512x128xi1>
    %and3A_576 = arith.constant 16 : i32
    %and3A_577 = vector.broadcast %and3A_576 : i32 to vector<512x128xi32>
    %and3A_578 = arith.andi %select_n3A_543, %and3A_577 : vector<512x128xi32>
    %ne3A_579 = arith.constant 0 : i32
    %ne3A_580 = vector.broadcast %ne3A_579 : i32 to vector<512x128xi32>
    %ne3A_581 = arith.cmpi ne, %and3A_578, %ne3A_580 : vector<512x128xi32>
    %jit3A_582 = arith.constant 0 : i32
    %broadcast_in_dim3A_583 = vector.broadcast %jit3A_582 : i32 to vector<512x128xi32>
    %select_n3A_584 = arith.select %ne3A_581, %broadcast_in_dim3A_583, %select_n3A_539 : vector<512x128xi1>, vector<512x128xi32>
    %select_n3A_585 = arith.select %and3A_575, %select_n3A_554, %select_n3A_584 : vector<512x128xi1>, vector<512x128xi32>
    %jit3A_586 = arith.constant 0 : i32
    %broadcast_in_dim3A_587 = vector.broadcast %jit3A_586 : i32 to vector<512x128xi32>
    %select_n3A_588 = arith.select %ne3A_581, %broadcast_in_dim3A_587, %select_n3A_543 : vector<512x128xi1>, vector<512x128xi32>
    %select_n3A_589 = arith.select %and3A_575, %select_n3A_565, %select_n3A_588 : vector<512x128xi1>, vector<512x128xi32>
    %slice3A_590 = vector.extract_strided_slice %select_n3A_585 {offsets = [0, 32], sizes = [512, 96], strides = [1, 1]} : vector<512x128xi32> to vector<512x96xi32>
    %slice3A_591 = vector.extract_strided_slice %select_n3A_585 {offsets = [0, 0], sizes = [512, 32], strides = [1, 1]} : vector<512x128xi32> to vector<512x32xi32>
    %concatenate3A_592 = tpu.concatenate %slice3A_590, %slice3A_591 in 1 : vector<512x96xi32>, vector<512x32xi32> -> vector<512x128xi32>
    %slice3A_593 = vector.extract_strided_slice %concatenate3A_592 {offsets = [1, 0], sizes = [511, 128], strides = [1, 1]} : vector<512x128xi32> to vector<511x128xi32>
    %slice3A_594 = vector.extract_strided_slice %concatenate3A_592 {offsets = [0, 0], sizes = [1, 128], strides = [1, 1]} : vector<512x128xi32> to vector<1x128xi32>
    %concatenate3A_595 = tpu.concatenate %slice3A_593, %slice3A_594 in 0 : vector<511x128xi32>, vector<1x128xi32> -> vector<512x128xi32>
    %iota3A_596 = tpu.iota {dimensions = array<i32: 1>} : vector<512x128xi32>
    %lt3A_597 = arith.constant 96 : i32
    %lt3A_598 = vector.broadcast %lt3A_597 : i32 to vector<512x128xi32>
    %lt3A_599 = arith.cmpi slt, %iota3A_596, %lt3A_598 : vector<512x128xi32>
    %select_n3A_600 = arith.select %lt3A_599, %concatenate3A_592, %concatenate3A_595 : vector<512x128xi1>, vector<512x128xi32>
    %slice3A_601 = vector.extract_strided_slice %select_n3A_589 {offsets = [0, 32], sizes = [512, 96], strides = [1, 1]} : vector<512x128xi32> to vector<512x96xi32>
    %slice3A_602 = vector.extract_strided_slice %select_n3A_589 {offsets = [0, 0], sizes = [512, 32], strides = [1, 1]} : vector<512x128xi32> to vector<512x32xi32>
    %concatenate3A_603 = tpu.concatenate %slice3A_601, %slice3A_602 in 1 : vector<512x96xi32>, vector<512x32xi32> -> vector<512x128xi32>
    %slice3A_604 = vector.extract_strided_slice %concatenate3A_603 {offsets = [1, 0], sizes = [511, 128], strides = [1, 1]} : vector<512x128xi32> to vector<511x128xi32>
    %slice3A_605 = vector.extract_strided_slice %concatenate3A_603 {offsets = [0, 0], sizes = [1, 128], strides = [1, 1]} : vector<512x128xi32> to vector<1x128xi32>
    %concatenate3A_606 = tpu.concatenate %slice3A_604, %slice3A_605 in 0 : vector<511x128xi32>, vector<1x128xi32> -> vector<512x128xi32>
    %iota3A_607 = tpu.iota {dimensions = array<i32: 1>} : vector<512x128xi32>
    %lt3A_608 = arith.constant 96 : i32
    %lt3A_609 = vector.broadcast %lt3A_608 : i32 to vector<512x128xi32>
    %lt3A_610 = arith.cmpi slt, %iota3A_607, %lt3A_609 : vector<512x128xi32>
    %select_n3A_611 = arith.select %lt3A_610, %concatenate3A_603, %concatenate3A_606 : vector<512x128xi1>, vector<512x128xi32>
    %and3A_612 = arith.constant 32 : i32
    %and3A_613 = vector.broadcast %and3A_612 : i32 to vector<512x128xi32>
    %and3A_614 = arith.andi %select_n3A_611, %and3A_613 : vector<512x128xi32>
    %ne3A_615 = arith.constant 0 : i32
    %ne3A_616 = vector.broadcast %ne3A_615 : i32 to vector<512x128xi32>
    %ne3A_617 = arith.cmpi ne, %and3A_614, %ne3A_616 : vector<512x128xi32>
    %lt3A_618 = arith.constant 65504 : i32
    %lt3A_619 = vector.broadcast %lt3A_618 : i32 to vector<512x128xi32>
    %lt3A_620 = arith.cmpi slt, %add3A_351, %lt3A_619 : vector<512x128xi32>
    %and3A_621 = arith.andi %ne3A_617, %lt3A_620 : vector<512x128xi1>
    %and3A_622 = arith.constant 32 : i32
    %and3A_623 = vector.broadcast %and3A_622 : i32 to vector<512x128xi32>
    %and3A_624 = arith.andi %select_n3A_589, %and3A_623 : vector<512x128xi32>
    %ne3A_625 = arith.constant 0 : i32
    %ne3A_626 = vector.broadcast %ne3A_625 : i32 to vector<512x128xi32>
    %ne3A_627 = arith.cmpi ne, %and3A_624, %ne3A_626 : vector<512x128xi32>
    %jit3A_628 = arith.constant 0 : i32
    %broadcast_in_dim3A_629 = vector.broadcast %jit3A_628 : i32 to vector<512x128xi32>
    %select_n3A_630 = arith.select %ne3A_627, %broadcast_in_dim3A_629, %select_n3A_585 : vector<512x128xi1>, vector<512x128xi32>
    %select_n3A_631 = arith.select %and3A_621, %select_n3A_600, %select_n3A_630 : vector<512x128xi1>, vector<512x128xi32>
    %jit3A_632 = arith.constant 0 : i32
    %broadcast_in_dim3A_633 = vector.broadcast %jit3A_632 : i32 to vector<512x128xi32>
    %select_n3A_634 = arith.select %ne3A_627, %broadcast_in_dim3A_633, %select_n3A_589 : vector<512x128xi1>, vector<512x128xi32>
    %select_n3A_635 = arith.select %and3A_621, %select_n3A_611, %select_n3A_634 : vector<512x128xi1>, vector<512x128xi32>
    %slice3A_636 = vector.extract_strided_slice %select_n3A_631 {offsets = [0, 64], sizes = [512, 64], strides = [1, 1]} : vector<512x128xi32> to vector<512x64xi32>
    %slice3A_637 = vector.extract_strided_slice %select_n3A_631 {offsets = [0, 0], sizes = [512, 64], strides = [1, 1]} : vector<512x128xi32> to vector<512x64xi32>
    %concatenate3A_638 = tpu.concatenate %slice3A_636, %slice3A_637 in 1 : vector<512x64xi32>, vector<512x64xi32> -> vector<512x128xi32>
    %slice3A_639 = vector.extract_strided_slice %concatenate3A_638 {offsets = [1, 0], sizes = [511, 128], strides = [1, 1]} : vector<512x128xi32> to vector<511x128xi32>
    %slice3A_640 = vector.extract_strided_slice %concatenate3A_638 {offsets = [0, 0], sizes = [1, 128], strides = [1, 1]} : vector<512x128xi32> to vector<1x128xi32>
    %concatenate3A_641 = tpu.concatenate %slice3A_639, %slice3A_640 in 0 : vector<511x128xi32>, vector<1x128xi32> -> vector<512x128xi32>
    %iota3A_642 = tpu.iota {dimensions = array<i32: 1>} : vector<512x128xi32>
    %lt3A_643 = arith.constant 64 : i32
    %lt3A_644 = vector.broadcast %lt3A_643 : i32 to vector<512x128xi32>
    %lt3A_645 = arith.cmpi slt, %iota3A_642, %lt3A_644 : vector<512x128xi32>
    %select_n3A_646 = arith.select %lt3A_645, %concatenate3A_638, %concatenate3A_641 : vector<512x128xi1>, vector<512x128xi32>
    %slice3A_647 = vector.extract_strided_slice %select_n3A_635 {offsets = [0, 64], sizes = [512, 64], strides = [1, 1]} : vector<512x128xi32> to vector<512x64xi32>
    %slice3A_648 = vector.extract_strided_slice %select_n3A_635 {offsets = [0, 0], sizes = [512, 64], strides = [1, 1]} : vector<512x128xi32> to vector<512x64xi32>
    %concatenate3A_649 = tpu.concatenate %slice3A_647, %slice3A_648 in 1 : vector<512x64xi32>, vector<512x64xi32> -> vector<512x128xi32>
    %slice3A_650 = vector.extract_strided_slice %concatenate3A_649 {offsets = [1, 0], sizes = [511, 128], strides = [1, 1]} : vector<512x128xi32> to vector<511x128xi32>
    %slice3A_651 = vector.extract_strided_slice %concatenate3A_649 {offsets = [0, 0], sizes = [1, 128], strides = [1, 1]} : vector<512x128xi32> to vector<1x128xi32>
    %concatenate3A_652 = tpu.concatenate %slice3A_650, %slice3A_651 in 0 : vector<511x128xi32>, vector<1x128xi32> -> vector<512x128xi32>
    %iota3A_653 = tpu.iota {dimensions = array<i32: 1>} : vector<512x128xi32>
    %lt3A_654 = arith.constant 64 : i32
    %lt3A_655 = vector.broadcast %lt3A_654 : i32 to vector<512x128xi32>
    %lt3A_656 = arith.cmpi slt, %iota3A_653, %lt3A_655 : vector<512x128xi32>
    %select_n3A_657 = arith.select %lt3A_656, %concatenate3A_649, %concatenate3A_652 : vector<512x128xi1>, vector<512x128xi32>
    %and3A_658 = arith.constant 64 : i32
    %and3A_659 = vector.broadcast %and3A_658 : i32 to vector<512x128xi32>
    %and3A_660 = arith.andi %select_n3A_657, %and3A_659 : vector<512x128xi32>
    %ne3A_661 = arith.constant 0 : i32
    %ne3A_662 = vector.broadcast %ne3A_661 : i32 to vector<512x128xi32>
    %ne3A_663 = arith.cmpi ne, %and3A_660, %ne3A_662 : vector<512x128xi32>
    %lt3A_664 = arith.constant 65472 : i32
    %lt3A_665 = vector.broadcast %lt3A_664 : i32 to vector<512x128xi32>
    %lt3A_666 = arith.cmpi slt, %add3A_351, %lt3A_665 : vector<512x128xi32>
    %and3A_667 = arith.andi %ne3A_663, %lt3A_666 : vector<512x128xi1>
    %and3A_668 = arith.constant 64 : i32
    %and3A_669 = vector.broadcast %and3A_668 : i32 to vector<512x128xi32>
    %and3A_670 = arith.andi %select_n3A_635, %and3A_669 : vector<512x128xi32>
    %ne3A_671 = arith.constant 0 : i32
    %ne3A_672 = vector.broadcast %ne3A_671 : i32 to vector<512x128xi32>
    %ne3A_673 = arith.cmpi ne, %and3A_670, %ne3A_672 : vector<512x128xi32>
    %jit3A_674 = arith.constant 0 : i32
    %broadcast_in_dim3A_675 = vector.broadcast %jit3A_674 : i32 to vector<512x128xi32>
    %select_n3A_676 = arith.select %ne3A_673, %broadcast_in_dim3A_675, %select_n3A_631 : vector<512x128xi1>, vector<512x128xi32>
    %select_n3A_677 = arith.select %and3A_667, %select_n3A_646, %select_n3A_676 : vector<512x128xi1>, vector<512x128xi32>
    %jit3A_678 = arith.constant 0 : i32
    %broadcast_in_dim3A_679 = vector.broadcast %jit3A_678 : i32 to vector<512x128xi32>
    %select_n3A_680 = arith.select %ne3A_673, %broadcast_in_dim3A_679, %select_n3A_635 : vector<512x128xi1>, vector<512x128xi32>
    %select_n3A_681 = arith.select %and3A_667, %select_n3A_657, %select_n3A_680 : vector<512x128xi1>, vector<512x128xi32>
    %slice3A_682 = vector.extract_strided_slice %select_n3A_677 {offsets = [1, 0], sizes = [511, 128], strides = [1, 1]} : vector<512x128xi32> to vector<511x128xi32>
    %slice3A_683 = vector.extract_strided_slice %select_n3A_677 {offsets = [0, 0], sizes = [1, 128], strides = [1, 1]} : vector<512x128xi32> to vector<1x128xi32>
    %concatenate3A_684 = tpu.concatenate %slice3A_682, %slice3A_683 in 0 : vector<511x128xi32>, vector<1x128xi32> -> vector<512x128xi32>
    %slice3A_685 = vector.extract_strided_slice %select_n3A_681 {offsets = [1, 0], sizes = [511, 128], strides = [1, 1]} : vector<512x128xi32> to vector<511x128xi32>
    %slice3A_686 = vector.extract_strided_slice %select_n3A_681 {offsets = [0, 0], sizes = [1, 128], strides = [1, 1]} : vector<512x128xi32> to vector<1x128xi32>
    %concatenate3A_687 = tpu.concatenate %slice3A_685, %slice3A_686 in 0 : vector<511x128xi32>, vector<1x128xi32> -> vector<512x128xi32>
    %and3A_688 = arith.constant 128 : i32
    %and3A_689 = vector.broadcast %and3A_688 : i32 to vector<512x128xi32>
    %and3A_690 = arith.andi %concatenate3A_687, %and3A_689 : vector<512x128xi32>
    %ne3A_691 = arith.constant 0 : i32
    %ne3A_692 = vector.broadcast %ne3A_691 : i32 to vector<512x128xi32>
    %ne3A_693 = arith.cmpi ne, %and3A_690, %ne3A_692 : vector<512x128xi32>
    %lt3A_694 = arith.constant 65408 : i32
    %lt3A_695 = vector.broadcast %lt3A_694 : i32 to vector<512x128xi32>
    %lt3A_696 = arith.cmpi slt, %add3A_351, %lt3A_695 : vector<512x128xi32>
    %and3A_697 = arith.andi %ne3A_693, %lt3A_696 : vector<512x128xi1>
    %and3A_698 = arith.constant 128 : i32
    %and3A_699 = vector.broadcast %and3A_698 : i32 to vector<512x128xi32>
    %and3A_700 = arith.andi %select_n3A_681, %and3A_699 : vector<512x128xi32>
    %ne3A_701 = arith.constant 0 : i32
    %ne3A_702 = vector.broadcast %ne3A_701 : i32 to vector<512x128xi32>
    %ne3A_703 = arith.cmpi ne, %and3A_700, %ne3A_702 : vector<512x128xi32>
    %jit3A_704 = arith.constant 0 : i32
    %broadcast_in_dim3A_705 = vector.broadcast %jit3A_704 : i32 to vector<512x128xi32>
    %select_n3A_706 = arith.select %ne3A_703, %broadcast_in_dim3A_705, %select_n3A_677 : vector<512x128xi1>, vector<512x128xi32>
    %select_n3A_707 = arith.select %and3A_697, %concatenate3A_684, %select_n3A_706 : vector<512x128xi1>, vector<512x128xi32>
    %jit3A_708 = arith.constant 0 : i32
    %broadcast_in_dim3A_709 = vector.broadcast %jit3A_708 : i32 to vector<512x128xi32>
    %select_n3A_710 = arith.select %ne3A_703, %broadcast_in_dim3A_709, %select_n3A_681 : vector<512x128xi1>, vector<512x128xi32>
    %select_n3A_711 = arith.select %and3A_697, %concatenate3A_687, %select_n3A_710 : vector<512x128xi1>, vector<512x128xi32>
    %slice3A_712 = vector.extract_strided_slice %select_n3A_707 {offsets = [2, 0], sizes = [510, 128], strides = [1, 1]} : vector<512x128xi32> to vector<510x128xi32>
    %slice3A_713 = vector.extract_strided_slice %select_n3A_707 {offsets = [0, 0], sizes = [2, 128], strides = [1, 1]} : vector<512x128xi32> to vector<2x128xi32>
    %concatenate3A_714 = tpu.concatenate %slice3A_712, %slice3A_713 in 0 : vector<510x128xi32>, vector<2x128xi32> -> vector<512x128xi32>
    %slice3A_715 = vector.extract_strided_slice %select_n3A_711 {offsets = [2, 0], sizes = [510, 128], strides = [1, 1]} : vector<512x128xi32> to vector<510x128xi32>
    %slice3A_716 = vector.extract_strided_slice %select_n3A_711 {offsets = [0, 0], sizes = [2, 128], strides = [1, 1]} : vector<512x128xi32> to vector<2x128xi32>
    %concatenate3A_717 = tpu.concatenate %slice3A_715, %slice3A_716 in 0 : vector<510x128xi32>, vector<2x128xi32> -> vector<512x128xi32>
    %and3A_718 = arith.constant 256 : i32
    %and3A_719 = vector.broadcast %and3A_718 : i32 to vector<512x128xi32>
    %and3A_720 = arith.andi %concatenate3A_717, %and3A_719 : vector<512x128xi32>
    %ne3A_721 = arith.constant 0 : i32
    %ne3A_722 = vector.broadcast %ne3A_721 : i32 to vector<512x128xi32>
    %ne3A_723 = arith.cmpi ne, %and3A_720, %ne3A_722 : vector<512x128xi32>
    %lt3A_724 = arith.constant 65280 : i32
    %lt3A_725 = vector.broadcast %lt3A_724 : i32 to vector<512x128xi32>
    %lt3A_726 = arith.cmpi slt, %add3A_351, %lt3A_725 : vector<512x128xi32>
    %and3A_727 = arith.andi %ne3A_723, %lt3A_726 : vector<512x128xi1>
    %and3A_728 = arith.constant 256 : i32
    %and3A_729 = vector.broadcast %and3A_728 : i32 to vector<512x128xi32>
    %and3A_730 = arith.andi %select_n3A_711, %and3A_729 : vector<512x128xi32>
    %ne3A_731 = arith.constant 0 : i32
    %ne3A_732 = vector.broadcast %ne3A_731 : i32 to vector<512x128xi32>
    %ne3A_733 = arith.cmpi ne, %and3A_730, %ne3A_732 : vector<512x128xi32>
    %jit3A_734 = arith.constant 0 : i32
    %broadcast_in_dim3A_735 = vector.broadcast %jit3A_734 : i32 to vector<512x128xi32>
    %select_n3A_736 = arith.select %ne3A_733, %broadcast_in_dim3A_735, %select_n3A_707 : vector<512x128xi1>, vector<512x128xi32>
    %select_n3A_737 = arith.select %and3A_727, %concatenate3A_714, %select_n3A_736 : vector<512x128xi1>, vector<512x128xi32>
    %jit3A_738 = arith.constant 0 : i32
    %broadcast_in_dim3A_739 = vector.broadcast %jit3A_738 : i32 to vector<512x128xi32>
    %select_n3A_740 = arith.select %ne3A_733, %broadcast_in_dim3A_739, %select_n3A_711 : vector<512x128xi1>, vector<512x128xi32>
    %select_n3A_741 = arith.select %and3A_727, %concatenate3A_717, %select_n3A_740 : vector<512x128xi1>, vector<512x128xi32>
    %slice3A_742 = vector.extract_strided_slice %select_n3A_737 {offsets = [4, 0], sizes = [508, 128], strides = [1, 1]} : vector<512x128xi32> to vector<508x128xi32>
    %slice3A_743 = vector.extract_strided_slice %select_n3A_737 {offsets = [0, 0], sizes = [4, 128], strides = [1, 1]} : vector<512x128xi32> to vector<4x128xi32>
    %concatenate3A_744 = tpu.concatenate %slice3A_742, %slice3A_743 in 0 : vector<508x128xi32>, vector<4x128xi32> -> vector<512x128xi32>
    %slice3A_745 = vector.extract_strided_slice %select_n3A_741 {offsets = [4, 0], sizes = [508, 128], strides = [1, 1]} : vector<512x128xi32> to vector<508x128xi32>
    %slice3A_746 = vector.extract_strided_slice %select_n3A_741 {offsets = [0, 0], sizes = [4, 128], strides = [1, 1]} : vector<512x128xi32> to vector<4x128xi32>
    %concatenate3A_747 = tpu.concatenate %slice3A_745, %slice3A_746 in 0 : vector<508x128xi32>, vector<4x128xi32> -> vector<512x128xi32>
    %and3A_748 = arith.constant 512 : i32
    %and3A_749 = vector.broadcast %and3A_748 : i32 to vector<512x128xi32>
    %and3A_750 = arith.andi %concatenate3A_747, %and3A_749 : vector<512x128xi32>
    %ne3A_751 = arith.constant 0 : i32
    %ne3A_752 = vector.broadcast %ne3A_751 : i32 to vector<512x128xi32>
    %ne3A_753 = arith.cmpi ne, %and3A_750, %ne3A_752 : vector<512x128xi32>
    %lt3A_754 = arith.constant 65024 : i32
    %lt3A_755 = vector.broadcast %lt3A_754 : i32 to vector<512x128xi32>
    %lt3A_756 = arith.cmpi slt, %add3A_351, %lt3A_755 : vector<512x128xi32>
    %and3A_757 = arith.andi %ne3A_753, %lt3A_756 : vector<512x128xi1>
    %and3A_758 = arith.constant 512 : i32
    %and3A_759 = vector.broadcast %and3A_758 : i32 to vector<512x128xi32>
    %and3A_760 = arith.andi %select_n3A_741, %and3A_759 : vector<512x128xi32>
    %ne3A_761 = arith.constant 0 : i32
    %ne3A_762 = vector.broadcast %ne3A_761 : i32 to vector<512x128xi32>
    %ne3A_763 = arith.cmpi ne, %and3A_760, %ne3A_762 : vector<512x128xi32>
    %jit3A_764 = arith.constant 0 : i32
    %broadcast_in_dim3A_765 = vector.broadcast %jit3A_764 : i32 to vector<512x128xi32>
    %select_n3A_766 = arith.select %ne3A_763, %broadcast_in_dim3A_765, %select_n3A_737 : vector<512x128xi1>, vector<512x128xi32>
    %select_n3A_767 = arith.select %and3A_757, %concatenate3A_744, %select_n3A_766 : vector<512x128xi1>, vector<512x128xi32>
    %jit3A_768 = arith.constant 0 : i32
    %broadcast_in_dim3A_769 = vector.broadcast %jit3A_768 : i32 to vector<512x128xi32>
    %select_n3A_770 = arith.select %ne3A_763, %broadcast_in_dim3A_769, %select_n3A_741 : vector<512x128xi1>, vector<512x128xi32>
    %select_n3A_771 = arith.select %and3A_757, %concatenate3A_747, %select_n3A_770 : vector<512x128xi1>, vector<512x128xi32>
    %slice3A_772 = vector.extract_strided_slice %select_n3A_767 {offsets = [8, 0], sizes = [504, 128], strides = [1, 1]} : vector<512x128xi32> to vector<504x128xi32>
    %slice3A_773 = vector.extract_strided_slice %select_n3A_767 {offsets = [0, 0], sizes = [8, 128], strides = [1, 1]} : vector<512x128xi32> to vector<8x128xi32>
    %concatenate3A_774 = tpu.concatenate %slice3A_772, %slice3A_773 in 0 : vector<504x128xi32>, vector<8x128xi32> -> vector<512x128xi32>
    %slice3A_775 = vector.extract_strided_slice %select_n3A_771 {offsets = [8, 0], sizes = [504, 128], strides = [1, 1]} : vector<512x128xi32> to vector<504x128xi32>
    %slice3A_776 = vector.extract_strided_slice %select_n3A_771 {offsets = [0, 0], sizes = [8, 128], strides = [1, 1]} : vector<512x128xi32> to vector<8x128xi32>
    %concatenate3A_777 = tpu.concatenate %slice3A_775, %slice3A_776 in 0 : vector<504x128xi32>, vector<8x128xi32> -> vector<512x128xi32>
    %and3A_778 = arith.constant 1024 : i32
    %and3A_779 = vector.broadcast %and3A_778 : i32 to vector<512x128xi32>
    %and3A_780 = arith.andi %concatenate3A_777, %and3A_779 : vector<512x128xi32>
    %ne3A_781 = arith.constant 0 : i32
    %ne3A_782 = vector.broadcast %ne3A_781 : i32 to vector<512x128xi32>
    %ne3A_783 = arith.cmpi ne, %and3A_780, %ne3A_782 : vector<512x128xi32>
    %lt3A_784 = arith.constant 64512 : i32
    %lt3A_785 = vector.broadcast %lt3A_784 : i32 to vector<512x128xi32>
    %lt3A_786 = arith.cmpi slt, %add3A_351, %lt3A_785 : vector<512x128xi32>
    %and3A_787 = arith.andi %ne3A_783, %lt3A_786 : vector<512x128xi1>
    %and3A_788 = arith.constant 1024 : i32
    %and3A_789 = vector.broadcast %and3A_788 : i32 to vector<512x128xi32>
    %and3A_790 = arith.andi %select_n3A_771, %and3A_789 : vector<512x128xi32>
    %ne3A_791 = arith.constant 0 : i32
    %ne3A_792 = vector.broadcast %ne3A_791 : i32 to vector<512x128xi32>
    %ne3A_793 = arith.cmpi ne, %and3A_790, %ne3A_792 : vector<512x128xi32>
    %jit3A_794 = arith.constant 0 : i32
    %broadcast_in_dim3A_795 = vector.broadcast %jit3A_794 : i32 to vector<512x128xi32>
    %select_n3A_796 = arith.select %ne3A_793, %broadcast_in_dim3A_795, %select_n3A_767 : vector<512x128xi1>, vector<512x128xi32>
    %select_n3A_797 = arith.select %and3A_787, %concatenate3A_774, %select_n3A_796 : vector<512x128xi1>, vector<512x128xi32>
    %jit3A_798 = arith.constant 0 : i32
    %broadcast_in_dim3A_799 = vector.broadcast %jit3A_798 : i32 to vector<512x128xi32>
    %select_n3A_800 = arith.select %ne3A_793, %broadcast_in_dim3A_799, %select_n3A_771 : vector<512x128xi1>, vector<512x128xi32>
    %select_n3A_801 = arith.select %and3A_787, %concatenate3A_777, %select_n3A_800 : vector<512x128xi1>, vector<512x128xi32>
    %slice3A_802 = vector.extract_strided_slice %select_n3A_797 {offsets = [16, 0], sizes = [496, 128], strides = [1, 1]} : vector<512x128xi32> to vector<496x128xi32>
    %slice3A_803 = vector.extract_strided_slice %select_n3A_797 {offsets = [0, 0], sizes = [16, 128], strides = [1, 1]} : vector<512x128xi32> to vector<16x128xi32>
    %concatenate3A_804 = tpu.concatenate %slice3A_802, %slice3A_803 in 0 : vector<496x128xi32>, vector<16x128xi32> -> vector<512x128xi32>
    %slice3A_805 = vector.extract_strided_slice %select_n3A_801 {offsets = [16, 0], sizes = [496, 128], strides = [1, 1]} : vector<512x128xi32> to vector<496x128xi32>
    %slice3A_806 = vector.extract_strided_slice %select_n3A_801 {offsets = [0, 0], sizes = [16, 128], strides = [1, 1]} : vector<512x128xi32> to vector<16x128xi32>
    %concatenate3A_807 = tpu.concatenate %slice3A_805, %slice3A_806 in 0 : vector<496x128xi32>, vector<16x128xi32> -> vector<512x128xi32>
    %and3A_808 = arith.constant 2048 : i32
    %and3A_809 = vector.broadcast %and3A_808 : i32 to vector<512x128xi32>
    %and3A_810 = arith.andi %concatenate3A_807, %and3A_809 : vector<512x128xi32>
    %ne3A_811 = arith.constant 0 : i32
    %ne3A_812 = vector.broadcast %ne3A_811 : i32 to vector<512x128xi32>
    %ne3A_813 = arith.cmpi ne, %and3A_810, %ne3A_812 : vector<512x128xi32>
    %lt3A_814 = arith.constant 63488 : i32
    %lt3A_815 = vector.broadcast %lt3A_814 : i32 to vector<512x128xi32>
    %lt3A_816 = arith.cmpi slt, %add3A_351, %lt3A_815 : vector<512x128xi32>
    %and3A_817 = arith.andi %ne3A_813, %lt3A_816 : vector<512x128xi1>
    %and3A_818 = arith.constant 2048 : i32
    %and3A_819 = vector.broadcast %and3A_818 : i32 to vector<512x128xi32>
    %and3A_820 = arith.andi %select_n3A_801, %and3A_819 : vector<512x128xi32>
    %ne3A_821 = arith.constant 0 : i32
    %ne3A_822 = vector.broadcast %ne3A_821 : i32 to vector<512x128xi32>
    %ne3A_823 = arith.cmpi ne, %and3A_820, %ne3A_822 : vector<512x128xi32>
    %jit3A_824 = arith.constant 0 : i32
    %broadcast_in_dim3A_825 = vector.broadcast %jit3A_824 : i32 to vector<512x128xi32>
    %select_n3A_826 = arith.select %ne3A_823, %broadcast_in_dim3A_825, %select_n3A_797 : vector<512x128xi1>, vector<512x128xi32>
    %select_n3A_827 = arith.select %and3A_817, %concatenate3A_804, %select_n3A_826 : vector<512x128xi1>, vector<512x128xi32>
    %jit3A_828 = arith.constant 0 : i32
    %broadcast_in_dim3A_829 = vector.broadcast %jit3A_828 : i32 to vector<512x128xi32>
    %select_n3A_830 = arith.select %ne3A_823, %broadcast_in_dim3A_829, %select_n3A_801 : vector<512x128xi1>, vector<512x128xi32>
    %select_n3A_831 = arith.select %and3A_817, %concatenate3A_807, %select_n3A_830 : vector<512x128xi1>, vector<512x128xi32>
    %slice3A_832 = vector.extract_strided_slice %select_n3A_827 {offsets = [32, 0], sizes = [480, 128], strides = [1, 1]} : vector<512x128xi32> to vector<480x128xi32>
    %slice3A_833 = vector.extract_strided_slice %select_n3A_827 {offsets = [0, 0], sizes = [32, 128], strides = [1, 1]} : vector<512x128xi32> to vector<32x128xi32>
    %concatenate3A_834 = tpu.concatenate %slice3A_832, %slice3A_833 in 0 : vector<480x128xi32>, vector<32x128xi32> -> vector<512x128xi32>
    %slice3A_835 = vector.extract_strided_slice %select_n3A_831 {offsets = [32, 0], sizes = [480, 128], strides = [1, 1]} : vector<512x128xi32> to vector<480x128xi32>
    %slice3A_836 = vector.extract_strided_slice %select_n3A_831 {offsets = [0, 0], sizes = [32, 128], strides = [1, 1]} : vector<512x128xi32> to vector<32x128xi32>
    %concatenate3A_837 = tpu.concatenate %slice3A_835, %slice3A_836 in 0 : vector<480x128xi32>, vector<32x128xi32> -> vector<512x128xi32>
    %and3A_838 = arith.constant 4096 : i32
    %and3A_839 = vector.broadcast %and3A_838 : i32 to vector<512x128xi32>
    %and3A_840 = arith.andi %concatenate3A_837, %and3A_839 : vector<512x128xi32>
    %ne3A_841 = arith.constant 0 : i32
    %ne3A_842 = vector.broadcast %ne3A_841 : i32 to vector<512x128xi32>
    %ne3A_843 = arith.cmpi ne, %and3A_840, %ne3A_842 : vector<512x128xi32>
    %lt3A_844 = arith.constant 61440 : i32
    %lt3A_845 = vector.broadcast %lt3A_844 : i32 to vector<512x128xi32>
    %lt3A_846 = arith.cmpi slt, %add3A_351, %lt3A_845 : vector<512x128xi32>
    %and3A_847 = arith.andi %ne3A_843, %lt3A_846 : vector<512x128xi1>
    %and3A_848 = arith.constant 4096 : i32
    %and3A_849 = vector.broadcast %and3A_848 : i32 to vector<512x128xi32>
    %and3A_850 = arith.andi %select_n3A_831, %and3A_849 : vector<512x128xi32>
    %ne3A_851 = arith.constant 0 : i32
    %ne3A_852 = vector.broadcast %ne3A_851 : i32 to vector<512x128xi32>
    %ne3A_853 = arith.cmpi ne, %and3A_850, %ne3A_852 : vector<512x128xi32>
    %jit3A_854 = arith.constant 0 : i32
    %broadcast_in_dim3A_855 = vector.broadcast %jit3A_854 : i32 to vector<512x128xi32>
    %select_n3A_856 = arith.select %ne3A_853, %broadcast_in_dim3A_855, %select_n3A_827 : vector<512x128xi1>, vector<512x128xi32>
    %select_n3A_857 = arith.select %and3A_847, %concatenate3A_834, %select_n3A_856 : vector<512x128xi1>, vector<512x128xi32>
    %jit3A_858 = arith.constant 0 : i32
    %broadcast_in_dim3A_859 = vector.broadcast %jit3A_858 : i32 to vector<512x128xi32>
    %select_n3A_860 = arith.select %ne3A_853, %broadcast_in_dim3A_859, %select_n3A_831 : vector<512x128xi1>, vector<512x128xi32>
    %select_n3A_861 = arith.select %and3A_847, %concatenate3A_837, %select_n3A_860 : vector<512x128xi1>, vector<512x128xi32>
    %slice3A_862 = vector.extract_strided_slice %select_n3A_857 {offsets = [64, 0], sizes = [448, 128], strides = [1, 1]} : vector<512x128xi32> to vector<448x128xi32>
    %slice3A_863 = vector.extract_strided_slice %select_n3A_857 {offsets = [0, 0], sizes = [64, 128], strides = [1, 1]} : vector<512x128xi32> to vector<64x128xi32>
    %concatenate3A_864 = tpu.concatenate %slice3A_862, %slice3A_863 in 0 : vector<448x128xi32>, vector<64x128xi32> -> vector<512x128xi32>
    %slice3A_865 = vector.extract_strided_slice %select_n3A_861 {offsets = [64, 0], sizes = [448, 128], strides = [1, 1]} : vector<512x128xi32> to vector<448x128xi32>
    %slice3A_866 = vector.extract_strided_slice %select_n3A_861 {offsets = [0, 0], sizes = [64, 128], strides = [1, 1]} : vector<512x128xi32> to vector<64x128xi32>
    %concatenate3A_867 = tpu.concatenate %slice3A_865, %slice3A_866 in 0 : vector<448x128xi32>, vector<64x128xi32> -> vector<512x128xi32>
    %and3A_868 = arith.constant 8192 : i32
    %and3A_869 = vector.broadcast %and3A_868 : i32 to vector<512x128xi32>
    %and3A_870 = arith.andi %concatenate3A_867, %and3A_869 : vector<512x128xi32>
    %ne3A_871 = arith.constant 0 : i32
    %ne3A_872 = vector.broadcast %ne3A_871 : i32 to vector<512x128xi32>
    %ne3A_873 = arith.cmpi ne, %and3A_870, %ne3A_872 : vector<512x128xi32>
    %lt3A_874 = arith.constant 57344 : i32
    %lt3A_875 = vector.broadcast %lt3A_874 : i32 to vector<512x128xi32>
    %lt3A_876 = arith.cmpi slt, %add3A_351, %lt3A_875 : vector<512x128xi32>
    %and3A_877 = arith.andi %ne3A_873, %lt3A_876 : vector<512x128xi1>
    %and3A_878 = arith.constant 8192 : i32
    %and3A_879 = vector.broadcast %and3A_878 : i32 to vector<512x128xi32>
    %and3A_880 = arith.andi %select_n3A_861, %and3A_879 : vector<512x128xi32>
    %ne3A_881 = arith.constant 0 : i32
    %ne3A_882 = vector.broadcast %ne3A_881 : i32 to vector<512x128xi32>
    %ne3A_883 = arith.cmpi ne, %and3A_880, %ne3A_882 : vector<512x128xi32>
    %jit3A_884 = arith.constant 0 : i32
    %broadcast_in_dim3A_885 = vector.broadcast %jit3A_884 : i32 to vector<512x128xi32>
    %select_n3A_886 = arith.select %ne3A_883, %broadcast_in_dim3A_885, %select_n3A_857 : vector<512x128xi1>, vector<512x128xi32>
    %select_n3A_887 = arith.select %and3A_877, %concatenate3A_864, %select_n3A_886 : vector<512x128xi1>, vector<512x128xi32>
    %jit3A_888 = arith.constant 0 : i32
    %broadcast_in_dim3A_889 = vector.broadcast %jit3A_888 : i32 to vector<512x128xi32>
    %select_n3A_890 = arith.select %ne3A_883, %broadcast_in_dim3A_889, %select_n3A_861 : vector<512x128xi1>, vector<512x128xi32>
    %select_n3A_891 = arith.select %and3A_877, %concatenate3A_867, %select_n3A_890 : vector<512x128xi1>, vector<512x128xi32>
    %slice3A_892 = vector.extract_strided_slice %select_n3A_887 {offsets = [128, 0], sizes = [384, 128], strides = [1, 1]} : vector<512x128xi32> to vector<384x128xi32>
    %slice3A_893 = vector.extract_strided_slice %select_n3A_887 {offsets = [0, 0], sizes = [128, 128], strides = [1, 1]} : vector<512x128xi32> to vector<128x128xi32>
    %concatenate3A_894 = tpu.concatenate %slice3A_892, %slice3A_893 in 0 : vector<384x128xi32>, vector<128x128xi32> -> vector<512x128xi32>
    %slice3A_895 = vector.extract_strided_slice %select_n3A_891 {offsets = [128, 0], sizes = [384, 128], strides = [1, 1]} : vector<512x128xi32> to vector<384x128xi32>
    %slice3A_896 = vector.extract_strided_slice %select_n3A_891 {offsets = [0, 0], sizes = [128, 128], strides = [1, 1]} : vector<512x128xi32> to vector<128x128xi32>
    %concatenate3A_897 = tpu.concatenate %slice3A_895, %slice3A_896 in 0 : vector<384x128xi32>, vector<128x128xi32> -> vector<512x128xi32>
    %and3A_898 = arith.constant 16384 : i32
    %and3A_899 = vector.broadcast %and3A_898 : i32 to vector<512x128xi32>
    %and3A_900 = arith.andi %concatenate3A_897, %and3A_899 : vector<512x128xi32>
    %ne3A_901 = arith.constant 0 : i32
    %ne3A_902 = vector.broadcast %ne3A_901 : i32 to vector<512x128xi32>
    %ne3A_903 = arith.cmpi ne, %and3A_900, %ne3A_902 : vector<512x128xi32>
    %lt3A_904 = arith.constant 49152 : i32
    %lt3A_905 = vector.broadcast %lt3A_904 : i32 to vector<512x128xi32>
    %lt3A_906 = arith.cmpi slt, %add3A_351, %lt3A_905 : vector<512x128xi32>
    %and3A_907 = arith.andi %ne3A_903, %lt3A_906 : vector<512x128xi1>
    %and3A_908 = arith.constant 16384 : i32
    %and3A_909 = vector.broadcast %and3A_908 : i32 to vector<512x128xi32>
    %and3A_910 = arith.andi %select_n3A_891, %and3A_909 : vector<512x128xi32>
    %ne3A_911 = arith.constant 0 : i32
    %ne3A_912 = vector.broadcast %ne3A_911 : i32 to vector<512x128xi32>
    %ne3A_913 = arith.cmpi ne, %and3A_910, %ne3A_912 : vector<512x128xi32>
    %jit3A_914 = arith.constant 0 : i32
    %broadcast_in_dim3A_915 = vector.broadcast %jit3A_914 : i32 to vector<512x128xi32>
    %select_n3A_916 = arith.select %ne3A_913, %broadcast_in_dim3A_915, %select_n3A_887 : vector<512x128xi1>, vector<512x128xi32>
    %select_n3A_917 = arith.select %and3A_907, %concatenate3A_894, %select_n3A_916 : vector<512x128xi1>, vector<512x128xi32>
    %jit3A_918 = arith.constant 0 : i32
    %broadcast_in_dim3A_919 = vector.broadcast %jit3A_918 : i32 to vector<512x128xi32>
    %select_n3A_920 = arith.select %ne3A_913, %broadcast_in_dim3A_919, %select_n3A_891 : vector<512x128xi1>, vector<512x128xi32>
    %select_n3A_921 = arith.select %and3A_907, %concatenate3A_897, %select_n3A_920 : vector<512x128xi1>, vector<512x128xi32>
    %slice3A_922 = vector.extract_strided_slice %select_n3A_917 {offsets = [256, 0], sizes = [256, 128], strides = [1, 1]} : vector<512x128xi32> to vector<256x128xi32>
    %slice3A_923 = vector.extract_strided_slice %select_n3A_917 {offsets = [0, 0], sizes = [256, 128], strides = [1, 1]} : vector<512x128xi32> to vector<256x128xi32>
    %concatenate3A_924 = tpu.concatenate %slice3A_922, %slice3A_923 in 0 : vector<256x128xi32>, vector<256x128xi32> -> vector<512x128xi32>
    %slice3A_925 = vector.extract_strided_slice %select_n3A_921 {offsets = [256, 0], sizes = [256, 128], strides = [1, 1]} : vector<512x128xi32> to vector<256x128xi32>
    %slice3A_926 = vector.extract_strided_slice %select_n3A_921 {offsets = [0, 0], sizes = [256, 128], strides = [1, 1]} : vector<512x128xi32> to vector<256x128xi32>
    %concatenate3A_927 = tpu.concatenate %slice3A_925, %slice3A_926 in 0 : vector<256x128xi32>, vector<256x128xi32> -> vector<512x128xi32>
    %and3A_928 = arith.constant 32768 : i32
    %and3A_929 = vector.broadcast %and3A_928 : i32 to vector<512x128xi32>
    %and3A_930 = arith.andi %concatenate3A_927, %and3A_929 : vector<512x128xi32>
    %ne3A_931 = arith.constant 0 : i32
    %ne3A_932 = vector.broadcast %ne3A_931 : i32 to vector<512x128xi32>
    %ne3A_933 = arith.cmpi ne, %and3A_930, %ne3A_932 : vector<512x128xi32>
    %lt3A_934 = arith.constant 32768 : i32
    %lt3A_935 = vector.broadcast %lt3A_934 : i32 to vector<512x128xi32>
    %lt3A_936 = arith.cmpi slt, %add3A_351, %lt3A_935 : vector<512x128xi32>
    %and3A_937 = arith.andi %ne3A_933, %lt3A_936 : vector<512x128xi1>
    %and3A_938 = arith.constant 32768 : i32
    %and3A_939 = vector.broadcast %and3A_938 : i32 to vector<512x128xi32>
    %and3A_940 = arith.andi %select_n3A_921, %and3A_939 : vector<512x128xi32>
    %ne3A_941 = arith.constant 0 : i32
    %ne3A_942 = vector.broadcast %ne3A_941 : i32 to vector<512x128xi32>
    %ne3A_943 = arith.cmpi ne, %and3A_940, %ne3A_942 : vector<512x128xi32>
    %jit3A_944 = arith.constant 0 : i32
    %broadcast_in_dim3A_945 = vector.broadcast %jit3A_944 : i32 to vector<512x128xi32>
    %select_n3A_946 = arith.select %ne3A_943, %broadcast_in_dim3A_945, %select_n3A_917 : vector<512x128xi1>, vector<512x128xi32>
    %select_n3A_947 = arith.select %and3A_937, %concatenate3A_924, %select_n3A_946 : vector<512x128xi1>, vector<512x128xi32>
    %jit3A_948 = arith.constant 0 : i32
    %broadcast_in_dim3A_949 = vector.broadcast %jit3A_948 : i32 to vector<512x128xi32>
    %select_n3A_950 = arith.select %ne3A_943, %broadcast_in_dim3A_949, %select_n3A_921 : vector<512x128xi1>, vector<512x128xi32>
    %select_n3A_951 = arith.select %and3A_937, %concatenate3A_927, %select_n3A_950 : vector<512x128xi1>, vector<512x128xi32>
    %slice3A_952 = vector.extract_strided_slice %select_n3A_947 {offsets = [0, 0], sizes = [32, 128], strides = [1, 1]} : vector<512x128xi32> to vector<32x128xi32>
    %iota3A_953 = tpu.iota {dimensions = array<i32: 0>} : vector<32x128xi32>
    %mul3A_954 = arith.constant 128 : i32
    %mul3A_955 = vector.broadcast %mul3A_954 : i32 to vector<32x128xi32>
    %mul3A_956 = arith.muli %iota3A_953, %mul3A_955 : vector<32x128xi32>
    %iota3A_957 = tpu.iota {dimensions = array<i32: 1>} : vector<32x128xi32>
    %add3A_958 = arith.addi %mul3A_956, %iota3A_957 : vector<32x128xi32>
    %slice3A_959 = vector.extract_strided_slice %select_n3A_951 {offsets = [0, 0], sizes = [32, 128], strides = [1, 1]} : vector<512x128xi32> to vector<32x128xi32>
    %add3A_960 = arith.addi %add3A_958, %slice3A_959 : vector<32x128xi32>
    %and3A_961 = arith.constant 1 : i32
    %and3A_962 = vector.broadcast %and3A_961 : i32 to vector<32x128xi32>
    %and3A_963 = arith.andi %add3A_958, %and3A_962 : vector<32x128xi32>
    %eq3A_964 = arith.constant 0 : i32
    %eq3A_965 = vector.broadcast %eq3A_964 : i32 to vector<32x128xi32>
    %eq3A_966 = arith.cmpi eq, %and3A_963, %eq3A_965 : vector<32x128xi32>
    %and3A_967 = arith.constant 2 : i32
    %and3A_968 = vector.broadcast %and3A_967 : i32 to vector<32x128xi32>
    %and3A_969 = arith.andi %add3A_958, %and3A_968 : vector<32x128xi32>
    %eq3A_970 = arith.constant 0 : i32
    %eq3A_971 = vector.broadcast %eq3A_970 : i32 to vector<32x128xi32>
    %eq3A_972 = arith.cmpi eq, %and3A_969, %eq3A_971 : vector<32x128xi32>
    %slice3A_973 = vector.extract_strided_slice %slice3A_952 {offsets = [0, 1], sizes = [32, 127], strides = [1, 1]} : vector<32x128xi32> to vector<32x127xi32>
    %slice3A_974 = vector.extract_strided_slice %slice3A_952 {offsets = [0, 0], sizes = [32, 1], strides = [1, 1]} : vector<32x128xi32> to vector<32x1xi32>
    %concatenate3A_975 = tpu.concatenate %slice3A_973, %slice3A_974 in 1 : vector<32x127xi32>, vector<32x1xi32> -> vector<32x128xi32>
    %slice3A_976 = vector.extract_strided_slice %slice3A_952 {offsets = [0, 127], sizes = [32, 1], strides = [1, 1]} : vector<32x128xi32> to vector<32x1xi32>
    %slice3A_977 = vector.extract_strided_slice %slice3A_952 {offsets = [0, 0], sizes = [32, 127], strides = [1, 1]} : vector<32x128xi32> to vector<32x127xi32>
    %concatenate3A_978 = tpu.concatenate %slice3A_976, %slice3A_977 in 1 : vector<32x1xi32>, vector<32x127xi32> -> vector<32x128xi32>
    %slice3A_979 = vector.extract_strided_slice %add3A_960 {offsets = [0, 1], sizes = [32, 127], strides = [1, 1]} : vector<32x128xi32> to vector<32x127xi32>
    %slice3A_980 = vector.extract_strided_slice %add3A_960 {offsets = [0, 0], sizes = [32, 1], strides = [1, 1]} : vector<32x128xi32> to vector<32x1xi32>
    %concatenate3A_981 = tpu.concatenate %slice3A_979, %slice3A_980 in 1 : vector<32x127xi32>, vector<32x1xi32> -> vector<32x128xi32>
    %slice3A_982 = vector.extract_strided_slice %add3A_960 {offsets = [0, 127], sizes = [32, 1], strides = [1, 1]} : vector<32x128xi32> to vector<32x1xi32>
    %slice3A_983 = vector.extract_strided_slice %add3A_960 {offsets = [0, 0], sizes = [32, 127], strides = [1, 1]} : vector<32x128xi32> to vector<32x127xi32>
    %concatenate3A_984 = tpu.concatenate %slice3A_982, %slice3A_983 in 1 : vector<32x1xi32>, vector<32x127xi32> -> vector<32x128xi32>
    %select_n3A_985 = arith.select %eq3A_966, %concatenate3A_975, %concatenate3A_978 : vector<32x128xi1>, vector<32x128xi32>
    %select_n3A_986 = arith.select %eq3A_966, %concatenate3A_981, %concatenate3A_984 : vector<32x128xi1>, vector<32x128xi32>
    %gt3A_987 = arith.cmpi sgt, %slice3A_952, %select_n3A_985 : vector<32x128xi32>
    %eq3A_988 = arith.cmpi eq, %slice3A_952, %select_n3A_985 : vector<32x128xi32>
    %lt3A_989 = arith.cmpi slt, %add3A_960, %select_n3A_986 : vector<32x128xi32>
    %and3A_990 = arith.andi %eq3A_988, %lt3A_989 : vector<32x128xi1>
    %or3A_991 = arith.ori %gt3A_987, %and3A_990 : vector<32x128xi1>
    %eq3A_992 = arith.xori %eq3A_966, %eq3A_972 : vector<32x128xi1>
    %eq3A_993 = arith.constant dense<true> : vector<32x128xi1>
    %eq3A_994 = arith.xori %eq3A_992, %eq3A_993 : vector<32x128xi1>
    %eq3A_995 = arith.xori %or3A_991, %eq3A_994 : vector<32x128xi1>
    %eq3A_996 = arith.constant dense<true> : vector<32x128xi1>
    %eq3A_997 = arith.xori %eq3A_995, %eq3A_996 : vector<32x128xi1>
    %select_n3A_998 = arith.select %eq3A_997, %slice3A_952, %select_n3A_985 : vector<32x128xi1>, vector<32x128xi32>
    %select_n3A_999 = arith.select %eq3A_997, %add3A_960, %select_n3A_986 : vector<32x128xi1>, vector<32x128xi32>
    %and3A_1000 = arith.constant 2 : i32
    %and3A_1001 = vector.broadcast %and3A_1000 : i32 to vector<32x128xi32>
    %and3A_1002 = arith.andi %add3A_958, %and3A_1001 : vector<32x128xi32>
    %eq3A_1003 = arith.constant 0 : i32
    %eq3A_1004 = vector.broadcast %eq3A_1003 : i32 to vector<32x128xi32>
    %eq3A_1005 = arith.cmpi eq, %and3A_1002, %eq3A_1004 : vector<32x128xi32>
    %and3A_1006 = arith.constant 4 : i32
    %and3A_1007 = vector.broadcast %and3A_1006 : i32 to vector<32x128xi32>
    %and3A_1008 = arith.andi %add3A_958, %and3A_1007 : vector<32x128xi32>
    %eq3A_1009 = arith.constant 0 : i32
    %eq3A_1010 = vector.broadcast %eq3A_1009 : i32 to vector<32x128xi32>
    %eq3A_1011 = arith.cmpi eq, %and3A_1008, %eq3A_1010 : vector<32x128xi32>
    %slice3A_1012 = vector.extract_strided_slice %select_n3A_998 {offsets = [0, 2], sizes = [32, 126], strides = [1, 1]} : vector<32x128xi32> to vector<32x126xi32>
    %slice3A_1013 = vector.extract_strided_slice %select_n3A_998 {offsets = [0, 0], sizes = [32, 2], strides = [1, 1]} : vector<32x128xi32> to vector<32x2xi32>
    %concatenate3A_1014 = tpu.concatenate %slice3A_1012, %slice3A_1013 in 1 : vector<32x126xi32>, vector<32x2xi32> -> vector<32x128xi32>
    %slice3A_1015 = vector.extract_strided_slice %select_n3A_998 {offsets = [0, 126], sizes = [32, 2], strides = [1, 1]} : vector<32x128xi32> to vector<32x2xi32>
    %slice3A_1016 = vector.extract_strided_slice %select_n3A_998 {offsets = [0, 0], sizes = [32, 126], strides = [1, 1]} : vector<32x128xi32> to vector<32x126xi32>
    %concatenate3A_1017 = tpu.concatenate %slice3A_1015, %slice3A_1016 in 1 : vector<32x2xi32>, vector<32x126xi32> -> vector<32x128xi32>
    %slice3A_1018 = vector.extract_strided_slice %select_n3A_999 {offsets = [0, 2], sizes = [32, 126], strides = [1, 1]} : vector<32x128xi32> to vector<32x126xi32>
    %slice3A_1019 = vector.extract_strided_slice %select_n3A_999 {offsets = [0, 0], sizes = [32, 2], strides = [1, 1]} : vector<32x128xi32> to vector<32x2xi32>
    %concatenate3A_1020 = tpu.concatenate %slice3A_1018, %slice3A_1019 in 1 : vector<32x126xi32>, vector<32x2xi32> -> vector<32x128xi32>
    %slice3A_1021 = vector.extract_strided_slice %select_n3A_999 {offsets = [0, 126], sizes = [32, 2], strides = [1, 1]} : vector<32x128xi32> to vector<32x2xi32>
    %slice3A_1022 = vector.extract_strided_slice %select_n3A_999 {offsets = [0, 0], sizes = [32, 126], strides = [1, 1]} : vector<32x128xi32> to vector<32x126xi32>
    %concatenate3A_1023 = tpu.concatenate %slice3A_1021, %slice3A_1022 in 1 : vector<32x2xi32>, vector<32x126xi32> -> vector<32x128xi32>
    %select_n3A_1024 = arith.select %eq3A_1005, %concatenate3A_1014, %concatenate3A_1017 : vector<32x128xi1>, vector<32x128xi32>
    %select_n3A_1025 = arith.select %eq3A_1005, %concatenate3A_1020, %concatenate3A_1023 : vector<32x128xi1>, vector<32x128xi32>
    %gt3A_1026 = arith.cmpi sgt, %select_n3A_998, %select_n3A_1024 : vector<32x128xi32>
    %eq3A_1027 = arith.cmpi eq, %select_n3A_998, %select_n3A_1024 : vector<32x128xi32>
    %lt3A_1028 = arith.cmpi slt, %select_n3A_999, %select_n3A_1025 : vector<32x128xi32>
    %and3A_1029 = arith.andi %eq3A_1027, %lt3A_1028 : vector<32x128xi1>
    %or3A_1030 = arith.ori %gt3A_1026, %and3A_1029 : vector<32x128xi1>
    %eq3A_1031 = arith.xori %eq3A_1005, %eq3A_1011 : vector<32x128xi1>
    %eq3A_1032 = arith.constant dense<true> : vector<32x128xi1>
    %eq3A_1033 = arith.xori %eq3A_1031, %eq3A_1032 : vector<32x128xi1>
    %eq3A_1034 = arith.xori %or3A_1030, %eq3A_1033 : vector<32x128xi1>
    %eq3A_1035 = arith.constant dense<true> : vector<32x128xi1>
    %eq3A_1036 = arith.xori %eq3A_1034, %eq3A_1035 : vector<32x128xi1>
    %select_n3A_1037 = arith.select %eq3A_1036, %select_n3A_998, %select_n3A_1024 : vector<32x128xi1>, vector<32x128xi32>
    %select_n3A_1038 = arith.select %eq3A_1036, %select_n3A_999, %select_n3A_1025 : vector<32x128xi1>, vector<32x128xi32>
    %and3A_1039 = arith.constant 1 : i32
    %and3A_1040 = vector.broadcast %and3A_1039 : i32 to vector<32x128xi32>
    %and3A_1041 = arith.andi %add3A_958, %and3A_1040 : vector<32x128xi32>
    %eq3A_1042 = arith.constant 0 : i32
    %eq3A_1043 = vector.broadcast %eq3A_1042 : i32 to vector<32x128xi32>
    %eq3A_1044 = arith.cmpi eq, %and3A_1041, %eq3A_1043 : vector<32x128xi32>
    %and3A_1045 = arith.constant 4 : i32
    %and3A_1046 = vector.broadcast %and3A_1045 : i32 to vector<32x128xi32>
    %and3A_1047 = arith.andi %add3A_958, %and3A_1046 : vector<32x128xi32>
    %eq3A_1048 = arith.constant 0 : i32
    %eq3A_1049 = vector.broadcast %eq3A_1048 : i32 to vector<32x128xi32>
    %eq3A_1050 = arith.cmpi eq, %and3A_1047, %eq3A_1049 : vector<32x128xi32>
    %slice3A_1051 = vector.extract_strided_slice %select_n3A_1037 {offsets = [0, 1], sizes = [32, 127], strides = [1, 1]} : vector<32x128xi32> to vector<32x127xi32>
    %slice3A_1052 = vector.extract_strided_slice %select_n3A_1037 {offsets = [0, 0], sizes = [32, 1], strides = [1, 1]} : vector<32x128xi32> to vector<32x1xi32>
    %concatenate3A_1053 = tpu.concatenate %slice3A_1051, %slice3A_1052 in 1 : vector<32x127xi32>, vector<32x1xi32> -> vector<32x128xi32>
    %slice3A_1054 = vector.extract_strided_slice %select_n3A_1037 {offsets = [0, 127], sizes = [32, 1], strides = [1, 1]} : vector<32x128xi32> to vector<32x1xi32>
    %slice3A_1055 = vector.extract_strided_slice %select_n3A_1037 {offsets = [0, 0], sizes = [32, 127], strides = [1, 1]} : vector<32x128xi32> to vector<32x127xi32>
    %concatenate3A_1056 = tpu.concatenate %slice3A_1054, %slice3A_1055 in 1 : vector<32x1xi32>, vector<32x127xi32> -> vector<32x128xi32>
    %slice3A_1057 = vector.extract_strided_slice %select_n3A_1038 {offsets = [0, 1], sizes = [32, 127], strides = [1, 1]} : vector<32x128xi32> to vector<32x127xi32>
    %slice3A_1058 = vector.extract_strided_slice %select_n3A_1038 {offsets = [0, 0], sizes = [32, 1], strides = [1, 1]} : vector<32x128xi32> to vector<32x1xi32>
    %concatenate3A_1059 = tpu.concatenate %slice3A_1057, %slice3A_1058 in 1 : vector<32x127xi32>, vector<32x1xi32> -> vector<32x128xi32>
    %slice3A_1060 = vector.extract_strided_slice %select_n3A_1038 {offsets = [0, 127], sizes = [32, 1], strides = [1, 1]} : vector<32x128xi32> to vector<32x1xi32>
    %slice3A_1061 = vector.extract_strided_slice %select_n3A_1038 {offsets = [0, 0], sizes = [32, 127], strides = [1, 1]} : vector<32x128xi32> to vector<32x127xi32>
    %concatenate3A_1062 = tpu.concatenate %slice3A_1060, %slice3A_1061 in 1 : vector<32x1xi32>, vector<32x127xi32> -> vector<32x128xi32>
    %select_n3A_1063 = arith.select %eq3A_1044, %concatenate3A_1053, %concatenate3A_1056 : vector<32x128xi1>, vector<32x128xi32>
    %select_n3A_1064 = arith.select %eq3A_1044, %concatenate3A_1059, %concatenate3A_1062 : vector<32x128xi1>, vector<32x128xi32>
    %gt3A_1065 = arith.cmpi sgt, %select_n3A_1037, %select_n3A_1063 : vector<32x128xi32>
    %eq3A_1066 = arith.cmpi eq, %select_n3A_1037, %select_n3A_1063 : vector<32x128xi32>
    %lt3A_1067 = arith.cmpi slt, %select_n3A_1038, %select_n3A_1064 : vector<32x128xi32>
    %and3A_1068 = arith.andi %eq3A_1066, %lt3A_1067 : vector<32x128xi1>
    %or3A_1069 = arith.ori %gt3A_1065, %and3A_1068 : vector<32x128xi1>
    %eq3A_1070 = arith.xori %eq3A_1044, %eq3A_1050 : vector<32x128xi1>
    %eq3A_1071 = arith.constant dense<true> : vector<32x128xi1>
    %eq3A_1072 = arith.xori %eq3A_1070, %eq3A_1071 : vector<32x128xi1>
    %eq3A_1073 = arith.xori %or3A_1069, %eq3A_1072 : vector<32x128xi1>
    %eq3A_1074 = arith.constant dense<true> : vector<32x128xi1>
    %eq3A_1075 = arith.xori %eq3A_1073, %eq3A_1074 : vector<32x128xi1>
    %select_n3A_1076 = arith.select %eq3A_1075, %select_n3A_1037, %select_n3A_1063 : vector<32x128xi1>, vector<32x128xi32>
    %select_n3A_1077 = arith.select %eq3A_1075, %select_n3A_1038, %select_n3A_1064 : vector<32x128xi1>, vector<32x128xi32>
    %and3A_1078 = arith.constant 4 : i32
    %and3A_1079 = vector.broadcast %and3A_1078 : i32 to vector<32x128xi32>
    %and3A_1080 = arith.andi %add3A_958, %and3A_1079 : vector<32x128xi32>
    %eq3A_1081 = arith.constant 0 : i32
    %eq3A_1082 = vector.broadcast %eq3A_1081 : i32 to vector<32x128xi32>
    %eq3A_1083 = arith.cmpi eq, %and3A_1080, %eq3A_1082 : vector<32x128xi32>
    %and3A_1084 = arith.constant 8 : i32
    %and3A_1085 = vector.broadcast %and3A_1084 : i32 to vector<32x128xi32>
    %and3A_1086 = arith.andi %add3A_958, %and3A_1085 : vector<32x128xi32>
    %eq3A_1087 = arith.constant 0 : i32
    %eq3A_1088 = vector.broadcast %eq3A_1087 : i32 to vector<32x128xi32>
    %eq3A_1089 = arith.cmpi eq, %and3A_1086, %eq3A_1088 : vector<32x128xi32>
    %slice3A_1090 = vector.extract_strided_slice %select_n3A_1076 {offsets = [0, 4], sizes = [32, 124], strides = [1, 1]} : vector<32x128xi32> to vector<32x124xi32>
    %slice3A_1091 = vector.extract_strided_slice %select_n3A_1076 {offsets = [0, 0], sizes = [32, 4], strides = [1, 1]} : vector<32x128xi32> to vector<32x4xi32>
    %concatenate3A_1092 = tpu.concatenate %slice3A_1090, %slice3A_1091 in 1 : vector<32x124xi32>, vector<32x4xi32> -> vector<32x128xi32>
    %slice3A_1093 = vector.extract_strided_slice %select_n3A_1076 {offsets = [0, 124], sizes = [32, 4], strides = [1, 1]} : vector<32x128xi32> to vector<32x4xi32>
    %slice3A_1094 = vector.extract_strided_slice %select_n3A_1076 {offsets = [0, 0], sizes = [32, 124], strides = [1, 1]} : vector<32x128xi32> to vector<32x124xi32>
    %concatenate3A_1095 = tpu.concatenate %slice3A_1093, %slice3A_1094 in 1 : vector<32x4xi32>, vector<32x124xi32> -> vector<32x128xi32>
    %slice3A_1096 = vector.extract_strided_slice %select_n3A_1077 {offsets = [0, 4], sizes = [32, 124], strides = [1, 1]} : vector<32x128xi32> to vector<32x124xi32>
    %slice3A_1097 = vector.extract_strided_slice %select_n3A_1077 {offsets = [0, 0], sizes = [32, 4], strides = [1, 1]} : vector<32x128xi32> to vector<32x4xi32>
    %concatenate3A_1098 = tpu.concatenate %slice3A_1096, %slice3A_1097 in 1 : vector<32x124xi32>, vector<32x4xi32> -> vector<32x128xi32>
    %slice3A_1099 = vector.extract_strided_slice %select_n3A_1077 {offsets = [0, 124], sizes = [32, 4], strides = [1, 1]} : vector<32x128xi32> to vector<32x4xi32>
    %slice3A_1100 = vector.extract_strided_slice %select_n3A_1077 {offsets = [0, 0], sizes = [32, 124], strides = [1, 1]} : vector<32x128xi32> to vector<32x124xi32>
    %concatenate3A_1101 = tpu.concatenate %slice3A_1099, %slice3A_1100 in 1 : vector<32x4xi32>, vector<32x124xi32> -> vector<32x128xi32>
    %select_n3A_1102 = arith.select %eq3A_1083, %concatenate3A_1092, %concatenate3A_1095 : vector<32x128xi1>, vector<32x128xi32>
    %select_n3A_1103 = arith.select %eq3A_1083, %concatenate3A_1098, %concatenate3A_1101 : vector<32x128xi1>, vector<32x128xi32>
    %gt3A_1104 = arith.cmpi sgt, %select_n3A_1076, %select_n3A_1102 : vector<32x128xi32>
    %eq3A_1105 = arith.cmpi eq, %select_n3A_1076, %select_n3A_1102 : vector<32x128xi32>
    %lt3A_1106 = arith.cmpi slt, %select_n3A_1077, %select_n3A_1103 : vector<32x128xi32>
    %and3A_1107 = arith.andi %eq3A_1105, %lt3A_1106 : vector<32x128xi1>
    %or3A_1108 = arith.ori %gt3A_1104, %and3A_1107 : vector<32x128xi1>
    %eq3A_1109 = arith.xori %eq3A_1083, %eq3A_1089 : vector<32x128xi1>
    %eq3A_1110 = arith.constant dense<true> : vector<32x128xi1>
    %eq3A_1111 = arith.xori %eq3A_1109, %eq3A_1110 : vector<32x128xi1>
    %eq3A_1112 = arith.xori %or3A_1108, %eq3A_1111 : vector<32x128xi1>
    %eq3A_1113 = arith.constant dense<true> : vector<32x128xi1>
    %eq3A_1114 = arith.xori %eq3A_1112, %eq3A_1113 : vector<32x128xi1>
    %select_n3A_1115 = arith.select %eq3A_1114, %select_n3A_1076, %select_n3A_1102 : vector<32x128xi1>, vector<32x128xi32>
    %select_n3A_1116 = arith.select %eq3A_1114, %select_n3A_1077, %select_n3A_1103 : vector<32x128xi1>, vector<32x128xi32>
    %and3A_1117 = arith.constant 2 : i32
    %and3A_1118 = vector.broadcast %and3A_1117 : i32 to vector<32x128xi32>
    %and3A_1119 = arith.andi %add3A_958, %and3A_1118 : vector<32x128xi32>
    %eq3A_1120 = arith.constant 0 : i32
    %eq3A_1121 = vector.broadcast %eq3A_1120 : i32 to vector<32x128xi32>
    %eq3A_1122 = arith.cmpi eq, %and3A_1119, %eq3A_1121 : vector<32x128xi32>
    %and3A_1123 = arith.constant 8 : i32
    %and3A_1124 = vector.broadcast %and3A_1123 : i32 to vector<32x128xi32>
    %and3A_1125 = arith.andi %add3A_958, %and3A_1124 : vector<32x128xi32>
    %eq3A_1126 = arith.constant 0 : i32
    %eq3A_1127 = vector.broadcast %eq3A_1126 : i32 to vector<32x128xi32>
    %eq3A_1128 = arith.cmpi eq, %and3A_1125, %eq3A_1127 : vector<32x128xi32>
    %slice3A_1129 = vector.extract_strided_slice %select_n3A_1115 {offsets = [0, 2], sizes = [32, 126], strides = [1, 1]} : vector<32x128xi32> to vector<32x126xi32>
    %slice3A_1130 = vector.extract_strided_slice %select_n3A_1115 {offsets = [0, 0], sizes = [32, 2], strides = [1, 1]} : vector<32x128xi32> to vector<32x2xi32>
    %concatenate3A_1131 = tpu.concatenate %slice3A_1129, %slice3A_1130 in 1 : vector<32x126xi32>, vector<32x2xi32> -> vector<32x128xi32>
    %slice3A_1132 = vector.extract_strided_slice %select_n3A_1115 {offsets = [0, 126], sizes = [32, 2], strides = [1, 1]} : vector<32x128xi32> to vector<32x2xi32>
    %slice3A_1133 = vector.extract_strided_slice %select_n3A_1115 {offsets = [0, 0], sizes = [32, 126], strides = [1, 1]} : vector<32x128xi32> to vector<32x126xi32>
    %concatenate3A_1134 = tpu.concatenate %slice3A_1132, %slice3A_1133 in 1 : vector<32x2xi32>, vector<32x126xi32> -> vector<32x128xi32>
    %slice3A_1135 = vector.extract_strided_slice %select_n3A_1116 {offsets = [0, 2], sizes = [32, 126], strides = [1, 1]} : vector<32x128xi32> to vector<32x126xi32>
    %slice3A_1136 = vector.extract_strided_slice %select_n3A_1116 {offsets = [0, 0], sizes = [32, 2], strides = [1, 1]} : vector<32x128xi32> to vector<32x2xi32>
    %concatenate3A_1137 = tpu.concatenate %slice3A_1135, %slice3A_1136 in 1 : vector<32x126xi32>, vector<32x2xi32> -> vector<32x128xi32>
    %slice3A_1138 = vector.extract_strided_slice %select_n3A_1116 {offsets = [0, 126], sizes = [32, 2], strides = [1, 1]} : vector<32x128xi32> to vector<32x2xi32>
    %slice3A_1139 = vector.extract_strided_slice %select_n3A_1116 {offsets = [0, 0], sizes = [32, 126], strides = [1, 1]} : vector<32x128xi32> to vector<32x126xi32>
    %concatenate3A_1140 = tpu.concatenate %slice3A_1138, %slice3A_1139 in 1 : vector<32x2xi32>, vector<32x126xi32> -> vector<32x128xi32>
    %select_n3A_1141 = arith.select %eq3A_1122, %concatenate3A_1131, %concatenate3A_1134 : vector<32x128xi1>, vector<32x128xi32>
    %select_n3A_1142 = arith.select %eq3A_1122, %concatenate3A_1137, %concatenate3A_1140 : vector<32x128xi1>, vector<32x128xi32>
    %gt3A_1143 = arith.cmpi sgt, %select_n3A_1115, %select_n3A_1141 : vector<32x128xi32>
    %eq3A_1144 = arith.cmpi eq, %select_n3A_1115, %select_n3A_1141 : vector<32x128xi32>
    %lt3A_1145 = arith.cmpi slt, %select_n3A_1116, %select_n3A_1142 : vector<32x128xi32>
    %and3A_1146 = arith.andi %eq3A_1144, %lt3A_1145 : vector<32x128xi1>
    %or3A_1147 = arith.ori %gt3A_1143, %and3A_1146 : vector<32x128xi1>
    %eq3A_1148 = arith.xori %eq3A_1122, %eq3A_1128 : vector<32x128xi1>
    %eq3A_1149 = arith.constant dense<true> : vector<32x128xi1>
    %eq3A_1150 = arith.xori %eq3A_1148, %eq3A_1149 : vector<32x128xi1>
    %eq3A_1151 = arith.xori %or3A_1147, %eq3A_1150 : vector<32x128xi1>
    %eq3A_1152 = arith.constant dense<true> : vector<32x128xi1>
    %eq3A_1153 = arith.xori %eq3A_1151, %eq3A_1152 : vector<32x128xi1>
    %select_n3A_1154 = arith.select %eq3A_1153, %select_n3A_1115, %select_n3A_1141 : vector<32x128xi1>, vector<32x128xi32>
    %select_n3A_1155 = arith.select %eq3A_1153, %select_n3A_1116, %select_n3A_1142 : vector<32x128xi1>, vector<32x128xi32>
    %and3A_1156 = arith.constant 1 : i32
    %and3A_1157 = vector.broadcast %and3A_1156 : i32 to vector<32x128xi32>
    %and3A_1158 = arith.andi %add3A_958, %and3A_1157 : vector<32x128xi32>
    %eq3A_1159 = arith.constant 0 : i32
    %eq3A_1160 = vector.broadcast %eq3A_1159 : i32 to vector<32x128xi32>
    %eq3A_1161 = arith.cmpi eq, %and3A_1158, %eq3A_1160 : vector<32x128xi32>
    %and3A_1162 = arith.constant 8 : i32
    %and3A_1163 = vector.broadcast %and3A_1162 : i32 to vector<32x128xi32>
    %and3A_1164 = arith.andi %add3A_958, %and3A_1163 : vector<32x128xi32>
    %eq3A_1165 = arith.constant 0 : i32
    %eq3A_1166 = vector.broadcast %eq3A_1165 : i32 to vector<32x128xi32>
    %eq3A_1167 = arith.cmpi eq, %and3A_1164, %eq3A_1166 : vector<32x128xi32>
    %slice3A_1168 = vector.extract_strided_slice %select_n3A_1154 {offsets = [0, 1], sizes = [32, 127], strides = [1, 1]} : vector<32x128xi32> to vector<32x127xi32>
    %slice3A_1169 = vector.extract_strided_slice %select_n3A_1154 {offsets = [0, 0], sizes = [32, 1], strides = [1, 1]} : vector<32x128xi32> to vector<32x1xi32>
    %concatenate3A_1170 = tpu.concatenate %slice3A_1168, %slice3A_1169 in 1 : vector<32x127xi32>, vector<32x1xi32> -> vector<32x128xi32>
    %slice3A_1171 = vector.extract_strided_slice %select_n3A_1154 {offsets = [0, 127], sizes = [32, 1], strides = [1, 1]} : vector<32x128xi32> to vector<32x1xi32>
    %slice3A_1172 = vector.extract_strided_slice %select_n3A_1154 {offsets = [0, 0], sizes = [32, 127], strides = [1, 1]} : vector<32x128xi32> to vector<32x127xi32>
    %concatenate3A_1173 = tpu.concatenate %slice3A_1171, %slice3A_1172 in 1 : vector<32x1xi32>, vector<32x127xi32> -> vector<32x128xi32>
    %slice3A_1174 = vector.extract_strided_slice %select_n3A_1155 {offsets = [0, 1], sizes = [32, 127], strides = [1, 1]} : vector<32x128xi32> to vector<32x127xi32>
    %slice3A_1175 = vector.extract_strided_slice %select_n3A_1155 {offsets = [0, 0], sizes = [32, 1], strides = [1, 1]} : vector<32x128xi32> to vector<32x1xi32>
    %concatenate3A_1176 = tpu.concatenate %slice3A_1174, %slice3A_1175 in 1 : vector<32x127xi32>, vector<32x1xi32> -> vector<32x128xi32>
    %slice3A_1177 = vector.extract_strided_slice %select_n3A_1155 {offsets = [0, 127], sizes = [32, 1], strides = [1, 1]} : vector<32x128xi32> to vector<32x1xi32>
    %slice3A_1178 = vector.extract_strided_slice %select_n3A_1155 {offsets = [0, 0], sizes = [32, 127], strides = [1, 1]} : vector<32x128xi32> to vector<32x127xi32>
    %concatenate3A_1179 = tpu.concatenate %slice3A_1177, %slice3A_1178 in 1 : vector<32x1xi32>, vector<32x127xi32> -> vector<32x128xi32>
    %select_n3A_1180 = arith.select %eq3A_1161, %concatenate3A_1170, %concatenate3A_1173 : vector<32x128xi1>, vector<32x128xi32>
    %select_n3A_1181 = arith.select %eq3A_1161, %concatenate3A_1176, %concatenate3A_1179 : vector<32x128xi1>, vector<32x128xi32>
    %gt3A_1182 = arith.cmpi sgt, %select_n3A_1154, %select_n3A_1180 : vector<32x128xi32>
    %eq3A_1183 = arith.cmpi eq, %select_n3A_1154, %select_n3A_1180 : vector<32x128xi32>
    %lt3A_1184 = arith.cmpi slt, %select_n3A_1155, %select_n3A_1181 : vector<32x128xi32>
    %and3A_1185 = arith.andi %eq3A_1183, %lt3A_1184 : vector<32x128xi1>
    %or3A_1186 = arith.ori %gt3A_1182, %and3A_1185 : vector<32x128xi1>
    %eq3A_1187 = arith.xori %eq3A_1161, %eq3A_1167 : vector<32x128xi1>
    %eq3A_1188 = arith.constant dense<true> : vector<32x128xi1>
    %eq3A_1189 = arith.xori %eq3A_1187, %eq3A_1188 : vector<32x128xi1>
    %eq3A_1190 = arith.xori %or3A_1186, %eq3A_1189 : vector<32x128xi1>
    %eq3A_1191 = arith.constant dense<true> : vector<32x128xi1>
    %eq3A_1192 = arith.xori %eq3A_1190, %eq3A_1191 : vector<32x128xi1>
    %select_n3A_1193 = arith.select %eq3A_1192, %select_n3A_1154, %select_n3A_1180 : vector<32x128xi1>, vector<32x128xi32>
    %select_n3A_1194 = arith.select %eq3A_1192, %select_n3A_1155, %select_n3A_1181 : vector<32x128xi1>, vector<32x128xi32>
    %and3A_1195 = arith.constant 8 : i32
    %and3A_1196 = vector.broadcast %and3A_1195 : i32 to vector<32x128xi32>
    %and3A_1197 = arith.andi %add3A_958, %and3A_1196 : vector<32x128xi32>
    %eq3A_1198 = arith.constant 0 : i32
    %eq3A_1199 = vector.broadcast %eq3A_1198 : i32 to vector<32x128xi32>
    %eq3A_1200 = arith.cmpi eq, %and3A_1197, %eq3A_1199 : vector<32x128xi32>
    %and3A_1201 = arith.constant 16 : i32
    %and3A_1202 = vector.broadcast %and3A_1201 : i32 to vector<32x128xi32>
    %and3A_1203 = arith.andi %add3A_958, %and3A_1202 : vector<32x128xi32>
    %eq3A_1204 = arith.constant 0 : i32
    %eq3A_1205 = vector.broadcast %eq3A_1204 : i32 to vector<32x128xi32>
    %eq3A_1206 = arith.cmpi eq, %and3A_1203, %eq3A_1205 : vector<32x128xi32>
    %slice3A_1207 = vector.extract_strided_slice %select_n3A_1193 {offsets = [0, 8], sizes = [32, 120], strides = [1, 1]} : vector<32x128xi32> to vector<32x120xi32>
    %slice3A_1208 = vector.extract_strided_slice %select_n3A_1193 {offsets = [0, 0], sizes = [32, 8], strides = [1, 1]} : vector<32x128xi32> to vector<32x8xi32>
    %concatenate3A_1209 = tpu.concatenate %slice3A_1207, %slice3A_1208 in 1 : vector<32x120xi32>, vector<32x8xi32> -> vector<32x128xi32>
    %slice3A_1210 = vector.extract_strided_slice %select_n3A_1193 {offsets = [0, 120], sizes = [32, 8], strides = [1, 1]} : vector<32x128xi32> to vector<32x8xi32>
    %slice3A_1211 = vector.extract_strided_slice %select_n3A_1193 {offsets = [0, 0], sizes = [32, 120], strides = [1, 1]} : vector<32x128xi32> to vector<32x120xi32>
    %concatenate3A_1212 = tpu.concatenate %slice3A_1210, %slice3A_1211 in 1 : vector<32x8xi32>, vector<32x120xi32> -> vector<32x128xi32>
    %slice3A_1213 = vector.extract_strided_slice %select_n3A_1194 {offsets = [0, 8], sizes = [32, 120], strides = [1, 1]} : vector<32x128xi32> to vector<32x120xi32>
    %slice3A_1214 = vector.extract_strided_slice %select_n3A_1194 {offsets = [0, 0], sizes = [32, 8], strides = [1, 1]} : vector<32x128xi32> to vector<32x8xi32>
    %concatenate3A_1215 = tpu.concatenate %slice3A_1213, %slice3A_1214 in 1 : vector<32x120xi32>, vector<32x8xi32> -> vector<32x128xi32>
    %slice3A_1216 = vector.extract_strided_slice %select_n3A_1194 {offsets = [0, 120], sizes = [32, 8], strides = [1, 1]} : vector<32x128xi32> to vector<32x8xi32>
    %slice3A_1217 = vector.extract_strided_slice %select_n3A_1194 {offsets = [0, 0], sizes = [32, 120], strides = [1, 1]} : vector<32x128xi32> to vector<32x120xi32>
    %concatenate3A_1218 = tpu.concatenate %slice3A_1216, %slice3A_1217 in 1 : vector<32x8xi32>, vector<32x120xi32> -> vector<32x128xi32>
    %select_n3A_1219 = arith.select %eq3A_1200, %concatenate3A_1209, %concatenate3A_1212 : vector<32x128xi1>, vector<32x128xi32>
    %select_n3A_1220 = arith.select %eq3A_1200, %concatenate3A_1215, %concatenate3A_1218 : vector<32x128xi1>, vector<32x128xi32>
    %gt3A_1221 = arith.cmpi sgt, %select_n3A_1193, %select_n3A_1219 : vector<32x128xi32>
    %eq3A_1222 = arith.cmpi eq, %select_n3A_1193, %select_n3A_1219 : vector<32x128xi32>
    %lt3A_1223 = arith.cmpi slt, %select_n3A_1194, %select_n3A_1220 : vector<32x128xi32>
    %and3A_1224 = arith.andi %eq3A_1222, %lt3A_1223 : vector<32x128xi1>
    %or3A_1225 = arith.ori %gt3A_1221, %and3A_1224 : vector<32x128xi1>
    %eq3A_1226 = arith.xori %eq3A_1200, %eq3A_1206 : vector<32x128xi1>
    %eq3A_1227 = arith.constant dense<true> : vector<32x128xi1>
    %eq3A_1228 = arith.xori %eq3A_1226, %eq3A_1227 : vector<32x128xi1>
    %eq3A_1229 = arith.xori %or3A_1225, %eq3A_1228 : vector<32x128xi1>
    %eq3A_1230 = arith.constant dense<true> : vector<32x128xi1>
    %eq3A_1231 = arith.xori %eq3A_1229, %eq3A_1230 : vector<32x128xi1>
    %select_n3A_1232 = arith.select %eq3A_1231, %select_n3A_1193, %select_n3A_1219 : vector<32x128xi1>, vector<32x128xi32>
    %select_n3A_1233 = arith.select %eq3A_1231, %select_n3A_1194, %select_n3A_1220 : vector<32x128xi1>, vector<32x128xi32>
    %and3A_1234 = arith.constant 4 : i32
    %and3A_1235 = vector.broadcast %and3A_1234 : i32 to vector<32x128xi32>
    %and3A_1236 = arith.andi %add3A_958, %and3A_1235 : vector<32x128xi32>
    %eq3A_1237 = arith.constant 0 : i32
    %eq3A_1238 = vector.broadcast %eq3A_1237 : i32 to vector<32x128xi32>
    %eq3A_1239 = arith.cmpi eq, %and3A_1236, %eq3A_1238 : vector<32x128xi32>
    %and3A_1240 = arith.constant 16 : i32
    %and3A_1241 = vector.broadcast %and3A_1240 : i32 to vector<32x128xi32>
    %and3A_1242 = arith.andi %add3A_958, %and3A_1241 : vector<32x128xi32>
    %eq3A_1243 = arith.constant 0 : i32
    %eq3A_1244 = vector.broadcast %eq3A_1243 : i32 to vector<32x128xi32>
    %eq3A_1245 = arith.cmpi eq, %and3A_1242, %eq3A_1244 : vector<32x128xi32>
    %slice3A_1246 = vector.extract_strided_slice %select_n3A_1232 {offsets = [0, 4], sizes = [32, 124], strides = [1, 1]} : vector<32x128xi32> to vector<32x124xi32>
    %slice3A_1247 = vector.extract_strided_slice %select_n3A_1232 {offsets = [0, 0], sizes = [32, 4], strides = [1, 1]} : vector<32x128xi32> to vector<32x4xi32>
    %concatenate3A_1248 = tpu.concatenate %slice3A_1246, %slice3A_1247 in 1 : vector<32x124xi32>, vector<32x4xi32> -> vector<32x128xi32>
    %slice3A_1249 = vector.extract_strided_slice %select_n3A_1232 {offsets = [0, 124], sizes = [32, 4], strides = [1, 1]} : vector<32x128xi32> to vector<32x4xi32>
    %slice3A_1250 = vector.extract_strided_slice %select_n3A_1232 {offsets = [0, 0], sizes = [32, 124], strides = [1, 1]} : vector<32x128xi32> to vector<32x124xi32>
    %concatenate3A_1251 = tpu.concatenate %slice3A_1249, %slice3A_1250 in 1 : vector<32x4xi32>, vector<32x124xi32> -> vector<32x128xi32>
    %slice3A_1252 = vector.extract_strided_slice %select_n3A_1233 {offsets = [0, 4], sizes = [32, 124], strides = [1, 1]} : vector<32x128xi32> to vector<32x124xi32>
    %slice3A_1253 = vector.extract_strided_slice %select_n3A_1233 {offsets = [0, 0], sizes = [32, 4], strides = [1, 1]} : vector<32x128xi32> to vector<32x4xi32>
    %concatenate3A_1254 = tpu.concatenate %slice3A_1252, %slice3A_1253 in 1 : vector<32x124xi32>, vector<32x4xi32> -> vector<32x128xi32>
    %slice3A_1255 = vector.extract_strided_slice %select_n3A_1233 {offsets = [0, 124], sizes = [32, 4], strides = [1, 1]} : vector<32x128xi32> to vector<32x4xi32>
    %slice3A_1256 = vector.extract_strided_slice %select_n3A_1233 {offsets = [0, 0], sizes = [32, 124], strides = [1, 1]} : vector<32x128xi32> to vector<32x124xi32>
    %concatenate3A_1257 = tpu.concatenate %slice3A_1255, %slice3A_1256 in 1 : vector<32x4xi32>, vector<32x124xi32> -> vector<32x128xi32>
    %select_n3A_1258 = arith.select %eq3A_1239, %concatenate3A_1248, %concatenate3A_1251 : vector<32x128xi1>, vector<32x128xi32>
    %select_n3A_1259 = arith.select %eq3A_1239, %concatenate3A_1254, %concatenate3A_1257 : vector<32x128xi1>, vector<32x128xi32>
    %gt3A_1260 = arith.cmpi sgt, %select_n3A_1232, %select_n3A_1258 : vector<32x128xi32>
    %eq3A_1261 = arith.cmpi eq, %select_n3A_1232, %select_n3A_1258 : vector<32x128xi32>
    %lt3A_1262 = arith.cmpi slt, %select_n3A_1233, %select_n3A_1259 : vector<32x128xi32>
    %and3A_1263 = arith.andi %eq3A_1261, %lt3A_1262 : vector<32x128xi1>
    %or3A_1264 = arith.ori %gt3A_1260, %and3A_1263 : vector<32x128xi1>
    %eq3A_1265 = arith.xori %eq3A_1239, %eq3A_1245 : vector<32x128xi1>
    %eq3A_1266 = arith.constant dense<true> : vector<32x128xi1>
    %eq3A_1267 = arith.xori %eq3A_1265, %eq3A_1266 : vector<32x128xi1>
    %eq3A_1268 = arith.xori %or3A_1264, %eq3A_1267 : vector<32x128xi1>
    %eq3A_1269 = arith.constant dense<true> : vector<32x128xi1>
    %eq3A_1270 = arith.xori %eq3A_1268, %eq3A_1269 : vector<32x128xi1>
    %select_n3A_1271 = arith.select %eq3A_1270, %select_n3A_1232, %select_n3A_1258 : vector<32x128xi1>, vector<32x128xi32>
    %select_n3A_1272 = arith.select %eq3A_1270, %select_n3A_1233, %select_n3A_1259 : vector<32x128xi1>, vector<32x128xi32>
    %and3A_1273 = arith.constant 2 : i32
    %and3A_1274 = vector.broadcast %and3A_1273 : i32 to vector<32x128xi32>
    %and3A_1275 = arith.andi %add3A_958, %and3A_1274 : vector<32x128xi32>
    %eq3A_1276 = arith.constant 0 : i32
    %eq3A_1277 = vector.broadcast %eq3A_1276 : i32 to vector<32x128xi32>
    %eq3A_1278 = arith.cmpi eq, %and3A_1275, %eq3A_1277 : vector<32x128xi32>
    %and3A_1279 = arith.constant 16 : i32
    %and3A_1280 = vector.broadcast %and3A_1279 : i32 to vector<32x128xi32>
    %and3A_1281 = arith.andi %add3A_958, %and3A_1280 : vector<32x128xi32>
    %eq3A_1282 = arith.constant 0 : i32
    %eq3A_1283 = vector.broadcast %eq3A_1282 : i32 to vector<32x128xi32>
    %eq3A_1284 = arith.cmpi eq, %and3A_1281, %eq3A_1283 : vector<32x128xi32>
    %slice3A_1285 = vector.extract_strided_slice %select_n3A_1271 {offsets = [0, 2], sizes = [32, 126], strides = [1, 1]} : vector<32x128xi32> to vector<32x126xi32>
    %slice3A_1286 = vector.extract_strided_slice %select_n3A_1271 {offsets = [0, 0], sizes = [32, 2], strides = [1, 1]} : vector<32x128xi32> to vector<32x2xi32>
    %concatenate3A_1287 = tpu.concatenate %slice3A_1285, %slice3A_1286 in 1 : vector<32x126xi32>, vector<32x2xi32> -> vector<32x128xi32>
    %slice3A_1288 = vector.extract_strided_slice %select_n3A_1271 {offsets = [0, 126], sizes = [32, 2], strides = [1, 1]} : vector<32x128xi32> to vector<32x2xi32>
    %slice3A_1289 = vector.extract_strided_slice %select_n3A_1271 {offsets = [0, 0], sizes = [32, 126], strides = [1, 1]} : vector<32x128xi32> to vector<32x126xi32>
    %concatenate3A_1290 = tpu.concatenate %slice3A_1288, %slice3A_1289 in 1 : vector<32x2xi32>, vector<32x126xi32> -> vector<32x128xi32>
    %slice3A_1291 = vector.extract_strided_slice %select_n3A_1272 {offsets = [0, 2], sizes = [32, 126], strides = [1, 1]} : vector<32x128xi32> to vector<32x126xi32>
    %slice3A_1292 = vector.extract_strided_slice %select_n3A_1272 {offsets = [0, 0], sizes = [32, 2], strides = [1, 1]} : vector<32x128xi32> to vector<32x2xi32>
    %concatenate3A_1293 = tpu.concatenate %slice3A_1291, %slice3A_1292 in 1 : vector<32x126xi32>, vector<32x2xi32> -> vector<32x128xi32>
    %slice3A_1294 = vector.extract_strided_slice %select_n3A_1272 {offsets = [0, 126], sizes = [32, 2], strides = [1, 1]} : vector<32x128xi32> to vector<32x2xi32>
    %slice3A_1295 = vector.extract_strided_slice %select_n3A_1272 {offsets = [0, 0], sizes = [32, 126], strides = [1, 1]} : vector<32x128xi32> to vector<32x126xi32>
    %concatenate3A_1296 = tpu.concatenate %slice3A_1294, %slice3A_1295 in 1 : vector<32x2xi32>, vector<32x126xi32> -> vector<32x128xi32>
    %select_n3A_1297 = arith.select %eq3A_1278, %concatenate3A_1287, %concatenate3A_1290 : vector<32x128xi1>, vector<32x128xi32>
    %select_n3A_1298 = arith.select %eq3A_1278, %concatenate3A_1293, %concatenate3A_1296 : vector<32x128xi1>, vector<32x128xi32>
    %gt3A_1299 = arith.cmpi sgt, %select_n3A_1271, %select_n3A_1297 : vector<32x128xi32>
    %eq3A_1300 = arith.cmpi eq, %select_n3A_1271, %select_n3A_1297 : vector<32x128xi32>
    %lt3A_1301 = arith.cmpi slt, %select_n3A_1272, %select_n3A_1298 : vector<32x128xi32>
    %and3A_1302 = arith.andi %eq3A_1300, %lt3A_1301 : vector<32x128xi1>
    %or3A_1303 = arith.ori %gt3A_1299, %and3A_1302 : vector<32x128xi1>
    %eq3A_1304 = arith.xori %eq3A_1278, %eq3A_1284 : vector<32x128xi1>
    %eq3A_1305 = arith.constant dense<true> : vector<32x128xi1>
    %eq3A_1306 = arith.xori %eq3A_1304, %eq3A_1305 : vector<32x128xi1>
    %eq3A_1307 = arith.xori %or3A_1303, %eq3A_1306 : vector<32x128xi1>
    %eq3A_1308 = arith.constant dense<true> : vector<32x128xi1>
    %eq3A_1309 = arith.xori %eq3A_1307, %eq3A_1308 : vector<32x128xi1>
    %select_n3A_1310 = arith.select %eq3A_1309, %select_n3A_1271, %select_n3A_1297 : vector<32x128xi1>, vector<32x128xi32>
    %select_n3A_1311 = arith.select %eq3A_1309, %select_n3A_1272, %select_n3A_1298 : vector<32x128xi1>, vector<32x128xi32>
    %and3A_1312 = arith.constant 1 : i32
    %and3A_1313 = vector.broadcast %and3A_1312 : i32 to vector<32x128xi32>
    %and3A_1314 = arith.andi %add3A_958, %and3A_1313 : vector<32x128xi32>
    %eq3A_1315 = arith.constant 0 : i32
    %eq3A_1316 = vector.broadcast %eq3A_1315 : i32 to vector<32x128xi32>
    %eq3A_1317 = arith.cmpi eq, %and3A_1314, %eq3A_1316 : vector<32x128xi32>
    %and3A_1318 = arith.constant 16 : i32
    %and3A_1319 = vector.broadcast %and3A_1318 : i32 to vector<32x128xi32>
    %and3A_1320 = arith.andi %add3A_958, %and3A_1319 : vector<32x128xi32>
    %eq3A_1321 = arith.constant 0 : i32
    %eq3A_1322 = vector.broadcast %eq3A_1321 : i32 to vector<32x128xi32>
    %eq3A_1323 = arith.cmpi eq, %and3A_1320, %eq3A_1322 : vector<32x128xi32>
    %slice3A_1324 = vector.extract_strided_slice %select_n3A_1310 {offsets = [0, 1], sizes = [32, 127], strides = [1, 1]} : vector<32x128xi32> to vector<32x127xi32>
    %slice3A_1325 = vector.extract_strided_slice %select_n3A_1310 {offsets = [0, 0], sizes = [32, 1], strides = [1, 1]} : vector<32x128xi32> to vector<32x1xi32>
    %concatenate3A_1326 = tpu.concatenate %slice3A_1324, %slice3A_1325 in 1 : vector<32x127xi32>, vector<32x1xi32> -> vector<32x128xi32>
    %slice3A_1327 = vector.extract_strided_slice %select_n3A_1310 {offsets = [0, 127], sizes = [32, 1], strides = [1, 1]} : vector<32x128xi32> to vector<32x1xi32>
    %slice3A_1328 = vector.extract_strided_slice %select_n3A_1310 {offsets = [0, 0], sizes = [32, 127], strides = [1, 1]} : vector<32x128xi32> to vector<32x127xi32>
    %concatenate3A_1329 = tpu.concatenate %slice3A_1327, %slice3A_1328 in 1 : vector<32x1xi32>, vector<32x127xi32> -> vector<32x128xi32>
    %slice3A_1330 = vector.extract_strided_slice %select_n3A_1311 {offsets = [0, 1], sizes = [32, 127], strides = [1, 1]} : vector<32x128xi32> to vector<32x127xi32>
    %slice3A_1331 = vector.extract_strided_slice %select_n3A_1311 {offsets = [0, 0], sizes = [32, 1], strides = [1, 1]} : vector<32x128xi32> to vector<32x1xi32>
    %concatenate3A_1332 = tpu.concatenate %slice3A_1330, %slice3A_1331 in 1 : vector<32x127xi32>, vector<32x1xi32> -> vector<32x128xi32>
    %slice3A_1333 = vector.extract_strided_slice %select_n3A_1311 {offsets = [0, 127], sizes = [32, 1], strides = [1, 1]} : vector<32x128xi32> to vector<32x1xi32>
    %slice3A_1334 = vector.extract_strided_slice %select_n3A_1311 {offsets = [0, 0], sizes = [32, 127], strides = [1, 1]} : vector<32x128xi32> to vector<32x127xi32>
    %concatenate3A_1335 = tpu.concatenate %slice3A_1333, %slice3A_1334 in 1 : vector<32x1xi32>, vector<32x127xi32> -> vector<32x128xi32>
    %select_n3A_1336 = arith.select %eq3A_1317, %concatenate3A_1326, %concatenate3A_1329 : vector<32x128xi1>, vector<32x128xi32>
    %select_n3A_1337 = arith.select %eq3A_1317, %concatenate3A_1332, %concatenate3A_1335 : vector<32x128xi1>, vector<32x128xi32>
    %gt3A_1338 = arith.cmpi sgt, %select_n3A_1310, %select_n3A_1336 : vector<32x128xi32>
    %eq3A_1339 = arith.cmpi eq, %select_n3A_1310, %select_n3A_1336 : vector<32x128xi32>
    %lt3A_1340 = arith.cmpi slt, %select_n3A_1311, %select_n3A_1337 : vector<32x128xi32>
    %and3A_1341 = arith.andi %eq3A_1339, %lt3A_1340 : vector<32x128xi1>
    %or3A_1342 = arith.ori %gt3A_1338, %and3A_1341 : vector<32x128xi1>
    %eq3A_1343 = arith.xori %eq3A_1317, %eq3A_1323 : vector<32x128xi1>
    %eq3A_1344 = arith.constant dense<true> : vector<32x128xi1>
    %eq3A_1345 = arith.xori %eq3A_1343, %eq3A_1344 : vector<32x128xi1>
    %eq3A_1346 = arith.xori %or3A_1342, %eq3A_1345 : vector<32x128xi1>
    %eq3A_1347 = arith.constant dense<true> : vector<32x128xi1>
    %eq3A_1348 = arith.xori %eq3A_1346, %eq3A_1347 : vector<32x128xi1>
    %select_n3A_1349 = arith.select %eq3A_1348, %select_n3A_1310, %select_n3A_1336 : vector<32x128xi1>, vector<32x128xi32>
    %select_n3A_1350 = arith.select %eq3A_1348, %select_n3A_1311, %select_n3A_1337 : vector<32x128xi1>, vector<32x128xi32>
    %and3A_1351 = arith.constant 16 : i32
    %and3A_1352 = vector.broadcast %and3A_1351 : i32 to vector<32x128xi32>
    %and3A_1353 = arith.andi %add3A_958, %and3A_1352 : vector<32x128xi32>
    %eq3A_1354 = arith.constant 0 : i32
    %eq3A_1355 = vector.broadcast %eq3A_1354 : i32 to vector<32x128xi32>
    %eq3A_1356 = arith.cmpi eq, %and3A_1353, %eq3A_1355 : vector<32x128xi32>
    %and3A_1357 = arith.constant 32 : i32
    %and3A_1358 = vector.broadcast %and3A_1357 : i32 to vector<32x128xi32>
    %and3A_1359 = arith.andi %add3A_958, %and3A_1358 : vector<32x128xi32>
    %eq3A_1360 = arith.constant 0 : i32
    %eq3A_1361 = vector.broadcast %eq3A_1360 : i32 to vector<32x128xi32>
    %eq3A_1362 = arith.cmpi eq, %and3A_1359, %eq3A_1361 : vector<32x128xi32>
    %slice3A_1363 = vector.extract_strided_slice %select_n3A_1349 {offsets = [0, 16], sizes = [32, 112], strides = [1, 1]} : vector<32x128xi32> to vector<32x112xi32>
    %slice3A_1364 = vector.extract_strided_slice %select_n3A_1349 {offsets = [0, 0], sizes = [32, 16], strides = [1, 1]} : vector<32x128xi32> to vector<32x16xi32>
    %concatenate3A_1365 = tpu.concatenate %slice3A_1363, %slice3A_1364 in 1 : vector<32x112xi32>, vector<32x16xi32> -> vector<32x128xi32>
    %slice3A_1366 = vector.extract_strided_slice %select_n3A_1349 {offsets = [0, 112], sizes = [32, 16], strides = [1, 1]} : vector<32x128xi32> to vector<32x16xi32>
    %slice3A_1367 = vector.extract_strided_slice %select_n3A_1349 {offsets = [0, 0], sizes = [32, 112], strides = [1, 1]} : vector<32x128xi32> to vector<32x112xi32>
    %concatenate3A_1368 = tpu.concatenate %slice3A_1366, %slice3A_1367 in 1 : vector<32x16xi32>, vector<32x112xi32> -> vector<32x128xi32>
    %slice3A_1369 = vector.extract_strided_slice %select_n3A_1350 {offsets = [0, 16], sizes = [32, 112], strides = [1, 1]} : vector<32x128xi32> to vector<32x112xi32>
    %slice3A_1370 = vector.extract_strided_slice %select_n3A_1350 {offsets = [0, 0], sizes = [32, 16], strides = [1, 1]} : vector<32x128xi32> to vector<32x16xi32>
    %concatenate3A_1371 = tpu.concatenate %slice3A_1369, %slice3A_1370 in 1 : vector<32x112xi32>, vector<32x16xi32> -> vector<32x128xi32>
    %slice3A_1372 = vector.extract_strided_slice %select_n3A_1350 {offsets = [0, 112], sizes = [32, 16], strides = [1, 1]} : vector<32x128xi32> to vector<32x16xi32>
    %slice3A_1373 = vector.extract_strided_slice %select_n3A_1350 {offsets = [0, 0], sizes = [32, 112], strides = [1, 1]} : vector<32x128xi32> to vector<32x112xi32>
    %concatenate3A_1374 = tpu.concatenate %slice3A_1372, %slice3A_1373 in 1 : vector<32x16xi32>, vector<32x112xi32> -> vector<32x128xi32>
    %select_n3A_1375 = arith.select %eq3A_1356, %concatenate3A_1365, %concatenate3A_1368 : vector<32x128xi1>, vector<32x128xi32>
    %select_n3A_1376 = arith.select %eq3A_1356, %concatenate3A_1371, %concatenate3A_1374 : vector<32x128xi1>, vector<32x128xi32>
    %gt3A_1377 = arith.cmpi sgt, %select_n3A_1349, %select_n3A_1375 : vector<32x128xi32>
    %eq3A_1378 = arith.cmpi eq, %select_n3A_1349, %select_n3A_1375 : vector<32x128xi32>
    %lt3A_1379 = arith.cmpi slt, %select_n3A_1350, %select_n3A_1376 : vector<32x128xi32>
    %and3A_1380 = arith.andi %eq3A_1378, %lt3A_1379 : vector<32x128xi1>
    %or3A_1381 = arith.ori %gt3A_1377, %and3A_1380 : vector<32x128xi1>
    %eq3A_1382 = arith.xori %eq3A_1356, %eq3A_1362 : vector<32x128xi1>
    %eq3A_1383 = arith.constant dense<true> : vector<32x128xi1>
    %eq3A_1384 = arith.xori %eq3A_1382, %eq3A_1383 : vector<32x128xi1>
    %eq3A_1385 = arith.xori %or3A_1381, %eq3A_1384 : vector<32x128xi1>
    %eq3A_1386 = arith.constant dense<true> : vector<32x128xi1>
    %eq3A_1387 = arith.xori %eq3A_1385, %eq3A_1386 : vector<32x128xi1>
    %select_n3A_1388 = arith.select %eq3A_1387, %select_n3A_1349, %select_n3A_1375 : vector<32x128xi1>, vector<32x128xi32>
    %select_n3A_1389 = arith.select %eq3A_1387, %select_n3A_1350, %select_n3A_1376 : vector<32x128xi1>, vector<32x128xi32>
    %and3A_1390 = arith.constant 8 : i32
    %and3A_1391 = vector.broadcast %and3A_1390 : i32 to vector<32x128xi32>
    %and3A_1392 = arith.andi %add3A_958, %and3A_1391 : vector<32x128xi32>
    %eq3A_1393 = arith.constant 0 : i32
    %eq3A_1394 = vector.broadcast %eq3A_1393 : i32 to vector<32x128xi32>
    %eq3A_1395 = arith.cmpi eq, %and3A_1392, %eq3A_1394 : vector<32x128xi32>
    %and3A_1396 = arith.constant 32 : i32
    %and3A_1397 = vector.broadcast %and3A_1396 : i32 to vector<32x128xi32>
    %and3A_1398 = arith.andi %add3A_958, %and3A_1397 : vector<32x128xi32>
    %eq3A_1399 = arith.constant 0 : i32
    %eq3A_1400 = vector.broadcast %eq3A_1399 : i32 to vector<32x128xi32>
    %eq3A_1401 = arith.cmpi eq, %and3A_1398, %eq3A_1400 : vector<32x128xi32>
    %slice3A_1402 = vector.extract_strided_slice %select_n3A_1388 {offsets = [0, 8], sizes = [32, 120], strides = [1, 1]} : vector<32x128xi32> to vector<32x120xi32>
    %slice3A_1403 = vector.extract_strided_slice %select_n3A_1388 {offsets = [0, 0], sizes = [32, 8], strides = [1, 1]} : vector<32x128xi32> to vector<32x8xi32>
    %concatenate3A_1404 = tpu.concatenate %slice3A_1402, %slice3A_1403 in 1 : vector<32x120xi32>, vector<32x8xi32> -> vector<32x128xi32>
    %slice3A_1405 = vector.extract_strided_slice %select_n3A_1388 {offsets = [0, 120], sizes = [32, 8], strides = [1, 1]} : vector<32x128xi32> to vector<32x8xi32>
    %slice3A_1406 = vector.extract_strided_slice %select_n3A_1388 {offsets = [0, 0], sizes = [32, 120], strides = [1, 1]} : vector<32x128xi32> to vector<32x120xi32>
    %concatenate3A_1407 = tpu.concatenate %slice3A_1405, %slice3A_1406 in 1 : vector<32x8xi32>, vector<32x120xi32> -> vector<32x128xi32>
    %slice3A_1408 = vector.extract_strided_slice %select_n3A_1389 {offsets = [0, 8], sizes = [32, 120], strides = [1, 1]} : vector<32x128xi32> to vector<32x120xi32>
    %slice3A_1409 = vector.extract_strided_slice %select_n3A_1389 {offsets = [0, 0], sizes = [32, 8], strides = [1, 1]} : vector<32x128xi32> to vector<32x8xi32>
    %concatenate3A_1410 = tpu.concatenate %slice3A_1408, %slice3A_1409 in 1 : vector<32x120xi32>, vector<32x8xi32> -> vector<32x128xi32>
    %slice3A_1411 = vector.extract_strided_slice %select_n3A_1389 {offsets = [0, 120], sizes = [32, 8], strides = [1, 1]} : vector<32x128xi32> to vector<32x8xi32>
    %slice3A_1412 = vector.extract_strided_slice %select_n3A_1389 {offsets = [0, 0], sizes = [32, 120], strides = [1, 1]} : vector<32x128xi32> to vector<32x120xi32>
    %concatenate3A_1413 = tpu.concatenate %slice3A_1411, %slice3A_1412 in 1 : vector<32x8xi32>, vector<32x120xi32> -> vector<32x128xi32>
    %select_n3A_1414 = arith.select %eq3A_1395, %concatenate3A_1404, %concatenate3A_1407 : vector<32x128xi1>, vector<32x128xi32>
    %select_n3A_1415 = arith.select %eq3A_1395, %concatenate3A_1410, %concatenate3A_1413 : vector<32x128xi1>, vector<32x128xi32>
    %gt3A_1416 = arith.cmpi sgt, %select_n3A_1388, %select_n3A_1414 : vector<32x128xi32>
    %eq3A_1417 = arith.cmpi eq, %select_n3A_1388, %select_n3A_1414 : vector<32x128xi32>
    %lt3A_1418 = arith.cmpi slt, %select_n3A_1389, %select_n3A_1415 : vector<32x128xi32>
    %and3A_1419 = arith.andi %eq3A_1417, %lt3A_1418 : vector<32x128xi1>
    %or3A_1420 = arith.ori %gt3A_1416, %and3A_1419 : vector<32x128xi1>
    %eq3A_1421 = arith.xori %eq3A_1395, %eq3A_1401 : vector<32x128xi1>
    %eq3A_1422 = arith.constant dense<true> : vector<32x128xi1>
    %eq3A_1423 = arith.xori %eq3A_1421, %eq3A_1422 : vector<32x128xi1>
    %eq3A_1424 = arith.xori %or3A_1420, %eq3A_1423 : vector<32x128xi1>
    %eq3A_1425 = arith.constant dense<true> : vector<32x128xi1>
    %eq3A_1426 = arith.xori %eq3A_1424, %eq3A_1425 : vector<32x128xi1>
    %select_n3A_1427 = arith.select %eq3A_1426, %select_n3A_1388, %select_n3A_1414 : vector<32x128xi1>, vector<32x128xi32>
    %select_n3A_1428 = arith.select %eq3A_1426, %select_n3A_1389, %select_n3A_1415 : vector<32x128xi1>, vector<32x128xi32>
    %and3A_1429 = arith.constant 4 : i32
    %and3A_1430 = vector.broadcast %and3A_1429 : i32 to vector<32x128xi32>
    %and3A_1431 = arith.andi %add3A_958, %and3A_1430 : vector<32x128xi32>
    %eq3A_1432 = arith.constant 0 : i32
    %eq3A_1433 = vector.broadcast %eq3A_1432 : i32 to vector<32x128xi32>
    %eq3A_1434 = arith.cmpi eq, %and3A_1431, %eq3A_1433 : vector<32x128xi32>
    %and3A_1435 = arith.constant 32 : i32
    %and3A_1436 = vector.broadcast %and3A_1435 : i32 to vector<32x128xi32>
    %and3A_1437 = arith.andi %add3A_958, %and3A_1436 : vector<32x128xi32>
    %eq3A_1438 = arith.constant 0 : i32
    %eq3A_1439 = vector.broadcast %eq3A_1438 : i32 to vector<32x128xi32>
    %eq3A_1440 = arith.cmpi eq, %and3A_1437, %eq3A_1439 : vector<32x128xi32>
    %slice3A_1441 = vector.extract_strided_slice %select_n3A_1427 {offsets = [0, 4], sizes = [32, 124], strides = [1, 1]} : vector<32x128xi32> to vector<32x124xi32>
    %slice3A_1442 = vector.extract_strided_slice %select_n3A_1427 {offsets = [0, 0], sizes = [32, 4], strides = [1, 1]} : vector<32x128xi32> to vector<32x4xi32>
    %concatenate3A_1443 = tpu.concatenate %slice3A_1441, %slice3A_1442 in 1 : vector<32x124xi32>, vector<32x4xi32> -> vector<32x128xi32>
    %slice3A_1444 = vector.extract_strided_slice %select_n3A_1427 {offsets = [0, 124], sizes = [32, 4], strides = [1, 1]} : vector<32x128xi32> to vector<32x4xi32>
    %slice3A_1445 = vector.extract_strided_slice %select_n3A_1427 {offsets = [0, 0], sizes = [32, 124], strides = [1, 1]} : vector<32x128xi32> to vector<32x124xi32>
    %concatenate3A_1446 = tpu.concatenate %slice3A_1444, %slice3A_1445 in 1 : vector<32x4xi32>, vector<32x124xi32> -> vector<32x128xi32>
    %slice3A_1447 = vector.extract_strided_slice %select_n3A_1428 {offsets = [0, 4], sizes = [32, 124], strides = [1, 1]} : vector<32x128xi32> to vector<32x124xi32>
    %slice3A_1448 = vector.extract_strided_slice %select_n3A_1428 {offsets = [0, 0], sizes = [32, 4], strides = [1, 1]} : vector<32x128xi32> to vector<32x4xi32>
    %concatenate3A_1449 = tpu.concatenate %slice3A_1447, %slice3A_1448 in 1 : vector<32x124xi32>, vector<32x4xi32> -> vector<32x128xi32>
    %slice3A_1450 = vector.extract_strided_slice %select_n3A_1428 {offsets = [0, 124], sizes = [32, 4], strides = [1, 1]} : vector<32x128xi32> to vector<32x4xi32>
    %slice3A_1451 = vector.extract_strided_slice %select_n3A_1428 {offsets = [0, 0], sizes = [32, 124], strides = [1, 1]} : vector<32x128xi32> to vector<32x124xi32>
    %concatenate3A_1452 = tpu.concatenate %slice3A_1450, %slice3A_1451 in 1 : vector<32x4xi32>, vector<32x124xi32> -> vector<32x128xi32>
    %select_n3A_1453 = arith.select %eq3A_1434, %concatenate3A_1443, %concatenate3A_1446 : vector<32x128xi1>, vector<32x128xi32>
    %select_n3A_1454 = arith.select %eq3A_1434, %concatenate3A_1449, %concatenate3A_1452 : vector<32x128xi1>, vector<32x128xi32>
    %gt3A_1455 = arith.cmpi sgt, %select_n3A_1427, %select_n3A_1453 : vector<32x128xi32>
    %eq3A_1456 = arith.cmpi eq, %select_n3A_1427, %select_n3A_1453 : vector<32x128xi32>
    %lt3A_1457 = arith.cmpi slt, %select_n3A_1428, %select_n3A_1454 : vector<32x128xi32>
    %and3A_1458 = arith.andi %eq3A_1456, %lt3A_1457 : vector<32x128xi1>
    %or3A_1459 = arith.ori %gt3A_1455, %and3A_1458 : vector<32x128xi1>
    %eq3A_1460 = arith.xori %eq3A_1434, %eq3A_1440 : vector<32x128xi1>
    %eq3A_1461 = arith.constant dense<true> : vector<32x128xi1>
    %eq3A_1462 = arith.xori %eq3A_1460, %eq3A_1461 : vector<32x128xi1>
    %eq3A_1463 = arith.xori %or3A_1459, %eq3A_1462 : vector<32x128xi1>
    %eq3A_1464 = arith.constant dense<true> : vector<32x128xi1>
    %eq3A_1465 = arith.xori %eq3A_1463, %eq3A_1464 : vector<32x128xi1>
    %select_n3A_1466 = arith.select %eq3A_1465, %select_n3A_1427, %select_n3A_1453 : vector<32x128xi1>, vector<32x128xi32>
    %select_n3A_1467 = arith.select %eq3A_1465, %select_n3A_1428, %select_n3A_1454 : vector<32x128xi1>, vector<32x128xi32>
    %and3A_1468 = arith.constant 2 : i32
    %and3A_1469 = vector.broadcast %and3A_1468 : i32 to vector<32x128xi32>
    %and3A_1470 = arith.andi %add3A_958, %and3A_1469 : vector<32x128xi32>
    %eq3A_1471 = arith.constant 0 : i32
    %eq3A_1472 = vector.broadcast %eq3A_1471 : i32 to vector<32x128xi32>
    %eq3A_1473 = arith.cmpi eq, %and3A_1470, %eq3A_1472 : vector<32x128xi32>
    %and3A_1474 = arith.constant 32 : i32
    %and3A_1475 = vector.broadcast %and3A_1474 : i32 to vector<32x128xi32>
    %and3A_1476 = arith.andi %add3A_958, %and3A_1475 : vector<32x128xi32>
    %eq3A_1477 = arith.constant 0 : i32
    %eq3A_1478 = vector.broadcast %eq3A_1477 : i32 to vector<32x128xi32>
    %eq3A_1479 = arith.cmpi eq, %and3A_1476, %eq3A_1478 : vector<32x128xi32>
    %slice3A_1480 = vector.extract_strided_slice %select_n3A_1466 {offsets = [0, 2], sizes = [32, 126], strides = [1, 1]} : vector<32x128xi32> to vector<32x126xi32>
    %slice3A_1481 = vector.extract_strided_slice %select_n3A_1466 {offsets = [0, 0], sizes = [32, 2], strides = [1, 1]} : vector<32x128xi32> to vector<32x2xi32>
    %concatenate3A_1482 = tpu.concatenate %slice3A_1480, %slice3A_1481 in 1 : vector<32x126xi32>, vector<32x2xi32> -> vector<32x128xi32>
    %slice3A_1483 = vector.extract_strided_slice %select_n3A_1466 {offsets = [0, 126], sizes = [32, 2], strides = [1, 1]} : vector<32x128xi32> to vector<32x2xi32>
    %slice3A_1484 = vector.extract_strided_slice %select_n3A_1466 {offsets = [0, 0], sizes = [32, 126], strides = [1, 1]} : vector<32x128xi32> to vector<32x126xi32>
    %concatenate3A_1485 = tpu.concatenate %slice3A_1483, %slice3A_1484 in 1 : vector<32x2xi32>, vector<32x126xi32> -> vector<32x128xi32>
    %slice3A_1486 = vector.extract_strided_slice %select_n3A_1467 {offsets = [0, 2], sizes = [32, 126], strides = [1, 1]} : vector<32x128xi32> to vector<32x126xi32>
    %slice3A_1487 = vector.extract_strided_slice %select_n3A_1467 {offsets = [0, 0], sizes = [32, 2], strides = [1, 1]} : vector<32x128xi32> to vector<32x2xi32>
    %concatenate3A_1488 = tpu.concatenate %slice3A_1486, %slice3A_1487 in 1 : vector<32x126xi32>, vector<32x2xi32> -> vector<32x128xi32>
    %slice3A_1489 = vector.extract_strided_slice %select_n3A_1467 {offsets = [0, 126], sizes = [32, 2], strides = [1, 1]} : vector<32x128xi32> to vector<32x2xi32>
    %slice3A_1490 = vector.extract_strided_slice %select_n3A_1467 {offsets = [0, 0], sizes = [32, 126], strides = [1, 1]} : vector<32x128xi32> to vector<32x126xi32>
    %concatenate3A_1491 = tpu.concatenate %slice3A_1489, %slice3A_1490 in 1 : vector<32x2xi32>, vector<32x126xi32> -> vector<32x128xi32>
    %select_n3A_1492 = arith.select %eq3A_1473, %concatenate3A_1482, %concatenate3A_1485 : vector<32x128xi1>, vector<32x128xi32>
    %select_n3A_1493 = arith.select %eq3A_1473, %concatenate3A_1488, %concatenate3A_1491 : vector<32x128xi1>, vector<32x128xi32>
    %gt3A_1494 = arith.cmpi sgt, %select_n3A_1466, %select_n3A_1492 : vector<32x128xi32>
    %eq3A_1495 = arith.cmpi eq, %select_n3A_1466, %select_n3A_1492 : vector<32x128xi32>
    %lt3A_1496 = arith.cmpi slt, %select_n3A_1467, %select_n3A_1493 : vector<32x128xi32>
    %and3A_1497 = arith.andi %eq3A_1495, %lt3A_1496 : vector<32x128xi1>
    %or3A_1498 = arith.ori %gt3A_1494, %and3A_1497 : vector<32x128xi1>
    %eq3A_1499 = arith.xori %eq3A_1473, %eq3A_1479 : vector<32x128xi1>
    %eq3A_1500 = arith.constant dense<true> : vector<32x128xi1>
    %eq3A_1501 = arith.xori %eq3A_1499, %eq3A_1500 : vector<32x128xi1>
    %eq3A_1502 = arith.xori %or3A_1498, %eq3A_1501 : vector<32x128xi1>
    %eq3A_1503 = arith.constant dense<true> : vector<32x128xi1>
    %eq3A_1504 = arith.xori %eq3A_1502, %eq3A_1503 : vector<32x128xi1>
    %select_n3A_1505 = arith.select %eq3A_1504, %select_n3A_1466, %select_n3A_1492 : vector<32x128xi1>, vector<32x128xi32>
    %select_n3A_1506 = arith.select %eq3A_1504, %select_n3A_1467, %select_n3A_1493 : vector<32x128xi1>, vector<32x128xi32>
    %and3A_1507 = arith.constant 1 : i32
    %and3A_1508 = vector.broadcast %and3A_1507 : i32 to vector<32x128xi32>
    %and3A_1509 = arith.andi %add3A_958, %and3A_1508 : vector<32x128xi32>
    %eq3A_1510 = arith.constant 0 : i32
    %eq3A_1511 = vector.broadcast %eq3A_1510 : i32 to vector<32x128xi32>
    %eq3A_1512 = arith.cmpi eq, %and3A_1509, %eq3A_1511 : vector<32x128xi32>
    %and3A_1513 = arith.constant 32 : i32
    %and3A_1514 = vector.broadcast %and3A_1513 : i32 to vector<32x128xi32>
    %and3A_1515 = arith.andi %add3A_958, %and3A_1514 : vector<32x128xi32>
    %eq3A_1516 = arith.constant 0 : i32
    %eq3A_1517 = vector.broadcast %eq3A_1516 : i32 to vector<32x128xi32>
    %eq3A_1518 = arith.cmpi eq, %and3A_1515, %eq3A_1517 : vector<32x128xi32>
    %slice3A_1519 = vector.extract_strided_slice %select_n3A_1505 {offsets = [0, 1], sizes = [32, 127], strides = [1, 1]} : vector<32x128xi32> to vector<32x127xi32>
    %slice3A_1520 = vector.extract_strided_slice %select_n3A_1505 {offsets = [0, 0], sizes = [32, 1], strides = [1, 1]} : vector<32x128xi32> to vector<32x1xi32>
    %concatenate3A_1521 = tpu.concatenate %slice3A_1519, %slice3A_1520 in 1 : vector<32x127xi32>, vector<32x1xi32> -> vector<32x128xi32>
    %slice3A_1522 = vector.extract_strided_slice %select_n3A_1505 {offsets = [0, 127], sizes = [32, 1], strides = [1, 1]} : vector<32x128xi32> to vector<32x1xi32>
    %slice3A_1523 = vector.extract_strided_slice %select_n3A_1505 {offsets = [0, 0], sizes = [32, 127], strides = [1, 1]} : vector<32x128xi32> to vector<32x127xi32>
    %concatenate3A_1524 = tpu.concatenate %slice3A_1522, %slice3A_1523 in 1 : vector<32x1xi32>, vector<32x127xi32> -> vector<32x128xi32>
    %slice3A_1525 = vector.extract_strided_slice %select_n3A_1506 {offsets = [0, 1], sizes = [32, 127], strides = [1, 1]} : vector<32x128xi32> to vector<32x127xi32>
    %slice3A_1526 = vector.extract_strided_slice %select_n3A_1506 {offsets = [0, 0], sizes = [32, 1], strides = [1, 1]} : vector<32x128xi32> to vector<32x1xi32>
    %concatenate3A_1527 = tpu.concatenate %slice3A_1525, %slice3A_1526 in 1 : vector<32x127xi32>, vector<32x1xi32> -> vector<32x128xi32>
    %slice3A_1528 = vector.extract_strided_slice %select_n3A_1506 {offsets = [0, 127], sizes = [32, 1], strides = [1, 1]} : vector<32x128xi32> to vector<32x1xi32>
    %slice3A_1529 = vector.extract_strided_slice %select_n3A_1506 {offsets = [0, 0], sizes = [32, 127], strides = [1, 1]} : vector<32x128xi32> to vector<32x127xi32>
    %concatenate3A_1530 = tpu.concatenate %slice3A_1528, %slice3A_1529 in 1 : vector<32x1xi32>, vector<32x127xi32> -> vector<32x128xi32>
    %select_n3A_1531 = arith.select %eq3A_1512, %concatenate3A_1521, %concatenate3A_1524 : vector<32x128xi1>, vector<32x128xi32>
    %select_n3A_1532 = arith.select %eq3A_1512, %concatenate3A_1527, %concatenate3A_1530 : vector<32x128xi1>, vector<32x128xi32>
    %gt3A_1533 = arith.cmpi sgt, %select_n3A_1505, %select_n3A_1531 : vector<32x128xi32>
    %eq3A_1534 = arith.cmpi eq, %select_n3A_1505, %select_n3A_1531 : vector<32x128xi32>
    %lt3A_1535 = arith.cmpi slt, %select_n3A_1506, %select_n3A_1532 : vector<32x128xi32>
    %and3A_1536 = arith.andi %eq3A_1534, %lt3A_1535 : vector<32x128xi1>
    %or3A_1537 = arith.ori %gt3A_1533, %and3A_1536 : vector<32x128xi1>
    %eq3A_1538 = arith.xori %eq3A_1512, %eq3A_1518 : vector<32x128xi1>
    %eq3A_1539 = arith.constant dense<true> : vector<32x128xi1>
    %eq3A_1540 = arith.xori %eq3A_1538, %eq3A_1539 : vector<32x128xi1>
    %eq3A_1541 = arith.xori %or3A_1537, %eq3A_1540 : vector<32x128xi1>
    %eq3A_1542 = arith.constant dense<true> : vector<32x128xi1>
    %eq3A_1543 = arith.xori %eq3A_1541, %eq3A_1542 : vector<32x128xi1>
    %select_n3A_1544 = arith.select %eq3A_1543, %select_n3A_1505, %select_n3A_1531 : vector<32x128xi1>, vector<32x128xi32>
    %select_n3A_1545 = arith.select %eq3A_1543, %select_n3A_1506, %select_n3A_1532 : vector<32x128xi1>, vector<32x128xi32>
    %and3A_1546 = arith.constant 32 : i32
    %and3A_1547 = vector.broadcast %and3A_1546 : i32 to vector<32x128xi32>
    %and3A_1548 = arith.andi %add3A_958, %and3A_1547 : vector<32x128xi32>
    %eq3A_1549 = arith.constant 0 : i32
    %eq3A_1550 = vector.broadcast %eq3A_1549 : i32 to vector<32x128xi32>
    %eq3A_1551 = arith.cmpi eq, %and3A_1548, %eq3A_1550 : vector<32x128xi32>
    %and3A_1552 = arith.constant 64 : i32
    %and3A_1553 = vector.broadcast %and3A_1552 : i32 to vector<32x128xi32>
    %and3A_1554 = arith.andi %add3A_958, %and3A_1553 : vector<32x128xi32>
    %eq3A_1555 = arith.constant 0 : i32
    %eq3A_1556 = vector.broadcast %eq3A_1555 : i32 to vector<32x128xi32>
    %eq3A_1557 = arith.cmpi eq, %and3A_1554, %eq3A_1556 : vector<32x128xi32>
    %slice3A_1558 = vector.extract_strided_slice %select_n3A_1544 {offsets = [0, 32], sizes = [32, 96], strides = [1, 1]} : vector<32x128xi32> to vector<32x96xi32>
    %slice3A_1559 = vector.extract_strided_slice %select_n3A_1544 {offsets = [0, 0], sizes = [32, 32], strides = [1, 1]} : vector<32x128xi32> to vector<32x32xi32>
    %concatenate3A_1560 = tpu.concatenate %slice3A_1558, %slice3A_1559 in 1 : vector<32x96xi32>, vector<32x32xi32> -> vector<32x128xi32>
    %slice3A_1561 = vector.extract_strided_slice %select_n3A_1544 {offsets = [0, 96], sizes = [32, 32], strides = [1, 1]} : vector<32x128xi32> to vector<32x32xi32>
    %slice3A_1562 = vector.extract_strided_slice %select_n3A_1544 {offsets = [0, 0], sizes = [32, 96], strides = [1, 1]} : vector<32x128xi32> to vector<32x96xi32>
    %concatenate3A_1563 = tpu.concatenate %slice3A_1561, %slice3A_1562 in 1 : vector<32x32xi32>, vector<32x96xi32> -> vector<32x128xi32>
    %slice3A_1564 = vector.extract_strided_slice %select_n3A_1545 {offsets = [0, 32], sizes = [32, 96], strides = [1, 1]} : vector<32x128xi32> to vector<32x96xi32>
    %slice3A_1565 = vector.extract_strided_slice %select_n3A_1545 {offsets = [0, 0], sizes = [32, 32], strides = [1, 1]} : vector<32x128xi32> to vector<32x32xi32>
    %concatenate3A_1566 = tpu.concatenate %slice3A_1564, %slice3A_1565 in 1 : vector<32x96xi32>, vector<32x32xi32> -> vector<32x128xi32>
    %slice3A_1567 = vector.extract_strided_slice %select_n3A_1545 {offsets = [0, 96], sizes = [32, 32], strides = [1, 1]} : vector<32x128xi32> to vector<32x32xi32>
    %slice3A_1568 = vector.extract_strided_slice %select_n3A_1545 {offsets = [0, 0], sizes = [32, 96], strides = [1, 1]} : vector<32x128xi32> to vector<32x96xi32>
    %concatenate3A_1569 = tpu.concatenate %slice3A_1567, %slice3A_1568 in 1 : vector<32x32xi32>, vector<32x96xi32> -> vector<32x128xi32>
    %select_n3A_1570 = arith.select %eq3A_1551, %concatenate3A_1560, %concatenate3A_1563 : vector<32x128xi1>, vector<32x128xi32>
    %select_n3A_1571 = arith.select %eq3A_1551, %concatenate3A_1566, %concatenate3A_1569 : vector<32x128xi1>, vector<32x128xi32>
    %gt3A_1572 = arith.cmpi sgt, %select_n3A_1544, %select_n3A_1570 : vector<32x128xi32>
    %eq3A_1573 = arith.cmpi eq, %select_n3A_1544, %select_n3A_1570 : vector<32x128xi32>
    %lt3A_1574 = arith.cmpi slt, %select_n3A_1545, %select_n3A_1571 : vector<32x128xi32>
    %and3A_1575 = arith.andi %eq3A_1573, %lt3A_1574 : vector<32x128xi1>
    %or3A_1576 = arith.ori %gt3A_1572, %and3A_1575 : vector<32x128xi1>
    %eq3A_1577 = arith.xori %eq3A_1551, %eq3A_1557 : vector<32x128xi1>
    %eq3A_1578 = arith.constant dense<true> : vector<32x128xi1>
    %eq3A_1579 = arith.xori %eq3A_1577, %eq3A_1578 : vector<32x128xi1>
    %eq3A_1580 = arith.xori %or3A_1576, %eq3A_1579 : vector<32x128xi1>
    %eq3A_1581 = arith.constant dense<true> : vector<32x128xi1>
    %eq3A_1582 = arith.xori %eq3A_1580, %eq3A_1581 : vector<32x128xi1>
    %select_n3A_1583 = arith.select %eq3A_1582, %select_n3A_1544, %select_n3A_1570 : vector<32x128xi1>, vector<32x128xi32>
    %select_n3A_1584 = arith.select %eq3A_1582, %select_n3A_1545, %select_n3A_1571 : vector<32x128xi1>, vector<32x128xi32>
    %and3A_1585 = arith.constant 16 : i32
    %and3A_1586 = vector.broadcast %and3A_1585 : i32 to vector<32x128xi32>
    %and3A_1587 = arith.andi %add3A_958, %and3A_1586 : vector<32x128xi32>
    %eq3A_1588 = arith.constant 0 : i32
    %eq3A_1589 = vector.broadcast %eq3A_1588 : i32 to vector<32x128xi32>
    %eq3A_1590 = arith.cmpi eq, %and3A_1587, %eq3A_1589 : vector<32x128xi32>
    %and3A_1591 = arith.constant 64 : i32
    %and3A_1592 = vector.broadcast %and3A_1591 : i32 to vector<32x128xi32>
    %and3A_1593 = arith.andi %add3A_958, %and3A_1592 : vector<32x128xi32>
    %eq3A_1594 = arith.constant 0 : i32
    %eq3A_1595 = vector.broadcast %eq3A_1594 : i32 to vector<32x128xi32>
    %eq3A_1596 = arith.cmpi eq, %and3A_1593, %eq3A_1595 : vector<32x128xi32>
    %slice3A_1597 = vector.extract_strided_slice %select_n3A_1583 {offsets = [0, 16], sizes = [32, 112], strides = [1, 1]} : vector<32x128xi32> to vector<32x112xi32>
    %slice3A_1598 = vector.extract_strided_slice %select_n3A_1583 {offsets = [0, 0], sizes = [32, 16], strides = [1, 1]} : vector<32x128xi32> to vector<32x16xi32>
    %concatenate3A_1599 = tpu.concatenate %slice3A_1597, %slice3A_1598 in 1 : vector<32x112xi32>, vector<32x16xi32> -> vector<32x128xi32>
    %slice3A_1600 = vector.extract_strided_slice %select_n3A_1583 {offsets = [0, 112], sizes = [32, 16], strides = [1, 1]} : vector<32x128xi32> to vector<32x16xi32>
    %slice3A_1601 = vector.extract_strided_slice %select_n3A_1583 {offsets = [0, 0], sizes = [32, 112], strides = [1, 1]} : vector<32x128xi32> to vector<32x112xi32>
    %concatenate3A_1602 = tpu.concatenate %slice3A_1600, %slice3A_1601 in 1 : vector<32x16xi32>, vector<32x112xi32> -> vector<32x128xi32>
    %slice3A_1603 = vector.extract_strided_slice %select_n3A_1584 {offsets = [0, 16], sizes = [32, 112], strides = [1, 1]} : vector<32x128xi32> to vector<32x112xi32>
    %slice3A_1604 = vector.extract_strided_slice %select_n3A_1584 {offsets = [0, 0], sizes = [32, 16], strides = [1, 1]} : vector<32x128xi32> to vector<32x16xi32>
    %concatenate3A_1605 = tpu.concatenate %slice3A_1603, %slice3A_1604 in 1 : vector<32x112xi32>, vector<32x16xi32> -> vector<32x128xi32>
    %slice3A_1606 = vector.extract_strided_slice %select_n3A_1584 {offsets = [0, 112], sizes = [32, 16], strides = [1, 1]} : vector<32x128xi32> to vector<32x16xi32>
    %slice3A_1607 = vector.extract_strided_slice %select_n3A_1584 {offsets = [0, 0], sizes = [32, 112], strides = [1, 1]} : vector<32x128xi32> to vector<32x112xi32>
    %concatenate3A_1608 = tpu.concatenate %slice3A_1606, %slice3A_1607 in 1 : vector<32x16xi32>, vector<32x112xi32> -> vector<32x128xi32>
    %select_n3A_1609 = arith.select %eq3A_1590, %concatenate3A_1599, %concatenate3A_1602 : vector<32x128xi1>, vector<32x128xi32>
    %select_n3A_1610 = arith.select %eq3A_1590, %concatenate3A_1605, %concatenate3A_1608 : vector<32x128xi1>, vector<32x128xi32>
    %gt3A_1611 = arith.cmpi sgt, %select_n3A_1583, %select_n3A_1609 : vector<32x128xi32>
    %eq3A_1612 = arith.cmpi eq, %select_n3A_1583, %select_n3A_1609 : vector<32x128xi32>
    %lt3A_1613 = arith.cmpi slt, %select_n3A_1584, %select_n3A_1610 : vector<32x128xi32>
    %and3A_1614 = arith.andi %eq3A_1612, %lt3A_1613 : vector<32x128xi1>
    %or3A_1615 = arith.ori %gt3A_1611, %and3A_1614 : vector<32x128xi1>
    %eq3A_1616 = arith.xori %eq3A_1590, %eq3A_1596 : vector<32x128xi1>
    %eq3A_1617 = arith.constant dense<true> : vector<32x128xi1>
    %eq3A_1618 = arith.xori %eq3A_1616, %eq3A_1617 : vector<32x128xi1>
    %eq3A_1619 = arith.xori %or3A_1615, %eq3A_1618 : vector<32x128xi1>
    %eq3A_1620 = arith.constant dense<true> : vector<32x128xi1>
    %eq3A_1621 = arith.xori %eq3A_1619, %eq3A_1620 : vector<32x128xi1>
    %select_n3A_1622 = arith.select %eq3A_1621, %select_n3A_1583, %select_n3A_1609 : vector<32x128xi1>, vector<32x128xi32>
    %select_n3A_1623 = arith.select %eq3A_1621, %select_n3A_1584, %select_n3A_1610 : vector<32x128xi1>, vector<32x128xi32>
    %and3A_1624 = arith.constant 8 : i32
    %and3A_1625 = vector.broadcast %and3A_1624 : i32 to vector<32x128xi32>
    %and3A_1626 = arith.andi %add3A_958, %and3A_1625 : vector<32x128xi32>
    %eq3A_1627 = arith.constant 0 : i32
    %eq3A_1628 = vector.broadcast %eq3A_1627 : i32 to vector<32x128xi32>
    %eq3A_1629 = arith.cmpi eq, %and3A_1626, %eq3A_1628 : vector<32x128xi32>
    %and3A_1630 = arith.constant 64 : i32
    %and3A_1631 = vector.broadcast %and3A_1630 : i32 to vector<32x128xi32>
    %and3A_1632 = arith.andi %add3A_958, %and3A_1631 : vector<32x128xi32>
    %eq3A_1633 = arith.constant 0 : i32
    %eq3A_1634 = vector.broadcast %eq3A_1633 : i32 to vector<32x128xi32>
    %eq3A_1635 = arith.cmpi eq, %and3A_1632, %eq3A_1634 : vector<32x128xi32>
    %slice3A_1636 = vector.extract_strided_slice %select_n3A_1622 {offsets = [0, 8], sizes = [32, 120], strides = [1, 1]} : vector<32x128xi32> to vector<32x120xi32>
    %slice3A_1637 = vector.extract_strided_slice %select_n3A_1622 {offsets = [0, 0], sizes = [32, 8], strides = [1, 1]} : vector<32x128xi32> to vector<32x8xi32>
    %concatenate3A_1638 = tpu.concatenate %slice3A_1636, %slice3A_1637 in 1 : vector<32x120xi32>, vector<32x8xi32> -> vector<32x128xi32>
    %slice3A_1639 = vector.extract_strided_slice %select_n3A_1622 {offsets = [0, 120], sizes = [32, 8], strides = [1, 1]} : vector<32x128xi32> to vector<32x8xi32>
    %slice3A_1640 = vector.extract_strided_slice %select_n3A_1622 {offsets = [0, 0], sizes = [32, 120], strides = [1, 1]} : vector<32x128xi32> to vector<32x120xi32>
    %concatenate3A_1641 = tpu.concatenate %slice3A_1639, %slice3A_1640 in 1 : vector<32x8xi32>, vector<32x120xi32> -> vector<32x128xi32>
    %slice3A_1642 = vector.extract_strided_slice %select_n3A_1623 {offsets = [0, 8], sizes = [32, 120], strides = [1, 1]} : vector<32x128xi32> to vector<32x120xi32>
    %slice3A_1643 = vector.extract_strided_slice %select_n3A_1623 {offsets = [0, 0], sizes = [32, 8], strides = [1, 1]} : vector<32x128xi32> to vector<32x8xi32>
    %concatenate3A_1644 = tpu.concatenate %slice3A_1642, %slice3A_1643 in 1 : vector<32x120xi32>, vector<32x8xi32> -> vector<32x128xi32>
    %slice3A_1645 = vector.extract_strided_slice %select_n3A_1623 {offsets = [0, 120], sizes = [32, 8], strides = [1, 1]} : vector<32x128xi32> to vector<32x8xi32>
    %slice3A_1646 = vector.extract_strided_slice %select_n3A_1623 {offsets = [0, 0], sizes = [32, 120], strides = [1, 1]} : vector<32x128xi32> to vector<32x120xi32>
    %concatenate3A_1647 = tpu.concatenate %slice3A_1645, %slice3A_1646 in 1 : vector<32x8xi32>, vector<32x120xi32> -> vector<32x128xi32>
    %select_n3A_1648 = arith.select %eq3A_1629, %concatenate3A_1638, %concatenate3A_1641 : vector<32x128xi1>, vector<32x128xi32>
    %select_n3A_1649 = arith.select %eq3A_1629, %concatenate3A_1644, %concatenate3A_1647 : vector<32x128xi1>, vector<32x128xi32>
    %gt3A_1650 = arith.cmpi sgt, %select_n3A_1622, %select_n3A_1648 : vector<32x128xi32>
    %eq3A_1651 = arith.cmpi eq, %select_n3A_1622, %select_n3A_1648 : vector<32x128xi32>
    %lt3A_1652 = arith.cmpi slt, %select_n3A_1623, %select_n3A_1649 : vector<32x128xi32>
    %and3A_1653 = arith.andi %eq3A_1651, %lt3A_1652 : vector<32x128xi1>
    %or3A_1654 = arith.ori %gt3A_1650, %and3A_1653 : vector<32x128xi1>
    %eq3A_1655 = arith.xori %eq3A_1629, %eq3A_1635 : vector<32x128xi1>
    %eq3A_1656 = arith.constant dense<true> : vector<32x128xi1>
    %eq3A_1657 = arith.xori %eq3A_1655, %eq3A_1656 : vector<32x128xi1>
    %eq3A_1658 = arith.xori %or3A_1654, %eq3A_1657 : vector<32x128xi1>
    %eq3A_1659 = arith.constant dense<true> : vector<32x128xi1>
    %eq3A_1660 = arith.xori %eq3A_1658, %eq3A_1659 : vector<32x128xi1>
    %select_n3A_1661 = arith.select %eq3A_1660, %select_n3A_1622, %select_n3A_1648 : vector<32x128xi1>, vector<32x128xi32>
    %select_n3A_1662 = arith.select %eq3A_1660, %select_n3A_1623, %select_n3A_1649 : vector<32x128xi1>, vector<32x128xi32>
    %and3A_1663 = arith.constant 4 : i32
    %and3A_1664 = vector.broadcast %and3A_1663 : i32 to vector<32x128xi32>
    %and3A_1665 = arith.andi %add3A_958, %and3A_1664 : vector<32x128xi32>
    %eq3A_1666 = arith.constant 0 : i32
    %eq3A_1667 = vector.broadcast %eq3A_1666 : i32 to vector<32x128xi32>
    %eq3A_1668 = arith.cmpi eq, %and3A_1665, %eq3A_1667 : vector<32x128xi32>
    %and3A_1669 = arith.constant 64 : i32
    %and3A_1670 = vector.broadcast %and3A_1669 : i32 to vector<32x128xi32>
    %and3A_1671 = arith.andi %add3A_958, %and3A_1670 : vector<32x128xi32>
    %eq3A_1672 = arith.constant 0 : i32
    %eq3A_1673 = vector.broadcast %eq3A_1672 : i32 to vector<32x128xi32>
    %eq3A_1674 = arith.cmpi eq, %and3A_1671, %eq3A_1673 : vector<32x128xi32>
    %slice3A_1675 = vector.extract_strided_slice %select_n3A_1661 {offsets = [0, 4], sizes = [32, 124], strides = [1, 1]} : vector<32x128xi32> to vector<32x124xi32>
    %slice3A_1676 = vector.extract_strided_slice %select_n3A_1661 {offsets = [0, 0], sizes = [32, 4], strides = [1, 1]} : vector<32x128xi32> to vector<32x4xi32>
    %concatenate3A_1677 = tpu.concatenate %slice3A_1675, %slice3A_1676 in 1 : vector<32x124xi32>, vector<32x4xi32> -> vector<32x128xi32>
    %slice3A_1678 = vector.extract_strided_slice %select_n3A_1661 {offsets = [0, 124], sizes = [32, 4], strides = [1, 1]} : vector<32x128xi32> to vector<32x4xi32>
    %slice3A_1679 = vector.extract_strided_slice %select_n3A_1661 {offsets = [0, 0], sizes = [32, 124], strides = [1, 1]} : vector<32x128xi32> to vector<32x124xi32>
    %concatenate3A_1680 = tpu.concatenate %slice3A_1678, %slice3A_1679 in 1 : vector<32x4xi32>, vector<32x124xi32> -> vector<32x128xi32>
    %slice3A_1681 = vector.extract_strided_slice %select_n3A_1662 {offsets = [0, 4], sizes = [32, 124], strides = [1, 1]} : vector<32x128xi32> to vector<32x124xi32>
    %slice3A_1682 = vector.extract_strided_slice %select_n3A_1662 {offsets = [0, 0], sizes = [32, 4], strides = [1, 1]} : vector<32x128xi32> to vector<32x4xi32>
    %concatenate3A_1683 = tpu.concatenate %slice3A_1681, %slice3A_1682 in 1 : vector<32x124xi32>, vector<32x4xi32> -> vector<32x128xi32>
    %slice3A_1684 = vector.extract_strided_slice %select_n3A_1662 {offsets = [0, 124], sizes = [32, 4], strides = [1, 1]} : vector<32x128xi32> to vector<32x4xi32>
    %slice3A_1685 = vector.extract_strided_slice %select_n3A_1662 {offsets = [0, 0], sizes = [32, 124], strides = [1, 1]} : vector<32x128xi32> to vector<32x124xi32>
    %concatenate3A_1686 = tpu.concatenate %slice3A_1684, %slice3A_1685 in 1 : vector<32x4xi32>, vector<32x124xi32> -> vector<32x128xi32>
    %select_n3A_1687 = arith.select %eq3A_1668, %concatenate3A_1677, %concatenate3A_1680 : vector<32x128xi1>, vector<32x128xi32>
    %select_n3A_1688 = arith.select %eq3A_1668, %concatenate3A_1683, %concatenate3A_1686 : vector<32x128xi1>, vector<32x128xi32>
    %gt3A_1689 = arith.cmpi sgt, %select_n3A_1661, %select_n3A_1687 : vector<32x128xi32>
    %eq3A_1690 = arith.cmpi eq, %select_n3A_1661, %select_n3A_1687 : vector<32x128xi32>
    %lt3A_1691 = arith.cmpi slt, %select_n3A_1662, %select_n3A_1688 : vector<32x128xi32>
    %and3A_1692 = arith.andi %eq3A_1690, %lt3A_1691 : vector<32x128xi1>
    %or3A_1693 = arith.ori %gt3A_1689, %and3A_1692 : vector<32x128xi1>
    %eq3A_1694 = arith.xori %eq3A_1668, %eq3A_1674 : vector<32x128xi1>
    %eq3A_1695 = arith.constant dense<true> : vector<32x128xi1>
    %eq3A_1696 = arith.xori %eq3A_1694, %eq3A_1695 : vector<32x128xi1>
    %eq3A_1697 = arith.xori %or3A_1693, %eq3A_1696 : vector<32x128xi1>
    %eq3A_1698 = arith.constant dense<true> : vector<32x128xi1>
    %eq3A_1699 = arith.xori %eq3A_1697, %eq3A_1698 : vector<32x128xi1>
    %select_n3A_1700 = arith.select %eq3A_1699, %select_n3A_1661, %select_n3A_1687 : vector<32x128xi1>, vector<32x128xi32>
    %select_n3A_1701 = arith.select %eq3A_1699, %select_n3A_1662, %select_n3A_1688 : vector<32x128xi1>, vector<32x128xi32>
    %and3A_1702 = arith.constant 2 : i32
    %and3A_1703 = vector.broadcast %and3A_1702 : i32 to vector<32x128xi32>
    %and3A_1704 = arith.andi %add3A_958, %and3A_1703 : vector<32x128xi32>
    %eq3A_1705 = arith.constant 0 : i32
    %eq3A_1706 = vector.broadcast %eq3A_1705 : i32 to vector<32x128xi32>
    %eq3A_1707 = arith.cmpi eq, %and3A_1704, %eq3A_1706 : vector<32x128xi32>
    %and3A_1708 = arith.constant 64 : i32
    %and3A_1709 = vector.broadcast %and3A_1708 : i32 to vector<32x128xi32>
    %and3A_1710 = arith.andi %add3A_958, %and3A_1709 : vector<32x128xi32>
    %eq3A_1711 = arith.constant 0 : i32
    %eq3A_1712 = vector.broadcast %eq3A_1711 : i32 to vector<32x128xi32>
    %eq3A_1713 = arith.cmpi eq, %and3A_1710, %eq3A_1712 : vector<32x128xi32>
    %slice3A_1714 = vector.extract_strided_slice %select_n3A_1700 {offsets = [0, 2], sizes = [32, 126], strides = [1, 1]} : vector<32x128xi32> to vector<32x126xi32>
    %slice3A_1715 = vector.extract_strided_slice %select_n3A_1700 {offsets = [0, 0], sizes = [32, 2], strides = [1, 1]} : vector<32x128xi32> to vector<32x2xi32>
    %concatenate3A_1716 = tpu.concatenate %slice3A_1714, %slice3A_1715 in 1 : vector<32x126xi32>, vector<32x2xi32> -> vector<32x128xi32>
    %slice3A_1717 = vector.extract_strided_slice %select_n3A_1700 {offsets = [0, 126], sizes = [32, 2], strides = [1, 1]} : vector<32x128xi32> to vector<32x2xi32>
    %slice3A_1718 = vector.extract_strided_slice %select_n3A_1700 {offsets = [0, 0], sizes = [32, 126], strides = [1, 1]} : vector<32x128xi32> to vector<32x126xi32>
    %concatenate3A_1719 = tpu.concatenate %slice3A_1717, %slice3A_1718 in 1 : vector<32x2xi32>, vector<32x126xi32> -> vector<32x128xi32>
    %slice3A_1720 = vector.extract_strided_slice %select_n3A_1701 {offsets = [0, 2], sizes = [32, 126], strides = [1, 1]} : vector<32x128xi32> to vector<32x126xi32>
    %slice3A_1721 = vector.extract_strided_slice %select_n3A_1701 {offsets = [0, 0], sizes = [32, 2], strides = [1, 1]} : vector<32x128xi32> to vector<32x2xi32>
    %concatenate3A_1722 = tpu.concatenate %slice3A_1720, %slice3A_1721 in 1 : vector<32x126xi32>, vector<32x2xi32> -> vector<32x128xi32>
    %slice3A_1723 = vector.extract_strided_slice %select_n3A_1701 {offsets = [0, 126], sizes = [32, 2], strides = [1, 1]} : vector<32x128xi32> to vector<32x2xi32>
    %slice3A_1724 = vector.extract_strided_slice %select_n3A_1701 {offsets = [0, 0], sizes = [32, 126], strides = [1, 1]} : vector<32x128xi32> to vector<32x126xi32>
    %concatenate3A_1725 = tpu.concatenate %slice3A_1723, %slice3A_1724 in 1 : vector<32x2xi32>, vector<32x126xi32> -> vector<32x128xi32>
    %select_n3A_1726 = arith.select %eq3A_1707, %concatenate3A_1716, %concatenate3A_1719 : vector<32x128xi1>, vector<32x128xi32>
    %select_n3A_1727 = arith.select %eq3A_1707, %concatenate3A_1722, %concatenate3A_1725 : vector<32x128xi1>, vector<32x128xi32>
    %gt3A_1728 = arith.cmpi sgt, %select_n3A_1700, %select_n3A_1726 : vector<32x128xi32>
    %eq3A_1729 = arith.cmpi eq, %select_n3A_1700, %select_n3A_1726 : vector<32x128xi32>
    %lt3A_1730 = arith.cmpi slt, %select_n3A_1701, %select_n3A_1727 : vector<32x128xi32>
    %and3A_1731 = arith.andi %eq3A_1729, %lt3A_1730 : vector<32x128xi1>
    %or3A_1732 = arith.ori %gt3A_1728, %and3A_1731 : vector<32x128xi1>
    %eq3A_1733 = arith.xori %eq3A_1707, %eq3A_1713 : vector<32x128xi1>
    %eq3A_1734 = arith.constant dense<true> : vector<32x128xi1>
    %eq3A_1735 = arith.xori %eq3A_1733, %eq3A_1734 : vector<32x128xi1>
    %eq3A_1736 = arith.xori %or3A_1732, %eq3A_1735 : vector<32x128xi1>
    %eq3A_1737 = arith.constant dense<true> : vector<32x128xi1>
    %eq3A_1738 = arith.xori %eq3A_1736, %eq3A_1737 : vector<32x128xi1>
    %select_n3A_1739 = arith.select %eq3A_1738, %select_n3A_1700, %select_n3A_1726 : vector<32x128xi1>, vector<32x128xi32>
    %select_n3A_1740 = arith.select %eq3A_1738, %select_n3A_1701, %select_n3A_1727 : vector<32x128xi1>, vector<32x128xi32>
    %and3A_1741 = arith.constant 1 : i32
    %and3A_1742 = vector.broadcast %and3A_1741 : i32 to vector<32x128xi32>
    %and3A_1743 = arith.andi %add3A_958, %and3A_1742 : vector<32x128xi32>
    %eq3A_1744 = arith.constant 0 : i32
    %eq3A_1745 = vector.broadcast %eq3A_1744 : i32 to vector<32x128xi32>
    %eq3A_1746 = arith.cmpi eq, %and3A_1743, %eq3A_1745 : vector<32x128xi32>
    %and3A_1747 = arith.constant 64 : i32
    %and3A_1748 = vector.broadcast %and3A_1747 : i32 to vector<32x128xi32>
    %and3A_1749 = arith.andi %add3A_958, %and3A_1748 : vector<32x128xi32>
    %eq3A_1750 = arith.constant 0 : i32
    %eq3A_1751 = vector.broadcast %eq3A_1750 : i32 to vector<32x128xi32>
    %eq3A_1752 = arith.cmpi eq, %and3A_1749, %eq3A_1751 : vector<32x128xi32>
    %slice3A_1753 = vector.extract_strided_slice %select_n3A_1739 {offsets = [0, 1], sizes = [32, 127], strides = [1, 1]} : vector<32x128xi32> to vector<32x127xi32>
    %slice3A_1754 = vector.extract_strided_slice %select_n3A_1739 {offsets = [0, 0], sizes = [32, 1], strides = [1, 1]} : vector<32x128xi32> to vector<32x1xi32>
    %concatenate3A_1755 = tpu.concatenate %slice3A_1753, %slice3A_1754 in 1 : vector<32x127xi32>, vector<32x1xi32> -> vector<32x128xi32>
    %slice3A_1756 = vector.extract_strided_slice %select_n3A_1739 {offsets = [0, 127], sizes = [32, 1], strides = [1, 1]} : vector<32x128xi32> to vector<32x1xi32>
    %slice3A_1757 = vector.extract_strided_slice %select_n3A_1739 {offsets = [0, 0], sizes = [32, 127], strides = [1, 1]} : vector<32x128xi32> to vector<32x127xi32>
    %concatenate3A_1758 = tpu.concatenate %slice3A_1756, %slice3A_1757 in 1 : vector<32x1xi32>, vector<32x127xi32> -> vector<32x128xi32>
    %slice3A_1759 = vector.extract_strided_slice %select_n3A_1740 {offsets = [0, 1], sizes = [32, 127], strides = [1, 1]} : vector<32x128xi32> to vector<32x127xi32>
    %slice3A_1760 = vector.extract_strided_slice %select_n3A_1740 {offsets = [0, 0], sizes = [32, 1], strides = [1, 1]} : vector<32x128xi32> to vector<32x1xi32>
    %concatenate3A_1761 = tpu.concatenate %slice3A_1759, %slice3A_1760 in 1 : vector<32x127xi32>, vector<32x1xi32> -> vector<32x128xi32>
    %slice3A_1762 = vector.extract_strided_slice %select_n3A_1740 {offsets = [0, 127], sizes = [32, 1], strides = [1, 1]} : vector<32x128xi32> to vector<32x1xi32>
    %slice3A_1763 = vector.extract_strided_slice %select_n3A_1740 {offsets = [0, 0], sizes = [32, 127], strides = [1, 1]} : vector<32x128xi32> to vector<32x127xi32>
    %concatenate3A_1764 = tpu.concatenate %slice3A_1762, %slice3A_1763 in 1 : vector<32x1xi32>, vector<32x127xi32> -> vector<32x128xi32>
    %select_n3A_1765 = arith.select %eq3A_1746, %concatenate3A_1755, %concatenate3A_1758 : vector<32x128xi1>, vector<32x128xi32>
    %select_n3A_1766 = arith.select %eq3A_1746, %concatenate3A_1761, %concatenate3A_1764 : vector<32x128xi1>, vector<32x128xi32>
    %gt3A_1767 = arith.cmpi sgt, %select_n3A_1739, %select_n3A_1765 : vector<32x128xi32>
    %eq3A_1768 = arith.cmpi eq, %select_n3A_1739, %select_n3A_1765 : vector<32x128xi32>
    %lt3A_1769 = arith.cmpi slt, %select_n3A_1740, %select_n3A_1766 : vector<32x128xi32>
    %and3A_1770 = arith.andi %eq3A_1768, %lt3A_1769 : vector<32x128xi1>
    %or3A_1771 = arith.ori %gt3A_1767, %and3A_1770 : vector<32x128xi1>
    %eq3A_1772 = arith.xori %eq3A_1746, %eq3A_1752 : vector<32x128xi1>
    %eq3A_1773 = arith.constant dense<true> : vector<32x128xi1>
    %eq3A_1774 = arith.xori %eq3A_1772, %eq3A_1773 : vector<32x128xi1>
    %eq3A_1775 = arith.xori %or3A_1771, %eq3A_1774 : vector<32x128xi1>
    %eq3A_1776 = arith.constant dense<true> : vector<32x128xi1>
    %eq3A_1777 = arith.xori %eq3A_1775, %eq3A_1776 : vector<32x128xi1>
    %select_n3A_1778 = arith.select %eq3A_1777, %select_n3A_1739, %select_n3A_1765 : vector<32x128xi1>, vector<32x128xi32>
    %select_n3A_1779 = arith.select %eq3A_1777, %select_n3A_1740, %select_n3A_1766 : vector<32x128xi1>, vector<32x128xi32>
    %and3A_1780 = arith.constant 64 : i32
    %and3A_1781 = vector.broadcast %and3A_1780 : i32 to vector<32x128xi32>
    %and3A_1782 = arith.andi %add3A_958, %and3A_1781 : vector<32x128xi32>
    %eq3A_1783 = arith.constant 0 : i32
    %eq3A_1784 = vector.broadcast %eq3A_1783 : i32 to vector<32x128xi32>
    %eq3A_1785 = arith.cmpi eq, %and3A_1782, %eq3A_1784 : vector<32x128xi32>
    %and3A_1786 = arith.constant 128 : i32
    %and3A_1787 = vector.broadcast %and3A_1786 : i32 to vector<32x128xi32>
    %and3A_1788 = arith.andi %add3A_958, %and3A_1787 : vector<32x128xi32>
    %eq3A_1789 = arith.constant 0 : i32
    %eq3A_1790 = vector.broadcast %eq3A_1789 : i32 to vector<32x128xi32>
    %eq3A_1791 = arith.cmpi eq, %and3A_1788, %eq3A_1790 : vector<32x128xi32>
    %slice3A_1792 = vector.extract_strided_slice %select_n3A_1778 {offsets = [0, 64], sizes = [32, 64], strides = [1, 1]} : vector<32x128xi32> to vector<32x64xi32>
    %slice3A_1793 = vector.extract_strided_slice %select_n3A_1778 {offsets = [0, 0], sizes = [32, 64], strides = [1, 1]} : vector<32x128xi32> to vector<32x64xi32>
    %concatenate3A_1794 = tpu.concatenate %slice3A_1792, %slice3A_1793 in 1 : vector<32x64xi32>, vector<32x64xi32> -> vector<32x128xi32>
    %slice3A_1795 = vector.extract_strided_slice %select_n3A_1778 {offsets = [0, 64], sizes = [32, 64], strides = [1, 1]} : vector<32x128xi32> to vector<32x64xi32>
    %slice3A_1796 = vector.extract_strided_slice %select_n3A_1778 {offsets = [0, 0], sizes = [32, 64], strides = [1, 1]} : vector<32x128xi32> to vector<32x64xi32>
    %concatenate3A_1797 = tpu.concatenate %slice3A_1795, %slice3A_1796 in 1 : vector<32x64xi32>, vector<32x64xi32> -> vector<32x128xi32>
    %slice3A_1798 = vector.extract_strided_slice %select_n3A_1779 {offsets = [0, 64], sizes = [32, 64], strides = [1, 1]} : vector<32x128xi32> to vector<32x64xi32>
    %slice3A_1799 = vector.extract_strided_slice %select_n3A_1779 {offsets = [0, 0], sizes = [32, 64], strides = [1, 1]} : vector<32x128xi32> to vector<32x64xi32>
    %concatenate3A_1800 = tpu.concatenate %slice3A_1798, %slice3A_1799 in 1 : vector<32x64xi32>, vector<32x64xi32> -> vector<32x128xi32>
    %slice3A_1801 = vector.extract_strided_slice %select_n3A_1779 {offsets = [0, 64], sizes = [32, 64], strides = [1, 1]} : vector<32x128xi32> to vector<32x64xi32>
    %slice3A_1802 = vector.extract_strided_slice %select_n3A_1779 {offsets = [0, 0], sizes = [32, 64], strides = [1, 1]} : vector<32x128xi32> to vector<32x64xi32>
    %concatenate3A_1803 = tpu.concatenate %slice3A_1801, %slice3A_1802 in 1 : vector<32x64xi32>, vector<32x64xi32> -> vector<32x128xi32>
    %select_n3A_1804 = arith.select %eq3A_1785, %concatenate3A_1794, %concatenate3A_1797 : vector<32x128xi1>, vector<32x128xi32>
    %select_n3A_1805 = arith.select %eq3A_1785, %concatenate3A_1800, %concatenate3A_1803 : vector<32x128xi1>, vector<32x128xi32>
    %gt3A_1806 = arith.cmpi sgt, %select_n3A_1778, %select_n3A_1804 : vector<32x128xi32>
    %eq3A_1807 = arith.cmpi eq, %select_n3A_1778, %select_n3A_1804 : vector<32x128xi32>
    %lt3A_1808 = arith.cmpi slt, %select_n3A_1779, %select_n3A_1805 : vector<32x128xi32>
    %and3A_1809 = arith.andi %eq3A_1807, %lt3A_1808 : vector<32x128xi1>
    %or3A_1810 = arith.ori %gt3A_1806, %and3A_1809 : vector<32x128xi1>
    %eq3A_1811 = arith.xori %eq3A_1785, %eq3A_1791 : vector<32x128xi1>
    %eq3A_1812 = arith.constant dense<true> : vector<32x128xi1>
    %eq3A_1813 = arith.xori %eq3A_1811, %eq3A_1812 : vector<32x128xi1>
    %eq3A_1814 = arith.xori %or3A_1810, %eq3A_1813 : vector<32x128xi1>
    %eq3A_1815 = arith.constant dense<true> : vector<32x128xi1>
    %eq3A_1816 = arith.xori %eq3A_1814, %eq3A_1815 : vector<32x128xi1>
    %select_n3A_1817 = arith.select %eq3A_1816, %select_n3A_1778, %select_n3A_1804 : vector<32x128xi1>, vector<32x128xi32>
    %select_n3A_1818 = arith.select %eq3A_1816, %select_n3A_1779, %select_n3A_1805 : vector<32x128xi1>, vector<32x128xi32>
    %and3A_1819 = arith.constant 32 : i32
    %and3A_1820 = vector.broadcast %and3A_1819 : i32 to vector<32x128xi32>
    %and3A_1821 = arith.andi %add3A_958, %and3A_1820 : vector<32x128xi32>
    %eq3A_1822 = arith.constant 0 : i32
    %eq3A_1823 = vector.broadcast %eq3A_1822 : i32 to vector<32x128xi32>
    %eq3A_1824 = arith.cmpi eq, %and3A_1821, %eq3A_1823 : vector<32x128xi32>
    %and3A_1825 = arith.constant 128 : i32
    %and3A_1826 = vector.broadcast %and3A_1825 : i32 to vector<32x128xi32>
    %and3A_1827 = arith.andi %add3A_958, %and3A_1826 : vector<32x128xi32>
    %eq3A_1828 = arith.constant 0 : i32
    %eq3A_1829 = vector.broadcast %eq3A_1828 : i32 to vector<32x128xi32>
    %eq3A_1830 = arith.cmpi eq, %and3A_1827, %eq3A_1829 : vector<32x128xi32>
    %slice3A_1831 = vector.extract_strided_slice %select_n3A_1817 {offsets = [0, 32], sizes = [32, 96], strides = [1, 1]} : vector<32x128xi32> to vector<32x96xi32>
    %slice3A_1832 = vector.extract_strided_slice %select_n3A_1817 {offsets = [0, 0], sizes = [32, 32], strides = [1, 1]} : vector<32x128xi32> to vector<32x32xi32>
    %concatenate3A_1833 = tpu.concatenate %slice3A_1831, %slice3A_1832 in 1 : vector<32x96xi32>, vector<32x32xi32> -> vector<32x128xi32>
    %slice3A_1834 = vector.extract_strided_slice %select_n3A_1817 {offsets = [0, 96], sizes = [32, 32], strides = [1, 1]} : vector<32x128xi32> to vector<32x32xi32>
    %slice3A_1835 = vector.extract_strided_slice %select_n3A_1817 {offsets = [0, 0], sizes = [32, 96], strides = [1, 1]} : vector<32x128xi32> to vector<32x96xi32>
    %concatenate3A_1836 = tpu.concatenate %slice3A_1834, %slice3A_1835 in 1 : vector<32x32xi32>, vector<32x96xi32> -> vector<32x128xi32>
    %slice3A_1837 = vector.extract_strided_slice %select_n3A_1818 {offsets = [0, 32], sizes = [32, 96], strides = [1, 1]} : vector<32x128xi32> to vector<32x96xi32>
    %slice3A_1838 = vector.extract_strided_slice %select_n3A_1818 {offsets = [0, 0], sizes = [32, 32], strides = [1, 1]} : vector<32x128xi32> to vector<32x32xi32>
    %concatenate3A_1839 = tpu.concatenate %slice3A_1837, %slice3A_1838 in 1 : vector<32x96xi32>, vector<32x32xi32> -> vector<32x128xi32>
    %slice3A_1840 = vector.extract_strided_slice %select_n3A_1818 {offsets = [0, 96], sizes = [32, 32], strides = [1, 1]} : vector<32x128xi32> to vector<32x32xi32>
    %slice3A_1841 = vector.extract_strided_slice %select_n3A_1818 {offsets = [0, 0], sizes = [32, 96], strides = [1, 1]} : vector<32x128xi32> to vector<32x96xi32>
    %concatenate3A_1842 = tpu.concatenate %slice3A_1840, %slice3A_1841 in 1 : vector<32x32xi32>, vector<32x96xi32> -> vector<32x128xi32>
    %select_n3A_1843 = arith.select %eq3A_1824, %concatenate3A_1833, %concatenate3A_1836 : vector<32x128xi1>, vector<32x128xi32>
    %select_n3A_1844 = arith.select %eq3A_1824, %concatenate3A_1839, %concatenate3A_1842 : vector<32x128xi1>, vector<32x128xi32>
    %gt3A_1845 = arith.cmpi sgt, %select_n3A_1817, %select_n3A_1843 : vector<32x128xi32>
    %eq3A_1846 = arith.cmpi eq, %select_n3A_1817, %select_n3A_1843 : vector<32x128xi32>
    %lt3A_1847 = arith.cmpi slt, %select_n3A_1818, %select_n3A_1844 : vector<32x128xi32>
    %and3A_1848 = arith.andi %eq3A_1846, %lt3A_1847 : vector<32x128xi1>
    %or3A_1849 = arith.ori %gt3A_1845, %and3A_1848 : vector<32x128xi1>
    %eq3A_1850 = arith.xori %eq3A_1824, %eq3A_1830 : vector<32x128xi1>
    %eq3A_1851 = arith.constant dense<true> : vector<32x128xi1>
    %eq3A_1852 = arith.xori %eq3A_1850, %eq3A_1851 : vector<32x128xi1>
    %eq3A_1853 = arith.xori %or3A_1849, %eq3A_1852 : vector<32x128xi1>
    %eq3A_1854 = arith.constant dense<true> : vector<32x128xi1>
    %eq3A_1855 = arith.xori %eq3A_1853, %eq3A_1854 : vector<32x128xi1>
    %select_n3A_1856 = arith.select %eq3A_1855, %select_n3A_1817, %select_n3A_1843 : vector<32x128xi1>, vector<32x128xi32>
    %select_n3A_1857 = arith.select %eq3A_1855, %select_n3A_1818, %select_n3A_1844 : vector<32x128xi1>, vector<32x128xi32>
    %and3A_1858 = arith.constant 16 : i32
    %and3A_1859 = vector.broadcast %and3A_1858 : i32 to vector<32x128xi32>
    %and3A_1860 = arith.andi %add3A_958, %and3A_1859 : vector<32x128xi32>
    %eq3A_1861 = arith.constant 0 : i32
    %eq3A_1862 = vector.broadcast %eq3A_1861 : i32 to vector<32x128xi32>
    %eq3A_1863 = arith.cmpi eq, %and3A_1860, %eq3A_1862 : vector<32x128xi32>
    %and3A_1864 = arith.constant 128 : i32
    %and3A_1865 = vector.broadcast %and3A_1864 : i32 to vector<32x128xi32>
    %and3A_1866 = arith.andi %add3A_958, %and3A_1865 : vector<32x128xi32>
    %eq3A_1867 = arith.constant 0 : i32
    %eq3A_1868 = vector.broadcast %eq3A_1867 : i32 to vector<32x128xi32>
    %eq3A_1869 = arith.cmpi eq, %and3A_1866, %eq3A_1868 : vector<32x128xi32>
    %slice3A_1870 = vector.extract_strided_slice %select_n3A_1856 {offsets = [0, 16], sizes = [32, 112], strides = [1, 1]} : vector<32x128xi32> to vector<32x112xi32>
    %slice3A_1871 = vector.extract_strided_slice %select_n3A_1856 {offsets = [0, 0], sizes = [32, 16], strides = [1, 1]} : vector<32x128xi32> to vector<32x16xi32>
    %concatenate3A_1872 = tpu.concatenate %slice3A_1870, %slice3A_1871 in 1 : vector<32x112xi32>, vector<32x16xi32> -> vector<32x128xi32>
    %slice3A_1873 = vector.extract_strided_slice %select_n3A_1856 {offsets = [0, 112], sizes = [32, 16], strides = [1, 1]} : vector<32x128xi32> to vector<32x16xi32>
    %slice3A_1874 = vector.extract_strided_slice %select_n3A_1856 {offsets = [0, 0], sizes = [32, 112], strides = [1, 1]} : vector<32x128xi32> to vector<32x112xi32>
    %concatenate3A_1875 = tpu.concatenate %slice3A_1873, %slice3A_1874 in 1 : vector<32x16xi32>, vector<32x112xi32> -> vector<32x128xi32>
    %slice3A_1876 = vector.extract_strided_slice %select_n3A_1857 {offsets = [0, 16], sizes = [32, 112], strides = [1, 1]} : vector<32x128xi32> to vector<32x112xi32>
    %slice3A_1877 = vector.extract_strided_slice %select_n3A_1857 {offsets = [0, 0], sizes = [32, 16], strides = [1, 1]} : vector<32x128xi32> to vector<32x16xi32>
    %concatenate3A_1878 = tpu.concatenate %slice3A_1876, %slice3A_1877 in 1 : vector<32x112xi32>, vector<32x16xi32> -> vector<32x128xi32>
    %slice3A_1879 = vector.extract_strided_slice %select_n3A_1857 {offsets = [0, 112], sizes = [32, 16], strides = [1, 1]} : vector<32x128xi32> to vector<32x16xi32>
    %slice3A_1880 = vector.extract_strided_slice %select_n3A_1857 {offsets = [0, 0], sizes = [32, 112], strides = [1, 1]} : vector<32x128xi32> to vector<32x112xi32>
    %concatenate3A_1881 = tpu.concatenate %slice3A_1879, %slice3A_1880 in 1 : vector<32x16xi32>, vector<32x112xi32> -> vector<32x128xi32>
    %select_n3A_1882 = arith.select %eq3A_1863, %concatenate3A_1872, %concatenate3A_1875 : vector<32x128xi1>, vector<32x128xi32>
    %select_n3A_1883 = arith.select %eq3A_1863, %concatenate3A_1878, %concatenate3A_1881 : vector<32x128xi1>, vector<32x128xi32>
    %gt3A_1884 = arith.cmpi sgt, %select_n3A_1856, %select_n3A_1882 : vector<32x128xi32>
    %eq3A_1885 = arith.cmpi eq, %select_n3A_1856, %select_n3A_1882 : vector<32x128xi32>
    %lt3A_1886 = arith.cmpi slt, %select_n3A_1857, %select_n3A_1883 : vector<32x128xi32>
    %and3A_1887 = arith.andi %eq3A_1885, %lt3A_1886 : vector<32x128xi1>
    %or3A_1888 = arith.ori %gt3A_1884, %and3A_1887 : vector<32x128xi1>
    %eq3A_1889 = arith.xori %eq3A_1863, %eq3A_1869 : vector<32x128xi1>
    %eq3A_1890 = arith.constant dense<true> : vector<32x128xi1>
    %eq3A_1891 = arith.xori %eq3A_1889, %eq3A_1890 : vector<32x128xi1>
    %eq3A_1892 = arith.xori %or3A_1888, %eq3A_1891 : vector<32x128xi1>
    %eq3A_1893 = arith.constant dense<true> : vector<32x128xi1>
    %eq3A_1894 = arith.xori %eq3A_1892, %eq3A_1893 : vector<32x128xi1>
    %select_n3A_1895 = arith.select %eq3A_1894, %select_n3A_1856, %select_n3A_1882 : vector<32x128xi1>, vector<32x128xi32>
    %select_n3A_1896 = arith.select %eq3A_1894, %select_n3A_1857, %select_n3A_1883 : vector<32x128xi1>, vector<32x128xi32>
    %and3A_1897 = arith.constant 8 : i32
    %and3A_1898 = vector.broadcast %and3A_1897 : i32 to vector<32x128xi32>
    %and3A_1899 = arith.andi %add3A_958, %and3A_1898 : vector<32x128xi32>
    %eq3A_1900 = arith.constant 0 : i32
    %eq3A_1901 = vector.broadcast %eq3A_1900 : i32 to vector<32x128xi32>
    %eq3A_1902 = arith.cmpi eq, %and3A_1899, %eq3A_1901 : vector<32x128xi32>
    %and3A_1903 = arith.constant 128 : i32
    %and3A_1904 = vector.broadcast %and3A_1903 : i32 to vector<32x128xi32>
    %and3A_1905 = arith.andi %add3A_958, %and3A_1904 : vector<32x128xi32>
    %eq3A_1906 = arith.constant 0 : i32
    %eq3A_1907 = vector.broadcast %eq3A_1906 : i32 to vector<32x128xi32>
    %eq3A_1908 = arith.cmpi eq, %and3A_1905, %eq3A_1907 : vector<32x128xi32>
    %slice3A_1909 = vector.extract_strided_slice %select_n3A_1895 {offsets = [0, 8], sizes = [32, 120], strides = [1, 1]} : vector<32x128xi32> to vector<32x120xi32>
    %slice3A_1910 = vector.extract_strided_slice %select_n3A_1895 {offsets = [0, 0], sizes = [32, 8], strides = [1, 1]} : vector<32x128xi32> to vector<32x8xi32>
    %concatenate3A_1911 = tpu.concatenate %slice3A_1909, %slice3A_1910 in 1 : vector<32x120xi32>, vector<32x8xi32> -> vector<32x128xi32>
    %slice3A_1912 = vector.extract_strided_slice %select_n3A_1895 {offsets = [0, 120], sizes = [32, 8], strides = [1, 1]} : vector<32x128xi32> to vector<32x8xi32>
    %slice3A_1913 = vector.extract_strided_slice %select_n3A_1895 {offsets = [0, 0], sizes = [32, 120], strides = [1, 1]} : vector<32x128xi32> to vector<32x120xi32>
    %concatenate3A_1914 = tpu.concatenate %slice3A_1912, %slice3A_1913 in 1 : vector<32x8xi32>, vector<32x120xi32> -> vector<32x128xi32>
    %slice3A_1915 = vector.extract_strided_slice %select_n3A_1896 {offsets = [0, 8], sizes = [32, 120], strides = [1, 1]} : vector<32x128xi32> to vector<32x120xi32>
    %slice3A_1916 = vector.extract_strided_slice %select_n3A_1896 {offsets = [0, 0], sizes = [32, 8], strides = [1, 1]} : vector<32x128xi32> to vector<32x8xi32>
    %concatenate3A_1917 = tpu.concatenate %slice3A_1915, %slice3A_1916 in 1 : vector<32x120xi32>, vector<32x8xi32> -> vector<32x128xi32>
    %slice3A_1918 = vector.extract_strided_slice %select_n3A_1896 {offsets = [0, 120], sizes = [32, 8], strides = [1, 1]} : vector<32x128xi32> to vector<32x8xi32>
    %slice3A_1919 = vector.extract_strided_slice %select_n3A_1896 {offsets = [0, 0], sizes = [32, 120], strides = [1, 1]} : vector<32x128xi32> to vector<32x120xi32>
    %concatenate3A_1920 = tpu.concatenate %slice3A_1918, %slice3A_1919 in 1 : vector<32x8xi32>, vector<32x120xi32> -> vector<32x128xi32>
    %select_n3A_1921 = arith.select %eq3A_1902, %concatenate3A_1911, %concatenate3A_1914 : vector<32x128xi1>, vector<32x128xi32>
    %select_n3A_1922 = arith.select %eq3A_1902, %concatenate3A_1917, %concatenate3A_1920 : vector<32x128xi1>, vector<32x128xi32>
    %gt3A_1923 = arith.cmpi sgt, %select_n3A_1895, %select_n3A_1921 : vector<32x128xi32>
    %eq3A_1924 = arith.cmpi eq, %select_n3A_1895, %select_n3A_1921 : vector<32x128xi32>
    %lt3A_1925 = arith.cmpi slt, %select_n3A_1896, %select_n3A_1922 : vector<32x128xi32>
    %and3A_1926 = arith.andi %eq3A_1924, %lt3A_1925 : vector<32x128xi1>
    %or3A_1927 = arith.ori %gt3A_1923, %and3A_1926 : vector<32x128xi1>
    %eq3A_1928 = arith.xori %eq3A_1902, %eq3A_1908 : vector<32x128xi1>
    %eq3A_1929 = arith.constant dense<true> : vector<32x128xi1>
    %eq3A_1930 = arith.xori %eq3A_1928, %eq3A_1929 : vector<32x128xi1>
    %eq3A_1931 = arith.xori %or3A_1927, %eq3A_1930 : vector<32x128xi1>
    %eq3A_1932 = arith.constant dense<true> : vector<32x128xi1>
    %eq3A_1933 = arith.xori %eq3A_1931, %eq3A_1932 : vector<32x128xi1>
    %select_n3A_1934 = arith.select %eq3A_1933, %select_n3A_1895, %select_n3A_1921 : vector<32x128xi1>, vector<32x128xi32>
    %select_n3A_1935 = arith.select %eq3A_1933, %select_n3A_1896, %select_n3A_1922 : vector<32x128xi1>, vector<32x128xi32>
    %and3A_1936 = arith.constant 4 : i32
    %and3A_1937 = vector.broadcast %and3A_1936 : i32 to vector<32x128xi32>
    %and3A_1938 = arith.andi %add3A_958, %and3A_1937 : vector<32x128xi32>
    %eq3A_1939 = arith.constant 0 : i32
    %eq3A_1940 = vector.broadcast %eq3A_1939 : i32 to vector<32x128xi32>
    %eq3A_1941 = arith.cmpi eq, %and3A_1938, %eq3A_1940 : vector<32x128xi32>
    %and3A_1942 = arith.constant 128 : i32
    %and3A_1943 = vector.broadcast %and3A_1942 : i32 to vector<32x128xi32>
    %and3A_1944 = arith.andi %add3A_958, %and3A_1943 : vector<32x128xi32>
    %eq3A_1945 = arith.constant 0 : i32
    %eq3A_1946 = vector.broadcast %eq3A_1945 : i32 to vector<32x128xi32>
    %eq3A_1947 = arith.cmpi eq, %and3A_1944, %eq3A_1946 : vector<32x128xi32>
    %slice3A_1948 = vector.extract_strided_slice %select_n3A_1934 {offsets = [0, 4], sizes = [32, 124], strides = [1, 1]} : vector<32x128xi32> to vector<32x124xi32>
    %slice3A_1949 = vector.extract_strided_slice %select_n3A_1934 {offsets = [0, 0], sizes = [32, 4], strides = [1, 1]} : vector<32x128xi32> to vector<32x4xi32>
    %concatenate3A_1950 = tpu.concatenate %slice3A_1948, %slice3A_1949 in 1 : vector<32x124xi32>, vector<32x4xi32> -> vector<32x128xi32>
    %slice3A_1951 = vector.extract_strided_slice %select_n3A_1934 {offsets = [0, 124], sizes = [32, 4], strides = [1, 1]} : vector<32x128xi32> to vector<32x4xi32>
    %slice3A_1952 = vector.extract_strided_slice %select_n3A_1934 {offsets = [0, 0], sizes = [32, 124], strides = [1, 1]} : vector<32x128xi32> to vector<32x124xi32>
    %concatenate3A_1953 = tpu.concatenate %slice3A_1951, %slice3A_1952 in 1 : vector<32x4xi32>, vector<32x124xi32> -> vector<32x128xi32>
    %slice3A_1954 = vector.extract_strided_slice %select_n3A_1935 {offsets = [0, 4], sizes = [32, 124], strides = [1, 1]} : vector<32x128xi32> to vector<32x124xi32>
    %slice3A_1955 = vector.extract_strided_slice %select_n3A_1935 {offsets = [0, 0], sizes = [32, 4], strides = [1, 1]} : vector<32x128xi32> to vector<32x4xi32>
    %concatenate3A_1956 = tpu.concatenate %slice3A_1954, %slice3A_1955 in 1 : vector<32x124xi32>, vector<32x4xi32> -> vector<32x128xi32>
    %slice3A_1957 = vector.extract_strided_slice %select_n3A_1935 {offsets = [0, 124], sizes = [32, 4], strides = [1, 1]} : vector<32x128xi32> to vector<32x4xi32>
    %slice3A_1958 = vector.extract_strided_slice %select_n3A_1935 {offsets = [0, 0], sizes = [32, 124], strides = [1, 1]} : vector<32x128xi32> to vector<32x124xi32>
    %concatenate3A_1959 = tpu.concatenate %slice3A_1957, %slice3A_1958 in 1 : vector<32x4xi32>, vector<32x124xi32> -> vector<32x128xi32>
    %select_n3A_1960 = arith.select %eq3A_1941, %concatenate3A_1950, %concatenate3A_1953 : vector<32x128xi1>, vector<32x128xi32>
    %select_n3A_1961 = arith.select %eq3A_1941, %concatenate3A_1956, %concatenate3A_1959 : vector<32x128xi1>, vector<32x128xi32>
    %gt3A_1962 = arith.cmpi sgt, %select_n3A_1934, %select_n3A_1960 : vector<32x128xi32>
    %eq3A_1963 = arith.cmpi eq, %select_n3A_1934, %select_n3A_1960 : vector<32x128xi32>
    %lt3A_1964 = arith.cmpi slt, %select_n3A_1935, %select_n3A_1961 : vector<32x128xi32>
    %and3A_1965 = arith.andi %eq3A_1963, %lt3A_1964 : vector<32x128xi1>
    %or3A_1966 = arith.ori %gt3A_1962, %and3A_1965 : vector<32x128xi1>
    %eq3A_1967 = arith.xori %eq3A_1941, %eq3A_1947 : vector<32x128xi1>
    %eq3A_1968 = arith.constant dense<true> : vector<32x128xi1>
    %eq3A_1969 = arith.xori %eq3A_1967, %eq3A_1968 : vector<32x128xi1>
    %eq3A_1970 = arith.xori %or3A_1966, %eq3A_1969 : vector<32x128xi1>
    %eq3A_1971 = arith.constant dense<true> : vector<32x128xi1>
    %eq3A_1972 = arith.xori %eq3A_1970, %eq3A_1971 : vector<32x128xi1>
    %select_n3A_1973 = arith.select %eq3A_1972, %select_n3A_1934, %select_n3A_1960 : vector<32x128xi1>, vector<32x128xi32>
    %select_n3A_1974 = arith.select %eq3A_1972, %select_n3A_1935, %select_n3A_1961 : vector<32x128xi1>, vector<32x128xi32>
    %and3A_1975 = arith.constant 2 : i32
    %and3A_1976 = vector.broadcast %and3A_1975 : i32 to vector<32x128xi32>
    %and3A_1977 = arith.andi %add3A_958, %and3A_1976 : vector<32x128xi32>
    %eq3A_1978 = arith.constant 0 : i32
    %eq3A_1979 = vector.broadcast %eq3A_1978 : i32 to vector<32x128xi32>
    %eq3A_1980 = arith.cmpi eq, %and3A_1977, %eq3A_1979 : vector<32x128xi32>
    %and3A_1981 = arith.constant 128 : i32
    %and3A_1982 = vector.broadcast %and3A_1981 : i32 to vector<32x128xi32>
    %and3A_1983 = arith.andi %add3A_958, %and3A_1982 : vector<32x128xi32>
    %eq3A_1984 = arith.constant 0 : i32
    %eq3A_1985 = vector.broadcast %eq3A_1984 : i32 to vector<32x128xi32>
    %eq3A_1986 = arith.cmpi eq, %and3A_1983, %eq3A_1985 : vector<32x128xi32>
    %slice3A_1987 = vector.extract_strided_slice %select_n3A_1973 {offsets = [0, 2], sizes = [32, 126], strides = [1, 1]} : vector<32x128xi32> to vector<32x126xi32>
    %slice3A_1988 = vector.extract_strided_slice %select_n3A_1973 {offsets = [0, 0], sizes = [32, 2], strides = [1, 1]} : vector<32x128xi32> to vector<32x2xi32>
    %concatenate3A_1989 = tpu.concatenate %slice3A_1987, %slice3A_1988 in 1 : vector<32x126xi32>, vector<32x2xi32> -> vector<32x128xi32>
    %slice3A_1990 = vector.extract_strided_slice %select_n3A_1973 {offsets = [0, 126], sizes = [32, 2], strides = [1, 1]} : vector<32x128xi32> to vector<32x2xi32>
    %slice3A_1991 = vector.extract_strided_slice %select_n3A_1973 {offsets = [0, 0], sizes = [32, 126], strides = [1, 1]} : vector<32x128xi32> to vector<32x126xi32>
    %concatenate3A_1992 = tpu.concatenate %slice3A_1990, %slice3A_1991 in 1 : vector<32x2xi32>, vector<32x126xi32> -> vector<32x128xi32>
    %slice3A_1993 = vector.extract_strided_slice %select_n3A_1974 {offsets = [0, 2], sizes = [32, 126], strides = [1, 1]} : vector<32x128xi32> to vector<32x126xi32>
    %slice3A_1994 = vector.extract_strided_slice %select_n3A_1974 {offsets = [0, 0], sizes = [32, 2], strides = [1, 1]} : vector<32x128xi32> to vector<32x2xi32>
    %concatenate3A_1995 = tpu.concatenate %slice3A_1993, %slice3A_1994 in 1 : vector<32x126xi32>, vector<32x2xi32> -> vector<32x128xi32>
    %slice3A_1996 = vector.extract_strided_slice %select_n3A_1974 {offsets = [0, 126], sizes = [32, 2], strides = [1, 1]} : vector<32x128xi32> to vector<32x2xi32>
    %slice3A_1997 = vector.extract_strided_slice %select_n3A_1974 {offsets = [0, 0], sizes = [32, 126], strides = [1, 1]} : vector<32x128xi32> to vector<32x126xi32>
    %concatenate3A_1998 = tpu.concatenate %slice3A_1996, %slice3A_1997 in 1 : vector<32x2xi32>, vector<32x126xi32> -> vector<32x128xi32>
    %select_n3A_1999 = arith.select %eq3A_1980, %concatenate3A_1989, %concatenate3A_1992 : vector<32x128xi1>, vector<32x128xi32>
    %select_n3A_2000 = arith.select %eq3A_1980, %concatenate3A_1995, %concatenate3A_1998 : vector<32x128xi1>, vector<32x128xi32>
    %gt3A_2001 = arith.cmpi sgt, %select_n3A_1973, %select_n3A_1999 : vector<32x128xi32>
    %eq3A_2002 = arith.cmpi eq, %select_n3A_1973, %select_n3A_1999 : vector<32x128xi32>
    %lt3A_2003 = arith.cmpi slt, %select_n3A_1974, %select_n3A_2000 : vector<32x128xi32>
    %and3A_2004 = arith.andi %eq3A_2002, %lt3A_2003 : vector<32x128xi1>
    %or3A_2005 = arith.ori %gt3A_2001, %and3A_2004 : vector<32x128xi1>
    %eq3A_2006 = arith.xori %eq3A_1980, %eq3A_1986 : vector<32x128xi1>
    %eq3A_2007 = arith.constant dense<true> : vector<32x128xi1>
    %eq3A_2008 = arith.xori %eq3A_2006, %eq3A_2007 : vector<32x128xi1>
    %eq3A_2009 = arith.xori %or3A_2005, %eq3A_2008 : vector<32x128xi1>
    %eq3A_2010 = arith.constant dense<true> : vector<32x128xi1>
    %eq3A_2011 = arith.xori %eq3A_2009, %eq3A_2010 : vector<32x128xi1>
    %select_n3A_2012 = arith.select %eq3A_2011, %select_n3A_1973, %select_n3A_1999 : vector<32x128xi1>, vector<32x128xi32>
    %select_n3A_2013 = arith.select %eq3A_2011, %select_n3A_1974, %select_n3A_2000 : vector<32x128xi1>, vector<32x128xi32>
    %and3A_2014 = arith.constant 1 : i32
    %and3A_2015 = vector.broadcast %and3A_2014 : i32 to vector<32x128xi32>
    %and3A_2016 = arith.andi %add3A_958, %and3A_2015 : vector<32x128xi32>
    %eq3A_2017 = arith.constant 0 : i32
    %eq3A_2018 = vector.broadcast %eq3A_2017 : i32 to vector<32x128xi32>
    %eq3A_2019 = arith.cmpi eq, %and3A_2016, %eq3A_2018 : vector<32x128xi32>
    %and3A_2020 = arith.constant 128 : i32
    %and3A_2021 = vector.broadcast %and3A_2020 : i32 to vector<32x128xi32>
    %and3A_2022 = arith.andi %add3A_958, %and3A_2021 : vector<32x128xi32>
    %eq3A_2023 = arith.constant 0 : i32
    %eq3A_2024 = vector.broadcast %eq3A_2023 : i32 to vector<32x128xi32>
    %eq3A_2025 = arith.cmpi eq, %and3A_2022, %eq3A_2024 : vector<32x128xi32>
    %slice3A_2026 = vector.extract_strided_slice %select_n3A_2012 {offsets = [0, 1], sizes = [32, 127], strides = [1, 1]} : vector<32x128xi32> to vector<32x127xi32>
    %slice3A_2027 = vector.extract_strided_slice %select_n3A_2012 {offsets = [0, 0], sizes = [32, 1], strides = [1, 1]} : vector<32x128xi32> to vector<32x1xi32>
    %concatenate3A_2028 = tpu.concatenate %slice3A_2026, %slice3A_2027 in 1 : vector<32x127xi32>, vector<32x1xi32> -> vector<32x128xi32>
    %slice3A_2029 = vector.extract_strided_slice %select_n3A_2012 {offsets = [0, 127], sizes = [32, 1], strides = [1, 1]} : vector<32x128xi32> to vector<32x1xi32>
    %slice3A_2030 = vector.extract_strided_slice %select_n3A_2012 {offsets = [0, 0], sizes = [32, 127], strides = [1, 1]} : vector<32x128xi32> to vector<32x127xi32>
    %concatenate3A_2031 = tpu.concatenate %slice3A_2029, %slice3A_2030 in 1 : vector<32x1xi32>, vector<32x127xi32> -> vector<32x128xi32>
    %slice3A_2032 = vector.extract_strided_slice %select_n3A_2013 {offsets = [0, 1], sizes = [32, 127], strides = [1, 1]} : vector<32x128xi32> to vector<32x127xi32>
    %slice3A_2033 = vector.extract_strided_slice %select_n3A_2013 {offsets = [0, 0], sizes = [32, 1], strides = [1, 1]} : vector<32x128xi32> to vector<32x1xi32>
    %concatenate3A_2034 = tpu.concatenate %slice3A_2032, %slice3A_2033 in 1 : vector<32x127xi32>, vector<32x1xi32> -> vector<32x128xi32>
    %slice3A_2035 = vector.extract_strided_slice %select_n3A_2013 {offsets = [0, 127], sizes = [32, 1], strides = [1, 1]} : vector<32x128xi32> to vector<32x1xi32>
    %slice3A_2036 = vector.extract_strided_slice %select_n3A_2013 {offsets = [0, 0], sizes = [32, 127], strides = [1, 1]} : vector<32x128xi32> to vector<32x127xi32>
    %concatenate3A_2037 = tpu.concatenate %slice3A_2035, %slice3A_2036 in 1 : vector<32x1xi32>, vector<32x127xi32> -> vector<32x128xi32>
    %select_n3A_2038 = arith.select %eq3A_2019, %concatenate3A_2028, %concatenate3A_2031 : vector<32x128xi1>, vector<32x128xi32>
    %select_n3A_2039 = arith.select %eq3A_2019, %concatenate3A_2034, %concatenate3A_2037 : vector<32x128xi1>, vector<32x128xi32>
    %gt3A_2040 = arith.cmpi sgt, %select_n3A_2012, %select_n3A_2038 : vector<32x128xi32>
    %eq3A_2041 = arith.cmpi eq, %select_n3A_2012, %select_n3A_2038 : vector<32x128xi32>
    %lt3A_2042 = arith.cmpi slt, %select_n3A_2013, %select_n3A_2039 : vector<32x128xi32>
    %and3A_2043 = arith.andi %eq3A_2041, %lt3A_2042 : vector<32x128xi1>
    %or3A_2044 = arith.ori %gt3A_2040, %and3A_2043 : vector<32x128xi1>
    %eq3A_2045 = arith.xori %eq3A_2019, %eq3A_2025 : vector<32x128xi1>
    %eq3A_2046 = arith.constant dense<true> : vector<32x128xi1>
    %eq3A_2047 = arith.xori %eq3A_2045, %eq3A_2046 : vector<32x128xi1>
    %eq3A_2048 = arith.xori %or3A_2044, %eq3A_2047 : vector<32x128xi1>
    %eq3A_2049 = arith.constant dense<true> : vector<32x128xi1>
    %eq3A_2050 = arith.xori %eq3A_2048, %eq3A_2049 : vector<32x128xi1>
    %select_n3A_2051 = arith.select %eq3A_2050, %select_n3A_2012, %select_n3A_2038 : vector<32x128xi1>, vector<32x128xi32>
    %select_n3A_2052 = arith.select %eq3A_2050, %select_n3A_2013, %select_n3A_2039 : vector<32x128xi1>, vector<32x128xi32>
    %and3A_2053 = arith.constant 128 : i32
    %and3A_2054 = vector.broadcast %and3A_2053 : i32 to vector<32x128xi32>
    %and3A_2055 = arith.andi %add3A_958, %and3A_2054 : vector<32x128xi32>
    %eq3A_2056 = arith.constant 0 : i32
    %eq3A_2057 = vector.broadcast %eq3A_2056 : i32 to vector<32x128xi32>
    %eq3A_2058 = arith.cmpi eq, %and3A_2055, %eq3A_2057 : vector<32x128xi32>
    %and3A_2059 = arith.constant 256 : i32
    %and3A_2060 = vector.broadcast %and3A_2059 : i32 to vector<32x128xi32>
    %and3A_2061 = arith.andi %add3A_958, %and3A_2060 : vector<32x128xi32>
    %eq3A_2062 = arith.constant 0 : i32
    %eq3A_2063 = vector.broadcast %eq3A_2062 : i32 to vector<32x128xi32>
    %eq3A_2064 = arith.cmpi eq, %and3A_2061, %eq3A_2063 : vector<32x128xi32>
    %slice3A_2065 = vector.extract_strided_slice %select_n3A_2051 {offsets = [1, 0], sizes = [31, 128], strides = [1, 1]} : vector<32x128xi32> to vector<31x128xi32>
    %slice3A_2066 = vector.extract_strided_slice %select_n3A_2051 {offsets = [0, 0], sizes = [1, 128], strides = [1, 1]} : vector<32x128xi32> to vector<1x128xi32>
    %concatenate3A_2067 = tpu.concatenate %slice3A_2065, %slice3A_2066 in 0 : vector<31x128xi32>, vector<1x128xi32> -> vector<32x128xi32>
    %slice3A_2068 = vector.extract_strided_slice %select_n3A_2051 {offsets = [31, 0], sizes = [1, 128], strides = [1, 1]} : vector<32x128xi32> to vector<1x128xi32>
    %slice3A_2069 = vector.extract_strided_slice %select_n3A_2051 {offsets = [0, 0], sizes = [31, 128], strides = [1, 1]} : vector<32x128xi32> to vector<31x128xi32>
    %concatenate3A_2070 = tpu.concatenate %slice3A_2068, %slice3A_2069 in 0 : vector<1x128xi32>, vector<31x128xi32> -> vector<32x128xi32>
    %slice3A_2071 = vector.extract_strided_slice %select_n3A_2052 {offsets = [1, 0], sizes = [31, 128], strides = [1, 1]} : vector<32x128xi32> to vector<31x128xi32>
    %slice3A_2072 = vector.extract_strided_slice %select_n3A_2052 {offsets = [0, 0], sizes = [1, 128], strides = [1, 1]} : vector<32x128xi32> to vector<1x128xi32>
    %concatenate3A_2073 = tpu.concatenate %slice3A_2071, %slice3A_2072 in 0 : vector<31x128xi32>, vector<1x128xi32> -> vector<32x128xi32>
    %slice3A_2074 = vector.extract_strided_slice %select_n3A_2052 {offsets = [31, 0], sizes = [1, 128], strides = [1, 1]} : vector<32x128xi32> to vector<1x128xi32>
    %slice3A_2075 = vector.extract_strided_slice %select_n3A_2052 {offsets = [0, 0], sizes = [31, 128], strides = [1, 1]} : vector<32x128xi32> to vector<31x128xi32>
    %concatenate3A_2076 = tpu.concatenate %slice3A_2074, %slice3A_2075 in 0 : vector<1x128xi32>, vector<31x128xi32> -> vector<32x128xi32>
    %select_n3A_2077 = arith.select %eq3A_2058, %concatenate3A_2067, %concatenate3A_2070 : vector<32x128xi1>, vector<32x128xi32>
    %select_n3A_2078 = arith.select %eq3A_2058, %concatenate3A_2073, %concatenate3A_2076 : vector<32x128xi1>, vector<32x128xi32>
    %gt3A_2079 = arith.cmpi sgt, %select_n3A_2051, %select_n3A_2077 : vector<32x128xi32>
    %eq3A_2080 = arith.cmpi eq, %select_n3A_2051, %select_n3A_2077 : vector<32x128xi32>
    %lt3A_2081 = arith.cmpi slt, %select_n3A_2052, %select_n3A_2078 : vector<32x128xi32>
    %and3A_2082 = arith.andi %eq3A_2080, %lt3A_2081 : vector<32x128xi1>
    %or3A_2083 = arith.ori %gt3A_2079, %and3A_2082 : vector<32x128xi1>
    %eq3A_2084 = arith.xori %eq3A_2058, %eq3A_2064 : vector<32x128xi1>
    %eq3A_2085 = arith.constant dense<true> : vector<32x128xi1>
    %eq3A_2086 = arith.xori %eq3A_2084, %eq3A_2085 : vector<32x128xi1>
    %eq3A_2087 = arith.xori %or3A_2083, %eq3A_2086 : vector<32x128xi1>
    %eq3A_2088 = arith.constant dense<true> : vector<32x128xi1>
    %eq3A_2089 = arith.xori %eq3A_2087, %eq3A_2088 : vector<32x128xi1>
    %select_n3A_2090 = arith.select %eq3A_2089, %select_n3A_2051, %select_n3A_2077 : vector<32x128xi1>, vector<32x128xi32>
    %select_n3A_2091 = arith.select %eq3A_2089, %select_n3A_2052, %select_n3A_2078 : vector<32x128xi1>, vector<32x128xi32>
    %and3A_2092 = arith.constant 64 : i32
    %and3A_2093 = vector.broadcast %and3A_2092 : i32 to vector<32x128xi32>
    %and3A_2094 = arith.andi %add3A_958, %and3A_2093 : vector<32x128xi32>
    %eq3A_2095 = arith.constant 0 : i32
    %eq3A_2096 = vector.broadcast %eq3A_2095 : i32 to vector<32x128xi32>
    %eq3A_2097 = arith.cmpi eq, %and3A_2094, %eq3A_2096 : vector<32x128xi32>
    %and3A_2098 = arith.constant 256 : i32
    %and3A_2099 = vector.broadcast %and3A_2098 : i32 to vector<32x128xi32>
    %and3A_2100 = arith.andi %add3A_958, %and3A_2099 : vector<32x128xi32>
    %eq3A_2101 = arith.constant 0 : i32
    %eq3A_2102 = vector.broadcast %eq3A_2101 : i32 to vector<32x128xi32>
    %eq3A_2103 = arith.cmpi eq, %and3A_2100, %eq3A_2102 : vector<32x128xi32>
    %slice3A_2104 = vector.extract_strided_slice %select_n3A_2090 {offsets = [0, 64], sizes = [32, 64], strides = [1, 1]} : vector<32x128xi32> to vector<32x64xi32>
    %slice3A_2105 = vector.extract_strided_slice %select_n3A_2090 {offsets = [0, 0], sizes = [32, 64], strides = [1, 1]} : vector<32x128xi32> to vector<32x64xi32>
    %concatenate3A_2106 = tpu.concatenate %slice3A_2104, %slice3A_2105 in 1 : vector<32x64xi32>, vector<32x64xi32> -> vector<32x128xi32>
    %slice3A_2107 = vector.extract_strided_slice %select_n3A_2090 {offsets = [0, 64], sizes = [32, 64], strides = [1, 1]} : vector<32x128xi32> to vector<32x64xi32>
    %slice3A_2108 = vector.extract_strided_slice %select_n3A_2090 {offsets = [0, 0], sizes = [32, 64], strides = [1, 1]} : vector<32x128xi32> to vector<32x64xi32>
    %concatenate3A_2109 = tpu.concatenate %slice3A_2107, %slice3A_2108 in 1 : vector<32x64xi32>, vector<32x64xi32> -> vector<32x128xi32>
    %slice3A_2110 = vector.extract_strided_slice %select_n3A_2091 {offsets = [0, 64], sizes = [32, 64], strides = [1, 1]} : vector<32x128xi32> to vector<32x64xi32>
    %slice3A_2111 = vector.extract_strided_slice %select_n3A_2091 {offsets = [0, 0], sizes = [32, 64], strides = [1, 1]} : vector<32x128xi32> to vector<32x64xi32>
    %concatenate3A_2112 = tpu.concatenate %slice3A_2110, %slice3A_2111 in 1 : vector<32x64xi32>, vector<32x64xi32> -> vector<32x128xi32>
    %slice3A_2113 = vector.extract_strided_slice %select_n3A_2091 {offsets = [0, 64], sizes = [32, 64], strides = [1, 1]} : vector<32x128xi32> to vector<32x64xi32>
    %slice3A_2114 = vector.extract_strided_slice %select_n3A_2091 {offsets = [0, 0], sizes = [32, 64], strides = [1, 1]} : vector<32x128xi32> to vector<32x64xi32>
    %concatenate3A_2115 = tpu.concatenate %slice3A_2113, %slice3A_2114 in 1 : vector<32x64xi32>, vector<32x64xi32> -> vector<32x128xi32>
    %select_n3A_2116 = arith.select %eq3A_2097, %concatenate3A_2106, %concatenate3A_2109 : vector<32x128xi1>, vector<32x128xi32>
    %select_n3A_2117 = arith.select %eq3A_2097, %concatenate3A_2112, %concatenate3A_2115 : vector<32x128xi1>, vector<32x128xi32>
    %gt3A_2118 = arith.cmpi sgt, %select_n3A_2090, %select_n3A_2116 : vector<32x128xi32>
    %eq3A_2119 = arith.cmpi eq, %select_n3A_2090, %select_n3A_2116 : vector<32x128xi32>
    %lt3A_2120 = arith.cmpi slt, %select_n3A_2091, %select_n3A_2117 : vector<32x128xi32>
    %and3A_2121 = arith.andi %eq3A_2119, %lt3A_2120 : vector<32x128xi1>
    %or3A_2122 = arith.ori %gt3A_2118, %and3A_2121 : vector<32x128xi1>
    %eq3A_2123 = arith.xori %eq3A_2097, %eq3A_2103 : vector<32x128xi1>
    %eq3A_2124 = arith.constant dense<true> : vector<32x128xi1>
    %eq3A_2125 = arith.xori %eq3A_2123, %eq3A_2124 : vector<32x128xi1>
    %eq3A_2126 = arith.xori %or3A_2122, %eq3A_2125 : vector<32x128xi1>
    %eq3A_2127 = arith.constant dense<true> : vector<32x128xi1>
    %eq3A_2128 = arith.xori %eq3A_2126, %eq3A_2127 : vector<32x128xi1>
    %select_n3A_2129 = arith.select %eq3A_2128, %select_n3A_2090, %select_n3A_2116 : vector<32x128xi1>, vector<32x128xi32>
    %select_n3A_2130 = arith.select %eq3A_2128, %select_n3A_2091, %select_n3A_2117 : vector<32x128xi1>, vector<32x128xi32>
    %and3A_2131 = arith.constant 32 : i32
    %and3A_2132 = vector.broadcast %and3A_2131 : i32 to vector<32x128xi32>
    %and3A_2133 = arith.andi %add3A_958, %and3A_2132 : vector<32x128xi32>
    %eq3A_2134 = arith.constant 0 : i32
    %eq3A_2135 = vector.broadcast %eq3A_2134 : i32 to vector<32x128xi32>
    %eq3A_2136 = arith.cmpi eq, %and3A_2133, %eq3A_2135 : vector<32x128xi32>
    %and3A_2137 = arith.constant 256 : i32
    %and3A_2138 = vector.broadcast %and3A_2137 : i32 to vector<32x128xi32>
    %and3A_2139 = arith.andi %add3A_958, %and3A_2138 : vector<32x128xi32>
    %eq3A_2140 = arith.constant 0 : i32
    %eq3A_2141 = vector.broadcast %eq3A_2140 : i32 to vector<32x128xi32>
    %eq3A_2142 = arith.cmpi eq, %and3A_2139, %eq3A_2141 : vector<32x128xi32>
    %slice3A_2143 = vector.extract_strided_slice %select_n3A_2129 {offsets = [0, 32], sizes = [32, 96], strides = [1, 1]} : vector<32x128xi32> to vector<32x96xi32>
    %slice3A_2144 = vector.extract_strided_slice %select_n3A_2129 {offsets = [0, 0], sizes = [32, 32], strides = [1, 1]} : vector<32x128xi32> to vector<32x32xi32>
    %concatenate3A_2145 = tpu.concatenate %slice3A_2143, %slice3A_2144 in 1 : vector<32x96xi32>, vector<32x32xi32> -> vector<32x128xi32>
    %slice3A_2146 = vector.extract_strided_slice %select_n3A_2129 {offsets = [0, 96], sizes = [32, 32], strides = [1, 1]} : vector<32x128xi32> to vector<32x32xi32>
    %slice3A_2147 = vector.extract_strided_slice %select_n3A_2129 {offsets = [0, 0], sizes = [32, 96], strides = [1, 1]} : vector<32x128xi32> to vector<32x96xi32>
    %concatenate3A_2148 = tpu.concatenate %slice3A_2146, %slice3A_2147 in 1 : vector<32x32xi32>, vector<32x96xi32> -> vector<32x128xi32>
    %slice3A_2149 = vector.extract_strided_slice %select_n3A_2130 {offsets = [0, 32], sizes = [32, 96], strides = [1, 1]} : vector<32x128xi32> to vector<32x96xi32>
    %slice3A_2150 = vector.extract_strided_slice %select_n3A_2130 {offsets = [0, 0], sizes = [32, 32], strides = [1, 1]} : vector<32x128xi32> to vector<32x32xi32>
    %concatenate3A_2151 = tpu.concatenate %slice3A_2149, %slice3A_2150 in 1 : vector<32x96xi32>, vector<32x32xi32> -> vector<32x128xi32>
    %slice3A_2152 = vector.extract_strided_slice %select_n3A_2130 {offsets = [0, 96], sizes = [32, 32], strides = [1, 1]} : vector<32x128xi32> to vector<32x32xi32>
    %slice3A_2153 = vector.extract_strided_slice %select_n3A_2130 {offsets = [0, 0], sizes = [32, 96], strides = [1, 1]} : vector<32x128xi32> to vector<32x96xi32>
    %concatenate3A_2154 = tpu.concatenate %slice3A_2152, %slice3A_2153 in 1 : vector<32x32xi32>, vector<32x96xi32> -> vector<32x128xi32>
    %select_n3A_2155 = arith.select %eq3A_2136, %concatenate3A_2145, %concatenate3A_2148 : vector<32x128xi1>, vector<32x128xi32>
    %select_n3A_2156 = arith.select %eq3A_2136, %concatenate3A_2151, %concatenate3A_2154 : vector<32x128xi1>, vector<32x128xi32>
    %gt3A_2157 = arith.cmpi sgt, %select_n3A_2129, %select_n3A_2155 : vector<32x128xi32>
    %eq3A_2158 = arith.cmpi eq, %select_n3A_2129, %select_n3A_2155 : vector<32x128xi32>
    %lt3A_2159 = arith.cmpi slt, %select_n3A_2130, %select_n3A_2156 : vector<32x128xi32>
    %and3A_2160 = arith.andi %eq3A_2158, %lt3A_2159 : vector<32x128xi1>
    %or3A_2161 = arith.ori %gt3A_2157, %and3A_2160 : vector<32x128xi1>
    %eq3A_2162 = arith.xori %eq3A_2136, %eq3A_2142 : vector<32x128xi1>
    %eq3A_2163 = arith.constant dense<true> : vector<32x128xi1>
    %eq3A_2164 = arith.xori %eq3A_2162, %eq3A_2163 : vector<32x128xi1>
    %eq3A_2165 = arith.xori %or3A_2161, %eq3A_2164 : vector<32x128xi1>
    %eq3A_2166 = arith.constant dense<true> : vector<32x128xi1>
    %eq3A_2167 = arith.xori %eq3A_2165, %eq3A_2166 : vector<32x128xi1>
    %select_n3A_2168 = arith.select %eq3A_2167, %select_n3A_2129, %select_n3A_2155 : vector<32x128xi1>, vector<32x128xi32>
    %select_n3A_2169 = arith.select %eq3A_2167, %select_n3A_2130, %select_n3A_2156 : vector<32x128xi1>, vector<32x128xi32>
    %and3A_2170 = arith.constant 16 : i32
    %and3A_2171 = vector.broadcast %and3A_2170 : i32 to vector<32x128xi32>
    %and3A_2172 = arith.andi %add3A_958, %and3A_2171 : vector<32x128xi32>
    %eq3A_2173 = arith.constant 0 : i32
    %eq3A_2174 = vector.broadcast %eq3A_2173 : i32 to vector<32x128xi32>
    %eq3A_2175 = arith.cmpi eq, %and3A_2172, %eq3A_2174 : vector<32x128xi32>
    %and3A_2176 = arith.constant 256 : i32
    %and3A_2177 = vector.broadcast %and3A_2176 : i32 to vector<32x128xi32>
    %and3A_2178 = arith.andi %add3A_958, %and3A_2177 : vector<32x128xi32>
    %eq3A_2179 = arith.constant 0 : i32
    %eq3A_2180 = vector.broadcast %eq3A_2179 : i32 to vector<32x128xi32>
    %eq3A_2181 = arith.cmpi eq, %and3A_2178, %eq3A_2180 : vector<32x128xi32>
    %slice3A_2182 = vector.extract_strided_slice %select_n3A_2168 {offsets = [0, 16], sizes = [32, 112], strides = [1, 1]} : vector<32x128xi32> to vector<32x112xi32>
    %slice3A_2183 = vector.extract_strided_slice %select_n3A_2168 {offsets = [0, 0], sizes = [32, 16], strides = [1, 1]} : vector<32x128xi32> to vector<32x16xi32>
    %concatenate3A_2184 = tpu.concatenate %slice3A_2182, %slice3A_2183 in 1 : vector<32x112xi32>, vector<32x16xi32> -> vector<32x128xi32>
    %slice3A_2185 = vector.extract_strided_slice %select_n3A_2168 {offsets = [0, 112], sizes = [32, 16], strides = [1, 1]} : vector<32x128xi32> to vector<32x16xi32>
    %slice3A_2186 = vector.extract_strided_slice %select_n3A_2168 {offsets = [0, 0], sizes = [32, 112], strides = [1, 1]} : vector<32x128xi32> to vector<32x112xi32>
    %concatenate3A_2187 = tpu.concatenate %slice3A_2185, %slice3A_2186 in 1 : vector<32x16xi32>, vector<32x112xi32> -> vector<32x128xi32>
    %slice3A_2188 = vector.extract_strided_slice %select_n3A_2169 {offsets = [0, 16], sizes = [32, 112], strides = [1, 1]} : vector<32x128xi32> to vector<32x112xi32>
    %slice3A_2189 = vector.extract_strided_slice %select_n3A_2169 {offsets = [0, 0], sizes = [32, 16], strides = [1, 1]} : vector<32x128xi32> to vector<32x16xi32>
    %concatenate3A_2190 = tpu.concatenate %slice3A_2188, %slice3A_2189 in 1 : vector<32x112xi32>, vector<32x16xi32> -> vector<32x128xi32>
    %slice3A_2191 = vector.extract_strided_slice %select_n3A_2169 {offsets = [0, 112], sizes = [32, 16], strides = [1, 1]} : vector<32x128xi32> to vector<32x16xi32>
    %slice3A_2192 = vector.extract_strided_slice %select_n3A_2169 {offsets = [0, 0], sizes = [32, 112], strides = [1, 1]} : vector<32x128xi32> to vector<32x112xi32>
    %concatenate3A_2193 = tpu.concatenate %slice3A_2191, %slice3A_2192 in 1 : vector<32x16xi32>, vector<32x112xi32> -> vector<32x128xi32>
    %select_n3A_2194 = arith.select %eq3A_2175, %concatenate3A_2184, %concatenate3A_2187 : vector<32x128xi1>, vector<32x128xi32>
    %select_n3A_2195 = arith.select %eq3A_2175, %concatenate3A_2190, %concatenate3A_2193 : vector<32x128xi1>, vector<32x128xi32>
    %gt3A_2196 = arith.cmpi sgt, %select_n3A_2168, %select_n3A_2194 : vector<32x128xi32>
    %eq3A_2197 = arith.cmpi eq, %select_n3A_2168, %select_n3A_2194 : vector<32x128xi32>
    %lt3A_2198 = arith.cmpi slt, %select_n3A_2169, %select_n3A_2195 : vector<32x128xi32>
    %and3A_2199 = arith.andi %eq3A_2197, %lt3A_2198 : vector<32x128xi1>
    %or3A_2200 = arith.ori %gt3A_2196, %and3A_2199 : vector<32x128xi1>
    %eq3A_2201 = arith.xori %eq3A_2175, %eq3A_2181 : vector<32x128xi1>
    %eq3A_2202 = arith.constant dense<true> : vector<32x128xi1>
    %eq3A_2203 = arith.xori %eq3A_2201, %eq3A_2202 : vector<32x128xi1>
    %eq3A_2204 = arith.xori %or3A_2200, %eq3A_2203 : vector<32x128xi1>
    %eq3A_2205 = arith.constant dense<true> : vector<32x128xi1>
    %eq3A_2206 = arith.xori %eq3A_2204, %eq3A_2205 : vector<32x128xi1>
    %select_n3A_2207 = arith.select %eq3A_2206, %select_n3A_2168, %select_n3A_2194 : vector<32x128xi1>, vector<32x128xi32>
    %select_n3A_2208 = arith.select %eq3A_2206, %select_n3A_2169, %select_n3A_2195 : vector<32x128xi1>, vector<32x128xi32>
    %and3A_2209 = arith.constant 8 : i32
    %and3A_2210 = vector.broadcast %and3A_2209 : i32 to vector<32x128xi32>
    %and3A_2211 = arith.andi %add3A_958, %and3A_2210 : vector<32x128xi32>
    %eq3A_2212 = arith.constant 0 : i32
    %eq3A_2213 = vector.broadcast %eq3A_2212 : i32 to vector<32x128xi32>
    %eq3A_2214 = arith.cmpi eq, %and3A_2211, %eq3A_2213 : vector<32x128xi32>
    %and3A_2215 = arith.constant 256 : i32
    %and3A_2216 = vector.broadcast %and3A_2215 : i32 to vector<32x128xi32>
    %and3A_2217 = arith.andi %add3A_958, %and3A_2216 : vector<32x128xi32>
    %eq3A_2218 = arith.constant 0 : i32
    %eq3A_2219 = vector.broadcast %eq3A_2218 : i32 to vector<32x128xi32>
    %eq3A_2220 = arith.cmpi eq, %and3A_2217, %eq3A_2219 : vector<32x128xi32>
    %slice3A_2221 = vector.extract_strided_slice %select_n3A_2207 {offsets = [0, 8], sizes = [32, 120], strides = [1, 1]} : vector<32x128xi32> to vector<32x120xi32>
    %slice3A_2222 = vector.extract_strided_slice %select_n3A_2207 {offsets = [0, 0], sizes = [32, 8], strides = [1, 1]} : vector<32x128xi32> to vector<32x8xi32>
    %concatenate3A_2223 = tpu.concatenate %slice3A_2221, %slice3A_2222 in 1 : vector<32x120xi32>, vector<32x8xi32> -> vector<32x128xi32>
    %slice3A_2224 = vector.extract_strided_slice %select_n3A_2207 {offsets = [0, 120], sizes = [32, 8], strides = [1, 1]} : vector<32x128xi32> to vector<32x8xi32>
    %slice3A_2225 = vector.extract_strided_slice %select_n3A_2207 {offsets = [0, 0], sizes = [32, 120], strides = [1, 1]} : vector<32x128xi32> to vector<32x120xi32>
    %concatenate3A_2226 = tpu.concatenate %slice3A_2224, %slice3A_2225 in 1 : vector<32x8xi32>, vector<32x120xi32> -> vector<32x128xi32>
    %slice3A_2227 = vector.extract_strided_slice %select_n3A_2208 {offsets = [0, 8], sizes = [32, 120], strides = [1, 1]} : vector<32x128xi32> to vector<32x120xi32>
    %slice3A_2228 = vector.extract_strided_slice %select_n3A_2208 {offsets = [0, 0], sizes = [32, 8], strides = [1, 1]} : vector<32x128xi32> to vector<32x8xi32>
    %concatenate3A_2229 = tpu.concatenate %slice3A_2227, %slice3A_2228 in 1 : vector<32x120xi32>, vector<32x8xi32> -> vector<32x128xi32>
    %slice3A_2230 = vector.extract_strided_slice %select_n3A_2208 {offsets = [0, 120], sizes = [32, 8], strides = [1, 1]} : vector<32x128xi32> to vector<32x8xi32>
    %slice3A_2231 = vector.extract_strided_slice %select_n3A_2208 {offsets = [0, 0], sizes = [32, 120], strides = [1, 1]} : vector<32x128xi32> to vector<32x120xi32>
    %concatenate3A_2232 = tpu.concatenate %slice3A_2230, %slice3A_2231 in 1 : vector<32x8xi32>, vector<32x120xi32> -> vector<32x128xi32>
    %select_n3A_2233 = arith.select %eq3A_2214, %concatenate3A_2223, %concatenate3A_2226 : vector<32x128xi1>, vector<32x128xi32>
    %select_n3A_2234 = arith.select %eq3A_2214, %concatenate3A_2229, %concatenate3A_2232 : vector<32x128xi1>, vector<32x128xi32>
    %gt3A_2235 = arith.cmpi sgt, %select_n3A_2207, %select_n3A_2233 : vector<32x128xi32>
    %eq3A_2236 = arith.cmpi eq, %select_n3A_2207, %select_n3A_2233 : vector<32x128xi32>
    %lt3A_2237 = arith.cmpi slt, %select_n3A_2208, %select_n3A_2234 : vector<32x128xi32>
    %and3A_2238 = arith.andi %eq3A_2236, %lt3A_2237 : vector<32x128xi1>
    %or3A_2239 = arith.ori %gt3A_2235, %and3A_2238 : vector<32x128xi1>
    %eq3A_2240 = arith.xori %eq3A_2214, %eq3A_2220 : vector<32x128xi1>
    %eq3A_2241 = arith.constant dense<true> : vector<32x128xi1>
    %eq3A_2242 = arith.xori %eq3A_2240, %eq3A_2241 : vector<32x128xi1>
    %eq3A_2243 = arith.xori %or3A_2239, %eq3A_2242 : vector<32x128xi1>
    %eq3A_2244 = arith.constant dense<true> : vector<32x128xi1>
    %eq3A_2245 = arith.xori %eq3A_2243, %eq3A_2244 : vector<32x128xi1>
    %select_n3A_2246 = arith.select %eq3A_2245, %select_n3A_2207, %select_n3A_2233 : vector<32x128xi1>, vector<32x128xi32>
    %select_n3A_2247 = arith.select %eq3A_2245, %select_n3A_2208, %select_n3A_2234 : vector<32x128xi1>, vector<32x128xi32>
    %and3A_2248 = arith.constant 4 : i32
    %and3A_2249 = vector.broadcast %and3A_2248 : i32 to vector<32x128xi32>
    %and3A_2250 = arith.andi %add3A_958, %and3A_2249 : vector<32x128xi32>
    %eq3A_2251 = arith.constant 0 : i32
    %eq3A_2252 = vector.broadcast %eq3A_2251 : i32 to vector<32x128xi32>
    %eq3A_2253 = arith.cmpi eq, %and3A_2250, %eq3A_2252 : vector<32x128xi32>
    %and3A_2254 = arith.constant 256 : i32
    %and3A_2255 = vector.broadcast %and3A_2254 : i32 to vector<32x128xi32>
    %and3A_2256 = arith.andi %add3A_958, %and3A_2255 : vector<32x128xi32>
    %eq3A_2257 = arith.constant 0 : i32
    %eq3A_2258 = vector.broadcast %eq3A_2257 : i32 to vector<32x128xi32>
    %eq3A_2259 = arith.cmpi eq, %and3A_2256, %eq3A_2258 : vector<32x128xi32>
    %slice3A_2260 = vector.extract_strided_slice %select_n3A_2246 {offsets = [0, 4], sizes = [32, 124], strides = [1, 1]} : vector<32x128xi32> to vector<32x124xi32>
    %slice3A_2261 = vector.extract_strided_slice %select_n3A_2246 {offsets = [0, 0], sizes = [32, 4], strides = [1, 1]} : vector<32x128xi32> to vector<32x4xi32>
    %concatenate3A_2262 = tpu.concatenate %slice3A_2260, %slice3A_2261 in 1 : vector<32x124xi32>, vector<32x4xi32> -> vector<32x128xi32>
    %slice3A_2263 = vector.extract_strided_slice %select_n3A_2246 {offsets = [0, 124], sizes = [32, 4], strides = [1, 1]} : vector<32x128xi32> to vector<32x4xi32>
    %slice3A_2264 = vector.extract_strided_slice %select_n3A_2246 {offsets = [0, 0], sizes = [32, 124], strides = [1, 1]} : vector<32x128xi32> to vector<32x124xi32>
    %concatenate3A_2265 = tpu.concatenate %slice3A_2263, %slice3A_2264 in 1 : vector<32x4xi32>, vector<32x124xi32> -> vector<32x128xi32>
    %slice3A_2266 = vector.extract_strided_slice %select_n3A_2247 {offsets = [0, 4], sizes = [32, 124], strides = [1, 1]} : vector<32x128xi32> to vector<32x124xi32>
    %slice3A_2267 = vector.extract_strided_slice %select_n3A_2247 {offsets = [0, 0], sizes = [32, 4], strides = [1, 1]} : vector<32x128xi32> to vector<32x4xi32>
    %concatenate3A_2268 = tpu.concatenate %slice3A_2266, %slice3A_2267 in 1 : vector<32x124xi32>, vector<32x4xi32> -> vector<32x128xi32>
    %slice3A_2269 = vector.extract_strided_slice %select_n3A_2247 {offsets = [0, 124], sizes = [32, 4], strides = [1, 1]} : vector<32x128xi32> to vector<32x4xi32>
    %slice3A_2270 = vector.extract_strided_slice %select_n3A_2247 {offsets = [0, 0], sizes = [32, 124], strides = [1, 1]} : vector<32x128xi32> to vector<32x124xi32>
    %concatenate3A_2271 = tpu.concatenate %slice3A_2269, %slice3A_2270 in 1 : vector<32x4xi32>, vector<32x124xi32> -> vector<32x128xi32>
    %select_n3A_2272 = arith.select %eq3A_2253, %concatenate3A_2262, %concatenate3A_2265 : vector<32x128xi1>, vector<32x128xi32>
    %select_n3A_2273 = arith.select %eq3A_2253, %concatenate3A_2268, %concatenate3A_2271 : vector<32x128xi1>, vector<32x128xi32>
    %gt3A_2274 = arith.cmpi sgt, %select_n3A_2246, %select_n3A_2272 : vector<32x128xi32>
    %eq3A_2275 = arith.cmpi eq, %select_n3A_2246, %select_n3A_2272 : vector<32x128xi32>
    %lt3A_2276 = arith.cmpi slt, %select_n3A_2247, %select_n3A_2273 : vector<32x128xi32>
    %and3A_2277 = arith.andi %eq3A_2275, %lt3A_2276 : vector<32x128xi1>
    %or3A_2278 = arith.ori %gt3A_2274, %and3A_2277 : vector<32x128xi1>
    %eq3A_2279 = arith.xori %eq3A_2253, %eq3A_2259 : vector<32x128xi1>
    %eq3A_2280 = arith.constant dense<true> : vector<32x128xi1>
    %eq3A_2281 = arith.xori %eq3A_2279, %eq3A_2280 : vector<32x128xi1>
    %eq3A_2282 = arith.xori %or3A_2278, %eq3A_2281 : vector<32x128xi1>
    %eq3A_2283 = arith.constant dense<true> : vector<32x128xi1>
    %eq3A_2284 = arith.xori %eq3A_2282, %eq3A_2283 : vector<32x128xi1>
    %select_n3A_2285 = arith.select %eq3A_2284, %select_n3A_2246, %select_n3A_2272 : vector<32x128xi1>, vector<32x128xi32>
    %select_n3A_2286 = arith.select %eq3A_2284, %select_n3A_2247, %select_n3A_2273 : vector<32x128xi1>, vector<32x128xi32>
    %and3A_2287 = arith.constant 2 : i32
    %and3A_2288 = vector.broadcast %and3A_2287 : i32 to vector<32x128xi32>
    %and3A_2289 = arith.andi %add3A_958, %and3A_2288 : vector<32x128xi32>
    %eq3A_2290 = arith.constant 0 : i32
    %eq3A_2291 = vector.broadcast %eq3A_2290 : i32 to vector<32x128xi32>
    %eq3A_2292 = arith.cmpi eq, %and3A_2289, %eq3A_2291 : vector<32x128xi32>
    %and3A_2293 = arith.constant 256 : i32
    %and3A_2294 = vector.broadcast %and3A_2293 : i32 to vector<32x128xi32>
    %and3A_2295 = arith.andi %add3A_958, %and3A_2294 : vector<32x128xi32>
    %eq3A_2296 = arith.constant 0 : i32
    %eq3A_2297 = vector.broadcast %eq3A_2296 : i32 to vector<32x128xi32>
    %eq3A_2298 = arith.cmpi eq, %and3A_2295, %eq3A_2297 : vector<32x128xi32>
    %slice3A_2299 = vector.extract_strided_slice %select_n3A_2285 {offsets = [0, 2], sizes = [32, 126], strides = [1, 1]} : vector<32x128xi32> to vector<32x126xi32>
    %slice3A_2300 = vector.extract_strided_slice %select_n3A_2285 {offsets = [0, 0], sizes = [32, 2], strides = [1, 1]} : vector<32x128xi32> to vector<32x2xi32>
    %concatenate3A_2301 = tpu.concatenate %slice3A_2299, %slice3A_2300 in 1 : vector<32x126xi32>, vector<32x2xi32> -> vector<32x128xi32>
    %slice3A_2302 = vector.extract_strided_slice %select_n3A_2285 {offsets = [0, 126], sizes = [32, 2], strides = [1, 1]} : vector<32x128xi32> to vector<32x2xi32>
    %slice3A_2303 = vector.extract_strided_slice %select_n3A_2285 {offsets = [0, 0], sizes = [32, 126], strides = [1, 1]} : vector<32x128xi32> to vector<32x126xi32>
    %concatenate3A_2304 = tpu.concatenate %slice3A_2302, %slice3A_2303 in 1 : vector<32x2xi32>, vector<32x126xi32> -> vector<32x128xi32>
    %slice3A_2305 = vector.extract_strided_slice %select_n3A_2286 {offsets = [0, 2], sizes = [32, 126], strides = [1, 1]} : vector<32x128xi32> to vector<32x126xi32>
    %slice3A_2306 = vector.extract_strided_slice %select_n3A_2286 {offsets = [0, 0], sizes = [32, 2], strides = [1, 1]} : vector<32x128xi32> to vector<32x2xi32>
    %concatenate3A_2307 = tpu.concatenate %slice3A_2305, %slice3A_2306 in 1 : vector<32x126xi32>, vector<32x2xi32> -> vector<32x128xi32>
    %slice3A_2308 = vector.extract_strided_slice %select_n3A_2286 {offsets = [0, 126], sizes = [32, 2], strides = [1, 1]} : vector<32x128xi32> to vector<32x2xi32>
    %slice3A_2309 = vector.extract_strided_slice %select_n3A_2286 {offsets = [0, 0], sizes = [32, 126], strides = [1, 1]} : vector<32x128xi32> to vector<32x126xi32>
    %concatenate3A_2310 = tpu.concatenate %slice3A_2308, %slice3A_2309 in 1 : vector<32x2xi32>, vector<32x126xi32> -> vector<32x128xi32>
    %select_n3A_2311 = arith.select %eq3A_2292, %concatenate3A_2301, %concatenate3A_2304 : vector<32x128xi1>, vector<32x128xi32>
    %select_n3A_2312 = arith.select %eq3A_2292, %concatenate3A_2307, %concatenate3A_2310 : vector<32x128xi1>, vector<32x128xi32>
    %gt3A_2313 = arith.cmpi sgt, %select_n3A_2285, %select_n3A_2311 : vector<32x128xi32>
    %eq3A_2314 = arith.cmpi eq, %select_n3A_2285, %select_n3A_2311 : vector<32x128xi32>
    %lt3A_2315 = arith.cmpi slt, %select_n3A_2286, %select_n3A_2312 : vector<32x128xi32>
    %and3A_2316 = arith.andi %eq3A_2314, %lt3A_2315 : vector<32x128xi1>
    %or3A_2317 = arith.ori %gt3A_2313, %and3A_2316 : vector<32x128xi1>
    %eq3A_2318 = arith.xori %eq3A_2292, %eq3A_2298 : vector<32x128xi1>
    %eq3A_2319 = arith.constant dense<true> : vector<32x128xi1>
    %eq3A_2320 = arith.xori %eq3A_2318, %eq3A_2319 : vector<32x128xi1>
    %eq3A_2321 = arith.xori %or3A_2317, %eq3A_2320 : vector<32x128xi1>
    %eq3A_2322 = arith.constant dense<true> : vector<32x128xi1>
    %eq3A_2323 = arith.xori %eq3A_2321, %eq3A_2322 : vector<32x128xi1>
    %select_n3A_2324 = arith.select %eq3A_2323, %select_n3A_2285, %select_n3A_2311 : vector<32x128xi1>, vector<32x128xi32>
    %select_n3A_2325 = arith.select %eq3A_2323, %select_n3A_2286, %select_n3A_2312 : vector<32x128xi1>, vector<32x128xi32>
    %and3A_2326 = arith.constant 1 : i32
    %and3A_2327 = vector.broadcast %and3A_2326 : i32 to vector<32x128xi32>
    %and3A_2328 = arith.andi %add3A_958, %and3A_2327 : vector<32x128xi32>
    %eq3A_2329 = arith.constant 0 : i32
    %eq3A_2330 = vector.broadcast %eq3A_2329 : i32 to vector<32x128xi32>
    %eq3A_2331 = arith.cmpi eq, %and3A_2328, %eq3A_2330 : vector<32x128xi32>
    %and3A_2332 = arith.constant 256 : i32
    %and3A_2333 = vector.broadcast %and3A_2332 : i32 to vector<32x128xi32>
    %and3A_2334 = arith.andi %add3A_958, %and3A_2333 : vector<32x128xi32>
    %eq3A_2335 = arith.constant 0 : i32
    %eq3A_2336 = vector.broadcast %eq3A_2335 : i32 to vector<32x128xi32>
    %eq3A_2337 = arith.cmpi eq, %and3A_2334, %eq3A_2336 : vector<32x128xi32>
    %slice3A_2338 = vector.extract_strided_slice %select_n3A_2324 {offsets = [0, 1], sizes = [32, 127], strides = [1, 1]} : vector<32x128xi32> to vector<32x127xi32>
    %slice3A_2339 = vector.extract_strided_slice %select_n3A_2324 {offsets = [0, 0], sizes = [32, 1], strides = [1, 1]} : vector<32x128xi32> to vector<32x1xi32>
    %concatenate3A_2340 = tpu.concatenate %slice3A_2338, %slice3A_2339 in 1 : vector<32x127xi32>, vector<32x1xi32> -> vector<32x128xi32>
    %slice3A_2341 = vector.extract_strided_slice %select_n3A_2324 {offsets = [0, 127], sizes = [32, 1], strides = [1, 1]} : vector<32x128xi32> to vector<32x1xi32>
    %slice3A_2342 = vector.extract_strided_slice %select_n3A_2324 {offsets = [0, 0], sizes = [32, 127], strides = [1, 1]} : vector<32x128xi32> to vector<32x127xi32>
    %concatenate3A_2343 = tpu.concatenate %slice3A_2341, %slice3A_2342 in 1 : vector<32x1xi32>, vector<32x127xi32> -> vector<32x128xi32>
    %slice3A_2344 = vector.extract_strided_slice %select_n3A_2325 {offsets = [0, 1], sizes = [32, 127], strides = [1, 1]} : vector<32x128xi32> to vector<32x127xi32>
    %slice3A_2345 = vector.extract_strided_slice %select_n3A_2325 {offsets = [0, 0], sizes = [32, 1], strides = [1, 1]} : vector<32x128xi32> to vector<32x1xi32>
    %concatenate3A_2346 = tpu.concatenate %slice3A_2344, %slice3A_2345 in 1 : vector<32x127xi32>, vector<32x1xi32> -> vector<32x128xi32>
    %slice3A_2347 = vector.extract_strided_slice %select_n3A_2325 {offsets = [0, 127], sizes = [32, 1], strides = [1, 1]} : vector<32x128xi32> to vector<32x1xi32>
    %slice3A_2348 = vector.extract_strided_slice %select_n3A_2325 {offsets = [0, 0], sizes = [32, 127], strides = [1, 1]} : vector<32x128xi32> to vector<32x127xi32>
    %concatenate3A_2349 = tpu.concatenate %slice3A_2347, %slice3A_2348 in 1 : vector<32x1xi32>, vector<32x127xi32> -> vector<32x128xi32>
    %select_n3A_2350 = arith.select %eq3A_2331, %concatenate3A_2340, %concatenate3A_2343 : vector<32x128xi1>, vector<32x128xi32>
    %select_n3A_2351 = arith.select %eq3A_2331, %concatenate3A_2346, %concatenate3A_2349 : vector<32x128xi1>, vector<32x128xi32>
    %gt3A_2352 = arith.cmpi sgt, %select_n3A_2324, %select_n3A_2350 : vector<32x128xi32>
    %eq3A_2353 = arith.cmpi eq, %select_n3A_2324, %select_n3A_2350 : vector<32x128xi32>
    %lt3A_2354 = arith.cmpi slt, %select_n3A_2325, %select_n3A_2351 : vector<32x128xi32>
    %and3A_2355 = arith.andi %eq3A_2353, %lt3A_2354 : vector<32x128xi1>
    %or3A_2356 = arith.ori %gt3A_2352, %and3A_2355 : vector<32x128xi1>
    %eq3A_2357 = arith.xori %eq3A_2331, %eq3A_2337 : vector<32x128xi1>
    %eq3A_2358 = arith.constant dense<true> : vector<32x128xi1>
    %eq3A_2359 = arith.xori %eq3A_2357, %eq3A_2358 : vector<32x128xi1>
    %eq3A_2360 = arith.xori %or3A_2356, %eq3A_2359 : vector<32x128xi1>
    %eq3A_2361 = arith.constant dense<true> : vector<32x128xi1>
    %eq3A_2362 = arith.xori %eq3A_2360, %eq3A_2361 : vector<32x128xi1>
    %select_n3A_2363 = arith.select %eq3A_2362, %select_n3A_2324, %select_n3A_2350 : vector<32x128xi1>, vector<32x128xi32>
    %select_n3A_2364 = arith.select %eq3A_2362, %select_n3A_2325, %select_n3A_2351 : vector<32x128xi1>, vector<32x128xi32>
    %and3A_2365 = arith.constant 256 : i32
    %and3A_2366 = vector.broadcast %and3A_2365 : i32 to vector<32x128xi32>
    %and3A_2367 = arith.andi %add3A_958, %and3A_2366 : vector<32x128xi32>
    %eq3A_2368 = arith.constant 0 : i32
    %eq3A_2369 = vector.broadcast %eq3A_2368 : i32 to vector<32x128xi32>
    %eq3A_2370 = arith.cmpi eq, %and3A_2367, %eq3A_2369 : vector<32x128xi32>
    %and3A_2371 = arith.constant 512 : i32
    %and3A_2372 = vector.broadcast %and3A_2371 : i32 to vector<32x128xi32>
    %and3A_2373 = arith.andi %add3A_958, %and3A_2372 : vector<32x128xi32>
    %eq3A_2374 = arith.constant 0 : i32
    %eq3A_2375 = vector.broadcast %eq3A_2374 : i32 to vector<32x128xi32>
    %eq3A_2376 = arith.cmpi eq, %and3A_2373, %eq3A_2375 : vector<32x128xi32>
    %slice3A_2377 = vector.extract_strided_slice %select_n3A_2363 {offsets = [2, 0], sizes = [30, 128], strides = [1, 1]} : vector<32x128xi32> to vector<30x128xi32>
    %slice3A_2378 = vector.extract_strided_slice %select_n3A_2363 {offsets = [0, 0], sizes = [2, 128], strides = [1, 1]} : vector<32x128xi32> to vector<2x128xi32>
    %concatenate3A_2379 = tpu.concatenate %slice3A_2377, %slice3A_2378 in 0 : vector<30x128xi32>, vector<2x128xi32> -> vector<32x128xi32>
    %slice3A_2380 = vector.extract_strided_slice %select_n3A_2363 {offsets = [30, 0], sizes = [2, 128], strides = [1, 1]} : vector<32x128xi32> to vector<2x128xi32>
    %slice3A_2381 = vector.extract_strided_slice %select_n3A_2363 {offsets = [0, 0], sizes = [30, 128], strides = [1, 1]} : vector<32x128xi32> to vector<30x128xi32>
    %concatenate3A_2382 = tpu.concatenate %slice3A_2380, %slice3A_2381 in 0 : vector<2x128xi32>, vector<30x128xi32> -> vector<32x128xi32>
    %slice3A_2383 = vector.extract_strided_slice %select_n3A_2364 {offsets = [2, 0], sizes = [30, 128], strides = [1, 1]} : vector<32x128xi32> to vector<30x128xi32>
    %slice3A_2384 = vector.extract_strided_slice %select_n3A_2364 {offsets = [0, 0], sizes = [2, 128], strides = [1, 1]} : vector<32x128xi32> to vector<2x128xi32>
    %concatenate3A_2385 = tpu.concatenate %slice3A_2383, %slice3A_2384 in 0 : vector<30x128xi32>, vector<2x128xi32> -> vector<32x128xi32>
    %slice3A_2386 = vector.extract_strided_slice %select_n3A_2364 {offsets = [30, 0], sizes = [2, 128], strides = [1, 1]} : vector<32x128xi32> to vector<2x128xi32>
    %slice3A_2387 = vector.extract_strided_slice %select_n3A_2364 {offsets = [0, 0], sizes = [30, 128], strides = [1, 1]} : vector<32x128xi32> to vector<30x128xi32>
    %concatenate3A_2388 = tpu.concatenate %slice3A_2386, %slice3A_2387 in 0 : vector<2x128xi32>, vector<30x128xi32> -> vector<32x128xi32>
    %select_n3A_2389 = arith.select %eq3A_2370, %concatenate3A_2379, %concatenate3A_2382 : vector<32x128xi1>, vector<32x128xi32>
    %select_n3A_2390 = arith.select %eq3A_2370, %concatenate3A_2385, %concatenate3A_2388 : vector<32x128xi1>, vector<32x128xi32>
    %gt3A_2391 = arith.cmpi sgt, %select_n3A_2363, %select_n3A_2389 : vector<32x128xi32>
    %eq3A_2392 = arith.cmpi eq, %select_n3A_2363, %select_n3A_2389 : vector<32x128xi32>
    %lt3A_2393 = arith.cmpi slt, %select_n3A_2364, %select_n3A_2390 : vector<32x128xi32>
    %and3A_2394 = arith.andi %eq3A_2392, %lt3A_2393 : vector<32x128xi1>
    %or3A_2395 = arith.ori %gt3A_2391, %and3A_2394 : vector<32x128xi1>
    %eq3A_2396 = arith.xori %eq3A_2370, %eq3A_2376 : vector<32x128xi1>
    %eq3A_2397 = arith.constant dense<true> : vector<32x128xi1>
    %eq3A_2398 = arith.xori %eq3A_2396, %eq3A_2397 : vector<32x128xi1>
    %eq3A_2399 = arith.xori %or3A_2395, %eq3A_2398 : vector<32x128xi1>
    %eq3A_2400 = arith.constant dense<true> : vector<32x128xi1>
    %eq3A_2401 = arith.xori %eq3A_2399, %eq3A_2400 : vector<32x128xi1>
    %select_n3A_2402 = arith.select %eq3A_2401, %select_n3A_2363, %select_n3A_2389 : vector<32x128xi1>, vector<32x128xi32>
    %select_n3A_2403 = arith.select %eq3A_2401, %select_n3A_2364, %select_n3A_2390 : vector<32x128xi1>, vector<32x128xi32>
    %and3A_2404 = arith.constant 128 : i32
    %and3A_2405 = vector.broadcast %and3A_2404 : i32 to vector<32x128xi32>
    %and3A_2406 = arith.andi %add3A_958, %and3A_2405 : vector<32x128xi32>
    %eq3A_2407 = arith.constant 0 : i32
    %eq3A_2408 = vector.broadcast %eq3A_2407 : i32 to vector<32x128xi32>
    %eq3A_2409 = arith.cmpi eq, %and3A_2406, %eq3A_2408 : vector<32x128xi32>
    %and3A_2410 = arith.constant 512 : i32
    %and3A_2411 = vector.broadcast %and3A_2410 : i32 to vector<32x128xi32>
    %and3A_2412 = arith.andi %add3A_958, %and3A_2411 : vector<32x128xi32>
    %eq3A_2413 = arith.constant 0 : i32
    %eq3A_2414 = vector.broadcast %eq3A_2413 : i32 to vector<32x128xi32>
    %eq3A_2415 = arith.cmpi eq, %and3A_2412, %eq3A_2414 : vector<32x128xi32>
    %slice3A_2416 = vector.extract_strided_slice %select_n3A_2402 {offsets = [1, 0], sizes = [31, 128], strides = [1, 1]} : vector<32x128xi32> to vector<31x128xi32>
    %slice3A_2417 = vector.extract_strided_slice %select_n3A_2402 {offsets = [0, 0], sizes = [1, 128], strides = [1, 1]} : vector<32x128xi32> to vector<1x128xi32>
    %concatenate3A_2418 = tpu.concatenate %slice3A_2416, %slice3A_2417 in 0 : vector<31x128xi32>, vector<1x128xi32> -> vector<32x128xi32>
    %slice3A_2419 = vector.extract_strided_slice %select_n3A_2402 {offsets = [31, 0], sizes = [1, 128], strides = [1, 1]} : vector<32x128xi32> to vector<1x128xi32>
    %slice3A_2420 = vector.extract_strided_slice %select_n3A_2402 {offsets = [0, 0], sizes = [31, 128], strides = [1, 1]} : vector<32x128xi32> to vector<31x128xi32>
    %concatenate3A_2421 = tpu.concatenate %slice3A_2419, %slice3A_2420 in 0 : vector<1x128xi32>, vector<31x128xi32> -> vector<32x128xi32>
    %slice3A_2422 = vector.extract_strided_slice %select_n3A_2403 {offsets = [1, 0], sizes = [31, 128], strides = [1, 1]} : vector<32x128xi32> to vector<31x128xi32>
    %slice3A_2423 = vector.extract_strided_slice %select_n3A_2403 {offsets = [0, 0], sizes = [1, 128], strides = [1, 1]} : vector<32x128xi32> to vector<1x128xi32>
    %concatenate3A_2424 = tpu.concatenate %slice3A_2422, %slice3A_2423 in 0 : vector<31x128xi32>, vector<1x128xi32> -> vector<32x128xi32>
    %slice3A_2425 = vector.extract_strided_slice %select_n3A_2403 {offsets = [31, 0], sizes = [1, 128], strides = [1, 1]} : vector<32x128xi32> to vector<1x128xi32>
    %slice3A_2426 = vector.extract_strided_slice %select_n3A_2403 {offsets = [0, 0], sizes = [31, 128], strides = [1, 1]} : vector<32x128xi32> to vector<31x128xi32>
    %concatenate3A_2427 = tpu.concatenate %slice3A_2425, %slice3A_2426 in 0 : vector<1x128xi32>, vector<31x128xi32> -> vector<32x128xi32>
    %select_n3A_2428 = arith.select %eq3A_2409, %concatenate3A_2418, %concatenate3A_2421 : vector<32x128xi1>, vector<32x128xi32>
    %select_n3A_2429 = arith.select %eq3A_2409, %concatenate3A_2424, %concatenate3A_2427 : vector<32x128xi1>, vector<32x128xi32>
    %gt3A_2430 = arith.cmpi sgt, %select_n3A_2402, %select_n3A_2428 : vector<32x128xi32>
    %eq3A_2431 = arith.cmpi eq, %select_n3A_2402, %select_n3A_2428 : vector<32x128xi32>
    %lt3A_2432 = arith.cmpi slt, %select_n3A_2403, %select_n3A_2429 : vector<32x128xi32>
    %and3A_2433 = arith.andi %eq3A_2431, %lt3A_2432 : vector<32x128xi1>
    %or3A_2434 = arith.ori %gt3A_2430, %and3A_2433 : vector<32x128xi1>
    %eq3A_2435 = arith.xori %eq3A_2409, %eq3A_2415 : vector<32x128xi1>
    %eq3A_2436 = arith.constant dense<true> : vector<32x128xi1>
    %eq3A_2437 = arith.xori %eq3A_2435, %eq3A_2436 : vector<32x128xi1>
    %eq3A_2438 = arith.xori %or3A_2434, %eq3A_2437 : vector<32x128xi1>
    %eq3A_2439 = arith.constant dense<true> : vector<32x128xi1>
    %eq3A_2440 = arith.xori %eq3A_2438, %eq3A_2439 : vector<32x128xi1>
    %select_n3A_2441 = arith.select %eq3A_2440, %select_n3A_2402, %select_n3A_2428 : vector<32x128xi1>, vector<32x128xi32>
    %select_n3A_2442 = arith.select %eq3A_2440, %select_n3A_2403, %select_n3A_2429 : vector<32x128xi1>, vector<32x128xi32>
    %and3A_2443 = arith.constant 64 : i32
    %and3A_2444 = vector.broadcast %and3A_2443 : i32 to vector<32x128xi32>
    %and3A_2445 = arith.andi %add3A_958, %and3A_2444 : vector<32x128xi32>
    %eq3A_2446 = arith.constant 0 : i32
    %eq3A_2447 = vector.broadcast %eq3A_2446 : i32 to vector<32x128xi32>
    %eq3A_2448 = arith.cmpi eq, %and3A_2445, %eq3A_2447 : vector<32x128xi32>
    %and3A_2449 = arith.constant 512 : i32
    %and3A_2450 = vector.broadcast %and3A_2449 : i32 to vector<32x128xi32>
    %and3A_2451 = arith.andi %add3A_958, %and3A_2450 : vector<32x128xi32>
    %eq3A_2452 = arith.constant 0 : i32
    %eq3A_2453 = vector.broadcast %eq3A_2452 : i32 to vector<32x128xi32>
    %eq3A_2454 = arith.cmpi eq, %and3A_2451, %eq3A_2453 : vector<32x128xi32>
    %slice3A_2455 = vector.extract_strided_slice %select_n3A_2441 {offsets = [0, 64], sizes = [32, 64], strides = [1, 1]} : vector<32x128xi32> to vector<32x64xi32>
    %slice3A_2456 = vector.extract_strided_slice %select_n3A_2441 {offsets = [0, 0], sizes = [32, 64], strides = [1, 1]} : vector<32x128xi32> to vector<32x64xi32>
    %concatenate3A_2457 = tpu.concatenate %slice3A_2455, %slice3A_2456 in 1 : vector<32x64xi32>, vector<32x64xi32> -> vector<32x128xi32>
    %slice3A_2458 = vector.extract_strided_slice %select_n3A_2441 {offsets = [0, 64], sizes = [32, 64], strides = [1, 1]} : vector<32x128xi32> to vector<32x64xi32>
    %slice3A_2459 = vector.extract_strided_slice %select_n3A_2441 {offsets = [0, 0], sizes = [32, 64], strides = [1, 1]} : vector<32x128xi32> to vector<32x64xi32>
    %concatenate3A_2460 = tpu.concatenate %slice3A_2458, %slice3A_2459 in 1 : vector<32x64xi32>, vector<32x64xi32> -> vector<32x128xi32>
    %slice3A_2461 = vector.extract_strided_slice %select_n3A_2442 {offsets = [0, 64], sizes = [32, 64], strides = [1, 1]} : vector<32x128xi32> to vector<32x64xi32>
    %slice3A_2462 = vector.extract_strided_slice %select_n3A_2442 {offsets = [0, 0], sizes = [32, 64], strides = [1, 1]} : vector<32x128xi32> to vector<32x64xi32>
    %concatenate3A_2463 = tpu.concatenate %slice3A_2461, %slice3A_2462 in 1 : vector<32x64xi32>, vector<32x64xi32> -> vector<32x128xi32>
    %slice3A_2464 = vector.extract_strided_slice %select_n3A_2442 {offsets = [0, 64], sizes = [32, 64], strides = [1, 1]} : vector<32x128xi32> to vector<32x64xi32>
    %slice3A_2465 = vector.extract_strided_slice %select_n3A_2442 {offsets = [0, 0], sizes = [32, 64], strides = [1, 1]} : vector<32x128xi32> to vector<32x64xi32>
    %concatenate3A_2466 = tpu.concatenate %slice3A_2464, %slice3A_2465 in 1 : vector<32x64xi32>, vector<32x64xi32> -> vector<32x128xi32>
    %select_n3A_2467 = arith.select %eq3A_2448, %concatenate3A_2457, %concatenate3A_2460 : vector<32x128xi1>, vector<32x128xi32>
    %select_n3A_2468 = arith.select %eq3A_2448, %concatenate3A_2463, %concatenate3A_2466 : vector<32x128xi1>, vector<32x128xi32>
    %gt3A_2469 = arith.cmpi sgt, %select_n3A_2441, %select_n3A_2467 : vector<32x128xi32>
    %eq3A_2470 = arith.cmpi eq, %select_n3A_2441, %select_n3A_2467 : vector<32x128xi32>
    %lt3A_2471 = arith.cmpi slt, %select_n3A_2442, %select_n3A_2468 : vector<32x128xi32>
    %and3A_2472 = arith.andi %eq3A_2470, %lt3A_2471 : vector<32x128xi1>
    %or3A_2473 = arith.ori %gt3A_2469, %and3A_2472 : vector<32x128xi1>
    %eq3A_2474 = arith.xori %eq3A_2448, %eq3A_2454 : vector<32x128xi1>
    %eq3A_2475 = arith.constant dense<true> : vector<32x128xi1>
    %eq3A_2476 = arith.xori %eq3A_2474, %eq3A_2475 : vector<32x128xi1>
    %eq3A_2477 = arith.xori %or3A_2473, %eq3A_2476 : vector<32x128xi1>
    %eq3A_2478 = arith.constant dense<true> : vector<32x128xi1>
    %eq3A_2479 = arith.xori %eq3A_2477, %eq3A_2478 : vector<32x128xi1>
    %select_n3A_2480 = arith.select %eq3A_2479, %select_n3A_2441, %select_n3A_2467 : vector<32x128xi1>, vector<32x128xi32>
    %select_n3A_2481 = arith.select %eq3A_2479, %select_n3A_2442, %select_n3A_2468 : vector<32x128xi1>, vector<32x128xi32>
    %and3A_2482 = arith.constant 32 : i32
    %and3A_2483 = vector.broadcast %and3A_2482 : i32 to vector<32x128xi32>
    %and3A_2484 = arith.andi %add3A_958, %and3A_2483 : vector<32x128xi32>
    %eq3A_2485 = arith.constant 0 : i32
    %eq3A_2486 = vector.broadcast %eq3A_2485 : i32 to vector<32x128xi32>
    %eq3A_2487 = arith.cmpi eq, %and3A_2484, %eq3A_2486 : vector<32x128xi32>
    %and3A_2488 = arith.constant 512 : i32
    %and3A_2489 = vector.broadcast %and3A_2488 : i32 to vector<32x128xi32>
    %and3A_2490 = arith.andi %add3A_958, %and3A_2489 : vector<32x128xi32>
    %eq3A_2491 = arith.constant 0 : i32
    %eq3A_2492 = vector.broadcast %eq3A_2491 : i32 to vector<32x128xi32>
    %eq3A_2493 = arith.cmpi eq, %and3A_2490, %eq3A_2492 : vector<32x128xi32>
    %slice3A_2494 = vector.extract_strided_slice %select_n3A_2480 {offsets = [0, 32], sizes = [32, 96], strides = [1, 1]} : vector<32x128xi32> to vector<32x96xi32>
    %slice3A_2495 = vector.extract_strided_slice %select_n3A_2480 {offsets = [0, 0], sizes = [32, 32], strides = [1, 1]} : vector<32x128xi32> to vector<32x32xi32>
    %concatenate3A_2496 = tpu.concatenate %slice3A_2494, %slice3A_2495 in 1 : vector<32x96xi32>, vector<32x32xi32> -> vector<32x128xi32>
    %slice3A_2497 = vector.extract_strided_slice %select_n3A_2480 {offsets = [0, 96], sizes = [32, 32], strides = [1, 1]} : vector<32x128xi32> to vector<32x32xi32>
    %slice3A_2498 = vector.extract_strided_slice %select_n3A_2480 {offsets = [0, 0], sizes = [32, 96], strides = [1, 1]} : vector<32x128xi32> to vector<32x96xi32>
    %concatenate3A_2499 = tpu.concatenate %slice3A_2497, %slice3A_2498 in 1 : vector<32x32xi32>, vector<32x96xi32> -> vector<32x128xi32>
    %slice3A_2500 = vector.extract_strided_slice %select_n3A_2481 {offsets = [0, 32], sizes = [32, 96], strides = [1, 1]} : vector<32x128xi32> to vector<32x96xi32>
    %slice3A_2501 = vector.extract_strided_slice %select_n3A_2481 {offsets = [0, 0], sizes = [32, 32], strides = [1, 1]} : vector<32x128xi32> to vector<32x32xi32>
    %concatenate3A_2502 = tpu.concatenate %slice3A_2500, %slice3A_2501 in 1 : vector<32x96xi32>, vector<32x32xi32> -> vector<32x128xi32>
    %slice3A_2503 = vector.extract_strided_slice %select_n3A_2481 {offsets = [0, 96], sizes = [32, 32], strides = [1, 1]} : vector<32x128xi32> to vector<32x32xi32>
    %slice3A_2504 = vector.extract_strided_slice %select_n3A_2481 {offsets = [0, 0], sizes = [32, 96], strides = [1, 1]} : vector<32x128xi32> to vector<32x96xi32>
    %concatenate3A_2505 = tpu.concatenate %slice3A_2503, %slice3A_2504 in 1 : vector<32x32xi32>, vector<32x96xi32> -> vector<32x128xi32>
    %select_n3A_2506 = arith.select %eq3A_2487, %concatenate3A_2496, %concatenate3A_2499 : vector<32x128xi1>, vector<32x128xi32>
    %select_n3A_2507 = arith.select %eq3A_2487, %concatenate3A_2502, %concatenate3A_2505 : vector<32x128xi1>, vector<32x128xi32>
    %gt3A_2508 = arith.cmpi sgt, %select_n3A_2480, %select_n3A_2506 : vector<32x128xi32>
    %eq3A_2509 = arith.cmpi eq, %select_n3A_2480, %select_n3A_2506 : vector<32x128xi32>
    %lt3A_2510 = arith.cmpi slt, %select_n3A_2481, %select_n3A_2507 : vector<32x128xi32>
    %and3A_2511 = arith.andi %eq3A_2509, %lt3A_2510 : vector<32x128xi1>
    %or3A_2512 = arith.ori %gt3A_2508, %and3A_2511 : vector<32x128xi1>
    %eq3A_2513 = arith.xori %eq3A_2487, %eq3A_2493 : vector<32x128xi1>
    %eq3A_2514 = arith.constant dense<true> : vector<32x128xi1>
    %eq3A_2515 = arith.xori %eq3A_2513, %eq3A_2514 : vector<32x128xi1>
    %eq3A_2516 = arith.xori %or3A_2512, %eq3A_2515 : vector<32x128xi1>
    %eq3A_2517 = arith.constant dense<true> : vector<32x128xi1>
    %eq3A_2518 = arith.xori %eq3A_2516, %eq3A_2517 : vector<32x128xi1>
    %select_n3A_2519 = arith.select %eq3A_2518, %select_n3A_2480, %select_n3A_2506 : vector<32x128xi1>, vector<32x128xi32>
    %select_n3A_2520 = arith.select %eq3A_2518, %select_n3A_2481, %select_n3A_2507 : vector<32x128xi1>, vector<32x128xi32>
    %and3A_2521 = arith.constant 16 : i32
    %and3A_2522 = vector.broadcast %and3A_2521 : i32 to vector<32x128xi32>
    %and3A_2523 = arith.andi %add3A_958, %and3A_2522 : vector<32x128xi32>
    %eq3A_2524 = arith.constant 0 : i32
    %eq3A_2525 = vector.broadcast %eq3A_2524 : i32 to vector<32x128xi32>
    %eq3A_2526 = arith.cmpi eq, %and3A_2523, %eq3A_2525 : vector<32x128xi32>
    %and3A_2527 = arith.constant 512 : i32
    %and3A_2528 = vector.broadcast %and3A_2527 : i32 to vector<32x128xi32>
    %and3A_2529 = arith.andi %add3A_958, %and3A_2528 : vector<32x128xi32>
    %eq3A_2530 = arith.constant 0 : i32
    %eq3A_2531 = vector.broadcast %eq3A_2530 : i32 to vector<32x128xi32>
    %eq3A_2532 = arith.cmpi eq, %and3A_2529, %eq3A_2531 : vector<32x128xi32>
    %slice3A_2533 = vector.extract_strided_slice %select_n3A_2519 {offsets = [0, 16], sizes = [32, 112], strides = [1, 1]} : vector<32x128xi32> to vector<32x112xi32>
    %slice3A_2534 = vector.extract_strided_slice %select_n3A_2519 {offsets = [0, 0], sizes = [32, 16], strides = [1, 1]} : vector<32x128xi32> to vector<32x16xi32>
    %concatenate3A_2535 = tpu.concatenate %slice3A_2533, %slice3A_2534 in 1 : vector<32x112xi32>, vector<32x16xi32> -> vector<32x128xi32>
    %slice3A_2536 = vector.extract_strided_slice %select_n3A_2519 {offsets = [0, 112], sizes = [32, 16], strides = [1, 1]} : vector<32x128xi32> to vector<32x16xi32>
    %slice3A_2537 = vector.extract_strided_slice %select_n3A_2519 {offsets = [0, 0], sizes = [32, 112], strides = [1, 1]} : vector<32x128xi32> to vector<32x112xi32>
    %concatenate3A_2538 = tpu.concatenate %slice3A_2536, %slice3A_2537 in 1 : vector<32x16xi32>, vector<32x112xi32> -> vector<32x128xi32>
    %slice3A_2539 = vector.extract_strided_slice %select_n3A_2520 {offsets = [0, 16], sizes = [32, 112], strides = [1, 1]} : vector<32x128xi32> to vector<32x112xi32>
    %slice3A_2540 = vector.extract_strided_slice %select_n3A_2520 {offsets = [0, 0], sizes = [32, 16], strides = [1, 1]} : vector<32x128xi32> to vector<32x16xi32>
    %concatenate3A_2541 = tpu.concatenate %slice3A_2539, %slice3A_2540 in 1 : vector<32x112xi32>, vector<32x16xi32> -> vector<32x128xi32>
    %slice3A_2542 = vector.extract_strided_slice %select_n3A_2520 {offsets = [0, 112], sizes = [32, 16], strides = [1, 1]} : vector<32x128xi32> to vector<32x16xi32>
    %slice3A_2543 = vector.extract_strided_slice %select_n3A_2520 {offsets = [0, 0], sizes = [32, 112], strides = [1, 1]} : vector<32x128xi32> to vector<32x112xi32>
    %concatenate3A_2544 = tpu.concatenate %slice3A_2542, %slice3A_2543 in 1 : vector<32x16xi32>, vector<32x112xi32> -> vector<32x128xi32>
    %select_n3A_2545 = arith.select %eq3A_2526, %concatenate3A_2535, %concatenate3A_2538 : vector<32x128xi1>, vector<32x128xi32>
    %select_n3A_2546 = arith.select %eq3A_2526, %concatenate3A_2541, %concatenate3A_2544 : vector<32x128xi1>, vector<32x128xi32>
    %gt3A_2547 = arith.cmpi sgt, %select_n3A_2519, %select_n3A_2545 : vector<32x128xi32>
    %eq3A_2548 = arith.cmpi eq, %select_n3A_2519, %select_n3A_2545 : vector<32x128xi32>
    %lt3A_2549 = arith.cmpi slt, %select_n3A_2520, %select_n3A_2546 : vector<32x128xi32>
    %and3A_2550 = arith.andi %eq3A_2548, %lt3A_2549 : vector<32x128xi1>
    %or3A_2551 = arith.ori %gt3A_2547, %and3A_2550 : vector<32x128xi1>
    %eq3A_2552 = arith.xori %eq3A_2526, %eq3A_2532 : vector<32x128xi1>
    %eq3A_2553 = arith.constant dense<true> : vector<32x128xi1>
    %eq3A_2554 = arith.xori %eq3A_2552, %eq3A_2553 : vector<32x128xi1>
    %eq3A_2555 = arith.xori %or3A_2551, %eq3A_2554 : vector<32x128xi1>
    %eq3A_2556 = arith.constant dense<true> : vector<32x128xi1>
    %eq3A_2557 = arith.xori %eq3A_2555, %eq3A_2556 : vector<32x128xi1>
    %select_n3A_2558 = arith.select %eq3A_2557, %select_n3A_2519, %select_n3A_2545 : vector<32x128xi1>, vector<32x128xi32>
    %select_n3A_2559 = arith.select %eq3A_2557, %select_n3A_2520, %select_n3A_2546 : vector<32x128xi1>, vector<32x128xi32>
    %and3A_2560 = arith.constant 8 : i32
    %and3A_2561 = vector.broadcast %and3A_2560 : i32 to vector<32x128xi32>
    %and3A_2562 = arith.andi %add3A_958, %and3A_2561 : vector<32x128xi32>
    %eq3A_2563 = arith.constant 0 : i32
    %eq3A_2564 = vector.broadcast %eq3A_2563 : i32 to vector<32x128xi32>
    %eq3A_2565 = arith.cmpi eq, %and3A_2562, %eq3A_2564 : vector<32x128xi32>
    %and3A_2566 = arith.constant 512 : i32
    %and3A_2567 = vector.broadcast %and3A_2566 : i32 to vector<32x128xi32>
    %and3A_2568 = arith.andi %add3A_958, %and3A_2567 : vector<32x128xi32>
    %eq3A_2569 = arith.constant 0 : i32
    %eq3A_2570 = vector.broadcast %eq3A_2569 : i32 to vector<32x128xi32>
    %eq3A_2571 = arith.cmpi eq, %and3A_2568, %eq3A_2570 : vector<32x128xi32>
    %slice3A_2572 = vector.extract_strided_slice %select_n3A_2558 {offsets = [0, 8], sizes = [32, 120], strides = [1, 1]} : vector<32x128xi32> to vector<32x120xi32>
    %slice3A_2573 = vector.extract_strided_slice %select_n3A_2558 {offsets = [0, 0], sizes = [32, 8], strides = [1, 1]} : vector<32x128xi32> to vector<32x8xi32>
    %concatenate3A_2574 = tpu.concatenate %slice3A_2572, %slice3A_2573 in 1 : vector<32x120xi32>, vector<32x8xi32> -> vector<32x128xi32>
    %slice3A_2575 = vector.extract_strided_slice %select_n3A_2558 {offsets = [0, 120], sizes = [32, 8], strides = [1, 1]} : vector<32x128xi32> to vector<32x8xi32>
    %slice3A_2576 = vector.extract_strided_slice %select_n3A_2558 {offsets = [0, 0], sizes = [32, 120], strides = [1, 1]} : vector<32x128xi32> to vector<32x120xi32>
    %concatenate3A_2577 = tpu.concatenate %slice3A_2575, %slice3A_2576 in 1 : vector<32x8xi32>, vector<32x120xi32> -> vector<32x128xi32>
    %slice3A_2578 = vector.extract_strided_slice %select_n3A_2559 {offsets = [0, 8], sizes = [32, 120], strides = [1, 1]} : vector<32x128xi32> to vector<32x120xi32>
    %slice3A_2579 = vector.extract_strided_slice %select_n3A_2559 {offsets = [0, 0], sizes = [32, 8], strides = [1, 1]} : vector<32x128xi32> to vector<32x8xi32>
    %concatenate3A_2580 = tpu.concatenate %slice3A_2578, %slice3A_2579 in 1 : vector<32x120xi32>, vector<32x8xi32> -> vector<32x128xi32>
    %slice3A_2581 = vector.extract_strided_slice %select_n3A_2559 {offsets = [0, 120], sizes = [32, 8], strides = [1, 1]} : vector<32x128xi32> to vector<32x8xi32>
    %slice3A_2582 = vector.extract_strided_slice %select_n3A_2559 {offsets = [0, 0], sizes = [32, 120], strides = [1, 1]} : vector<32x128xi32> to vector<32x120xi32>
    %concatenate3A_2583 = tpu.concatenate %slice3A_2581, %slice3A_2582 in 1 : vector<32x8xi32>, vector<32x120xi32> -> vector<32x128xi32>
    %select_n3A_2584 = arith.select %eq3A_2565, %concatenate3A_2574, %concatenate3A_2577 : vector<32x128xi1>, vector<32x128xi32>
    %select_n3A_2585 = arith.select %eq3A_2565, %concatenate3A_2580, %concatenate3A_2583 : vector<32x128xi1>, vector<32x128xi32>
    %gt3A_2586 = arith.cmpi sgt, %select_n3A_2558, %select_n3A_2584 : vector<32x128xi32>
    %eq3A_2587 = arith.cmpi eq, %select_n3A_2558, %select_n3A_2584 : vector<32x128xi32>
    %lt3A_2588 = arith.cmpi slt, %select_n3A_2559, %select_n3A_2585 : vector<32x128xi32>
    %and3A_2589 = arith.andi %eq3A_2587, %lt3A_2588 : vector<32x128xi1>
    %or3A_2590 = arith.ori %gt3A_2586, %and3A_2589 : vector<32x128xi1>
    %eq3A_2591 = arith.xori %eq3A_2565, %eq3A_2571 : vector<32x128xi1>
    %eq3A_2592 = arith.constant dense<true> : vector<32x128xi1>
    %eq3A_2593 = arith.xori %eq3A_2591, %eq3A_2592 : vector<32x128xi1>
    %eq3A_2594 = arith.xori %or3A_2590, %eq3A_2593 : vector<32x128xi1>
    %eq3A_2595 = arith.constant dense<true> : vector<32x128xi1>
    %eq3A_2596 = arith.xori %eq3A_2594, %eq3A_2595 : vector<32x128xi1>
    %select_n3A_2597 = arith.select %eq3A_2596, %select_n3A_2558, %select_n3A_2584 : vector<32x128xi1>, vector<32x128xi32>
    %select_n3A_2598 = arith.select %eq3A_2596, %select_n3A_2559, %select_n3A_2585 : vector<32x128xi1>, vector<32x128xi32>
    %and3A_2599 = arith.constant 4 : i32
    %and3A_2600 = vector.broadcast %and3A_2599 : i32 to vector<32x128xi32>
    %and3A_2601 = arith.andi %add3A_958, %and3A_2600 : vector<32x128xi32>
    %eq3A_2602 = arith.constant 0 : i32
    %eq3A_2603 = vector.broadcast %eq3A_2602 : i32 to vector<32x128xi32>
    %eq3A_2604 = arith.cmpi eq, %and3A_2601, %eq3A_2603 : vector<32x128xi32>
    %and3A_2605 = arith.constant 512 : i32
    %and3A_2606 = vector.broadcast %and3A_2605 : i32 to vector<32x128xi32>
    %and3A_2607 = arith.andi %add3A_958, %and3A_2606 : vector<32x128xi32>
    %eq3A_2608 = arith.constant 0 : i32
    %eq3A_2609 = vector.broadcast %eq3A_2608 : i32 to vector<32x128xi32>
    %eq3A_2610 = arith.cmpi eq, %and3A_2607, %eq3A_2609 : vector<32x128xi32>
    %slice3A_2611 = vector.extract_strided_slice %select_n3A_2597 {offsets = [0, 4], sizes = [32, 124], strides = [1, 1]} : vector<32x128xi32> to vector<32x124xi32>
    %slice3A_2612 = vector.extract_strided_slice %select_n3A_2597 {offsets = [0, 0], sizes = [32, 4], strides = [1, 1]} : vector<32x128xi32> to vector<32x4xi32>
    %concatenate3A_2613 = tpu.concatenate %slice3A_2611, %slice3A_2612 in 1 : vector<32x124xi32>, vector<32x4xi32> -> vector<32x128xi32>
    %slice3A_2614 = vector.extract_strided_slice %select_n3A_2597 {offsets = [0, 124], sizes = [32, 4], strides = [1, 1]} : vector<32x128xi32> to vector<32x4xi32>
    %slice3A_2615 = vector.extract_strided_slice %select_n3A_2597 {offsets = [0, 0], sizes = [32, 124], strides = [1, 1]} : vector<32x128xi32> to vector<32x124xi32>
    %concatenate3A_2616 = tpu.concatenate %slice3A_2614, %slice3A_2615 in 1 : vector<32x4xi32>, vector<32x124xi32> -> vector<32x128xi32>
    %slice3A_2617 = vector.extract_strided_slice %select_n3A_2598 {offsets = [0, 4], sizes = [32, 124], strides = [1, 1]} : vector<32x128xi32> to vector<32x124xi32>
    %slice3A_2618 = vector.extract_strided_slice %select_n3A_2598 {offsets = [0, 0], sizes = [32, 4], strides = [1, 1]} : vector<32x128xi32> to vector<32x4xi32>
    %concatenate3A_2619 = tpu.concatenate %slice3A_2617, %slice3A_2618 in 1 : vector<32x124xi32>, vector<32x4xi32> -> vector<32x128xi32>
    %slice3A_2620 = vector.extract_strided_slice %select_n3A_2598 {offsets = [0, 124], sizes = [32, 4], strides = [1, 1]} : vector<32x128xi32> to vector<32x4xi32>
    %slice3A_2621 = vector.extract_strided_slice %select_n3A_2598 {offsets = [0, 0], sizes = [32, 124], strides = [1, 1]} : vector<32x128xi32> to vector<32x124xi32>
    %concatenate3A_2622 = tpu.concatenate %slice3A_2620, %slice3A_2621 in 1 : vector<32x4xi32>, vector<32x124xi32> -> vector<32x128xi32>
    %select_n3A_2623 = arith.select %eq3A_2604, %concatenate3A_2613, %concatenate3A_2616 : vector<32x128xi1>, vector<32x128xi32>
    %select_n3A_2624 = arith.select %eq3A_2604, %concatenate3A_2619, %concatenate3A_2622 : vector<32x128xi1>, vector<32x128xi32>
    %gt3A_2625 = arith.cmpi sgt, %select_n3A_2597, %select_n3A_2623 : vector<32x128xi32>
    %eq3A_2626 = arith.cmpi eq, %select_n3A_2597, %select_n3A_2623 : vector<32x128xi32>
    %lt3A_2627 = arith.cmpi slt, %select_n3A_2598, %select_n3A_2624 : vector<32x128xi32>
    %and3A_2628 = arith.andi %eq3A_2626, %lt3A_2627 : vector<32x128xi1>
    %or3A_2629 = arith.ori %gt3A_2625, %and3A_2628 : vector<32x128xi1>
    %eq3A_2630 = arith.xori %eq3A_2604, %eq3A_2610 : vector<32x128xi1>
    %eq3A_2631 = arith.constant dense<true> : vector<32x128xi1>
    %eq3A_2632 = arith.xori %eq3A_2630, %eq3A_2631 : vector<32x128xi1>
    %eq3A_2633 = arith.xori %or3A_2629, %eq3A_2632 : vector<32x128xi1>
    %eq3A_2634 = arith.constant dense<true> : vector<32x128xi1>
    %eq3A_2635 = arith.xori %eq3A_2633, %eq3A_2634 : vector<32x128xi1>
    %select_n3A_2636 = arith.select %eq3A_2635, %select_n3A_2597, %select_n3A_2623 : vector<32x128xi1>, vector<32x128xi32>
    %select_n3A_2637 = arith.select %eq3A_2635, %select_n3A_2598, %select_n3A_2624 : vector<32x128xi1>, vector<32x128xi32>
    %and3A_2638 = arith.constant 2 : i32
    %and3A_2639 = vector.broadcast %and3A_2638 : i32 to vector<32x128xi32>
    %and3A_2640 = arith.andi %add3A_958, %and3A_2639 : vector<32x128xi32>
    %eq3A_2641 = arith.constant 0 : i32
    %eq3A_2642 = vector.broadcast %eq3A_2641 : i32 to vector<32x128xi32>
    %eq3A_2643 = arith.cmpi eq, %and3A_2640, %eq3A_2642 : vector<32x128xi32>
    %and3A_2644 = arith.constant 512 : i32
    %and3A_2645 = vector.broadcast %and3A_2644 : i32 to vector<32x128xi32>
    %and3A_2646 = arith.andi %add3A_958, %and3A_2645 : vector<32x128xi32>
    %eq3A_2647 = arith.constant 0 : i32
    %eq3A_2648 = vector.broadcast %eq3A_2647 : i32 to vector<32x128xi32>
    %eq3A_2649 = arith.cmpi eq, %and3A_2646, %eq3A_2648 : vector<32x128xi32>
    %slice3A_2650 = vector.extract_strided_slice %select_n3A_2636 {offsets = [0, 2], sizes = [32, 126], strides = [1, 1]} : vector<32x128xi32> to vector<32x126xi32>
    %slice3A_2651 = vector.extract_strided_slice %select_n3A_2636 {offsets = [0, 0], sizes = [32, 2], strides = [1, 1]} : vector<32x128xi32> to vector<32x2xi32>
    %concatenate3A_2652 = tpu.concatenate %slice3A_2650, %slice3A_2651 in 1 : vector<32x126xi32>, vector<32x2xi32> -> vector<32x128xi32>
    %slice3A_2653 = vector.extract_strided_slice %select_n3A_2636 {offsets = [0, 126], sizes = [32, 2], strides = [1, 1]} : vector<32x128xi32> to vector<32x2xi32>
    %slice3A_2654 = vector.extract_strided_slice %select_n3A_2636 {offsets = [0, 0], sizes = [32, 126], strides = [1, 1]} : vector<32x128xi32> to vector<32x126xi32>
    %concatenate3A_2655 = tpu.concatenate %slice3A_2653, %slice3A_2654 in 1 : vector<32x2xi32>, vector<32x126xi32> -> vector<32x128xi32>
    %slice3A_2656 = vector.extract_strided_slice %select_n3A_2637 {offsets = [0, 2], sizes = [32, 126], strides = [1, 1]} : vector<32x128xi32> to vector<32x126xi32>
    %slice3A_2657 = vector.extract_strided_slice %select_n3A_2637 {offsets = [0, 0], sizes = [32, 2], strides = [1, 1]} : vector<32x128xi32> to vector<32x2xi32>
    %concatenate3A_2658 = tpu.concatenate %slice3A_2656, %slice3A_2657 in 1 : vector<32x126xi32>, vector<32x2xi32> -> vector<32x128xi32>
    %slice3A_2659 = vector.extract_strided_slice %select_n3A_2637 {offsets = [0, 126], sizes = [32, 2], strides = [1, 1]} : vector<32x128xi32> to vector<32x2xi32>
    %slice3A_2660 = vector.extract_strided_slice %select_n3A_2637 {offsets = [0, 0], sizes = [32, 126], strides = [1, 1]} : vector<32x128xi32> to vector<32x126xi32>
    %concatenate3A_2661 = tpu.concatenate %slice3A_2659, %slice3A_2660 in 1 : vector<32x2xi32>, vector<32x126xi32> -> vector<32x128xi32>
    %select_n3A_2662 = arith.select %eq3A_2643, %concatenate3A_2652, %concatenate3A_2655 : vector<32x128xi1>, vector<32x128xi32>
    %select_n3A_2663 = arith.select %eq3A_2643, %concatenate3A_2658, %concatenate3A_2661 : vector<32x128xi1>, vector<32x128xi32>
    %gt3A_2664 = arith.cmpi sgt, %select_n3A_2636, %select_n3A_2662 : vector<32x128xi32>
    %eq3A_2665 = arith.cmpi eq, %select_n3A_2636, %select_n3A_2662 : vector<32x128xi32>
    %lt3A_2666 = arith.cmpi slt, %select_n3A_2637, %select_n3A_2663 : vector<32x128xi32>
    %and3A_2667 = arith.andi %eq3A_2665, %lt3A_2666 : vector<32x128xi1>
    %or3A_2668 = arith.ori %gt3A_2664, %and3A_2667 : vector<32x128xi1>
    %eq3A_2669 = arith.xori %eq3A_2643, %eq3A_2649 : vector<32x128xi1>
    %eq3A_2670 = arith.constant dense<true> : vector<32x128xi1>
    %eq3A_2671 = arith.xori %eq3A_2669, %eq3A_2670 : vector<32x128xi1>
    %eq3A_2672 = arith.xori %or3A_2668, %eq3A_2671 : vector<32x128xi1>
    %eq3A_2673 = arith.constant dense<true> : vector<32x128xi1>
    %eq3A_2674 = arith.xori %eq3A_2672, %eq3A_2673 : vector<32x128xi1>
    %select_n3A_2675 = arith.select %eq3A_2674, %select_n3A_2636, %select_n3A_2662 : vector<32x128xi1>, vector<32x128xi32>
    %select_n3A_2676 = arith.select %eq3A_2674, %select_n3A_2637, %select_n3A_2663 : vector<32x128xi1>, vector<32x128xi32>
    %and3A_2677 = arith.constant 1 : i32
    %and3A_2678 = vector.broadcast %and3A_2677 : i32 to vector<32x128xi32>
    %and3A_2679 = arith.andi %add3A_958, %and3A_2678 : vector<32x128xi32>
    %eq3A_2680 = arith.constant 0 : i32
    %eq3A_2681 = vector.broadcast %eq3A_2680 : i32 to vector<32x128xi32>
    %eq3A_2682 = arith.cmpi eq, %and3A_2679, %eq3A_2681 : vector<32x128xi32>
    %and3A_2683 = arith.constant 512 : i32
    %and3A_2684 = vector.broadcast %and3A_2683 : i32 to vector<32x128xi32>
    %and3A_2685 = arith.andi %add3A_958, %and3A_2684 : vector<32x128xi32>
    %eq3A_2686 = arith.constant 0 : i32
    %eq3A_2687 = vector.broadcast %eq3A_2686 : i32 to vector<32x128xi32>
    %eq3A_2688 = arith.cmpi eq, %and3A_2685, %eq3A_2687 : vector<32x128xi32>
    %slice3A_2689 = vector.extract_strided_slice %select_n3A_2675 {offsets = [0, 1], sizes = [32, 127], strides = [1, 1]} : vector<32x128xi32> to vector<32x127xi32>
    %slice3A_2690 = vector.extract_strided_slice %select_n3A_2675 {offsets = [0, 0], sizes = [32, 1], strides = [1, 1]} : vector<32x128xi32> to vector<32x1xi32>
    %concatenate3A_2691 = tpu.concatenate %slice3A_2689, %slice3A_2690 in 1 : vector<32x127xi32>, vector<32x1xi32> -> vector<32x128xi32>
    %slice3A_2692 = vector.extract_strided_slice %select_n3A_2675 {offsets = [0, 127], sizes = [32, 1], strides = [1, 1]} : vector<32x128xi32> to vector<32x1xi32>
    %slice3A_2693 = vector.extract_strided_slice %select_n3A_2675 {offsets = [0, 0], sizes = [32, 127], strides = [1, 1]} : vector<32x128xi32> to vector<32x127xi32>
    %concatenate3A_2694 = tpu.concatenate %slice3A_2692, %slice3A_2693 in 1 : vector<32x1xi32>, vector<32x127xi32> -> vector<32x128xi32>
    %slice3A_2695 = vector.extract_strided_slice %select_n3A_2676 {offsets = [0, 1], sizes = [32, 127], strides = [1, 1]} : vector<32x128xi32> to vector<32x127xi32>
    %slice3A_2696 = vector.extract_strided_slice %select_n3A_2676 {offsets = [0, 0], sizes = [32, 1], strides = [1, 1]} : vector<32x128xi32> to vector<32x1xi32>
    %concatenate3A_2697 = tpu.concatenate %slice3A_2695, %slice3A_2696 in 1 : vector<32x127xi32>, vector<32x1xi32> -> vector<32x128xi32>
    %slice3A_2698 = vector.extract_strided_slice %select_n3A_2676 {offsets = [0, 127], sizes = [32, 1], strides = [1, 1]} : vector<32x128xi32> to vector<32x1xi32>
    %slice3A_2699 = vector.extract_strided_slice %select_n3A_2676 {offsets = [0, 0], sizes = [32, 127], strides = [1, 1]} : vector<32x128xi32> to vector<32x127xi32>
    %concatenate3A_2700 = tpu.concatenate %slice3A_2698, %slice3A_2699 in 1 : vector<32x1xi32>, vector<32x127xi32> -> vector<32x128xi32>
    %select_n3A_2701 = arith.select %eq3A_2682, %concatenate3A_2691, %concatenate3A_2694 : vector<32x128xi1>, vector<32x128xi32>
    %select_n3A_2702 = arith.select %eq3A_2682, %concatenate3A_2697, %concatenate3A_2700 : vector<32x128xi1>, vector<32x128xi32>
    %gt3A_2703 = arith.cmpi sgt, %select_n3A_2675, %select_n3A_2701 : vector<32x128xi32>
    %eq3A_2704 = arith.cmpi eq, %select_n3A_2675, %select_n3A_2701 : vector<32x128xi32>
    %lt3A_2705 = arith.cmpi slt, %select_n3A_2676, %select_n3A_2702 : vector<32x128xi32>
    %and3A_2706 = arith.andi %eq3A_2704, %lt3A_2705 : vector<32x128xi1>
    %or3A_2707 = arith.ori %gt3A_2703, %and3A_2706 : vector<32x128xi1>
    %eq3A_2708 = arith.xori %eq3A_2682, %eq3A_2688 : vector<32x128xi1>
    %eq3A_2709 = arith.constant dense<true> : vector<32x128xi1>
    %eq3A_2710 = arith.xori %eq3A_2708, %eq3A_2709 : vector<32x128xi1>
    %eq3A_2711 = arith.xori %or3A_2707, %eq3A_2710 : vector<32x128xi1>
    %eq3A_2712 = arith.constant dense<true> : vector<32x128xi1>
    %eq3A_2713 = arith.xori %eq3A_2711, %eq3A_2712 : vector<32x128xi1>
    %select_n3A_2714 = arith.select %eq3A_2713, %select_n3A_2675, %select_n3A_2701 : vector<32x128xi1>, vector<32x128xi32>
    %select_n3A_2715 = arith.select %eq3A_2713, %select_n3A_2676, %select_n3A_2702 : vector<32x128xi1>, vector<32x128xi32>
    %and3A_2716 = arith.constant 512 : i32
    %and3A_2717 = vector.broadcast %and3A_2716 : i32 to vector<32x128xi32>
    %and3A_2718 = arith.andi %add3A_958, %and3A_2717 : vector<32x128xi32>
    %eq3A_2719 = arith.constant 0 : i32
    %eq3A_2720 = vector.broadcast %eq3A_2719 : i32 to vector<32x128xi32>
    %eq3A_2721 = arith.cmpi eq, %and3A_2718, %eq3A_2720 : vector<32x128xi32>
    %and3A_2722 = arith.constant 1024 : i32
    %and3A_2723 = vector.broadcast %and3A_2722 : i32 to vector<32x128xi32>
    %and3A_2724 = arith.andi %add3A_958, %and3A_2723 : vector<32x128xi32>
    %eq3A_2725 = arith.constant 0 : i32
    %eq3A_2726 = vector.broadcast %eq3A_2725 : i32 to vector<32x128xi32>
    %eq3A_2727 = arith.cmpi eq, %and3A_2724, %eq3A_2726 : vector<32x128xi32>
    %slice3A_2728 = vector.extract_strided_slice %select_n3A_2714 {offsets = [4, 0], sizes = [28, 128], strides = [1, 1]} : vector<32x128xi32> to vector<28x128xi32>
    %slice3A_2729 = vector.extract_strided_slice %select_n3A_2714 {offsets = [0, 0], sizes = [4, 128], strides = [1, 1]} : vector<32x128xi32> to vector<4x128xi32>
    %concatenate3A_2730 = tpu.concatenate %slice3A_2728, %slice3A_2729 in 0 : vector<28x128xi32>, vector<4x128xi32> -> vector<32x128xi32>
    %slice3A_2731 = vector.extract_strided_slice %select_n3A_2714 {offsets = [28, 0], sizes = [4, 128], strides = [1, 1]} : vector<32x128xi32> to vector<4x128xi32>
    %slice3A_2732 = vector.extract_strided_slice %select_n3A_2714 {offsets = [0, 0], sizes = [28, 128], strides = [1, 1]} : vector<32x128xi32> to vector<28x128xi32>
    %concatenate3A_2733 = tpu.concatenate %slice3A_2731, %slice3A_2732 in 0 : vector<4x128xi32>, vector<28x128xi32> -> vector<32x128xi32>
    %slice3A_2734 = vector.extract_strided_slice %select_n3A_2715 {offsets = [4, 0], sizes = [28, 128], strides = [1, 1]} : vector<32x128xi32> to vector<28x128xi32>
    %slice3A_2735 = vector.extract_strided_slice %select_n3A_2715 {offsets = [0, 0], sizes = [4, 128], strides = [1, 1]} : vector<32x128xi32> to vector<4x128xi32>
    %concatenate3A_2736 = tpu.concatenate %slice3A_2734, %slice3A_2735 in 0 : vector<28x128xi32>, vector<4x128xi32> -> vector<32x128xi32>
    %slice3A_2737 = vector.extract_strided_slice %select_n3A_2715 {offsets = [28, 0], sizes = [4, 128], strides = [1, 1]} : vector<32x128xi32> to vector<4x128xi32>
    %slice3A_2738 = vector.extract_strided_slice %select_n3A_2715 {offsets = [0, 0], sizes = [28, 128], strides = [1, 1]} : vector<32x128xi32> to vector<28x128xi32>
    %concatenate3A_2739 = tpu.concatenate %slice3A_2737, %slice3A_2738 in 0 : vector<4x128xi32>, vector<28x128xi32> -> vector<32x128xi32>
    %select_n3A_2740 = arith.select %eq3A_2721, %concatenate3A_2730, %concatenate3A_2733 : vector<32x128xi1>, vector<32x128xi32>
    %select_n3A_2741 = arith.select %eq3A_2721, %concatenate3A_2736, %concatenate3A_2739 : vector<32x128xi1>, vector<32x128xi32>
    %gt3A_2742 = arith.cmpi sgt, %select_n3A_2714, %select_n3A_2740 : vector<32x128xi32>
    %eq3A_2743 = arith.cmpi eq, %select_n3A_2714, %select_n3A_2740 : vector<32x128xi32>
    %lt3A_2744 = arith.cmpi slt, %select_n3A_2715, %select_n3A_2741 : vector<32x128xi32>
    %and3A_2745 = arith.andi %eq3A_2743, %lt3A_2744 : vector<32x128xi1>
    %or3A_2746 = arith.ori %gt3A_2742, %and3A_2745 : vector<32x128xi1>
    %eq3A_2747 = arith.xori %eq3A_2721, %eq3A_2727 : vector<32x128xi1>
    %eq3A_2748 = arith.constant dense<true> : vector<32x128xi1>
    %eq3A_2749 = arith.xori %eq3A_2747, %eq3A_2748 : vector<32x128xi1>
    %eq3A_2750 = arith.xori %or3A_2746, %eq3A_2749 : vector<32x128xi1>
    %eq3A_2751 = arith.constant dense<true> : vector<32x128xi1>
    %eq3A_2752 = arith.xori %eq3A_2750, %eq3A_2751 : vector<32x128xi1>
    %select_n3A_2753 = arith.select %eq3A_2752, %select_n3A_2714, %select_n3A_2740 : vector<32x128xi1>, vector<32x128xi32>
    %select_n3A_2754 = arith.select %eq3A_2752, %select_n3A_2715, %select_n3A_2741 : vector<32x128xi1>, vector<32x128xi32>
    %and3A_2755 = arith.constant 256 : i32
    %and3A_2756 = vector.broadcast %and3A_2755 : i32 to vector<32x128xi32>
    %and3A_2757 = arith.andi %add3A_958, %and3A_2756 : vector<32x128xi32>
    %eq3A_2758 = arith.constant 0 : i32
    %eq3A_2759 = vector.broadcast %eq3A_2758 : i32 to vector<32x128xi32>
    %eq3A_2760 = arith.cmpi eq, %and3A_2757, %eq3A_2759 : vector<32x128xi32>
    %and3A_2761 = arith.constant 1024 : i32
    %and3A_2762 = vector.broadcast %and3A_2761 : i32 to vector<32x128xi32>
    %and3A_2763 = arith.andi %add3A_958, %and3A_2762 : vector<32x128xi32>
    %eq3A_2764 = arith.constant 0 : i32
    %eq3A_2765 = vector.broadcast %eq3A_2764 : i32 to vector<32x128xi32>
    %eq3A_2766 = arith.cmpi eq, %and3A_2763, %eq3A_2765 : vector<32x128xi32>
    %slice3A_2767 = vector.extract_strided_slice %select_n3A_2753 {offsets = [2, 0], sizes = [30, 128], strides = [1, 1]} : vector<32x128xi32> to vector<30x128xi32>
    %slice3A_2768 = vector.extract_strided_slice %select_n3A_2753 {offsets = [0, 0], sizes = [2, 128], strides = [1, 1]} : vector<32x128xi32> to vector<2x128xi32>
    %concatenate3A_2769 = tpu.concatenate %slice3A_2767, %slice3A_2768 in 0 : vector<30x128xi32>, vector<2x128xi32> -> vector<32x128xi32>
    %slice3A_2770 = vector.extract_strided_slice %select_n3A_2753 {offsets = [30, 0], sizes = [2, 128], strides = [1, 1]} : vector<32x128xi32> to vector<2x128xi32>
    %slice3A_2771 = vector.extract_strided_slice %select_n3A_2753 {offsets = [0, 0], sizes = [30, 128], strides = [1, 1]} : vector<32x128xi32> to vector<30x128xi32>
    %concatenate3A_2772 = tpu.concatenate %slice3A_2770, %slice3A_2771 in 0 : vector<2x128xi32>, vector<30x128xi32> -> vector<32x128xi32>
    %slice3A_2773 = vector.extract_strided_slice %select_n3A_2754 {offsets = [2, 0], sizes = [30, 128], strides = [1, 1]} : vector<32x128xi32> to vector<30x128xi32>
    %slice3A_2774 = vector.extract_strided_slice %select_n3A_2754 {offsets = [0, 0], sizes = [2, 128], strides = [1, 1]} : vector<32x128xi32> to vector<2x128xi32>
    %concatenate3A_2775 = tpu.concatenate %slice3A_2773, %slice3A_2774 in 0 : vector<30x128xi32>, vector<2x128xi32> -> vector<32x128xi32>
    %slice3A_2776 = vector.extract_strided_slice %select_n3A_2754 {offsets = [30, 0], sizes = [2, 128], strides = [1, 1]} : vector<32x128xi32> to vector<2x128xi32>
    %slice3A_2777 = vector.extract_strided_slice %select_n3A_2754 {offsets = [0, 0], sizes = [30, 128], strides = [1, 1]} : vector<32x128xi32> to vector<30x128xi32>
    %concatenate3A_2778 = tpu.concatenate %slice3A_2776, %slice3A_2777 in 0 : vector<2x128xi32>, vector<30x128xi32> -> vector<32x128xi32>
    %select_n3A_2779 = arith.select %eq3A_2760, %concatenate3A_2769, %concatenate3A_2772 : vector<32x128xi1>, vector<32x128xi32>
    %select_n3A_2780 = arith.select %eq3A_2760, %concatenate3A_2775, %concatenate3A_2778 : vector<32x128xi1>, vector<32x128xi32>
    %gt3A_2781 = arith.cmpi sgt, %select_n3A_2753, %select_n3A_2779 : vector<32x128xi32>
    %eq3A_2782 = arith.cmpi eq, %select_n3A_2753, %select_n3A_2779 : vector<32x128xi32>
    %lt3A_2783 = arith.cmpi slt, %select_n3A_2754, %select_n3A_2780 : vector<32x128xi32>
    %and3A_2784 = arith.andi %eq3A_2782, %lt3A_2783 : vector<32x128xi1>
    %or3A_2785 = arith.ori %gt3A_2781, %and3A_2784 : vector<32x128xi1>
    %eq3A_2786 = arith.xori %eq3A_2760, %eq3A_2766 : vector<32x128xi1>
    %eq3A_2787 = arith.constant dense<true> : vector<32x128xi1>
    %eq3A_2788 = arith.xori %eq3A_2786, %eq3A_2787 : vector<32x128xi1>
    %eq3A_2789 = arith.xori %or3A_2785, %eq3A_2788 : vector<32x128xi1>
    %eq3A_2790 = arith.constant dense<true> : vector<32x128xi1>
    %eq3A_2791 = arith.xori %eq3A_2789, %eq3A_2790 : vector<32x128xi1>
    %select_n3A_2792 = arith.select %eq3A_2791, %select_n3A_2753, %select_n3A_2779 : vector<32x128xi1>, vector<32x128xi32>
    %select_n3A_2793 = arith.select %eq3A_2791, %select_n3A_2754, %select_n3A_2780 : vector<32x128xi1>, vector<32x128xi32>
    %and3A_2794 = arith.constant 128 : i32
    %and3A_2795 = vector.broadcast %and3A_2794 : i32 to vector<32x128xi32>
    %and3A_2796 = arith.andi %add3A_958, %and3A_2795 : vector<32x128xi32>
    %eq3A_2797 = arith.constant 0 : i32
    %eq3A_2798 = vector.broadcast %eq3A_2797 : i32 to vector<32x128xi32>
    %eq3A_2799 = arith.cmpi eq, %and3A_2796, %eq3A_2798 : vector<32x128xi32>
    %and3A_2800 = arith.constant 1024 : i32
    %and3A_2801 = vector.broadcast %and3A_2800 : i32 to vector<32x128xi32>
    %and3A_2802 = arith.andi %add3A_958, %and3A_2801 : vector<32x128xi32>
    %eq3A_2803 = arith.constant 0 : i32
    %eq3A_2804 = vector.broadcast %eq3A_2803 : i32 to vector<32x128xi32>
    %eq3A_2805 = arith.cmpi eq, %and3A_2802, %eq3A_2804 : vector<32x128xi32>
    %slice3A_2806 = vector.extract_strided_slice %select_n3A_2792 {offsets = [1, 0], sizes = [31, 128], strides = [1, 1]} : vector<32x128xi32> to vector<31x128xi32>
    %slice3A_2807 = vector.extract_strided_slice %select_n3A_2792 {offsets = [0, 0], sizes = [1, 128], strides = [1, 1]} : vector<32x128xi32> to vector<1x128xi32>
    %concatenate3A_2808 = tpu.concatenate %slice3A_2806, %slice3A_2807 in 0 : vector<31x128xi32>, vector<1x128xi32> -> vector<32x128xi32>
    %slice3A_2809 = vector.extract_strided_slice %select_n3A_2792 {offsets = [31, 0], sizes = [1, 128], strides = [1, 1]} : vector<32x128xi32> to vector<1x128xi32>
    %slice3A_2810 = vector.extract_strided_slice %select_n3A_2792 {offsets = [0, 0], sizes = [31, 128], strides = [1, 1]} : vector<32x128xi32> to vector<31x128xi32>
    %concatenate3A_2811 = tpu.concatenate %slice3A_2809, %slice3A_2810 in 0 : vector<1x128xi32>, vector<31x128xi32> -> vector<32x128xi32>
    %slice3A_2812 = vector.extract_strided_slice %select_n3A_2793 {offsets = [1, 0], sizes = [31, 128], strides = [1, 1]} : vector<32x128xi32> to vector<31x128xi32>
    %slice3A_2813 = vector.extract_strided_slice %select_n3A_2793 {offsets = [0, 0], sizes = [1, 128], strides = [1, 1]} : vector<32x128xi32> to vector<1x128xi32>
    %concatenate3A_2814 = tpu.concatenate %slice3A_2812, %slice3A_2813 in 0 : vector<31x128xi32>, vector<1x128xi32> -> vector<32x128xi32>
    %slice3A_2815 = vector.extract_strided_slice %select_n3A_2793 {offsets = [31, 0], sizes = [1, 128], strides = [1, 1]} : vector<32x128xi32> to vector<1x128xi32>
    %slice3A_2816 = vector.extract_strided_slice %select_n3A_2793 {offsets = [0, 0], sizes = [31, 128], strides = [1, 1]} : vector<32x128xi32> to vector<31x128xi32>
    %concatenate3A_2817 = tpu.concatenate %slice3A_2815, %slice3A_2816 in 0 : vector<1x128xi32>, vector<31x128xi32> -> vector<32x128xi32>
    %select_n3A_2818 = arith.select %eq3A_2799, %concatenate3A_2808, %concatenate3A_2811 : vector<32x128xi1>, vector<32x128xi32>
    %select_n3A_2819 = arith.select %eq3A_2799, %concatenate3A_2814, %concatenate3A_2817 : vector<32x128xi1>, vector<32x128xi32>
    %gt3A_2820 = arith.cmpi sgt, %select_n3A_2792, %select_n3A_2818 : vector<32x128xi32>
    %eq3A_2821 = arith.cmpi eq, %select_n3A_2792, %select_n3A_2818 : vector<32x128xi32>
    %lt3A_2822 = arith.cmpi slt, %select_n3A_2793, %select_n3A_2819 : vector<32x128xi32>
    %and3A_2823 = arith.andi %eq3A_2821, %lt3A_2822 : vector<32x128xi1>
    %or3A_2824 = arith.ori %gt3A_2820, %and3A_2823 : vector<32x128xi1>
    %eq3A_2825 = arith.xori %eq3A_2799, %eq3A_2805 : vector<32x128xi1>
    %eq3A_2826 = arith.constant dense<true> : vector<32x128xi1>
    %eq3A_2827 = arith.xori %eq3A_2825, %eq3A_2826 : vector<32x128xi1>
    %eq3A_2828 = arith.xori %or3A_2824, %eq3A_2827 : vector<32x128xi1>
    %eq3A_2829 = arith.constant dense<true> : vector<32x128xi1>
    %eq3A_2830 = arith.xori %eq3A_2828, %eq3A_2829 : vector<32x128xi1>
    %select_n3A_2831 = arith.select %eq3A_2830, %select_n3A_2792, %select_n3A_2818 : vector<32x128xi1>, vector<32x128xi32>
    %select_n3A_2832 = arith.select %eq3A_2830, %select_n3A_2793, %select_n3A_2819 : vector<32x128xi1>, vector<32x128xi32>
    %and3A_2833 = arith.constant 64 : i32
    %and3A_2834 = vector.broadcast %and3A_2833 : i32 to vector<32x128xi32>
    %and3A_2835 = arith.andi %add3A_958, %and3A_2834 : vector<32x128xi32>
    %eq3A_2836 = arith.constant 0 : i32
    %eq3A_2837 = vector.broadcast %eq3A_2836 : i32 to vector<32x128xi32>
    %eq3A_2838 = arith.cmpi eq, %and3A_2835, %eq3A_2837 : vector<32x128xi32>
    %and3A_2839 = arith.constant 1024 : i32
    %and3A_2840 = vector.broadcast %and3A_2839 : i32 to vector<32x128xi32>
    %and3A_2841 = arith.andi %add3A_958, %and3A_2840 : vector<32x128xi32>
    %eq3A_2842 = arith.constant 0 : i32
    %eq3A_2843 = vector.broadcast %eq3A_2842 : i32 to vector<32x128xi32>
    %eq3A_2844 = arith.cmpi eq, %and3A_2841, %eq3A_2843 : vector<32x128xi32>
    %slice3A_2845 = vector.extract_strided_slice %select_n3A_2831 {offsets = [0, 64], sizes = [32, 64], strides = [1, 1]} : vector<32x128xi32> to vector<32x64xi32>
    %slice3A_2846 = vector.extract_strided_slice %select_n3A_2831 {offsets = [0, 0], sizes = [32, 64], strides = [1, 1]} : vector<32x128xi32> to vector<32x64xi32>
    %concatenate3A_2847 = tpu.concatenate %slice3A_2845, %slice3A_2846 in 1 : vector<32x64xi32>, vector<32x64xi32> -> vector<32x128xi32>
    %slice3A_2848 = vector.extract_strided_slice %select_n3A_2831 {offsets = [0, 64], sizes = [32, 64], strides = [1, 1]} : vector<32x128xi32> to vector<32x64xi32>
    %slice3A_2849 = vector.extract_strided_slice %select_n3A_2831 {offsets = [0, 0], sizes = [32, 64], strides = [1, 1]} : vector<32x128xi32> to vector<32x64xi32>
    %concatenate3A_2850 = tpu.concatenate %slice3A_2848, %slice3A_2849 in 1 : vector<32x64xi32>, vector<32x64xi32> -> vector<32x128xi32>
    %slice3A_2851 = vector.extract_strided_slice %select_n3A_2832 {offsets = [0, 64], sizes = [32, 64], strides = [1, 1]} : vector<32x128xi32> to vector<32x64xi32>
    %slice3A_2852 = vector.extract_strided_slice %select_n3A_2832 {offsets = [0, 0], sizes = [32, 64], strides = [1, 1]} : vector<32x128xi32> to vector<32x64xi32>
    %concatenate3A_2853 = tpu.concatenate %slice3A_2851, %slice3A_2852 in 1 : vector<32x64xi32>, vector<32x64xi32> -> vector<32x128xi32>
    %slice3A_2854 = vector.extract_strided_slice %select_n3A_2832 {offsets = [0, 64], sizes = [32, 64], strides = [1, 1]} : vector<32x128xi32> to vector<32x64xi32>
    %slice3A_2855 = vector.extract_strided_slice %select_n3A_2832 {offsets = [0, 0], sizes = [32, 64], strides = [1, 1]} : vector<32x128xi32> to vector<32x64xi32>
    %concatenate3A_2856 = tpu.concatenate %slice3A_2854, %slice3A_2855 in 1 : vector<32x64xi32>, vector<32x64xi32> -> vector<32x128xi32>
    %select_n3A_2857 = arith.select %eq3A_2838, %concatenate3A_2847, %concatenate3A_2850 : vector<32x128xi1>, vector<32x128xi32>
    %select_n3A_2858 = arith.select %eq3A_2838, %concatenate3A_2853, %concatenate3A_2856 : vector<32x128xi1>, vector<32x128xi32>
    %gt3A_2859 = arith.cmpi sgt, %select_n3A_2831, %select_n3A_2857 : vector<32x128xi32>
    %eq3A_2860 = arith.cmpi eq, %select_n3A_2831, %select_n3A_2857 : vector<32x128xi32>
    %lt3A_2861 = arith.cmpi slt, %select_n3A_2832, %select_n3A_2858 : vector<32x128xi32>
    %and3A_2862 = arith.andi %eq3A_2860, %lt3A_2861 : vector<32x128xi1>
    %or3A_2863 = arith.ori %gt3A_2859, %and3A_2862 : vector<32x128xi1>
    %eq3A_2864 = arith.xori %eq3A_2838, %eq3A_2844 : vector<32x128xi1>
    %eq3A_2865 = arith.constant dense<true> : vector<32x128xi1>
    %eq3A_2866 = arith.xori %eq3A_2864, %eq3A_2865 : vector<32x128xi1>
    %eq3A_2867 = arith.xori %or3A_2863, %eq3A_2866 : vector<32x128xi1>
    %eq3A_2868 = arith.constant dense<true> : vector<32x128xi1>
    %eq3A_2869 = arith.xori %eq3A_2867, %eq3A_2868 : vector<32x128xi1>
    %select_n3A_2870 = arith.select %eq3A_2869, %select_n3A_2831, %select_n3A_2857 : vector<32x128xi1>, vector<32x128xi32>
    %select_n3A_2871 = arith.select %eq3A_2869, %select_n3A_2832, %select_n3A_2858 : vector<32x128xi1>, vector<32x128xi32>
    %and3A_2872 = arith.constant 32 : i32
    %and3A_2873 = vector.broadcast %and3A_2872 : i32 to vector<32x128xi32>
    %and3A_2874 = arith.andi %add3A_958, %and3A_2873 : vector<32x128xi32>
    %eq3A_2875 = arith.constant 0 : i32
    %eq3A_2876 = vector.broadcast %eq3A_2875 : i32 to vector<32x128xi32>
    %eq3A_2877 = arith.cmpi eq, %and3A_2874, %eq3A_2876 : vector<32x128xi32>
    %and3A_2878 = arith.constant 1024 : i32
    %and3A_2879 = vector.broadcast %and3A_2878 : i32 to vector<32x128xi32>
    %and3A_2880 = arith.andi %add3A_958, %and3A_2879 : vector<32x128xi32>
    %eq3A_2881 = arith.constant 0 : i32
    %eq3A_2882 = vector.broadcast %eq3A_2881 : i32 to vector<32x128xi32>
    %eq3A_2883 = arith.cmpi eq, %and3A_2880, %eq3A_2882 : vector<32x128xi32>
    %slice3A_2884 = vector.extract_strided_slice %select_n3A_2870 {offsets = [0, 32], sizes = [32, 96], strides = [1, 1]} : vector<32x128xi32> to vector<32x96xi32>
    %slice3A_2885 = vector.extract_strided_slice %select_n3A_2870 {offsets = [0, 0], sizes = [32, 32], strides = [1, 1]} : vector<32x128xi32> to vector<32x32xi32>
    %concatenate3A_2886 = tpu.concatenate %slice3A_2884, %slice3A_2885 in 1 : vector<32x96xi32>, vector<32x32xi32> -> vector<32x128xi32>
    %slice3A_2887 = vector.extract_strided_slice %select_n3A_2870 {offsets = [0, 96], sizes = [32, 32], strides = [1, 1]} : vector<32x128xi32> to vector<32x32xi32>
    %slice3A_2888 = vector.extract_strided_slice %select_n3A_2870 {offsets = [0, 0], sizes = [32, 96], strides = [1, 1]} : vector<32x128xi32> to vector<32x96xi32>
    %concatenate3A_2889 = tpu.concatenate %slice3A_2887, %slice3A_2888 in 1 : vector<32x32xi32>, vector<32x96xi32> -> vector<32x128xi32>
    %slice3A_2890 = vector.extract_strided_slice %select_n3A_2871 {offsets = [0, 32], sizes = [32, 96], strides = [1, 1]} : vector<32x128xi32> to vector<32x96xi32>
    %slice3A_2891 = vector.extract_strided_slice %select_n3A_2871 {offsets = [0, 0], sizes = [32, 32], strides = [1, 1]} : vector<32x128xi32> to vector<32x32xi32>
    %concatenate3A_2892 = tpu.concatenate %slice3A_2890, %slice3A_2891 in 1 : vector<32x96xi32>, vector<32x32xi32> -> vector<32x128xi32>
    %slice3A_2893 = vector.extract_strided_slice %select_n3A_2871 {offsets = [0, 96], sizes = [32, 32], strides = [1, 1]} : vector<32x128xi32> to vector<32x32xi32>
    %slice3A_2894 = vector.extract_strided_slice %select_n3A_2871 {offsets = [0, 0], sizes = [32, 96], strides = [1, 1]} : vector<32x128xi32> to vector<32x96xi32>
    %concatenate3A_2895 = tpu.concatenate %slice3A_2893, %slice3A_2894 in 1 : vector<32x32xi32>, vector<32x96xi32> -> vector<32x128xi32>
    %select_n3A_2896 = arith.select %eq3A_2877, %concatenate3A_2886, %concatenate3A_2889 : vector<32x128xi1>, vector<32x128xi32>
    %select_n3A_2897 = arith.select %eq3A_2877, %concatenate3A_2892, %concatenate3A_2895 : vector<32x128xi1>, vector<32x128xi32>
    %gt3A_2898 = arith.cmpi sgt, %select_n3A_2870, %select_n3A_2896 : vector<32x128xi32>
    %eq3A_2899 = arith.cmpi eq, %select_n3A_2870, %select_n3A_2896 : vector<32x128xi32>
    %lt3A_2900 = arith.cmpi slt, %select_n3A_2871, %select_n3A_2897 : vector<32x128xi32>
    %and3A_2901 = arith.andi %eq3A_2899, %lt3A_2900 : vector<32x128xi1>
    %or3A_2902 = arith.ori %gt3A_2898, %and3A_2901 : vector<32x128xi1>
    %eq3A_2903 = arith.xori %eq3A_2877, %eq3A_2883 : vector<32x128xi1>
    %eq3A_2904 = arith.constant dense<true> : vector<32x128xi1>
    %eq3A_2905 = arith.xori %eq3A_2903, %eq3A_2904 : vector<32x128xi1>
    %eq3A_2906 = arith.xori %or3A_2902, %eq3A_2905 : vector<32x128xi1>
    %eq3A_2907 = arith.constant dense<true> : vector<32x128xi1>
    %eq3A_2908 = arith.xori %eq3A_2906, %eq3A_2907 : vector<32x128xi1>
    %select_n3A_2909 = arith.select %eq3A_2908, %select_n3A_2870, %select_n3A_2896 : vector<32x128xi1>, vector<32x128xi32>
    %select_n3A_2910 = arith.select %eq3A_2908, %select_n3A_2871, %select_n3A_2897 : vector<32x128xi1>, vector<32x128xi32>
    %and3A_2911 = arith.constant 16 : i32
    %and3A_2912 = vector.broadcast %and3A_2911 : i32 to vector<32x128xi32>
    %and3A_2913 = arith.andi %add3A_958, %and3A_2912 : vector<32x128xi32>
    %eq3A_2914 = arith.constant 0 : i32
    %eq3A_2915 = vector.broadcast %eq3A_2914 : i32 to vector<32x128xi32>
    %eq3A_2916 = arith.cmpi eq, %and3A_2913, %eq3A_2915 : vector<32x128xi32>
    %and3A_2917 = arith.constant 1024 : i32
    %and3A_2918 = vector.broadcast %and3A_2917 : i32 to vector<32x128xi32>
    %and3A_2919 = arith.andi %add3A_958, %and3A_2918 : vector<32x128xi32>
    %eq3A_2920 = arith.constant 0 : i32
    %eq3A_2921 = vector.broadcast %eq3A_2920 : i32 to vector<32x128xi32>
    %eq3A_2922 = arith.cmpi eq, %and3A_2919, %eq3A_2921 : vector<32x128xi32>
    %slice3A_2923 = vector.extract_strided_slice %select_n3A_2909 {offsets = [0, 16], sizes = [32, 112], strides = [1, 1]} : vector<32x128xi32> to vector<32x112xi32>
    %slice3A_2924 = vector.extract_strided_slice %select_n3A_2909 {offsets = [0, 0], sizes = [32, 16], strides = [1, 1]} : vector<32x128xi32> to vector<32x16xi32>
    %concatenate3A_2925 = tpu.concatenate %slice3A_2923, %slice3A_2924 in 1 : vector<32x112xi32>, vector<32x16xi32> -> vector<32x128xi32>
    %slice3A_2926 = vector.extract_strided_slice %select_n3A_2909 {offsets = [0, 112], sizes = [32, 16], strides = [1, 1]} : vector<32x128xi32> to vector<32x16xi32>
    %slice3A_2927 = vector.extract_strided_slice %select_n3A_2909 {offsets = [0, 0], sizes = [32, 112], strides = [1, 1]} : vector<32x128xi32> to vector<32x112xi32>
    %concatenate3A_2928 = tpu.concatenate %slice3A_2926, %slice3A_2927 in 1 : vector<32x16xi32>, vector<32x112xi32> -> vector<32x128xi32>
    %slice3A_2929 = vector.extract_strided_slice %select_n3A_2910 {offsets = [0, 16], sizes = [32, 112], strides = [1, 1]} : vector<32x128xi32> to vector<32x112xi32>
    %slice3A_2930 = vector.extract_strided_slice %select_n3A_2910 {offsets = [0, 0], sizes = [32, 16], strides = [1, 1]} : vector<32x128xi32> to vector<32x16xi32>
    %concatenate3A_2931 = tpu.concatenate %slice3A_2929, %slice3A_2930 in 1 : vector<32x112xi32>, vector<32x16xi32> -> vector<32x128xi32>
    %slice3A_2932 = vector.extract_strided_slice %select_n3A_2910 {offsets = [0, 112], sizes = [32, 16], strides = [1, 1]} : vector<32x128xi32> to vector<32x16xi32>
    %slice3A_2933 = vector.extract_strided_slice %select_n3A_2910 {offsets = [0, 0], sizes = [32, 112], strides = [1, 1]} : vector<32x128xi32> to vector<32x112xi32>
    %concatenate3A_2934 = tpu.concatenate %slice3A_2932, %slice3A_2933 in 1 : vector<32x16xi32>, vector<32x112xi32> -> vector<32x128xi32>
    %select_n3A_2935 = arith.select %eq3A_2916, %concatenate3A_2925, %concatenate3A_2928 : vector<32x128xi1>, vector<32x128xi32>
    %select_n3A_2936 = arith.select %eq3A_2916, %concatenate3A_2931, %concatenate3A_2934 : vector<32x128xi1>, vector<32x128xi32>
    %gt3A_2937 = arith.cmpi sgt, %select_n3A_2909, %select_n3A_2935 : vector<32x128xi32>
    %eq3A_2938 = arith.cmpi eq, %select_n3A_2909, %select_n3A_2935 : vector<32x128xi32>
    %lt3A_2939 = arith.cmpi slt, %select_n3A_2910, %select_n3A_2936 : vector<32x128xi32>
    %and3A_2940 = arith.andi %eq3A_2938, %lt3A_2939 : vector<32x128xi1>
    %or3A_2941 = arith.ori %gt3A_2937, %and3A_2940 : vector<32x128xi1>
    %eq3A_2942 = arith.xori %eq3A_2916, %eq3A_2922 : vector<32x128xi1>
    %eq3A_2943 = arith.constant dense<true> : vector<32x128xi1>
    %eq3A_2944 = arith.xori %eq3A_2942, %eq3A_2943 : vector<32x128xi1>
    %eq3A_2945 = arith.xori %or3A_2941, %eq3A_2944 : vector<32x128xi1>
    %eq3A_2946 = arith.constant dense<true> : vector<32x128xi1>
    %eq3A_2947 = arith.xori %eq3A_2945, %eq3A_2946 : vector<32x128xi1>
    %select_n3A_2948 = arith.select %eq3A_2947, %select_n3A_2909, %select_n3A_2935 : vector<32x128xi1>, vector<32x128xi32>
    %select_n3A_2949 = arith.select %eq3A_2947, %select_n3A_2910, %select_n3A_2936 : vector<32x128xi1>, vector<32x128xi32>
    %and3A_2950 = arith.constant 8 : i32
    %and3A_2951 = vector.broadcast %and3A_2950 : i32 to vector<32x128xi32>
    %and3A_2952 = arith.andi %add3A_958, %and3A_2951 : vector<32x128xi32>
    %eq3A_2953 = arith.constant 0 : i32
    %eq3A_2954 = vector.broadcast %eq3A_2953 : i32 to vector<32x128xi32>
    %eq3A_2955 = arith.cmpi eq, %and3A_2952, %eq3A_2954 : vector<32x128xi32>
    %and3A_2956 = arith.constant 1024 : i32
    %and3A_2957 = vector.broadcast %and3A_2956 : i32 to vector<32x128xi32>
    %and3A_2958 = arith.andi %add3A_958, %and3A_2957 : vector<32x128xi32>
    %eq3A_2959 = arith.constant 0 : i32
    %eq3A_2960 = vector.broadcast %eq3A_2959 : i32 to vector<32x128xi32>
    %eq3A_2961 = arith.cmpi eq, %and3A_2958, %eq3A_2960 : vector<32x128xi32>
    %slice3A_2962 = vector.extract_strided_slice %select_n3A_2948 {offsets = [0, 8], sizes = [32, 120], strides = [1, 1]} : vector<32x128xi32> to vector<32x120xi32>
    %slice3A_2963 = vector.extract_strided_slice %select_n3A_2948 {offsets = [0, 0], sizes = [32, 8], strides = [1, 1]} : vector<32x128xi32> to vector<32x8xi32>
    %concatenate3A_2964 = tpu.concatenate %slice3A_2962, %slice3A_2963 in 1 : vector<32x120xi32>, vector<32x8xi32> -> vector<32x128xi32>
    %slice3A_2965 = vector.extract_strided_slice %select_n3A_2948 {offsets = [0, 120], sizes = [32, 8], strides = [1, 1]} : vector<32x128xi32> to vector<32x8xi32>
    %slice3A_2966 = vector.extract_strided_slice %select_n3A_2948 {offsets = [0, 0], sizes = [32, 120], strides = [1, 1]} : vector<32x128xi32> to vector<32x120xi32>
    %concatenate3A_2967 = tpu.concatenate %slice3A_2965, %slice3A_2966 in 1 : vector<32x8xi32>, vector<32x120xi32> -> vector<32x128xi32>
    %slice3A_2968 = vector.extract_strided_slice %select_n3A_2949 {offsets = [0, 8], sizes = [32, 120], strides = [1, 1]} : vector<32x128xi32> to vector<32x120xi32>
    %slice3A_2969 = vector.extract_strided_slice %select_n3A_2949 {offsets = [0, 0], sizes = [32, 8], strides = [1, 1]} : vector<32x128xi32> to vector<32x8xi32>
    %concatenate3A_2970 = tpu.concatenate %slice3A_2968, %slice3A_2969 in 1 : vector<32x120xi32>, vector<32x8xi32> -> vector<32x128xi32>
    %slice3A_2971 = vector.extract_strided_slice %select_n3A_2949 {offsets = [0, 120], sizes = [32, 8], strides = [1, 1]} : vector<32x128xi32> to vector<32x8xi32>
    %slice3A_2972 = vector.extract_strided_slice %select_n3A_2949 {offsets = [0, 0], sizes = [32, 120], strides = [1, 1]} : vector<32x128xi32> to vector<32x120xi32>
    %concatenate3A_2973 = tpu.concatenate %slice3A_2971, %slice3A_2972 in 1 : vector<32x8xi32>, vector<32x120xi32> -> vector<32x128xi32>
    %select_n3A_2974 = arith.select %eq3A_2955, %concatenate3A_2964, %concatenate3A_2967 : vector<32x128xi1>, vector<32x128xi32>
    %select_n3A_2975 = arith.select %eq3A_2955, %concatenate3A_2970, %concatenate3A_2973 : vector<32x128xi1>, vector<32x128xi32>
    %gt3A_2976 = arith.cmpi sgt, %select_n3A_2948, %select_n3A_2974 : vector<32x128xi32>
    %eq3A_2977 = arith.cmpi eq, %select_n3A_2948, %select_n3A_2974 : vector<32x128xi32>
    %lt3A_2978 = arith.cmpi slt, %select_n3A_2949, %select_n3A_2975 : vector<32x128xi32>
    %and3A_2979 = arith.andi %eq3A_2977, %lt3A_2978 : vector<32x128xi1>
    %or3A_2980 = arith.ori %gt3A_2976, %and3A_2979 : vector<32x128xi1>
    %eq3A_2981 = arith.xori %eq3A_2955, %eq3A_2961 : vector<32x128xi1>
    %eq3A_2982 = arith.constant dense<true> : vector<32x128xi1>
    %eq3A_2983 = arith.xori %eq3A_2981, %eq3A_2982 : vector<32x128xi1>
    %eq3A_2984 = arith.xori %or3A_2980, %eq3A_2983 : vector<32x128xi1>
    %eq3A_2985 = arith.constant dense<true> : vector<32x128xi1>
    %eq3A_2986 = arith.xori %eq3A_2984, %eq3A_2985 : vector<32x128xi1>
    %select_n3A_2987 = arith.select %eq3A_2986, %select_n3A_2948, %select_n3A_2974 : vector<32x128xi1>, vector<32x128xi32>
    %select_n3A_2988 = arith.select %eq3A_2986, %select_n3A_2949, %select_n3A_2975 : vector<32x128xi1>, vector<32x128xi32>
    %and3A_2989 = arith.constant 4 : i32
    %and3A_2990 = vector.broadcast %and3A_2989 : i32 to vector<32x128xi32>
    %and3A_2991 = arith.andi %add3A_958, %and3A_2990 : vector<32x128xi32>
    %eq3A_2992 = arith.constant 0 : i32
    %eq3A_2993 = vector.broadcast %eq3A_2992 : i32 to vector<32x128xi32>
    %eq3A_2994 = arith.cmpi eq, %and3A_2991, %eq3A_2993 : vector<32x128xi32>
    %and3A_2995 = arith.constant 1024 : i32
    %and3A_2996 = vector.broadcast %and3A_2995 : i32 to vector<32x128xi32>
    %and3A_2997 = arith.andi %add3A_958, %and3A_2996 : vector<32x128xi32>
    %eq3A_2998 = arith.constant 0 : i32
    %eq3A_2999 = vector.broadcast %eq3A_2998 : i32 to vector<32x128xi32>
    %eq3A_3000 = arith.cmpi eq, %and3A_2997, %eq3A_2999 : vector<32x128xi32>
    %slice3A_3001 = vector.extract_strided_slice %select_n3A_2987 {offsets = [0, 4], sizes = [32, 124], strides = [1, 1]} : vector<32x128xi32> to vector<32x124xi32>
    %slice3A_3002 = vector.extract_strided_slice %select_n3A_2987 {offsets = [0, 0], sizes = [32, 4], strides = [1, 1]} : vector<32x128xi32> to vector<32x4xi32>
    %concatenate3A_3003 = tpu.concatenate %slice3A_3001, %slice3A_3002 in 1 : vector<32x124xi32>, vector<32x4xi32> -> vector<32x128xi32>
    %slice3A_3004 = vector.extract_strided_slice %select_n3A_2987 {offsets = [0, 124], sizes = [32, 4], strides = [1, 1]} : vector<32x128xi32> to vector<32x4xi32>
    %slice3A_3005 = vector.extract_strided_slice %select_n3A_2987 {offsets = [0, 0], sizes = [32, 124], strides = [1, 1]} : vector<32x128xi32> to vector<32x124xi32>
    %concatenate3A_3006 = tpu.concatenate %slice3A_3004, %slice3A_3005 in 1 : vector<32x4xi32>, vector<32x124xi32> -> vector<32x128xi32>
    %slice3A_3007 = vector.extract_strided_slice %select_n3A_2988 {offsets = [0, 4], sizes = [32, 124], strides = [1, 1]} : vector<32x128xi32> to vector<32x124xi32>
    %slice3A_3008 = vector.extract_strided_slice %select_n3A_2988 {offsets = [0, 0], sizes = [32, 4], strides = [1, 1]} : vector<32x128xi32> to vector<32x4xi32>
    %concatenate3A_3009 = tpu.concatenate %slice3A_3007, %slice3A_3008 in 1 : vector<32x124xi32>, vector<32x4xi32> -> vector<32x128xi32>
    %slice3A_3010 = vector.extract_strided_slice %select_n3A_2988 {offsets = [0, 124], sizes = [32, 4], strides = [1, 1]} : vector<32x128xi32> to vector<32x4xi32>
    %slice3A_3011 = vector.extract_strided_slice %select_n3A_2988 {offsets = [0, 0], sizes = [32, 124], strides = [1, 1]} : vector<32x128xi32> to vector<32x124xi32>
    %concatenate3A_3012 = tpu.concatenate %slice3A_3010, %slice3A_3011 in 1 : vector<32x4xi32>, vector<32x124xi32> -> vector<32x128xi32>
    %select_n3A_3013 = arith.select %eq3A_2994, %concatenate3A_3003, %concatenate3A_3006 : vector<32x128xi1>, vector<32x128xi32>
    %select_n3A_3014 = arith.select %eq3A_2994, %concatenate3A_3009, %concatenate3A_3012 : vector<32x128xi1>, vector<32x128xi32>
    %gt3A_3015 = arith.cmpi sgt, %select_n3A_2987, %select_n3A_3013 : vector<32x128xi32>
    %eq3A_3016 = arith.cmpi eq, %select_n3A_2987, %select_n3A_3013 : vector<32x128xi32>
    %lt3A_3017 = arith.cmpi slt, %select_n3A_2988, %select_n3A_3014 : vector<32x128xi32>
    %and3A_3018 = arith.andi %eq3A_3016, %lt3A_3017 : vector<32x128xi1>
    %or3A_3019 = arith.ori %gt3A_3015, %and3A_3018 : vector<32x128xi1>
    %eq3A_3020 = arith.xori %eq3A_2994, %eq3A_3000 : vector<32x128xi1>
    %eq3A_3021 = arith.constant dense<true> : vector<32x128xi1>
    %eq3A_3022 = arith.xori %eq3A_3020, %eq3A_3021 : vector<32x128xi1>
    %eq3A_3023 = arith.xori %or3A_3019, %eq3A_3022 : vector<32x128xi1>
    %eq3A_3024 = arith.constant dense<true> : vector<32x128xi1>
    %eq3A_3025 = arith.xori %eq3A_3023, %eq3A_3024 : vector<32x128xi1>
    %select_n3A_3026 = arith.select %eq3A_3025, %select_n3A_2987, %select_n3A_3013 : vector<32x128xi1>, vector<32x128xi32>
    %select_n3A_3027 = arith.select %eq3A_3025, %select_n3A_2988, %select_n3A_3014 : vector<32x128xi1>, vector<32x128xi32>
    %and3A_3028 = arith.constant 2 : i32
    %and3A_3029 = vector.broadcast %and3A_3028 : i32 to vector<32x128xi32>
    %and3A_3030 = arith.andi %add3A_958, %and3A_3029 : vector<32x128xi32>
    %eq3A_3031 = arith.constant 0 : i32
    %eq3A_3032 = vector.broadcast %eq3A_3031 : i32 to vector<32x128xi32>
    %eq3A_3033 = arith.cmpi eq, %and3A_3030, %eq3A_3032 : vector<32x128xi32>
    %and3A_3034 = arith.constant 1024 : i32
    %and3A_3035 = vector.broadcast %and3A_3034 : i32 to vector<32x128xi32>
    %and3A_3036 = arith.andi %add3A_958, %and3A_3035 : vector<32x128xi32>
    %eq3A_3037 = arith.constant 0 : i32
    %eq3A_3038 = vector.broadcast %eq3A_3037 : i32 to vector<32x128xi32>
    %eq3A_3039 = arith.cmpi eq, %and3A_3036, %eq3A_3038 : vector<32x128xi32>
    %slice3A_3040 = vector.extract_strided_slice %select_n3A_3026 {offsets = [0, 2], sizes = [32, 126], strides = [1, 1]} : vector<32x128xi32> to vector<32x126xi32>
    %slice3A_3041 = vector.extract_strided_slice %select_n3A_3026 {offsets = [0, 0], sizes = [32, 2], strides = [1, 1]} : vector<32x128xi32> to vector<32x2xi32>
    %concatenate3A_3042 = tpu.concatenate %slice3A_3040, %slice3A_3041 in 1 : vector<32x126xi32>, vector<32x2xi32> -> vector<32x128xi32>
    %slice3A_3043 = vector.extract_strided_slice %select_n3A_3026 {offsets = [0, 126], sizes = [32, 2], strides = [1, 1]} : vector<32x128xi32> to vector<32x2xi32>
    %slice3A_3044 = vector.extract_strided_slice %select_n3A_3026 {offsets = [0, 0], sizes = [32, 126], strides = [1, 1]} : vector<32x128xi32> to vector<32x126xi32>
    %concatenate3A_3045 = tpu.concatenate %slice3A_3043, %slice3A_3044 in 1 : vector<32x2xi32>, vector<32x126xi32> -> vector<32x128xi32>
    %slice3A_3046 = vector.extract_strided_slice %select_n3A_3027 {offsets = [0, 2], sizes = [32, 126], strides = [1, 1]} : vector<32x128xi32> to vector<32x126xi32>
    %slice3A_3047 = vector.extract_strided_slice %select_n3A_3027 {offsets = [0, 0], sizes = [32, 2], strides = [1, 1]} : vector<32x128xi32> to vector<32x2xi32>
    %concatenate3A_3048 = tpu.concatenate %slice3A_3046, %slice3A_3047 in 1 : vector<32x126xi32>, vector<32x2xi32> -> vector<32x128xi32>
    %slice3A_3049 = vector.extract_strided_slice %select_n3A_3027 {offsets = [0, 126], sizes = [32, 2], strides = [1, 1]} : vector<32x128xi32> to vector<32x2xi32>
    %slice3A_3050 = vector.extract_strided_slice %select_n3A_3027 {offsets = [0, 0], sizes = [32, 126], strides = [1, 1]} : vector<32x128xi32> to vector<32x126xi32>
    %concatenate3A_3051 = tpu.concatenate %slice3A_3049, %slice3A_3050 in 1 : vector<32x2xi32>, vector<32x126xi32> -> vector<32x128xi32>
    %select_n3A_3052 = arith.select %eq3A_3033, %concatenate3A_3042, %concatenate3A_3045 : vector<32x128xi1>, vector<32x128xi32>
    %select_n3A_3053 = arith.select %eq3A_3033, %concatenate3A_3048, %concatenate3A_3051 : vector<32x128xi1>, vector<32x128xi32>
    %gt3A_3054 = arith.cmpi sgt, %select_n3A_3026, %select_n3A_3052 : vector<32x128xi32>
    %eq3A_3055 = arith.cmpi eq, %select_n3A_3026, %select_n3A_3052 : vector<32x128xi32>
    %lt3A_3056 = arith.cmpi slt, %select_n3A_3027, %select_n3A_3053 : vector<32x128xi32>
    %and3A_3057 = arith.andi %eq3A_3055, %lt3A_3056 : vector<32x128xi1>
    %or3A_3058 = arith.ori %gt3A_3054, %and3A_3057 : vector<32x128xi1>
    %eq3A_3059 = arith.xori %eq3A_3033, %eq3A_3039 : vector<32x128xi1>
    %eq3A_3060 = arith.constant dense<true> : vector<32x128xi1>
    %eq3A_3061 = arith.xori %eq3A_3059, %eq3A_3060 : vector<32x128xi1>
    %eq3A_3062 = arith.xori %or3A_3058, %eq3A_3061 : vector<32x128xi1>
    %eq3A_3063 = arith.constant dense<true> : vector<32x128xi1>
    %eq3A_3064 = arith.xori %eq3A_3062, %eq3A_3063 : vector<32x128xi1>
    %select_n3A_3065 = arith.select %eq3A_3064, %select_n3A_3026, %select_n3A_3052 : vector<32x128xi1>, vector<32x128xi32>
    %select_n3A_3066 = arith.select %eq3A_3064, %select_n3A_3027, %select_n3A_3053 : vector<32x128xi1>, vector<32x128xi32>
    %and3A_3067 = arith.constant 1 : i32
    %and3A_3068 = vector.broadcast %and3A_3067 : i32 to vector<32x128xi32>
    %and3A_3069 = arith.andi %add3A_958, %and3A_3068 : vector<32x128xi32>
    %eq3A_3070 = arith.constant 0 : i32
    %eq3A_3071 = vector.broadcast %eq3A_3070 : i32 to vector<32x128xi32>
    %eq3A_3072 = arith.cmpi eq, %and3A_3069, %eq3A_3071 : vector<32x128xi32>
    %and3A_3073 = arith.constant 1024 : i32
    %and3A_3074 = vector.broadcast %and3A_3073 : i32 to vector<32x128xi32>
    %and3A_3075 = arith.andi %add3A_958, %and3A_3074 : vector<32x128xi32>
    %eq3A_3076 = arith.constant 0 : i32
    %eq3A_3077 = vector.broadcast %eq3A_3076 : i32 to vector<32x128xi32>
    %eq3A_3078 = arith.cmpi eq, %and3A_3075, %eq3A_3077 : vector<32x128xi32>
    %slice3A_3079 = vector.extract_strided_slice %select_n3A_3065 {offsets = [0, 1], sizes = [32, 127], strides = [1, 1]} : vector<32x128xi32> to vector<32x127xi32>
    %slice3A_3080 = vector.extract_strided_slice %select_n3A_3065 {offsets = [0, 0], sizes = [32, 1], strides = [1, 1]} : vector<32x128xi32> to vector<32x1xi32>
    %concatenate3A_3081 = tpu.concatenate %slice3A_3079, %slice3A_3080 in 1 : vector<32x127xi32>, vector<32x1xi32> -> vector<32x128xi32>
    %slice3A_3082 = vector.extract_strided_slice %select_n3A_3065 {offsets = [0, 127], sizes = [32, 1], strides = [1, 1]} : vector<32x128xi32> to vector<32x1xi32>
    %slice3A_3083 = vector.extract_strided_slice %select_n3A_3065 {offsets = [0, 0], sizes = [32, 127], strides = [1, 1]} : vector<32x128xi32> to vector<32x127xi32>
    %concatenate3A_3084 = tpu.concatenate %slice3A_3082, %slice3A_3083 in 1 : vector<32x1xi32>, vector<32x127xi32> -> vector<32x128xi32>
    %slice3A_3085 = vector.extract_strided_slice %select_n3A_3066 {offsets = [0, 1], sizes = [32, 127], strides = [1, 1]} : vector<32x128xi32> to vector<32x127xi32>
    %slice3A_3086 = vector.extract_strided_slice %select_n3A_3066 {offsets = [0, 0], sizes = [32, 1], strides = [1, 1]} : vector<32x128xi32> to vector<32x1xi32>
    %concatenate3A_3087 = tpu.concatenate %slice3A_3085, %slice3A_3086 in 1 : vector<32x127xi32>, vector<32x1xi32> -> vector<32x128xi32>
    %slice3A_3088 = vector.extract_strided_slice %select_n3A_3066 {offsets = [0, 127], sizes = [32, 1], strides = [1, 1]} : vector<32x128xi32> to vector<32x1xi32>
    %slice3A_3089 = vector.extract_strided_slice %select_n3A_3066 {offsets = [0, 0], sizes = [32, 127], strides = [1, 1]} : vector<32x128xi32> to vector<32x127xi32>
    %concatenate3A_3090 = tpu.concatenate %slice3A_3088, %slice3A_3089 in 1 : vector<32x1xi32>, vector<32x127xi32> -> vector<32x128xi32>
    %select_n3A_3091 = arith.select %eq3A_3072, %concatenate3A_3081, %concatenate3A_3084 : vector<32x128xi1>, vector<32x128xi32>
    %select_n3A_3092 = arith.select %eq3A_3072, %concatenate3A_3087, %concatenate3A_3090 : vector<32x128xi1>, vector<32x128xi32>
    %gt3A_3093 = arith.cmpi sgt, %select_n3A_3065, %select_n3A_3091 : vector<32x128xi32>
    %eq3A_3094 = arith.cmpi eq, %select_n3A_3065, %select_n3A_3091 : vector<32x128xi32>
    %lt3A_3095 = arith.cmpi slt, %select_n3A_3066, %select_n3A_3092 : vector<32x128xi32>
    %and3A_3096 = arith.andi %eq3A_3094, %lt3A_3095 : vector<32x128xi1>
    %or3A_3097 = arith.ori %gt3A_3093, %and3A_3096 : vector<32x128xi1>
    %eq3A_3098 = arith.xori %eq3A_3072, %eq3A_3078 : vector<32x128xi1>
    %eq3A_3099 = arith.constant dense<true> : vector<32x128xi1>
    %eq3A_3100 = arith.xori %eq3A_3098, %eq3A_3099 : vector<32x128xi1>
    %eq3A_3101 = arith.xori %or3A_3097, %eq3A_3100 : vector<32x128xi1>
    %eq3A_3102 = arith.constant dense<true> : vector<32x128xi1>
    %eq3A_3103 = arith.xori %eq3A_3101, %eq3A_3102 : vector<32x128xi1>
    %select_n3A_3104 = arith.select %eq3A_3103, %select_n3A_3065, %select_n3A_3091 : vector<32x128xi1>, vector<32x128xi32>
    %select_n3A_3105 = arith.select %eq3A_3103, %select_n3A_3066, %select_n3A_3092 : vector<32x128xi1>, vector<32x128xi32>
    %and3A_3106 = arith.constant 1024 : i32
    %and3A_3107 = vector.broadcast %and3A_3106 : i32 to vector<32x128xi32>
    %and3A_3108 = arith.andi %add3A_958, %and3A_3107 : vector<32x128xi32>
    %eq3A_3109 = arith.constant 0 : i32
    %eq3A_3110 = vector.broadcast %eq3A_3109 : i32 to vector<32x128xi32>
    %eq3A_3111 = arith.cmpi eq, %and3A_3108, %eq3A_3110 : vector<32x128xi32>
    %and3A_3112 = arith.constant 2048 : i32
    %and3A_3113 = vector.broadcast %and3A_3112 : i32 to vector<32x128xi32>
    %and3A_3114 = arith.andi %add3A_958, %and3A_3113 : vector<32x128xi32>
    %eq3A_3115 = arith.constant 0 : i32
    %eq3A_3116 = vector.broadcast %eq3A_3115 : i32 to vector<32x128xi32>
    %eq3A_3117 = arith.cmpi eq, %and3A_3114, %eq3A_3116 : vector<32x128xi32>
    %slice3A_3118 = vector.extract_strided_slice %select_n3A_3104 {offsets = [8, 0], sizes = [24, 128], strides = [1, 1]} : vector<32x128xi32> to vector<24x128xi32>
    %slice3A_3119 = vector.extract_strided_slice %select_n3A_3104 {offsets = [0, 0], sizes = [8, 128], strides = [1, 1]} : vector<32x128xi32> to vector<8x128xi32>
    %concatenate3A_3120 = tpu.concatenate %slice3A_3118, %slice3A_3119 in 0 : vector<24x128xi32>, vector<8x128xi32> -> vector<32x128xi32>
    %slice3A_3121 = vector.extract_strided_slice %select_n3A_3104 {offsets = [24, 0], sizes = [8, 128], strides = [1, 1]} : vector<32x128xi32> to vector<8x128xi32>
    %slice3A_3122 = vector.extract_strided_slice %select_n3A_3104 {offsets = [0, 0], sizes = [24, 128], strides = [1, 1]} : vector<32x128xi32> to vector<24x128xi32>
    %concatenate3A_3123 = tpu.concatenate %slice3A_3121, %slice3A_3122 in 0 : vector<8x128xi32>, vector<24x128xi32> -> vector<32x128xi32>
    %slice3A_3124 = vector.extract_strided_slice %select_n3A_3105 {offsets = [8, 0], sizes = [24, 128], strides = [1, 1]} : vector<32x128xi32> to vector<24x128xi32>
    %slice3A_3125 = vector.extract_strided_slice %select_n3A_3105 {offsets = [0, 0], sizes = [8, 128], strides = [1, 1]} : vector<32x128xi32> to vector<8x128xi32>
    %concatenate3A_3126 = tpu.concatenate %slice3A_3124, %slice3A_3125 in 0 : vector<24x128xi32>, vector<8x128xi32> -> vector<32x128xi32>
    %slice3A_3127 = vector.extract_strided_slice %select_n3A_3105 {offsets = [24, 0], sizes = [8, 128], strides = [1, 1]} : vector<32x128xi32> to vector<8x128xi32>
    %slice3A_3128 = vector.extract_strided_slice %select_n3A_3105 {offsets = [0, 0], sizes = [24, 128], strides = [1, 1]} : vector<32x128xi32> to vector<24x128xi32>
    %concatenate3A_3129 = tpu.concatenate %slice3A_3127, %slice3A_3128 in 0 : vector<8x128xi32>, vector<24x128xi32> -> vector<32x128xi32>
    %select_n3A_3130 = arith.select %eq3A_3111, %concatenate3A_3120, %concatenate3A_3123 : vector<32x128xi1>, vector<32x128xi32>
    %select_n3A_3131 = arith.select %eq3A_3111, %concatenate3A_3126, %concatenate3A_3129 : vector<32x128xi1>, vector<32x128xi32>
    %gt3A_3132 = arith.cmpi sgt, %select_n3A_3104, %select_n3A_3130 : vector<32x128xi32>
    %eq3A_3133 = arith.cmpi eq, %select_n3A_3104, %select_n3A_3130 : vector<32x128xi32>
    %lt3A_3134 = arith.cmpi slt, %select_n3A_3105, %select_n3A_3131 : vector<32x128xi32>
    %and3A_3135 = arith.andi %eq3A_3133, %lt3A_3134 : vector<32x128xi1>
    %or3A_3136 = arith.ori %gt3A_3132, %and3A_3135 : vector<32x128xi1>
    %eq3A_3137 = arith.xori %eq3A_3111, %eq3A_3117 : vector<32x128xi1>
    %eq3A_3138 = arith.constant dense<true> : vector<32x128xi1>
    %eq3A_3139 = arith.xori %eq3A_3137, %eq3A_3138 : vector<32x128xi1>
    %eq3A_3140 = arith.xori %or3A_3136, %eq3A_3139 : vector<32x128xi1>
    %eq3A_3141 = arith.constant dense<true> : vector<32x128xi1>
    %eq3A_3142 = arith.xori %eq3A_3140, %eq3A_3141 : vector<32x128xi1>
    %select_n3A_3143 = arith.select %eq3A_3142, %select_n3A_3104, %select_n3A_3130 : vector<32x128xi1>, vector<32x128xi32>
    %select_n3A_3144 = arith.select %eq3A_3142, %select_n3A_3105, %select_n3A_3131 : vector<32x128xi1>, vector<32x128xi32>
    %and3A_3145 = arith.constant 512 : i32
    %and3A_3146 = vector.broadcast %and3A_3145 : i32 to vector<32x128xi32>
    %and3A_3147 = arith.andi %add3A_958, %and3A_3146 : vector<32x128xi32>
    %eq3A_3148 = arith.constant 0 : i32
    %eq3A_3149 = vector.broadcast %eq3A_3148 : i32 to vector<32x128xi32>
    %eq3A_3150 = arith.cmpi eq, %and3A_3147, %eq3A_3149 : vector<32x128xi32>
    %and3A_3151 = arith.constant 2048 : i32
    %and3A_3152 = vector.broadcast %and3A_3151 : i32 to vector<32x128xi32>
    %and3A_3153 = arith.andi %add3A_958, %and3A_3152 : vector<32x128xi32>
    %eq3A_3154 = arith.constant 0 : i32
    %eq3A_3155 = vector.broadcast %eq3A_3154 : i32 to vector<32x128xi32>
    %eq3A_3156 = arith.cmpi eq, %and3A_3153, %eq3A_3155 : vector<32x128xi32>
    %slice3A_3157 = vector.extract_strided_slice %select_n3A_3143 {offsets = [4, 0], sizes = [28, 128], strides = [1, 1]} : vector<32x128xi32> to vector<28x128xi32>
    %slice3A_3158 = vector.extract_strided_slice %select_n3A_3143 {offsets = [0, 0], sizes = [4, 128], strides = [1, 1]} : vector<32x128xi32> to vector<4x128xi32>
    %concatenate3A_3159 = tpu.concatenate %slice3A_3157, %slice3A_3158 in 0 : vector<28x128xi32>, vector<4x128xi32> -> vector<32x128xi32>
    %slice3A_3160 = vector.extract_strided_slice %select_n3A_3143 {offsets = [28, 0], sizes = [4, 128], strides = [1, 1]} : vector<32x128xi32> to vector<4x128xi32>
    %slice3A_3161 = vector.extract_strided_slice %select_n3A_3143 {offsets = [0, 0], sizes = [28, 128], strides = [1, 1]} : vector<32x128xi32> to vector<28x128xi32>
    %concatenate3A_3162 = tpu.concatenate %slice3A_3160, %slice3A_3161 in 0 : vector<4x128xi32>, vector<28x128xi32> -> vector<32x128xi32>
    %slice3A_3163 = vector.extract_strided_slice %select_n3A_3144 {offsets = [4, 0], sizes = [28, 128], strides = [1, 1]} : vector<32x128xi32> to vector<28x128xi32>
    %slice3A_3164 = vector.extract_strided_slice %select_n3A_3144 {offsets = [0, 0], sizes = [4, 128], strides = [1, 1]} : vector<32x128xi32> to vector<4x128xi32>
    %concatenate3A_3165 = tpu.concatenate %slice3A_3163, %slice3A_3164 in 0 : vector<28x128xi32>, vector<4x128xi32> -> vector<32x128xi32>
    %slice3A_3166 = vector.extract_strided_slice %select_n3A_3144 {offsets = [28, 0], sizes = [4, 128], strides = [1, 1]} : vector<32x128xi32> to vector<4x128xi32>
    %slice3A_3167 = vector.extract_strided_slice %select_n3A_3144 {offsets = [0, 0], sizes = [28, 128], strides = [1, 1]} : vector<32x128xi32> to vector<28x128xi32>
    %concatenate3A_3168 = tpu.concatenate %slice3A_3166, %slice3A_3167 in 0 : vector<4x128xi32>, vector<28x128xi32> -> vector<32x128xi32>
    %select_n3A_3169 = arith.select %eq3A_3150, %concatenate3A_3159, %concatenate3A_3162 : vector<32x128xi1>, vector<32x128xi32>
    %select_n3A_3170 = arith.select %eq3A_3150, %concatenate3A_3165, %concatenate3A_3168 : vector<32x128xi1>, vector<32x128xi32>
    %gt3A_3171 = arith.cmpi sgt, %select_n3A_3143, %select_n3A_3169 : vector<32x128xi32>
    %eq3A_3172 = arith.cmpi eq, %select_n3A_3143, %select_n3A_3169 : vector<32x128xi32>
    %lt3A_3173 = arith.cmpi slt, %select_n3A_3144, %select_n3A_3170 : vector<32x128xi32>
    %and3A_3174 = arith.andi %eq3A_3172, %lt3A_3173 : vector<32x128xi1>
    %or3A_3175 = arith.ori %gt3A_3171, %and3A_3174 : vector<32x128xi1>
    %eq3A_3176 = arith.xori %eq3A_3150, %eq3A_3156 : vector<32x128xi1>
    %eq3A_3177 = arith.constant dense<true> : vector<32x128xi1>
    %eq3A_3178 = arith.xori %eq3A_3176, %eq3A_3177 : vector<32x128xi1>
    %eq3A_3179 = arith.xori %or3A_3175, %eq3A_3178 : vector<32x128xi1>
    %eq3A_3180 = arith.constant dense<true> : vector<32x128xi1>
    %eq3A_3181 = arith.xori %eq3A_3179, %eq3A_3180 : vector<32x128xi1>
    %select_n3A_3182 = arith.select %eq3A_3181, %select_n3A_3143, %select_n3A_3169 : vector<32x128xi1>, vector<32x128xi32>
    %select_n3A_3183 = arith.select %eq3A_3181, %select_n3A_3144, %select_n3A_3170 : vector<32x128xi1>, vector<32x128xi32>
    %and3A_3184 = arith.constant 256 : i32
    %and3A_3185 = vector.broadcast %and3A_3184 : i32 to vector<32x128xi32>
    %and3A_3186 = arith.andi %add3A_958, %and3A_3185 : vector<32x128xi32>
    %eq3A_3187 = arith.constant 0 : i32
    %eq3A_3188 = vector.broadcast %eq3A_3187 : i32 to vector<32x128xi32>
    %eq3A_3189 = arith.cmpi eq, %and3A_3186, %eq3A_3188 : vector<32x128xi32>
    %and3A_3190 = arith.constant 2048 : i32
    %and3A_3191 = vector.broadcast %and3A_3190 : i32 to vector<32x128xi32>
    %and3A_3192 = arith.andi %add3A_958, %and3A_3191 : vector<32x128xi32>
    %eq3A_3193 = arith.constant 0 : i32
    %eq3A_3194 = vector.broadcast %eq3A_3193 : i32 to vector<32x128xi32>
    %eq3A_3195 = arith.cmpi eq, %and3A_3192, %eq3A_3194 : vector<32x128xi32>
    %slice3A_3196 = vector.extract_strided_slice %select_n3A_3182 {offsets = [2, 0], sizes = [30, 128], strides = [1, 1]} : vector<32x128xi32> to vector<30x128xi32>
    %slice3A_3197 = vector.extract_strided_slice %select_n3A_3182 {offsets = [0, 0], sizes = [2, 128], strides = [1, 1]} : vector<32x128xi32> to vector<2x128xi32>
    %concatenate3A_3198 = tpu.concatenate %slice3A_3196, %slice3A_3197 in 0 : vector<30x128xi32>, vector<2x128xi32> -> vector<32x128xi32>
    %slice3A_3199 = vector.extract_strided_slice %select_n3A_3182 {offsets = [30, 0], sizes = [2, 128], strides = [1, 1]} : vector<32x128xi32> to vector<2x128xi32>
    %slice3A_3200 = vector.extract_strided_slice %select_n3A_3182 {offsets = [0, 0], sizes = [30, 128], strides = [1, 1]} : vector<32x128xi32> to vector<30x128xi32>
    %concatenate3A_3201 = tpu.concatenate %slice3A_3199, %slice3A_3200 in 0 : vector<2x128xi32>, vector<30x128xi32> -> vector<32x128xi32>
    %slice3A_3202 = vector.extract_strided_slice %select_n3A_3183 {offsets = [2, 0], sizes = [30, 128], strides = [1, 1]} : vector<32x128xi32> to vector<30x128xi32>
    %slice3A_3203 = vector.extract_strided_slice %select_n3A_3183 {offsets = [0, 0], sizes = [2, 128], strides = [1, 1]} : vector<32x128xi32> to vector<2x128xi32>
    %concatenate3A_3204 = tpu.concatenate %slice3A_3202, %slice3A_3203 in 0 : vector<30x128xi32>, vector<2x128xi32> -> vector<32x128xi32>
    %slice3A_3205 = vector.extract_strided_slice %select_n3A_3183 {offsets = [30, 0], sizes = [2, 128], strides = [1, 1]} : vector<32x128xi32> to vector<2x128xi32>
    %slice3A_3206 = vector.extract_strided_slice %select_n3A_3183 {offsets = [0, 0], sizes = [30, 128], strides = [1, 1]} : vector<32x128xi32> to vector<30x128xi32>
    %concatenate3A_3207 = tpu.concatenate %slice3A_3205, %slice3A_3206 in 0 : vector<2x128xi32>, vector<30x128xi32> -> vector<32x128xi32>
    %select_n3A_3208 = arith.select %eq3A_3189, %concatenate3A_3198, %concatenate3A_3201 : vector<32x128xi1>, vector<32x128xi32>
    %select_n3A_3209 = arith.select %eq3A_3189, %concatenate3A_3204, %concatenate3A_3207 : vector<32x128xi1>, vector<32x128xi32>
    %gt3A_3210 = arith.cmpi sgt, %select_n3A_3182, %select_n3A_3208 : vector<32x128xi32>
    %eq3A_3211 = arith.cmpi eq, %select_n3A_3182, %select_n3A_3208 : vector<32x128xi32>
    %lt3A_3212 = arith.cmpi slt, %select_n3A_3183, %select_n3A_3209 : vector<32x128xi32>
    %and3A_3213 = arith.andi %eq3A_3211, %lt3A_3212 : vector<32x128xi1>
    %or3A_3214 = arith.ori %gt3A_3210, %and3A_3213 : vector<32x128xi1>
    %eq3A_3215 = arith.xori %eq3A_3189, %eq3A_3195 : vector<32x128xi1>
    %eq3A_3216 = arith.constant dense<true> : vector<32x128xi1>
    %eq3A_3217 = arith.xori %eq3A_3215, %eq3A_3216 : vector<32x128xi1>
    %eq3A_3218 = arith.xori %or3A_3214, %eq3A_3217 : vector<32x128xi1>
    %eq3A_3219 = arith.constant dense<true> : vector<32x128xi1>
    %eq3A_3220 = arith.xori %eq3A_3218, %eq3A_3219 : vector<32x128xi1>
    %select_n3A_3221 = arith.select %eq3A_3220, %select_n3A_3182, %select_n3A_3208 : vector<32x128xi1>, vector<32x128xi32>
    %select_n3A_3222 = arith.select %eq3A_3220, %select_n3A_3183, %select_n3A_3209 : vector<32x128xi1>, vector<32x128xi32>
    %and3A_3223 = arith.constant 128 : i32
    %and3A_3224 = vector.broadcast %and3A_3223 : i32 to vector<32x128xi32>
    %and3A_3225 = arith.andi %add3A_958, %and3A_3224 : vector<32x128xi32>
    %eq3A_3226 = arith.constant 0 : i32
    %eq3A_3227 = vector.broadcast %eq3A_3226 : i32 to vector<32x128xi32>
    %eq3A_3228 = arith.cmpi eq, %and3A_3225, %eq3A_3227 : vector<32x128xi32>
    %and3A_3229 = arith.constant 2048 : i32
    %and3A_3230 = vector.broadcast %and3A_3229 : i32 to vector<32x128xi32>
    %and3A_3231 = arith.andi %add3A_958, %and3A_3230 : vector<32x128xi32>
    %eq3A_3232 = arith.constant 0 : i32
    %eq3A_3233 = vector.broadcast %eq3A_3232 : i32 to vector<32x128xi32>
    %eq3A_3234 = arith.cmpi eq, %and3A_3231, %eq3A_3233 : vector<32x128xi32>
    %slice3A_3235 = vector.extract_strided_slice %select_n3A_3221 {offsets = [1, 0], sizes = [31, 128], strides = [1, 1]} : vector<32x128xi32> to vector<31x128xi32>
    %slice3A_3236 = vector.extract_strided_slice %select_n3A_3221 {offsets = [0, 0], sizes = [1, 128], strides = [1, 1]} : vector<32x128xi32> to vector<1x128xi32>
    %concatenate3A_3237 = tpu.concatenate %slice3A_3235, %slice3A_3236 in 0 : vector<31x128xi32>, vector<1x128xi32> -> vector<32x128xi32>
    %slice3A_3238 = vector.extract_strided_slice %select_n3A_3221 {offsets = [31, 0], sizes = [1, 128], strides = [1, 1]} : vector<32x128xi32> to vector<1x128xi32>
    %slice3A_3239 = vector.extract_strided_slice %select_n3A_3221 {offsets = [0, 0], sizes = [31, 128], strides = [1, 1]} : vector<32x128xi32> to vector<31x128xi32>
    %concatenate3A_3240 = tpu.concatenate %slice3A_3238, %slice3A_3239 in 0 : vector<1x128xi32>, vector<31x128xi32> -> vector<32x128xi32>
    %slice3A_3241 = vector.extract_strided_slice %select_n3A_3222 {offsets = [1, 0], sizes = [31, 128], strides = [1, 1]} : vector<32x128xi32> to vector<31x128xi32>
    %slice3A_3242 = vector.extract_strided_slice %select_n3A_3222 {offsets = [0, 0], sizes = [1, 128], strides = [1, 1]} : vector<32x128xi32> to vector<1x128xi32>
    %concatenate3A_3243 = tpu.concatenate %slice3A_3241, %slice3A_3242 in 0 : vector<31x128xi32>, vector<1x128xi32> -> vector<32x128xi32>
    %slice3A_3244 = vector.extract_strided_slice %select_n3A_3222 {offsets = [31, 0], sizes = [1, 128], strides = [1, 1]} : vector<32x128xi32> to vector<1x128xi32>
    %slice3A_3245 = vector.extract_strided_slice %select_n3A_3222 {offsets = [0, 0], sizes = [31, 128], strides = [1, 1]} : vector<32x128xi32> to vector<31x128xi32>
    %concatenate3A_3246 = tpu.concatenate %slice3A_3244, %slice3A_3245 in 0 : vector<1x128xi32>, vector<31x128xi32> -> vector<32x128xi32>
    %select_n3A_3247 = arith.select %eq3A_3228, %concatenate3A_3237, %concatenate3A_3240 : vector<32x128xi1>, vector<32x128xi32>
    %select_n3A_3248 = arith.select %eq3A_3228, %concatenate3A_3243, %concatenate3A_3246 : vector<32x128xi1>, vector<32x128xi32>
    %gt3A_3249 = arith.cmpi sgt, %select_n3A_3221, %select_n3A_3247 : vector<32x128xi32>
    %eq3A_3250 = arith.cmpi eq, %select_n3A_3221, %select_n3A_3247 : vector<32x128xi32>
    %lt3A_3251 = arith.cmpi slt, %select_n3A_3222, %select_n3A_3248 : vector<32x128xi32>
    %and3A_3252 = arith.andi %eq3A_3250, %lt3A_3251 : vector<32x128xi1>
    %or3A_3253 = arith.ori %gt3A_3249, %and3A_3252 : vector<32x128xi1>
    %eq3A_3254 = arith.xori %eq3A_3228, %eq3A_3234 : vector<32x128xi1>
    %eq3A_3255 = arith.constant dense<true> : vector<32x128xi1>
    %eq3A_3256 = arith.xori %eq3A_3254, %eq3A_3255 : vector<32x128xi1>
    %eq3A_3257 = arith.xori %or3A_3253, %eq3A_3256 : vector<32x128xi1>
    %eq3A_3258 = arith.constant dense<true> : vector<32x128xi1>
    %eq3A_3259 = arith.xori %eq3A_3257, %eq3A_3258 : vector<32x128xi1>
    %select_n3A_3260 = arith.select %eq3A_3259, %select_n3A_3221, %select_n3A_3247 : vector<32x128xi1>, vector<32x128xi32>
    %select_n3A_3261 = arith.select %eq3A_3259, %select_n3A_3222, %select_n3A_3248 : vector<32x128xi1>, vector<32x128xi32>
    %and3A_3262 = arith.constant 64 : i32
    %and3A_3263 = vector.broadcast %and3A_3262 : i32 to vector<32x128xi32>
    %and3A_3264 = arith.andi %add3A_958, %and3A_3263 : vector<32x128xi32>
    %eq3A_3265 = arith.constant 0 : i32
    %eq3A_3266 = vector.broadcast %eq3A_3265 : i32 to vector<32x128xi32>
    %eq3A_3267 = arith.cmpi eq, %and3A_3264, %eq3A_3266 : vector<32x128xi32>
    %and3A_3268 = arith.constant 2048 : i32
    %and3A_3269 = vector.broadcast %and3A_3268 : i32 to vector<32x128xi32>
    %and3A_3270 = arith.andi %add3A_958, %and3A_3269 : vector<32x128xi32>
    %eq3A_3271 = arith.constant 0 : i32
    %eq3A_3272 = vector.broadcast %eq3A_3271 : i32 to vector<32x128xi32>
    %eq3A_3273 = arith.cmpi eq, %and3A_3270, %eq3A_3272 : vector<32x128xi32>
    %slice3A_3274 = vector.extract_strided_slice %select_n3A_3260 {offsets = [0, 64], sizes = [32, 64], strides = [1, 1]} : vector<32x128xi32> to vector<32x64xi32>
    %slice3A_3275 = vector.extract_strided_slice %select_n3A_3260 {offsets = [0, 0], sizes = [32, 64], strides = [1, 1]} : vector<32x128xi32> to vector<32x64xi32>
    %concatenate3A_3276 = tpu.concatenate %slice3A_3274, %slice3A_3275 in 1 : vector<32x64xi32>, vector<32x64xi32> -> vector<32x128xi32>
    %slice3A_3277 = vector.extract_strided_slice %select_n3A_3260 {offsets = [0, 64], sizes = [32, 64], strides = [1, 1]} : vector<32x128xi32> to vector<32x64xi32>
    %slice3A_3278 = vector.extract_strided_slice %select_n3A_3260 {offsets = [0, 0], sizes = [32, 64], strides = [1, 1]} : vector<32x128xi32> to vector<32x64xi32>
    %concatenate3A_3279 = tpu.concatenate %slice3A_3277, %slice3A_3278 in 1 : vector<32x64xi32>, vector<32x64xi32> -> vector<32x128xi32>
    %slice3A_3280 = vector.extract_strided_slice %select_n3A_3261 {offsets = [0, 64], sizes = [32, 64], strides = [1, 1]} : vector<32x128xi32> to vector<32x64xi32>
    %slice3A_3281 = vector.extract_strided_slice %select_n3A_3261 {offsets = [0, 0], sizes = [32, 64], strides = [1, 1]} : vector<32x128xi32> to vector<32x64xi32>
    %concatenate3A_3282 = tpu.concatenate %slice3A_3280, %slice3A_3281 in 1 : vector<32x64xi32>, vector<32x64xi32> -> vector<32x128xi32>
    %slice3A_3283 = vector.extract_strided_slice %select_n3A_3261 {offsets = [0, 64], sizes = [32, 64], strides = [1, 1]} : vector<32x128xi32> to vector<32x64xi32>
    %slice3A_3284 = vector.extract_strided_slice %select_n3A_3261 {offsets = [0, 0], sizes = [32, 64], strides = [1, 1]} : vector<32x128xi32> to vector<32x64xi32>
    %concatenate3A_3285 = tpu.concatenate %slice3A_3283, %slice3A_3284 in 1 : vector<32x64xi32>, vector<32x64xi32> -> vector<32x128xi32>
    %select_n3A_3286 = arith.select %eq3A_3267, %concatenate3A_3276, %concatenate3A_3279 : vector<32x128xi1>, vector<32x128xi32>
    %select_n3A_3287 = arith.select %eq3A_3267, %concatenate3A_3282, %concatenate3A_3285 : vector<32x128xi1>, vector<32x128xi32>
    %gt3A_3288 = arith.cmpi sgt, %select_n3A_3260, %select_n3A_3286 : vector<32x128xi32>
    %eq3A_3289 = arith.cmpi eq, %select_n3A_3260, %select_n3A_3286 : vector<32x128xi32>
    %lt3A_3290 = arith.cmpi slt, %select_n3A_3261, %select_n3A_3287 : vector<32x128xi32>
    %and3A_3291 = arith.andi %eq3A_3289, %lt3A_3290 : vector<32x128xi1>
    %or3A_3292 = arith.ori %gt3A_3288, %and3A_3291 : vector<32x128xi1>
    %eq3A_3293 = arith.xori %eq3A_3267, %eq3A_3273 : vector<32x128xi1>
    %eq3A_3294 = arith.constant dense<true> : vector<32x128xi1>
    %eq3A_3295 = arith.xori %eq3A_3293, %eq3A_3294 : vector<32x128xi1>
    %eq3A_3296 = arith.xori %or3A_3292, %eq3A_3295 : vector<32x128xi1>
    %eq3A_3297 = arith.constant dense<true> : vector<32x128xi1>
    %eq3A_3298 = arith.xori %eq3A_3296, %eq3A_3297 : vector<32x128xi1>
    %select_n3A_3299 = arith.select %eq3A_3298, %select_n3A_3260, %select_n3A_3286 : vector<32x128xi1>, vector<32x128xi32>
    %select_n3A_3300 = arith.select %eq3A_3298, %select_n3A_3261, %select_n3A_3287 : vector<32x128xi1>, vector<32x128xi32>
    %and3A_3301 = arith.constant 32 : i32
    %and3A_3302 = vector.broadcast %and3A_3301 : i32 to vector<32x128xi32>
    %and3A_3303 = arith.andi %add3A_958, %and3A_3302 : vector<32x128xi32>
    %eq3A_3304 = arith.constant 0 : i32
    %eq3A_3305 = vector.broadcast %eq3A_3304 : i32 to vector<32x128xi32>
    %eq3A_3306 = arith.cmpi eq, %and3A_3303, %eq3A_3305 : vector<32x128xi32>
    %and3A_3307 = arith.constant 2048 : i32
    %and3A_3308 = vector.broadcast %and3A_3307 : i32 to vector<32x128xi32>
    %and3A_3309 = arith.andi %add3A_958, %and3A_3308 : vector<32x128xi32>
    %eq3A_3310 = arith.constant 0 : i32
    %eq3A_3311 = vector.broadcast %eq3A_3310 : i32 to vector<32x128xi32>
    %eq3A_3312 = arith.cmpi eq, %and3A_3309, %eq3A_3311 : vector<32x128xi32>
    %slice3A_3313 = vector.extract_strided_slice %select_n3A_3299 {offsets = [0, 32], sizes = [32, 96], strides = [1, 1]} : vector<32x128xi32> to vector<32x96xi32>
    %slice3A_3314 = vector.extract_strided_slice %select_n3A_3299 {offsets = [0, 0], sizes = [32, 32], strides = [1, 1]} : vector<32x128xi32> to vector<32x32xi32>
    %concatenate3A_3315 = tpu.concatenate %slice3A_3313, %slice3A_3314 in 1 : vector<32x96xi32>, vector<32x32xi32> -> vector<32x128xi32>
    %slice3A_3316 = vector.extract_strided_slice %select_n3A_3299 {offsets = [0, 96], sizes = [32, 32], strides = [1, 1]} : vector<32x128xi32> to vector<32x32xi32>
    %slice3A_3317 = vector.extract_strided_slice %select_n3A_3299 {offsets = [0, 0], sizes = [32, 96], strides = [1, 1]} : vector<32x128xi32> to vector<32x96xi32>
    %concatenate3A_3318 = tpu.concatenate %slice3A_3316, %slice3A_3317 in 1 : vector<32x32xi32>, vector<32x96xi32> -> vector<32x128xi32>
    %slice3A_3319 = vector.extract_strided_slice %select_n3A_3300 {offsets = [0, 32], sizes = [32, 96], strides = [1, 1]} : vector<32x128xi32> to vector<32x96xi32>
    %slice3A_3320 = vector.extract_strided_slice %select_n3A_3300 {offsets = [0, 0], sizes = [32, 32], strides = [1, 1]} : vector<32x128xi32> to vector<32x32xi32>
    %concatenate3A_3321 = tpu.concatenate %slice3A_3319, %slice3A_3320 in 1 : vector<32x96xi32>, vector<32x32xi32> -> vector<32x128xi32>
    %slice3A_3322 = vector.extract_strided_slice %select_n3A_3300 {offsets = [0, 96], sizes = [32, 32], strides = [1, 1]} : vector<32x128xi32> to vector<32x32xi32>
    %slice3A_3323 = vector.extract_strided_slice %select_n3A_3300 {offsets = [0, 0], sizes = [32, 96], strides = [1, 1]} : vector<32x128xi32> to vector<32x96xi32>
    %concatenate3A_3324 = tpu.concatenate %slice3A_3322, %slice3A_3323 in 1 : vector<32x32xi32>, vector<32x96xi32> -> vector<32x128xi32>
    %select_n3A_3325 = arith.select %eq3A_3306, %concatenate3A_3315, %concatenate3A_3318 : vector<32x128xi1>, vector<32x128xi32>
    %select_n3A_3326 = arith.select %eq3A_3306, %concatenate3A_3321, %concatenate3A_3324 : vector<32x128xi1>, vector<32x128xi32>
    %gt3A_3327 = arith.cmpi sgt, %select_n3A_3299, %select_n3A_3325 : vector<32x128xi32>
    %eq3A_3328 = arith.cmpi eq, %select_n3A_3299, %select_n3A_3325 : vector<32x128xi32>
    %lt3A_3329 = arith.cmpi slt, %select_n3A_3300, %select_n3A_3326 : vector<32x128xi32>
    %and3A_3330 = arith.andi %eq3A_3328, %lt3A_3329 : vector<32x128xi1>
    %or3A_3331 = arith.ori %gt3A_3327, %and3A_3330 : vector<32x128xi1>
    %eq3A_3332 = arith.xori %eq3A_3306, %eq3A_3312 : vector<32x128xi1>
    %eq3A_3333 = arith.constant dense<true> : vector<32x128xi1>
    %eq3A_3334 = arith.xori %eq3A_3332, %eq3A_3333 : vector<32x128xi1>
    %eq3A_3335 = arith.xori %or3A_3331, %eq3A_3334 : vector<32x128xi1>
    %eq3A_3336 = arith.constant dense<true> : vector<32x128xi1>
    %eq3A_3337 = arith.xori %eq3A_3335, %eq3A_3336 : vector<32x128xi1>
    %select_n3A_3338 = arith.select %eq3A_3337, %select_n3A_3299, %select_n3A_3325 : vector<32x128xi1>, vector<32x128xi32>
    %select_n3A_3339 = arith.select %eq3A_3337, %select_n3A_3300, %select_n3A_3326 : vector<32x128xi1>, vector<32x128xi32>
    %and3A_3340 = arith.constant 16 : i32
    %and3A_3341 = vector.broadcast %and3A_3340 : i32 to vector<32x128xi32>
    %and3A_3342 = arith.andi %add3A_958, %and3A_3341 : vector<32x128xi32>
    %eq3A_3343 = arith.constant 0 : i32
    %eq3A_3344 = vector.broadcast %eq3A_3343 : i32 to vector<32x128xi32>
    %eq3A_3345 = arith.cmpi eq, %and3A_3342, %eq3A_3344 : vector<32x128xi32>
    %and3A_3346 = arith.constant 2048 : i32
    %and3A_3347 = vector.broadcast %and3A_3346 : i32 to vector<32x128xi32>
    %and3A_3348 = arith.andi %add3A_958, %and3A_3347 : vector<32x128xi32>
    %eq3A_3349 = arith.constant 0 : i32
    %eq3A_3350 = vector.broadcast %eq3A_3349 : i32 to vector<32x128xi32>
    %eq3A_3351 = arith.cmpi eq, %and3A_3348, %eq3A_3350 : vector<32x128xi32>
    %slice3A_3352 = vector.extract_strided_slice %select_n3A_3338 {offsets = [0, 16], sizes = [32, 112], strides = [1, 1]} : vector<32x128xi32> to vector<32x112xi32>
    %slice3A_3353 = vector.extract_strided_slice %select_n3A_3338 {offsets = [0, 0], sizes = [32, 16], strides = [1, 1]} : vector<32x128xi32> to vector<32x16xi32>
    %concatenate3A_3354 = tpu.concatenate %slice3A_3352, %slice3A_3353 in 1 : vector<32x112xi32>, vector<32x16xi32> -> vector<32x128xi32>
    %slice3A_3355 = vector.extract_strided_slice %select_n3A_3338 {offsets = [0, 112], sizes = [32, 16], strides = [1, 1]} : vector<32x128xi32> to vector<32x16xi32>
    %slice3A_3356 = vector.extract_strided_slice %select_n3A_3338 {offsets = [0, 0], sizes = [32, 112], strides = [1, 1]} : vector<32x128xi32> to vector<32x112xi32>
    %concatenate3A_3357 = tpu.concatenate %slice3A_3355, %slice3A_3356 in 1 : vector<32x16xi32>, vector<32x112xi32> -> vector<32x128xi32>
    %slice3A_3358 = vector.extract_strided_slice %select_n3A_3339 {offsets = [0, 16], sizes = [32, 112], strides = [1, 1]} : vector<32x128xi32> to vector<32x112xi32>
    %slice3A_3359 = vector.extract_strided_slice %select_n3A_3339 {offsets = [0, 0], sizes = [32, 16], strides = [1, 1]} : vector<32x128xi32> to vector<32x16xi32>
    %concatenate3A_3360 = tpu.concatenate %slice3A_3358, %slice3A_3359 in 1 : vector<32x112xi32>, vector<32x16xi32> -> vector<32x128xi32>
    %slice3A_3361 = vector.extract_strided_slice %select_n3A_3339 {offsets = [0, 112], sizes = [32, 16], strides = [1, 1]} : vector<32x128xi32> to vector<32x16xi32>
    %slice3A_3362 = vector.extract_strided_slice %select_n3A_3339 {offsets = [0, 0], sizes = [32, 112], strides = [1, 1]} : vector<32x128xi32> to vector<32x112xi32>
    %concatenate3A_3363 = tpu.concatenate %slice3A_3361, %slice3A_3362 in 1 : vector<32x16xi32>, vector<32x112xi32> -> vector<32x128xi32>
    %select_n3A_3364 = arith.select %eq3A_3345, %concatenate3A_3354, %concatenate3A_3357 : vector<32x128xi1>, vector<32x128xi32>
    %select_n3A_3365 = arith.select %eq3A_3345, %concatenate3A_3360, %concatenate3A_3363 : vector<32x128xi1>, vector<32x128xi32>
    %gt3A_3366 = arith.cmpi sgt, %select_n3A_3338, %select_n3A_3364 : vector<32x128xi32>
    %eq3A_3367 = arith.cmpi eq, %select_n3A_3338, %select_n3A_3364 : vector<32x128xi32>
    %lt3A_3368 = arith.cmpi slt, %select_n3A_3339, %select_n3A_3365 : vector<32x128xi32>
    %and3A_3369 = arith.andi %eq3A_3367, %lt3A_3368 : vector<32x128xi1>
    %or3A_3370 = arith.ori %gt3A_3366, %and3A_3369 : vector<32x128xi1>
    %eq3A_3371 = arith.xori %eq3A_3345, %eq3A_3351 : vector<32x128xi1>
    %eq3A_3372 = arith.constant dense<true> : vector<32x128xi1>
    %eq3A_3373 = arith.xori %eq3A_3371, %eq3A_3372 : vector<32x128xi1>
    %eq3A_3374 = arith.xori %or3A_3370, %eq3A_3373 : vector<32x128xi1>
    %eq3A_3375 = arith.constant dense<true> : vector<32x128xi1>
    %eq3A_3376 = arith.xori %eq3A_3374, %eq3A_3375 : vector<32x128xi1>
    %select_n3A_3377 = arith.select %eq3A_3376, %select_n3A_3338, %select_n3A_3364 : vector<32x128xi1>, vector<32x128xi32>
    %select_n3A_3378 = arith.select %eq3A_3376, %select_n3A_3339, %select_n3A_3365 : vector<32x128xi1>, vector<32x128xi32>
    %and3A_3379 = arith.constant 8 : i32
    %and3A_3380 = vector.broadcast %and3A_3379 : i32 to vector<32x128xi32>
    %and3A_3381 = arith.andi %add3A_958, %and3A_3380 : vector<32x128xi32>
    %eq3A_3382 = arith.constant 0 : i32
    %eq3A_3383 = vector.broadcast %eq3A_3382 : i32 to vector<32x128xi32>
    %eq3A_3384 = arith.cmpi eq, %and3A_3381, %eq3A_3383 : vector<32x128xi32>
    %and3A_3385 = arith.constant 2048 : i32
    %and3A_3386 = vector.broadcast %and3A_3385 : i32 to vector<32x128xi32>
    %and3A_3387 = arith.andi %add3A_958, %and3A_3386 : vector<32x128xi32>
    %eq3A_3388 = arith.constant 0 : i32
    %eq3A_3389 = vector.broadcast %eq3A_3388 : i32 to vector<32x128xi32>
    %eq3A_3390 = arith.cmpi eq, %and3A_3387, %eq3A_3389 : vector<32x128xi32>
    %slice3A_3391 = vector.extract_strided_slice %select_n3A_3377 {offsets = [0, 8], sizes = [32, 120], strides = [1, 1]} : vector<32x128xi32> to vector<32x120xi32>
    %slice3A_3392 = vector.extract_strided_slice %select_n3A_3377 {offsets = [0, 0], sizes = [32, 8], strides = [1, 1]} : vector<32x128xi32> to vector<32x8xi32>
    %concatenate3A_3393 = tpu.concatenate %slice3A_3391, %slice3A_3392 in 1 : vector<32x120xi32>, vector<32x8xi32> -> vector<32x128xi32>
    %slice3A_3394 = vector.extract_strided_slice %select_n3A_3377 {offsets = [0, 120], sizes = [32, 8], strides = [1, 1]} : vector<32x128xi32> to vector<32x8xi32>
    %slice3A_3395 = vector.extract_strided_slice %select_n3A_3377 {offsets = [0, 0], sizes = [32, 120], strides = [1, 1]} : vector<32x128xi32> to vector<32x120xi32>
    %concatenate3A_3396 = tpu.concatenate %slice3A_3394, %slice3A_3395 in 1 : vector<32x8xi32>, vector<32x120xi32> -> vector<32x128xi32>
    %slice3A_3397 = vector.extract_strided_slice %select_n3A_3378 {offsets = [0, 8], sizes = [32, 120], strides = [1, 1]} : vector<32x128xi32> to vector<32x120xi32>
    %slice3A_3398 = vector.extract_strided_slice %select_n3A_3378 {offsets = [0, 0], sizes = [32, 8], strides = [1, 1]} : vector<32x128xi32> to vector<32x8xi32>
    %concatenate3A_3399 = tpu.concatenate %slice3A_3397, %slice3A_3398 in 1 : vector<32x120xi32>, vector<32x8xi32> -> vector<32x128xi32>
    %slice3A_3400 = vector.extract_strided_slice %select_n3A_3378 {offsets = [0, 120], sizes = [32, 8], strides = [1, 1]} : vector<32x128xi32> to vector<32x8xi32>
    %slice3A_3401 = vector.extract_strided_slice %select_n3A_3378 {offsets = [0, 0], sizes = [32, 120], strides = [1, 1]} : vector<32x128xi32> to vector<32x120xi32>
    %concatenate3A_3402 = tpu.concatenate %slice3A_3400, %slice3A_3401 in 1 : vector<32x8xi32>, vector<32x120xi32> -> vector<32x128xi32>
    %select_n3A_3403 = arith.select %eq3A_3384, %concatenate3A_3393, %concatenate3A_3396 : vector<32x128xi1>, vector<32x128xi32>
    %select_n3A_3404 = arith.select %eq3A_3384, %concatenate3A_3399, %concatenate3A_3402 : vector<32x128xi1>, vector<32x128xi32>
    %gt3A_3405 = arith.cmpi sgt, %select_n3A_3377, %select_n3A_3403 : vector<32x128xi32>
    %eq3A_3406 = arith.cmpi eq, %select_n3A_3377, %select_n3A_3403 : vector<32x128xi32>
    %lt3A_3407 = arith.cmpi slt, %select_n3A_3378, %select_n3A_3404 : vector<32x128xi32>
    %and3A_3408 = arith.andi %eq3A_3406, %lt3A_3407 : vector<32x128xi1>
    %or3A_3409 = arith.ori %gt3A_3405, %and3A_3408 : vector<32x128xi1>
    %eq3A_3410 = arith.xori %eq3A_3384, %eq3A_3390 : vector<32x128xi1>
    %eq3A_3411 = arith.constant dense<true> : vector<32x128xi1>
    %eq3A_3412 = arith.xori %eq3A_3410, %eq3A_3411 : vector<32x128xi1>
    %eq3A_3413 = arith.xori %or3A_3409, %eq3A_3412 : vector<32x128xi1>
    %eq3A_3414 = arith.constant dense<true> : vector<32x128xi1>
    %eq3A_3415 = arith.xori %eq3A_3413, %eq3A_3414 : vector<32x128xi1>
    %select_n3A_3416 = arith.select %eq3A_3415, %select_n3A_3377, %select_n3A_3403 : vector<32x128xi1>, vector<32x128xi32>
    %select_n3A_3417 = arith.select %eq3A_3415, %select_n3A_3378, %select_n3A_3404 : vector<32x128xi1>, vector<32x128xi32>
    %and3A_3418 = arith.constant 4 : i32
    %and3A_3419 = vector.broadcast %and3A_3418 : i32 to vector<32x128xi32>
    %and3A_3420 = arith.andi %add3A_958, %and3A_3419 : vector<32x128xi32>
    %eq3A_3421 = arith.constant 0 : i32
    %eq3A_3422 = vector.broadcast %eq3A_3421 : i32 to vector<32x128xi32>
    %eq3A_3423 = arith.cmpi eq, %and3A_3420, %eq3A_3422 : vector<32x128xi32>
    %and3A_3424 = arith.constant 2048 : i32
    %and3A_3425 = vector.broadcast %and3A_3424 : i32 to vector<32x128xi32>
    %and3A_3426 = arith.andi %add3A_958, %and3A_3425 : vector<32x128xi32>
    %eq3A_3427 = arith.constant 0 : i32
    %eq3A_3428 = vector.broadcast %eq3A_3427 : i32 to vector<32x128xi32>
    %eq3A_3429 = arith.cmpi eq, %and3A_3426, %eq3A_3428 : vector<32x128xi32>
    %slice3A_3430 = vector.extract_strided_slice %select_n3A_3416 {offsets = [0, 4], sizes = [32, 124], strides = [1, 1]} : vector<32x128xi32> to vector<32x124xi32>
    %slice3A_3431 = vector.extract_strided_slice %select_n3A_3416 {offsets = [0, 0], sizes = [32, 4], strides = [1, 1]} : vector<32x128xi32> to vector<32x4xi32>
    %concatenate3A_3432 = tpu.concatenate %slice3A_3430, %slice3A_3431 in 1 : vector<32x124xi32>, vector<32x4xi32> -> vector<32x128xi32>
    %slice3A_3433 = vector.extract_strided_slice %select_n3A_3416 {offsets = [0, 124], sizes = [32, 4], strides = [1, 1]} : vector<32x128xi32> to vector<32x4xi32>
    %slice3A_3434 = vector.extract_strided_slice %select_n3A_3416 {offsets = [0, 0], sizes = [32, 124], strides = [1, 1]} : vector<32x128xi32> to vector<32x124xi32>
    %concatenate3A_3435 = tpu.concatenate %slice3A_3433, %slice3A_3434 in 1 : vector<32x4xi32>, vector<32x124xi32> -> vector<32x128xi32>
    %slice3A_3436 = vector.extract_strided_slice %select_n3A_3417 {offsets = [0, 4], sizes = [32, 124], strides = [1, 1]} : vector<32x128xi32> to vector<32x124xi32>
    %slice3A_3437 = vector.extract_strided_slice %select_n3A_3417 {offsets = [0, 0], sizes = [32, 4], strides = [1, 1]} : vector<32x128xi32> to vector<32x4xi32>
    %concatenate3A_3438 = tpu.concatenate %slice3A_3436, %slice3A_3437 in 1 : vector<32x124xi32>, vector<32x4xi32> -> vector<32x128xi32>
    %slice3A_3439 = vector.extract_strided_slice %select_n3A_3417 {offsets = [0, 124], sizes = [32, 4], strides = [1, 1]} : vector<32x128xi32> to vector<32x4xi32>
    %slice3A_3440 = vector.extract_strided_slice %select_n3A_3417 {offsets = [0, 0], sizes = [32, 124], strides = [1, 1]} : vector<32x128xi32> to vector<32x124xi32>
    %concatenate3A_3441 = tpu.concatenate %slice3A_3439, %slice3A_3440 in 1 : vector<32x4xi32>, vector<32x124xi32> -> vector<32x128xi32>
    %select_n3A_3442 = arith.select %eq3A_3423, %concatenate3A_3432, %concatenate3A_3435 : vector<32x128xi1>, vector<32x128xi32>
    %select_n3A_3443 = arith.select %eq3A_3423, %concatenate3A_3438, %concatenate3A_3441 : vector<32x128xi1>, vector<32x128xi32>
    %gt3A_3444 = arith.cmpi sgt, %select_n3A_3416, %select_n3A_3442 : vector<32x128xi32>
    %eq3A_3445 = arith.cmpi eq, %select_n3A_3416, %select_n3A_3442 : vector<32x128xi32>
    %lt3A_3446 = arith.cmpi slt, %select_n3A_3417, %select_n3A_3443 : vector<32x128xi32>
    %and3A_3447 = arith.andi %eq3A_3445, %lt3A_3446 : vector<32x128xi1>
    %or3A_3448 = arith.ori %gt3A_3444, %and3A_3447 : vector<32x128xi1>
    %eq3A_3449 = arith.xori %eq3A_3423, %eq3A_3429 : vector<32x128xi1>
    %eq3A_3450 = arith.constant dense<true> : vector<32x128xi1>
    %eq3A_3451 = arith.xori %eq3A_3449, %eq3A_3450 : vector<32x128xi1>
    %eq3A_3452 = arith.xori %or3A_3448, %eq3A_3451 : vector<32x128xi1>
    %eq3A_3453 = arith.constant dense<true> : vector<32x128xi1>
    %eq3A_3454 = arith.xori %eq3A_3452, %eq3A_3453 : vector<32x128xi1>
    %select_n3A_3455 = arith.select %eq3A_3454, %select_n3A_3416, %select_n3A_3442 : vector<32x128xi1>, vector<32x128xi32>
    %select_n3A_3456 = arith.select %eq3A_3454, %select_n3A_3417, %select_n3A_3443 : vector<32x128xi1>, vector<32x128xi32>
    %and3A_3457 = arith.constant 2 : i32
    %and3A_3458 = vector.broadcast %and3A_3457 : i32 to vector<32x128xi32>
    %and3A_3459 = arith.andi %add3A_958, %and3A_3458 : vector<32x128xi32>
    %eq3A_3460 = arith.constant 0 : i32
    %eq3A_3461 = vector.broadcast %eq3A_3460 : i32 to vector<32x128xi32>
    %eq3A_3462 = arith.cmpi eq, %and3A_3459, %eq3A_3461 : vector<32x128xi32>
    %and3A_3463 = arith.constant 2048 : i32
    %and3A_3464 = vector.broadcast %and3A_3463 : i32 to vector<32x128xi32>
    %and3A_3465 = arith.andi %add3A_958, %and3A_3464 : vector<32x128xi32>
    %eq3A_3466 = arith.constant 0 : i32
    %eq3A_3467 = vector.broadcast %eq3A_3466 : i32 to vector<32x128xi32>
    %eq3A_3468 = arith.cmpi eq, %and3A_3465, %eq3A_3467 : vector<32x128xi32>
    %slice3A_3469 = vector.extract_strided_slice %select_n3A_3455 {offsets = [0, 2], sizes = [32, 126], strides = [1, 1]} : vector<32x128xi32> to vector<32x126xi32>
    %slice3A_3470 = vector.extract_strided_slice %select_n3A_3455 {offsets = [0, 0], sizes = [32, 2], strides = [1, 1]} : vector<32x128xi32> to vector<32x2xi32>
    %concatenate3A_3471 = tpu.concatenate %slice3A_3469, %slice3A_3470 in 1 : vector<32x126xi32>, vector<32x2xi32> -> vector<32x128xi32>
    %slice3A_3472 = vector.extract_strided_slice %select_n3A_3455 {offsets = [0, 126], sizes = [32, 2], strides = [1, 1]} : vector<32x128xi32> to vector<32x2xi32>
    %slice3A_3473 = vector.extract_strided_slice %select_n3A_3455 {offsets = [0, 0], sizes = [32, 126], strides = [1, 1]} : vector<32x128xi32> to vector<32x126xi32>
    %concatenate3A_3474 = tpu.concatenate %slice3A_3472, %slice3A_3473 in 1 : vector<32x2xi32>, vector<32x126xi32> -> vector<32x128xi32>
    %slice3A_3475 = vector.extract_strided_slice %select_n3A_3456 {offsets = [0, 2], sizes = [32, 126], strides = [1, 1]} : vector<32x128xi32> to vector<32x126xi32>
    %slice3A_3476 = vector.extract_strided_slice %select_n3A_3456 {offsets = [0, 0], sizes = [32, 2], strides = [1, 1]} : vector<32x128xi32> to vector<32x2xi32>
    %concatenate3A_3477 = tpu.concatenate %slice3A_3475, %slice3A_3476 in 1 : vector<32x126xi32>, vector<32x2xi32> -> vector<32x128xi32>
    %slice3A_3478 = vector.extract_strided_slice %select_n3A_3456 {offsets = [0, 126], sizes = [32, 2], strides = [1, 1]} : vector<32x128xi32> to vector<32x2xi32>
    %slice3A_3479 = vector.extract_strided_slice %select_n3A_3456 {offsets = [0, 0], sizes = [32, 126], strides = [1, 1]} : vector<32x128xi32> to vector<32x126xi32>
    %concatenate3A_3480 = tpu.concatenate %slice3A_3478, %slice3A_3479 in 1 : vector<32x2xi32>, vector<32x126xi32> -> vector<32x128xi32>
    %select_n3A_3481 = arith.select %eq3A_3462, %concatenate3A_3471, %concatenate3A_3474 : vector<32x128xi1>, vector<32x128xi32>
    %select_n3A_3482 = arith.select %eq3A_3462, %concatenate3A_3477, %concatenate3A_3480 : vector<32x128xi1>, vector<32x128xi32>
    %gt3A_3483 = arith.cmpi sgt, %select_n3A_3455, %select_n3A_3481 : vector<32x128xi32>
    %eq3A_3484 = arith.cmpi eq, %select_n3A_3455, %select_n3A_3481 : vector<32x128xi32>
    %lt3A_3485 = arith.cmpi slt, %select_n3A_3456, %select_n3A_3482 : vector<32x128xi32>
    %and3A_3486 = arith.andi %eq3A_3484, %lt3A_3485 : vector<32x128xi1>
    %or3A_3487 = arith.ori %gt3A_3483, %and3A_3486 : vector<32x128xi1>
    %eq3A_3488 = arith.xori %eq3A_3462, %eq3A_3468 : vector<32x128xi1>
    %eq3A_3489 = arith.constant dense<true> : vector<32x128xi1>
    %eq3A_3490 = arith.xori %eq3A_3488, %eq3A_3489 : vector<32x128xi1>
    %eq3A_3491 = arith.xori %or3A_3487, %eq3A_3490 : vector<32x128xi1>
    %eq3A_3492 = arith.constant dense<true> : vector<32x128xi1>
    %eq3A_3493 = arith.xori %eq3A_3491, %eq3A_3492 : vector<32x128xi1>
    %select_n3A_3494 = arith.select %eq3A_3493, %select_n3A_3455, %select_n3A_3481 : vector<32x128xi1>, vector<32x128xi32>
    %select_n3A_3495 = arith.select %eq3A_3493, %select_n3A_3456, %select_n3A_3482 : vector<32x128xi1>, vector<32x128xi32>
    %and3A_3496 = arith.constant 1 : i32
    %and3A_3497 = vector.broadcast %and3A_3496 : i32 to vector<32x128xi32>
    %and3A_3498 = arith.andi %add3A_958, %and3A_3497 : vector<32x128xi32>
    %eq3A_3499 = arith.constant 0 : i32
    %eq3A_3500 = vector.broadcast %eq3A_3499 : i32 to vector<32x128xi32>
    %eq3A_3501 = arith.cmpi eq, %and3A_3498, %eq3A_3500 : vector<32x128xi32>
    %and3A_3502 = arith.constant 2048 : i32
    %and3A_3503 = vector.broadcast %and3A_3502 : i32 to vector<32x128xi32>
    %and3A_3504 = arith.andi %add3A_958, %and3A_3503 : vector<32x128xi32>
    %eq3A_3505 = arith.constant 0 : i32
    %eq3A_3506 = vector.broadcast %eq3A_3505 : i32 to vector<32x128xi32>
    %eq3A_3507 = arith.cmpi eq, %and3A_3504, %eq3A_3506 : vector<32x128xi32>
    %slice3A_3508 = vector.extract_strided_slice %select_n3A_3494 {offsets = [0, 1], sizes = [32, 127], strides = [1, 1]} : vector<32x128xi32> to vector<32x127xi32>
    %slice3A_3509 = vector.extract_strided_slice %select_n3A_3494 {offsets = [0, 0], sizes = [32, 1], strides = [1, 1]} : vector<32x128xi32> to vector<32x1xi32>
    %concatenate3A_3510 = tpu.concatenate %slice3A_3508, %slice3A_3509 in 1 : vector<32x127xi32>, vector<32x1xi32> -> vector<32x128xi32>
    %slice3A_3511 = vector.extract_strided_slice %select_n3A_3494 {offsets = [0, 127], sizes = [32, 1], strides = [1, 1]} : vector<32x128xi32> to vector<32x1xi32>
    %slice3A_3512 = vector.extract_strided_slice %select_n3A_3494 {offsets = [0, 0], sizes = [32, 127], strides = [1, 1]} : vector<32x128xi32> to vector<32x127xi32>
    %concatenate3A_3513 = tpu.concatenate %slice3A_3511, %slice3A_3512 in 1 : vector<32x1xi32>, vector<32x127xi32> -> vector<32x128xi32>
    %slice3A_3514 = vector.extract_strided_slice %select_n3A_3495 {offsets = [0, 1], sizes = [32, 127], strides = [1, 1]} : vector<32x128xi32> to vector<32x127xi32>
    %slice3A_3515 = vector.extract_strided_slice %select_n3A_3495 {offsets = [0, 0], sizes = [32, 1], strides = [1, 1]} : vector<32x128xi32> to vector<32x1xi32>
    %concatenate3A_3516 = tpu.concatenate %slice3A_3514, %slice3A_3515 in 1 : vector<32x127xi32>, vector<32x1xi32> -> vector<32x128xi32>
    %slice3A_3517 = vector.extract_strided_slice %select_n3A_3495 {offsets = [0, 127], sizes = [32, 1], strides = [1, 1]} : vector<32x128xi32> to vector<32x1xi32>
    %slice3A_3518 = vector.extract_strided_slice %select_n3A_3495 {offsets = [0, 0], sizes = [32, 127], strides = [1, 1]} : vector<32x128xi32> to vector<32x127xi32>
    %concatenate3A_3519 = tpu.concatenate %slice3A_3517, %slice3A_3518 in 1 : vector<32x1xi32>, vector<32x127xi32> -> vector<32x128xi32>
    %select_n3A_3520 = arith.select %eq3A_3501, %concatenate3A_3510, %concatenate3A_3513 : vector<32x128xi1>, vector<32x128xi32>
    %select_n3A_3521 = arith.select %eq3A_3501, %concatenate3A_3516, %concatenate3A_3519 : vector<32x128xi1>, vector<32x128xi32>
    %gt3A_3522 = arith.cmpi sgt, %select_n3A_3494, %select_n3A_3520 : vector<32x128xi32>
    %eq3A_3523 = arith.cmpi eq, %select_n3A_3494, %select_n3A_3520 : vector<32x128xi32>
    %lt3A_3524 = arith.cmpi slt, %select_n3A_3495, %select_n3A_3521 : vector<32x128xi32>
    %and3A_3525 = arith.andi %eq3A_3523, %lt3A_3524 : vector<32x128xi1>
    %or3A_3526 = arith.ori %gt3A_3522, %and3A_3525 : vector<32x128xi1>
    %eq3A_3527 = arith.xori %eq3A_3501, %eq3A_3507 : vector<32x128xi1>
    %eq3A_3528 = arith.constant dense<true> : vector<32x128xi1>
    %eq3A_3529 = arith.xori %eq3A_3527, %eq3A_3528 : vector<32x128xi1>
    %eq3A_3530 = arith.xori %or3A_3526, %eq3A_3529 : vector<32x128xi1>
    %eq3A_3531 = arith.constant dense<true> : vector<32x128xi1>
    %eq3A_3532 = arith.xori %eq3A_3530, %eq3A_3531 : vector<32x128xi1>
    %select_n3A_3533 = arith.select %eq3A_3532, %select_n3A_3494, %select_n3A_3520 : vector<32x128xi1>, vector<32x128xi32>
    %select_n3A_3534 = arith.select %eq3A_3532, %select_n3A_3495, %select_n3A_3521 : vector<32x128xi1>, vector<32x128xi32>
    %and3A_3535 = arith.constant 2048 : i32
    %and3A_3536 = vector.broadcast %and3A_3535 : i32 to vector<32x128xi32>
    %and3A_3537 = arith.andi %add3A_958, %and3A_3536 : vector<32x128xi32>
    %eq3A_3538 = arith.constant 0 : i32
    %eq3A_3539 = vector.broadcast %eq3A_3538 : i32 to vector<32x128xi32>
    %eq3A_3540 = arith.cmpi eq, %and3A_3537, %eq3A_3539 : vector<32x128xi32>
    %and3A_3541 = arith.constant 4096 : i32
    %and3A_3542 = vector.broadcast %and3A_3541 : i32 to vector<32x128xi32>
    %and3A_3543 = arith.andi %add3A_958, %and3A_3542 : vector<32x128xi32>
    %eq3A_3544 = arith.constant 0 : i32
    %eq3A_3545 = vector.broadcast %eq3A_3544 : i32 to vector<32x128xi32>
    %eq3A_3546 = arith.cmpi eq, %and3A_3543, %eq3A_3545 : vector<32x128xi32>
    %slice3A_3547 = vector.extract_strided_slice %select_n3A_3533 {offsets = [16, 0], sizes = [16, 128], strides = [1, 1]} : vector<32x128xi32> to vector<16x128xi32>
    %slice3A_3548 = vector.extract_strided_slice %select_n3A_3533 {offsets = [0, 0], sizes = [16, 128], strides = [1, 1]} : vector<32x128xi32> to vector<16x128xi32>
    %concatenate3A_3549 = tpu.concatenate %slice3A_3547, %slice3A_3548 in 0 : vector<16x128xi32>, vector<16x128xi32> -> vector<32x128xi32>
    %slice3A_3550 = vector.extract_strided_slice %select_n3A_3533 {offsets = [16, 0], sizes = [16, 128], strides = [1, 1]} : vector<32x128xi32> to vector<16x128xi32>
    %slice3A_3551 = vector.extract_strided_slice %select_n3A_3533 {offsets = [0, 0], sizes = [16, 128], strides = [1, 1]} : vector<32x128xi32> to vector<16x128xi32>
    %concatenate3A_3552 = tpu.concatenate %slice3A_3550, %slice3A_3551 in 0 : vector<16x128xi32>, vector<16x128xi32> -> vector<32x128xi32>
    %slice3A_3553 = vector.extract_strided_slice %select_n3A_3534 {offsets = [16, 0], sizes = [16, 128], strides = [1, 1]} : vector<32x128xi32> to vector<16x128xi32>
    %slice3A_3554 = vector.extract_strided_slice %select_n3A_3534 {offsets = [0, 0], sizes = [16, 128], strides = [1, 1]} : vector<32x128xi32> to vector<16x128xi32>
    %concatenate3A_3555 = tpu.concatenate %slice3A_3553, %slice3A_3554 in 0 : vector<16x128xi32>, vector<16x128xi32> -> vector<32x128xi32>
    %slice3A_3556 = vector.extract_strided_slice %select_n3A_3534 {offsets = [16, 0], sizes = [16, 128], strides = [1, 1]} : vector<32x128xi32> to vector<16x128xi32>
    %slice3A_3557 = vector.extract_strided_slice %select_n3A_3534 {offsets = [0, 0], sizes = [16, 128], strides = [1, 1]} : vector<32x128xi32> to vector<16x128xi32>
    %concatenate3A_3558 = tpu.concatenate %slice3A_3556, %slice3A_3557 in 0 : vector<16x128xi32>, vector<16x128xi32> -> vector<32x128xi32>
    %select_n3A_3559 = arith.select %eq3A_3540, %concatenate3A_3549, %concatenate3A_3552 : vector<32x128xi1>, vector<32x128xi32>
    %select_n3A_3560 = arith.select %eq3A_3540, %concatenate3A_3555, %concatenate3A_3558 : vector<32x128xi1>, vector<32x128xi32>
    %gt3A_3561 = arith.cmpi sgt, %select_n3A_3533, %select_n3A_3559 : vector<32x128xi32>
    %eq3A_3562 = arith.cmpi eq, %select_n3A_3533, %select_n3A_3559 : vector<32x128xi32>
    %lt3A_3563 = arith.cmpi slt, %select_n3A_3534, %select_n3A_3560 : vector<32x128xi32>
    %and3A_3564 = arith.andi %eq3A_3562, %lt3A_3563 : vector<32x128xi1>
    %or3A_3565 = arith.ori %gt3A_3561, %and3A_3564 : vector<32x128xi1>
    %eq3A_3566 = arith.xori %eq3A_3540, %eq3A_3546 : vector<32x128xi1>
    %eq3A_3567 = arith.constant dense<true> : vector<32x128xi1>
    %eq3A_3568 = arith.xori %eq3A_3566, %eq3A_3567 : vector<32x128xi1>
    %eq3A_3569 = arith.xori %or3A_3565, %eq3A_3568 : vector<32x128xi1>
    %eq3A_3570 = arith.constant dense<true> : vector<32x128xi1>
    %eq3A_3571 = arith.xori %eq3A_3569, %eq3A_3570 : vector<32x128xi1>
    %select_n3A_3572 = arith.select %eq3A_3571, %select_n3A_3533, %select_n3A_3559 : vector<32x128xi1>, vector<32x128xi32>
    %select_n3A_3573 = arith.select %eq3A_3571, %select_n3A_3534, %select_n3A_3560 : vector<32x128xi1>, vector<32x128xi32>
    %and3A_3574 = arith.constant 1024 : i32
    %and3A_3575 = vector.broadcast %and3A_3574 : i32 to vector<32x128xi32>
    %and3A_3576 = arith.andi %add3A_958, %and3A_3575 : vector<32x128xi32>
    %eq3A_3577 = arith.constant 0 : i32
    %eq3A_3578 = vector.broadcast %eq3A_3577 : i32 to vector<32x128xi32>
    %eq3A_3579 = arith.cmpi eq, %and3A_3576, %eq3A_3578 : vector<32x128xi32>
    %and3A_3580 = arith.constant 4096 : i32
    %and3A_3581 = vector.broadcast %and3A_3580 : i32 to vector<32x128xi32>
    %and3A_3582 = arith.andi %add3A_958, %and3A_3581 : vector<32x128xi32>
    %eq3A_3583 = arith.constant 0 : i32
    %eq3A_3584 = vector.broadcast %eq3A_3583 : i32 to vector<32x128xi32>
    %eq3A_3585 = arith.cmpi eq, %and3A_3582, %eq3A_3584 : vector<32x128xi32>
    %slice3A_3586 = vector.extract_strided_slice %select_n3A_3572 {offsets = [8, 0], sizes = [24, 128], strides = [1, 1]} : vector<32x128xi32> to vector<24x128xi32>
    %slice3A_3587 = vector.extract_strided_slice %select_n3A_3572 {offsets = [0, 0], sizes = [8, 128], strides = [1, 1]} : vector<32x128xi32> to vector<8x128xi32>
    %concatenate3A_3588 = tpu.concatenate %slice3A_3586, %slice3A_3587 in 0 : vector<24x128xi32>, vector<8x128xi32> -> vector<32x128xi32>
    %slice3A_3589 = vector.extract_strided_slice %select_n3A_3572 {offsets = [24, 0], sizes = [8, 128], strides = [1, 1]} : vector<32x128xi32> to vector<8x128xi32>
    %slice3A_3590 = vector.extract_strided_slice %select_n3A_3572 {offsets = [0, 0], sizes = [24, 128], strides = [1, 1]} : vector<32x128xi32> to vector<24x128xi32>
    %concatenate3A_3591 = tpu.concatenate %slice3A_3589, %slice3A_3590 in 0 : vector<8x128xi32>, vector<24x128xi32> -> vector<32x128xi32>
    %slice3A_3592 = vector.extract_strided_slice %select_n3A_3573 {offsets = [8, 0], sizes = [24, 128], strides = [1, 1]} : vector<32x128xi32> to vector<24x128xi32>
    %slice3A_3593 = vector.extract_strided_slice %select_n3A_3573 {offsets = [0, 0], sizes = [8, 128], strides = [1, 1]} : vector<32x128xi32> to vector<8x128xi32>
    %concatenate3A_3594 = tpu.concatenate %slice3A_3592, %slice3A_3593 in 0 : vector<24x128xi32>, vector<8x128xi32> -> vector<32x128xi32>
    %slice3A_3595 = vector.extract_strided_slice %select_n3A_3573 {offsets = [24, 0], sizes = [8, 128], strides = [1, 1]} : vector<32x128xi32> to vector<8x128xi32>
    %slice3A_3596 = vector.extract_strided_slice %select_n3A_3573 {offsets = [0, 0], sizes = [24, 128], strides = [1, 1]} : vector<32x128xi32> to vector<24x128xi32>
    %concatenate3A_3597 = tpu.concatenate %slice3A_3595, %slice3A_3596 in 0 : vector<8x128xi32>, vector<24x128xi32> -> vector<32x128xi32>
    %select_n3A_3598 = arith.select %eq3A_3579, %concatenate3A_3588, %concatenate3A_3591 : vector<32x128xi1>, vector<32x128xi32>
    %select_n3A_3599 = arith.select %eq3A_3579, %concatenate3A_3594, %concatenate3A_3597 : vector<32x128xi1>, vector<32x128xi32>
    %gt3A_3600 = arith.cmpi sgt, %select_n3A_3572, %select_n3A_3598 : vector<32x128xi32>
    %eq3A_3601 = arith.cmpi eq, %select_n3A_3572, %select_n3A_3598 : vector<32x128xi32>
    %lt3A_3602 = arith.cmpi slt, %select_n3A_3573, %select_n3A_3599 : vector<32x128xi32>
    %and3A_3603 = arith.andi %eq3A_3601, %lt3A_3602 : vector<32x128xi1>
    %or3A_3604 = arith.ori %gt3A_3600, %and3A_3603 : vector<32x128xi1>
    %eq3A_3605 = arith.xori %eq3A_3579, %eq3A_3585 : vector<32x128xi1>
    %eq3A_3606 = arith.constant dense<true> : vector<32x128xi1>
    %eq3A_3607 = arith.xori %eq3A_3605, %eq3A_3606 : vector<32x128xi1>
    %eq3A_3608 = arith.xori %or3A_3604, %eq3A_3607 : vector<32x128xi1>
    %eq3A_3609 = arith.constant dense<true> : vector<32x128xi1>
    %eq3A_3610 = arith.xori %eq3A_3608, %eq3A_3609 : vector<32x128xi1>
    %select_n3A_3611 = arith.select %eq3A_3610, %select_n3A_3572, %select_n3A_3598 : vector<32x128xi1>, vector<32x128xi32>
    %select_n3A_3612 = arith.select %eq3A_3610, %select_n3A_3573, %select_n3A_3599 : vector<32x128xi1>, vector<32x128xi32>
    %and3A_3613 = arith.constant 512 : i32
    %and3A_3614 = vector.broadcast %and3A_3613 : i32 to vector<32x128xi32>
    %and3A_3615 = arith.andi %add3A_958, %and3A_3614 : vector<32x128xi32>
    %eq3A_3616 = arith.constant 0 : i32
    %eq3A_3617 = vector.broadcast %eq3A_3616 : i32 to vector<32x128xi32>
    %eq3A_3618 = arith.cmpi eq, %and3A_3615, %eq3A_3617 : vector<32x128xi32>
    %and3A_3619 = arith.constant 4096 : i32
    %and3A_3620 = vector.broadcast %and3A_3619 : i32 to vector<32x128xi32>
    %and3A_3621 = arith.andi %add3A_958, %and3A_3620 : vector<32x128xi32>
    %eq3A_3622 = arith.constant 0 : i32
    %eq3A_3623 = vector.broadcast %eq3A_3622 : i32 to vector<32x128xi32>
    %eq3A_3624 = arith.cmpi eq, %and3A_3621, %eq3A_3623 : vector<32x128xi32>
    %slice3A_3625 = vector.extract_strided_slice %select_n3A_3611 {offsets = [4, 0], sizes = [28, 128], strides = [1, 1]} : vector<32x128xi32> to vector<28x128xi32>
    %slice3A_3626 = vector.extract_strided_slice %select_n3A_3611 {offsets = [0, 0], sizes = [4, 128], strides = [1, 1]} : vector<32x128xi32> to vector<4x128xi32>
    %concatenate3A_3627 = tpu.concatenate %slice3A_3625, %slice3A_3626 in 0 : vector<28x128xi32>, vector<4x128xi32> -> vector<32x128xi32>
    %slice3A_3628 = vector.extract_strided_slice %select_n3A_3611 {offsets = [28, 0], sizes = [4, 128], strides = [1, 1]} : vector<32x128xi32> to vector<4x128xi32>
    %slice3A_3629 = vector.extract_strided_slice %select_n3A_3611 {offsets = [0, 0], sizes = [28, 128], strides = [1, 1]} : vector<32x128xi32> to vector<28x128xi32>
    %concatenate3A_3630 = tpu.concatenate %slice3A_3628, %slice3A_3629 in 0 : vector<4x128xi32>, vector<28x128xi32> -> vector<32x128xi32>
    %slice3A_3631 = vector.extract_strided_slice %select_n3A_3612 {offsets = [4, 0], sizes = [28, 128], strides = [1, 1]} : vector<32x128xi32> to vector<28x128xi32>
    %slice3A_3632 = vector.extract_strided_slice %select_n3A_3612 {offsets = [0, 0], sizes = [4, 128], strides = [1, 1]} : vector<32x128xi32> to vector<4x128xi32>
    %concatenate3A_3633 = tpu.concatenate %slice3A_3631, %slice3A_3632 in 0 : vector<28x128xi32>, vector<4x128xi32> -> vector<32x128xi32>
    %slice3A_3634 = vector.extract_strided_slice %select_n3A_3612 {offsets = [28, 0], sizes = [4, 128], strides = [1, 1]} : vector<32x128xi32> to vector<4x128xi32>
    %slice3A_3635 = vector.extract_strided_slice %select_n3A_3612 {offsets = [0, 0], sizes = [28, 128], strides = [1, 1]} : vector<32x128xi32> to vector<28x128xi32>
    %concatenate3A_3636 = tpu.concatenate %slice3A_3634, %slice3A_3635 in 0 : vector<4x128xi32>, vector<28x128xi32> -> vector<32x128xi32>
    %select_n3A_3637 = arith.select %eq3A_3618, %concatenate3A_3627, %concatenate3A_3630 : vector<32x128xi1>, vector<32x128xi32>
    %select_n3A_3638 = arith.select %eq3A_3618, %concatenate3A_3633, %concatenate3A_3636 : vector<32x128xi1>, vector<32x128xi32>
    %gt3A_3639 = arith.cmpi sgt, %select_n3A_3611, %select_n3A_3637 : vector<32x128xi32>
    %eq3A_3640 = arith.cmpi eq, %select_n3A_3611, %select_n3A_3637 : vector<32x128xi32>
    %lt3A_3641 = arith.cmpi slt, %select_n3A_3612, %select_n3A_3638 : vector<32x128xi32>
    %and3A_3642 = arith.andi %eq3A_3640, %lt3A_3641 : vector<32x128xi1>
    %or3A_3643 = arith.ori %gt3A_3639, %and3A_3642 : vector<32x128xi1>
    %eq3A_3644 = arith.xori %eq3A_3618, %eq3A_3624 : vector<32x128xi1>
    %eq3A_3645 = arith.constant dense<true> : vector<32x128xi1>
    %eq3A_3646 = arith.xori %eq3A_3644, %eq3A_3645 : vector<32x128xi1>
    %eq3A_3647 = arith.xori %or3A_3643, %eq3A_3646 : vector<32x128xi1>
    %eq3A_3648 = arith.constant dense<true> : vector<32x128xi1>
    %eq3A_3649 = arith.xori %eq3A_3647, %eq3A_3648 : vector<32x128xi1>
    %select_n3A_3650 = arith.select %eq3A_3649, %select_n3A_3611, %select_n3A_3637 : vector<32x128xi1>, vector<32x128xi32>
    %select_n3A_3651 = arith.select %eq3A_3649, %select_n3A_3612, %select_n3A_3638 : vector<32x128xi1>, vector<32x128xi32>
    %and3A_3652 = arith.constant 256 : i32
    %and3A_3653 = vector.broadcast %and3A_3652 : i32 to vector<32x128xi32>
    %and3A_3654 = arith.andi %add3A_958, %and3A_3653 : vector<32x128xi32>
    %eq3A_3655 = arith.constant 0 : i32
    %eq3A_3656 = vector.broadcast %eq3A_3655 : i32 to vector<32x128xi32>
    %eq3A_3657 = arith.cmpi eq, %and3A_3654, %eq3A_3656 : vector<32x128xi32>
    %and3A_3658 = arith.constant 4096 : i32
    %and3A_3659 = vector.broadcast %and3A_3658 : i32 to vector<32x128xi32>
    %and3A_3660 = arith.andi %add3A_958, %and3A_3659 : vector<32x128xi32>
    %eq3A_3661 = arith.constant 0 : i32
    %eq3A_3662 = vector.broadcast %eq3A_3661 : i32 to vector<32x128xi32>
    %eq3A_3663 = arith.cmpi eq, %and3A_3660, %eq3A_3662 : vector<32x128xi32>
    %slice3A_3664 = vector.extract_strided_slice %select_n3A_3650 {offsets = [2, 0], sizes = [30, 128], strides = [1, 1]} : vector<32x128xi32> to vector<30x128xi32>
    %slice3A_3665 = vector.extract_strided_slice %select_n3A_3650 {offsets = [0, 0], sizes = [2, 128], strides = [1, 1]} : vector<32x128xi32> to vector<2x128xi32>
    %concatenate3A_3666 = tpu.concatenate %slice3A_3664, %slice3A_3665 in 0 : vector<30x128xi32>, vector<2x128xi32> -> vector<32x128xi32>
    %slice3A_3667 = vector.extract_strided_slice %select_n3A_3650 {offsets = [30, 0], sizes = [2, 128], strides = [1, 1]} : vector<32x128xi32> to vector<2x128xi32>
    %slice3A_3668 = vector.extract_strided_slice %select_n3A_3650 {offsets = [0, 0], sizes = [30, 128], strides = [1, 1]} : vector<32x128xi32> to vector<30x128xi32>
    %concatenate3A_3669 = tpu.concatenate %slice3A_3667, %slice3A_3668 in 0 : vector<2x128xi32>, vector<30x128xi32> -> vector<32x128xi32>
    %slice3A_3670 = vector.extract_strided_slice %select_n3A_3651 {offsets = [2, 0], sizes = [30, 128], strides = [1, 1]} : vector<32x128xi32> to vector<30x128xi32>
    %slice3A_3671 = vector.extract_strided_slice %select_n3A_3651 {offsets = [0, 0], sizes = [2, 128], strides = [1, 1]} : vector<32x128xi32> to vector<2x128xi32>
    %concatenate3A_3672 = tpu.concatenate %slice3A_3670, %slice3A_3671 in 0 : vector<30x128xi32>, vector<2x128xi32> -> vector<32x128xi32>
    %slice3A_3673 = vector.extract_strided_slice %select_n3A_3651 {offsets = [30, 0], sizes = [2, 128], strides = [1, 1]} : vector<32x128xi32> to vector<2x128xi32>
    %slice3A_3674 = vector.extract_strided_slice %select_n3A_3651 {offsets = [0, 0], sizes = [30, 128], strides = [1, 1]} : vector<32x128xi32> to vector<30x128xi32>
    %concatenate3A_3675 = tpu.concatenate %slice3A_3673, %slice3A_3674 in 0 : vector<2x128xi32>, vector<30x128xi32> -> vector<32x128xi32>
    %select_n3A_3676 = arith.select %eq3A_3657, %concatenate3A_3666, %concatenate3A_3669 : vector<32x128xi1>, vector<32x128xi32>
    %select_n3A_3677 = arith.select %eq3A_3657, %concatenate3A_3672, %concatenate3A_3675 : vector<32x128xi1>, vector<32x128xi32>
    %gt3A_3678 = arith.cmpi sgt, %select_n3A_3650, %select_n3A_3676 : vector<32x128xi32>
    %eq3A_3679 = arith.cmpi eq, %select_n3A_3650, %select_n3A_3676 : vector<32x128xi32>
    %lt3A_3680 = arith.cmpi slt, %select_n3A_3651, %select_n3A_3677 : vector<32x128xi32>
    %and3A_3681 = arith.andi %eq3A_3679, %lt3A_3680 : vector<32x128xi1>
    %or3A_3682 = arith.ori %gt3A_3678, %and3A_3681 : vector<32x128xi1>
    %eq3A_3683 = arith.xori %eq3A_3657, %eq3A_3663 : vector<32x128xi1>
    %eq3A_3684 = arith.constant dense<true> : vector<32x128xi1>
    %eq3A_3685 = arith.xori %eq3A_3683, %eq3A_3684 : vector<32x128xi1>
    %eq3A_3686 = arith.xori %or3A_3682, %eq3A_3685 : vector<32x128xi1>
    %eq3A_3687 = arith.constant dense<true> : vector<32x128xi1>
    %eq3A_3688 = arith.xori %eq3A_3686, %eq3A_3687 : vector<32x128xi1>
    %select_n3A_3689 = arith.select %eq3A_3688, %select_n3A_3650, %select_n3A_3676 : vector<32x128xi1>, vector<32x128xi32>
    %select_n3A_3690 = arith.select %eq3A_3688, %select_n3A_3651, %select_n3A_3677 : vector<32x128xi1>, vector<32x128xi32>
    %and3A_3691 = arith.constant 128 : i32
    %and3A_3692 = vector.broadcast %and3A_3691 : i32 to vector<32x128xi32>
    %and3A_3693 = arith.andi %add3A_958, %and3A_3692 : vector<32x128xi32>
    %eq3A_3694 = arith.constant 0 : i32
    %eq3A_3695 = vector.broadcast %eq3A_3694 : i32 to vector<32x128xi32>
    %eq3A_3696 = arith.cmpi eq, %and3A_3693, %eq3A_3695 : vector<32x128xi32>
    %and3A_3697 = arith.constant 4096 : i32
    %and3A_3698 = vector.broadcast %and3A_3697 : i32 to vector<32x128xi32>
    %and3A_3699 = arith.andi %add3A_958, %and3A_3698 : vector<32x128xi32>
    %eq3A_3700 = arith.constant 0 : i32
    %eq3A_3701 = vector.broadcast %eq3A_3700 : i32 to vector<32x128xi32>
    %eq3A_3702 = arith.cmpi eq, %and3A_3699, %eq3A_3701 : vector<32x128xi32>
    %slice3A_3703 = vector.extract_strided_slice %select_n3A_3689 {offsets = [1, 0], sizes = [31, 128], strides = [1, 1]} : vector<32x128xi32> to vector<31x128xi32>
    %slice3A_3704 = vector.extract_strided_slice %select_n3A_3689 {offsets = [0, 0], sizes = [1, 128], strides = [1, 1]} : vector<32x128xi32> to vector<1x128xi32>
    %concatenate3A_3705 = tpu.concatenate %slice3A_3703, %slice3A_3704 in 0 : vector<31x128xi32>, vector<1x128xi32> -> vector<32x128xi32>
    %slice3A_3706 = vector.extract_strided_slice %select_n3A_3689 {offsets = [31, 0], sizes = [1, 128], strides = [1, 1]} : vector<32x128xi32> to vector<1x128xi32>
    %slice3A_3707 = vector.extract_strided_slice %select_n3A_3689 {offsets = [0, 0], sizes = [31, 128], strides = [1, 1]} : vector<32x128xi32> to vector<31x128xi32>
    %concatenate3A_3708 = tpu.concatenate %slice3A_3706, %slice3A_3707 in 0 : vector<1x128xi32>, vector<31x128xi32> -> vector<32x128xi32>
    %slice3A_3709 = vector.extract_strided_slice %select_n3A_3690 {offsets = [1, 0], sizes = [31, 128], strides = [1, 1]} : vector<32x128xi32> to vector<31x128xi32>
    %slice3A_3710 = vector.extract_strided_slice %select_n3A_3690 {offsets = [0, 0], sizes = [1, 128], strides = [1, 1]} : vector<32x128xi32> to vector<1x128xi32>
    %concatenate3A_3711 = tpu.concatenate %slice3A_3709, %slice3A_3710 in 0 : vector<31x128xi32>, vector<1x128xi32> -> vector<32x128xi32>
    %slice3A_3712 = vector.extract_strided_slice %select_n3A_3690 {offsets = [31, 0], sizes = [1, 128], strides = [1, 1]} : vector<32x128xi32> to vector<1x128xi32>
    %slice3A_3713 = vector.extract_strided_slice %select_n3A_3690 {offsets = [0, 0], sizes = [31, 128], strides = [1, 1]} : vector<32x128xi32> to vector<31x128xi32>
    %concatenate3A_3714 = tpu.concatenate %slice3A_3712, %slice3A_3713 in 0 : vector<1x128xi32>, vector<31x128xi32> -> vector<32x128xi32>
    %select_n3A_3715 = arith.select %eq3A_3696, %concatenate3A_3705, %concatenate3A_3708 : vector<32x128xi1>, vector<32x128xi32>
    %select_n3A_3716 = arith.select %eq3A_3696, %concatenate3A_3711, %concatenate3A_3714 : vector<32x128xi1>, vector<32x128xi32>
    %gt3A_3717 = arith.cmpi sgt, %select_n3A_3689, %select_n3A_3715 : vector<32x128xi32>
    %eq3A_3718 = arith.cmpi eq, %select_n3A_3689, %select_n3A_3715 : vector<32x128xi32>
    %lt3A_3719 = arith.cmpi slt, %select_n3A_3690, %select_n3A_3716 : vector<32x128xi32>
    %and3A_3720 = arith.andi %eq3A_3718, %lt3A_3719 : vector<32x128xi1>
    %or3A_3721 = arith.ori %gt3A_3717, %and3A_3720 : vector<32x128xi1>
    %eq3A_3722 = arith.xori %eq3A_3696, %eq3A_3702 : vector<32x128xi1>
    %eq3A_3723 = arith.constant dense<true> : vector<32x128xi1>
    %eq3A_3724 = arith.xori %eq3A_3722, %eq3A_3723 : vector<32x128xi1>
    %eq3A_3725 = arith.xori %or3A_3721, %eq3A_3724 : vector<32x128xi1>
    %eq3A_3726 = arith.constant dense<true> : vector<32x128xi1>
    %eq3A_3727 = arith.xori %eq3A_3725, %eq3A_3726 : vector<32x128xi1>
    %select_n3A_3728 = arith.select %eq3A_3727, %select_n3A_3689, %select_n3A_3715 : vector<32x128xi1>, vector<32x128xi32>
    %select_n3A_3729 = arith.select %eq3A_3727, %select_n3A_3690, %select_n3A_3716 : vector<32x128xi1>, vector<32x128xi32>
    %and3A_3730 = arith.constant 64 : i32
    %and3A_3731 = vector.broadcast %and3A_3730 : i32 to vector<32x128xi32>
    %and3A_3732 = arith.andi %add3A_958, %and3A_3731 : vector<32x128xi32>
    %eq3A_3733 = arith.constant 0 : i32
    %eq3A_3734 = vector.broadcast %eq3A_3733 : i32 to vector<32x128xi32>
    %eq3A_3735 = arith.cmpi eq, %and3A_3732, %eq3A_3734 : vector<32x128xi32>
    %and3A_3736 = arith.constant 4096 : i32
    %and3A_3737 = vector.broadcast %and3A_3736 : i32 to vector<32x128xi32>
    %and3A_3738 = arith.andi %add3A_958, %and3A_3737 : vector<32x128xi32>
    %eq3A_3739 = arith.constant 0 : i32
    %eq3A_3740 = vector.broadcast %eq3A_3739 : i32 to vector<32x128xi32>
    %eq3A_3741 = arith.cmpi eq, %and3A_3738, %eq3A_3740 : vector<32x128xi32>
    %slice3A_3742 = vector.extract_strided_slice %select_n3A_3728 {offsets = [0, 64], sizes = [32, 64], strides = [1, 1]} : vector<32x128xi32> to vector<32x64xi32>
    %slice3A_3743 = vector.extract_strided_slice %select_n3A_3728 {offsets = [0, 0], sizes = [32, 64], strides = [1, 1]} : vector<32x128xi32> to vector<32x64xi32>
    %concatenate3A_3744 = tpu.concatenate %slice3A_3742, %slice3A_3743 in 1 : vector<32x64xi32>, vector<32x64xi32> -> vector<32x128xi32>
    %slice3A_3745 = vector.extract_strided_slice %select_n3A_3728 {offsets = [0, 64], sizes = [32, 64], strides = [1, 1]} : vector<32x128xi32> to vector<32x64xi32>
    %slice3A_3746 = vector.extract_strided_slice %select_n3A_3728 {offsets = [0, 0], sizes = [32, 64], strides = [1, 1]} : vector<32x128xi32> to vector<32x64xi32>
    %concatenate3A_3747 = tpu.concatenate %slice3A_3745, %slice3A_3746 in 1 : vector<32x64xi32>, vector<32x64xi32> -> vector<32x128xi32>
    %slice3A_3748 = vector.extract_strided_slice %select_n3A_3729 {offsets = [0, 64], sizes = [32, 64], strides = [1, 1]} : vector<32x128xi32> to vector<32x64xi32>
    %slice3A_3749 = vector.extract_strided_slice %select_n3A_3729 {offsets = [0, 0], sizes = [32, 64], strides = [1, 1]} : vector<32x128xi32> to vector<32x64xi32>
    %concatenate3A_3750 = tpu.concatenate %slice3A_3748, %slice3A_3749 in 1 : vector<32x64xi32>, vector<32x64xi32> -> vector<32x128xi32>
    %slice3A_3751 = vector.extract_strided_slice %select_n3A_3729 {offsets = [0, 64], sizes = [32, 64], strides = [1, 1]} : vector<32x128xi32> to vector<32x64xi32>
    %slice3A_3752 = vector.extract_strided_slice %select_n3A_3729 {offsets = [0, 0], sizes = [32, 64], strides = [1, 1]} : vector<32x128xi32> to vector<32x64xi32>
    %concatenate3A_3753 = tpu.concatenate %slice3A_3751, %slice3A_3752 in 1 : vector<32x64xi32>, vector<32x64xi32> -> vector<32x128xi32>
    %select_n3A_3754 = arith.select %eq3A_3735, %concatenate3A_3744, %concatenate3A_3747 : vector<32x128xi1>, vector<32x128xi32>
    %select_n3A_3755 = arith.select %eq3A_3735, %concatenate3A_3750, %concatenate3A_3753 : vector<32x128xi1>, vector<32x128xi32>
    %gt3A_3756 = arith.cmpi sgt, %select_n3A_3728, %select_n3A_3754 : vector<32x128xi32>
    %eq3A_3757 = arith.cmpi eq, %select_n3A_3728, %select_n3A_3754 : vector<32x128xi32>
    %lt3A_3758 = arith.cmpi slt, %select_n3A_3729, %select_n3A_3755 : vector<32x128xi32>
    %and3A_3759 = arith.andi %eq3A_3757, %lt3A_3758 : vector<32x128xi1>
    %or3A_3760 = arith.ori %gt3A_3756, %and3A_3759 : vector<32x128xi1>
    %eq3A_3761 = arith.xori %eq3A_3735, %eq3A_3741 : vector<32x128xi1>
    %eq3A_3762 = arith.constant dense<true> : vector<32x128xi1>
    %eq3A_3763 = arith.xori %eq3A_3761, %eq3A_3762 : vector<32x128xi1>
    %eq3A_3764 = arith.xori %or3A_3760, %eq3A_3763 : vector<32x128xi1>
    %eq3A_3765 = arith.constant dense<true> : vector<32x128xi1>
    %eq3A_3766 = arith.xori %eq3A_3764, %eq3A_3765 : vector<32x128xi1>
    %select_n3A_3767 = arith.select %eq3A_3766, %select_n3A_3728, %select_n3A_3754 : vector<32x128xi1>, vector<32x128xi32>
    %select_n3A_3768 = arith.select %eq3A_3766, %select_n3A_3729, %select_n3A_3755 : vector<32x128xi1>, vector<32x128xi32>
    %and3A_3769 = arith.constant 32 : i32
    %and3A_3770 = vector.broadcast %and3A_3769 : i32 to vector<32x128xi32>
    %and3A_3771 = arith.andi %add3A_958, %and3A_3770 : vector<32x128xi32>
    %eq3A_3772 = arith.constant 0 : i32
    %eq3A_3773 = vector.broadcast %eq3A_3772 : i32 to vector<32x128xi32>
    %eq3A_3774 = arith.cmpi eq, %and3A_3771, %eq3A_3773 : vector<32x128xi32>
    %and3A_3775 = arith.constant 4096 : i32
    %and3A_3776 = vector.broadcast %and3A_3775 : i32 to vector<32x128xi32>
    %and3A_3777 = arith.andi %add3A_958, %and3A_3776 : vector<32x128xi32>
    %eq3A_3778 = arith.constant 0 : i32
    %eq3A_3779 = vector.broadcast %eq3A_3778 : i32 to vector<32x128xi32>
    %eq3A_3780 = arith.cmpi eq, %and3A_3777, %eq3A_3779 : vector<32x128xi32>
    %slice3A_3781 = vector.extract_strided_slice %select_n3A_3767 {offsets = [0, 32], sizes = [32, 96], strides = [1, 1]} : vector<32x128xi32> to vector<32x96xi32>
    %slice3A_3782 = vector.extract_strided_slice %select_n3A_3767 {offsets = [0, 0], sizes = [32, 32], strides = [1, 1]} : vector<32x128xi32> to vector<32x32xi32>
    %concatenate3A_3783 = tpu.concatenate %slice3A_3781, %slice3A_3782 in 1 : vector<32x96xi32>, vector<32x32xi32> -> vector<32x128xi32>
    %slice3A_3784 = vector.extract_strided_slice %select_n3A_3767 {offsets = [0, 96], sizes = [32, 32], strides = [1, 1]} : vector<32x128xi32> to vector<32x32xi32>
    %slice3A_3785 = vector.extract_strided_slice %select_n3A_3767 {offsets = [0, 0], sizes = [32, 96], strides = [1, 1]} : vector<32x128xi32> to vector<32x96xi32>
    %concatenate3A_3786 = tpu.concatenate %slice3A_3784, %slice3A_3785 in 1 : vector<32x32xi32>, vector<32x96xi32> -> vector<32x128xi32>
    %slice3A_3787 = vector.extract_strided_slice %select_n3A_3768 {offsets = [0, 32], sizes = [32, 96], strides = [1, 1]} : vector<32x128xi32> to vector<32x96xi32>
    %slice3A_3788 = vector.extract_strided_slice %select_n3A_3768 {offsets = [0, 0], sizes = [32, 32], strides = [1, 1]} : vector<32x128xi32> to vector<32x32xi32>
    %concatenate3A_3789 = tpu.concatenate %slice3A_3787, %slice3A_3788 in 1 : vector<32x96xi32>, vector<32x32xi32> -> vector<32x128xi32>
    %slice3A_3790 = vector.extract_strided_slice %select_n3A_3768 {offsets = [0, 96], sizes = [32, 32], strides = [1, 1]} : vector<32x128xi32> to vector<32x32xi32>
    %slice3A_3791 = vector.extract_strided_slice %select_n3A_3768 {offsets = [0, 0], sizes = [32, 96], strides = [1, 1]} : vector<32x128xi32> to vector<32x96xi32>
    %concatenate3A_3792 = tpu.concatenate %slice3A_3790, %slice3A_3791 in 1 : vector<32x32xi32>, vector<32x96xi32> -> vector<32x128xi32>
    %select_n3A_3793 = arith.select %eq3A_3774, %concatenate3A_3783, %concatenate3A_3786 : vector<32x128xi1>, vector<32x128xi32>
    %select_n3A_3794 = arith.select %eq3A_3774, %concatenate3A_3789, %concatenate3A_3792 : vector<32x128xi1>, vector<32x128xi32>
    %gt3A_3795 = arith.cmpi sgt, %select_n3A_3767, %select_n3A_3793 : vector<32x128xi32>
    %eq3A_3796 = arith.cmpi eq, %select_n3A_3767, %select_n3A_3793 : vector<32x128xi32>
    %lt3A_3797 = arith.cmpi slt, %select_n3A_3768, %select_n3A_3794 : vector<32x128xi32>
    %and3A_3798 = arith.andi %eq3A_3796, %lt3A_3797 : vector<32x128xi1>
    %or3A_3799 = arith.ori %gt3A_3795, %and3A_3798 : vector<32x128xi1>
    %eq3A_3800 = arith.xori %eq3A_3774, %eq3A_3780 : vector<32x128xi1>
    %eq3A_3801 = arith.constant dense<true> : vector<32x128xi1>
    %eq3A_3802 = arith.xori %eq3A_3800, %eq3A_3801 : vector<32x128xi1>
    %eq3A_3803 = arith.xori %or3A_3799, %eq3A_3802 : vector<32x128xi1>
    %eq3A_3804 = arith.constant dense<true> : vector<32x128xi1>
    %eq3A_3805 = arith.xori %eq3A_3803, %eq3A_3804 : vector<32x128xi1>
    %select_n3A_3806 = arith.select %eq3A_3805, %select_n3A_3767, %select_n3A_3793 : vector<32x128xi1>, vector<32x128xi32>
    %select_n3A_3807 = arith.select %eq3A_3805, %select_n3A_3768, %select_n3A_3794 : vector<32x128xi1>, vector<32x128xi32>
    %and3A_3808 = arith.constant 16 : i32
    %and3A_3809 = vector.broadcast %and3A_3808 : i32 to vector<32x128xi32>
    %and3A_3810 = arith.andi %add3A_958, %and3A_3809 : vector<32x128xi32>
    %eq3A_3811 = arith.constant 0 : i32
    %eq3A_3812 = vector.broadcast %eq3A_3811 : i32 to vector<32x128xi32>
    %eq3A_3813 = arith.cmpi eq, %and3A_3810, %eq3A_3812 : vector<32x128xi32>
    %and3A_3814 = arith.constant 4096 : i32
    %and3A_3815 = vector.broadcast %and3A_3814 : i32 to vector<32x128xi32>
    %and3A_3816 = arith.andi %add3A_958, %and3A_3815 : vector<32x128xi32>
    %eq3A_3817 = arith.constant 0 : i32
    %eq3A_3818 = vector.broadcast %eq3A_3817 : i32 to vector<32x128xi32>
    %eq3A_3819 = arith.cmpi eq, %and3A_3816, %eq3A_3818 : vector<32x128xi32>
    %slice3A_3820 = vector.extract_strided_slice %select_n3A_3806 {offsets = [0, 16], sizes = [32, 112], strides = [1, 1]} : vector<32x128xi32> to vector<32x112xi32>
    %slice3A_3821 = vector.extract_strided_slice %select_n3A_3806 {offsets = [0, 0], sizes = [32, 16], strides = [1, 1]} : vector<32x128xi32> to vector<32x16xi32>
    %concatenate3A_3822 = tpu.concatenate %slice3A_3820, %slice3A_3821 in 1 : vector<32x112xi32>, vector<32x16xi32> -> vector<32x128xi32>
    %slice3A_3823 = vector.extract_strided_slice %select_n3A_3806 {offsets = [0, 112], sizes = [32, 16], strides = [1, 1]} : vector<32x128xi32> to vector<32x16xi32>
    %slice3A_3824 = vector.extract_strided_slice %select_n3A_3806 {offsets = [0, 0], sizes = [32, 112], strides = [1, 1]} : vector<32x128xi32> to vector<32x112xi32>
    %concatenate3A_3825 = tpu.concatenate %slice3A_3823, %slice3A_3824 in 1 : vector<32x16xi32>, vector<32x112xi32> -> vector<32x128xi32>
    %slice3A_3826 = vector.extract_strided_slice %select_n3A_3807 {offsets = [0, 16], sizes = [32, 112], strides = [1, 1]} : vector<32x128xi32> to vector<32x112xi32>
    %slice3A_3827 = vector.extract_strided_slice %select_n3A_3807 {offsets = [0, 0], sizes = [32, 16], strides = [1, 1]} : vector<32x128xi32> to vector<32x16xi32>
    %concatenate3A_3828 = tpu.concatenate %slice3A_3826, %slice3A_3827 in 1 : vector<32x112xi32>, vector<32x16xi32> -> vector<32x128xi32>
    %slice3A_3829 = vector.extract_strided_slice %select_n3A_3807 {offsets = [0, 112], sizes = [32, 16], strides = [1, 1]} : vector<32x128xi32> to vector<32x16xi32>
    %slice3A_3830 = vector.extract_strided_slice %select_n3A_3807 {offsets = [0, 0], sizes = [32, 112], strides = [1, 1]} : vector<32x128xi32> to vector<32x112xi32>
    %concatenate3A_3831 = tpu.concatenate %slice3A_3829, %slice3A_3830 in 1 : vector<32x16xi32>, vector<32x112xi32> -> vector<32x128xi32>
    %select_n3A_3832 = arith.select %eq3A_3813, %concatenate3A_3822, %concatenate3A_3825 : vector<32x128xi1>, vector<32x128xi32>
    %select_n3A_3833 = arith.select %eq3A_3813, %concatenate3A_3828, %concatenate3A_3831 : vector<32x128xi1>, vector<32x128xi32>
    %gt3A_3834 = arith.cmpi sgt, %select_n3A_3806, %select_n3A_3832 : vector<32x128xi32>
    %eq3A_3835 = arith.cmpi eq, %select_n3A_3806, %select_n3A_3832 : vector<32x128xi32>
    %lt3A_3836 = arith.cmpi slt, %select_n3A_3807, %select_n3A_3833 : vector<32x128xi32>
    %and3A_3837 = arith.andi %eq3A_3835, %lt3A_3836 : vector<32x128xi1>
    %or3A_3838 = arith.ori %gt3A_3834, %and3A_3837 : vector<32x128xi1>
    %eq3A_3839 = arith.xori %eq3A_3813, %eq3A_3819 : vector<32x128xi1>
    %eq3A_3840 = arith.constant dense<true> : vector<32x128xi1>
    %eq3A_3841 = arith.xori %eq3A_3839, %eq3A_3840 : vector<32x128xi1>
    %eq3A_3842 = arith.xori %or3A_3838, %eq3A_3841 : vector<32x128xi1>
    %eq3A_3843 = arith.constant dense<true> : vector<32x128xi1>
    %eq3A_3844 = arith.xori %eq3A_3842, %eq3A_3843 : vector<32x128xi1>
    %select_n3A_3845 = arith.select %eq3A_3844, %select_n3A_3806, %select_n3A_3832 : vector<32x128xi1>, vector<32x128xi32>
    %select_n3A_3846 = arith.select %eq3A_3844, %select_n3A_3807, %select_n3A_3833 : vector<32x128xi1>, vector<32x128xi32>
    %and3A_3847 = arith.constant 8 : i32
    %and3A_3848 = vector.broadcast %and3A_3847 : i32 to vector<32x128xi32>
    %and3A_3849 = arith.andi %add3A_958, %and3A_3848 : vector<32x128xi32>
    %eq3A_3850 = arith.constant 0 : i32
    %eq3A_3851 = vector.broadcast %eq3A_3850 : i32 to vector<32x128xi32>
    %eq3A_3852 = arith.cmpi eq, %and3A_3849, %eq3A_3851 : vector<32x128xi32>
    %and3A_3853 = arith.constant 4096 : i32
    %and3A_3854 = vector.broadcast %and3A_3853 : i32 to vector<32x128xi32>
    %and3A_3855 = arith.andi %add3A_958, %and3A_3854 : vector<32x128xi32>
    %eq3A_3856 = arith.constant 0 : i32
    %eq3A_3857 = vector.broadcast %eq3A_3856 : i32 to vector<32x128xi32>
    %eq3A_3858 = arith.cmpi eq, %and3A_3855, %eq3A_3857 : vector<32x128xi32>
    %slice3A_3859 = vector.extract_strided_slice %select_n3A_3845 {offsets = [0, 8], sizes = [32, 120], strides = [1, 1]} : vector<32x128xi32> to vector<32x120xi32>
    %slice3A_3860 = vector.extract_strided_slice %select_n3A_3845 {offsets = [0, 0], sizes = [32, 8], strides = [1, 1]} : vector<32x128xi32> to vector<32x8xi32>
    %concatenate3A_3861 = tpu.concatenate %slice3A_3859, %slice3A_3860 in 1 : vector<32x120xi32>, vector<32x8xi32> -> vector<32x128xi32>
    %slice3A_3862 = vector.extract_strided_slice %select_n3A_3845 {offsets = [0, 120], sizes = [32, 8], strides = [1, 1]} : vector<32x128xi32> to vector<32x8xi32>
    %slice3A_3863 = vector.extract_strided_slice %select_n3A_3845 {offsets = [0, 0], sizes = [32, 120], strides = [1, 1]} : vector<32x128xi32> to vector<32x120xi32>
    %concatenate3A_3864 = tpu.concatenate %slice3A_3862, %slice3A_3863 in 1 : vector<32x8xi32>, vector<32x120xi32> -> vector<32x128xi32>
    %slice3A_3865 = vector.extract_strided_slice %select_n3A_3846 {offsets = [0, 8], sizes = [32, 120], strides = [1, 1]} : vector<32x128xi32> to vector<32x120xi32>
    %slice3A_3866 = vector.extract_strided_slice %select_n3A_3846 {offsets = [0, 0], sizes = [32, 8], strides = [1, 1]} : vector<32x128xi32> to vector<32x8xi32>
    %concatenate3A_3867 = tpu.concatenate %slice3A_3865, %slice3A_3866 in 1 : vector<32x120xi32>, vector<32x8xi32> -> vector<32x128xi32>
    %slice3A_3868 = vector.extract_strided_slice %select_n3A_3846 {offsets = [0, 120], sizes = [32, 8], strides = [1, 1]} : vector<32x128xi32> to vector<32x8xi32>
    %slice3A_3869 = vector.extract_strided_slice %select_n3A_3846 {offsets = [0, 0], sizes = [32, 120], strides = [1, 1]} : vector<32x128xi32> to vector<32x120xi32>
    %concatenate3A_3870 = tpu.concatenate %slice3A_3868, %slice3A_3869 in 1 : vector<32x8xi32>, vector<32x120xi32> -> vector<32x128xi32>
    %select_n3A_3871 = arith.select %eq3A_3852, %concatenate3A_3861, %concatenate3A_3864 : vector<32x128xi1>, vector<32x128xi32>
    %select_n3A_3872 = arith.select %eq3A_3852, %concatenate3A_3867, %concatenate3A_3870 : vector<32x128xi1>, vector<32x128xi32>
    %gt3A_3873 = arith.cmpi sgt, %select_n3A_3845, %select_n3A_3871 : vector<32x128xi32>
    %eq3A_3874 = arith.cmpi eq, %select_n3A_3845, %select_n3A_3871 : vector<32x128xi32>
    %lt3A_3875 = arith.cmpi slt, %select_n3A_3846, %select_n3A_3872 : vector<32x128xi32>
    %and3A_3876 = arith.andi %eq3A_3874, %lt3A_3875 : vector<32x128xi1>
    %or3A_3877 = arith.ori %gt3A_3873, %and3A_3876 : vector<32x128xi1>
    %eq3A_3878 = arith.xori %eq3A_3852, %eq3A_3858 : vector<32x128xi1>
    %eq3A_3879 = arith.constant dense<true> : vector<32x128xi1>
    %eq3A_3880 = arith.xori %eq3A_3878, %eq3A_3879 : vector<32x128xi1>
    %eq3A_3881 = arith.xori %or3A_3877, %eq3A_3880 : vector<32x128xi1>
    %eq3A_3882 = arith.constant dense<true> : vector<32x128xi1>
    %eq3A_3883 = arith.xori %eq3A_3881, %eq3A_3882 : vector<32x128xi1>
    %select_n3A_3884 = arith.select %eq3A_3883, %select_n3A_3845, %select_n3A_3871 : vector<32x128xi1>, vector<32x128xi32>
    %select_n3A_3885 = arith.select %eq3A_3883, %select_n3A_3846, %select_n3A_3872 : vector<32x128xi1>, vector<32x128xi32>
    %and3A_3886 = arith.constant 4 : i32
    %and3A_3887 = vector.broadcast %and3A_3886 : i32 to vector<32x128xi32>
    %and3A_3888 = arith.andi %add3A_958, %and3A_3887 : vector<32x128xi32>
    %eq3A_3889 = arith.constant 0 : i32
    %eq3A_3890 = vector.broadcast %eq3A_3889 : i32 to vector<32x128xi32>
    %eq3A_3891 = arith.cmpi eq, %and3A_3888, %eq3A_3890 : vector<32x128xi32>
    %and3A_3892 = arith.constant 4096 : i32
    %and3A_3893 = vector.broadcast %and3A_3892 : i32 to vector<32x128xi32>
    %and3A_3894 = arith.andi %add3A_958, %and3A_3893 : vector<32x128xi32>
    %eq3A_3895 = arith.constant 0 : i32
    %eq3A_3896 = vector.broadcast %eq3A_3895 : i32 to vector<32x128xi32>
    %eq3A_3897 = arith.cmpi eq, %and3A_3894, %eq3A_3896 : vector<32x128xi32>
    %slice3A_3898 = vector.extract_strided_slice %select_n3A_3884 {offsets = [0, 4], sizes = [32, 124], strides = [1, 1]} : vector<32x128xi32> to vector<32x124xi32>
    %slice3A_3899 = vector.extract_strided_slice %select_n3A_3884 {offsets = [0, 0], sizes = [32, 4], strides = [1, 1]} : vector<32x128xi32> to vector<32x4xi32>
    %concatenate3A_3900 = tpu.concatenate %slice3A_3898, %slice3A_3899 in 1 : vector<32x124xi32>, vector<32x4xi32> -> vector<32x128xi32>
    %slice3A_3901 = vector.extract_strided_slice %select_n3A_3884 {offsets = [0, 124], sizes = [32, 4], strides = [1, 1]} : vector<32x128xi32> to vector<32x4xi32>
    %slice3A_3902 = vector.extract_strided_slice %select_n3A_3884 {offsets = [0, 0], sizes = [32, 124], strides = [1, 1]} : vector<32x128xi32> to vector<32x124xi32>
    %concatenate3A_3903 = tpu.concatenate %slice3A_3901, %slice3A_3902 in 1 : vector<32x4xi32>, vector<32x124xi32> -> vector<32x128xi32>
    %slice3A_3904 = vector.extract_strided_slice %select_n3A_3885 {offsets = [0, 4], sizes = [32, 124], strides = [1, 1]} : vector<32x128xi32> to vector<32x124xi32>
    %slice3A_3905 = vector.extract_strided_slice %select_n3A_3885 {offsets = [0, 0], sizes = [32, 4], strides = [1, 1]} : vector<32x128xi32> to vector<32x4xi32>
    %concatenate3A_3906 = tpu.concatenate %slice3A_3904, %slice3A_3905 in 1 : vector<32x124xi32>, vector<32x4xi32> -> vector<32x128xi32>
    %slice3A_3907 = vector.extract_strided_slice %select_n3A_3885 {offsets = [0, 124], sizes = [32, 4], strides = [1, 1]} : vector<32x128xi32> to vector<32x4xi32>
    %slice3A_3908 = vector.extract_strided_slice %select_n3A_3885 {offsets = [0, 0], sizes = [32, 124], strides = [1, 1]} : vector<32x128xi32> to vector<32x124xi32>
    %concatenate3A_3909 = tpu.concatenate %slice3A_3907, %slice3A_3908 in 1 : vector<32x4xi32>, vector<32x124xi32> -> vector<32x128xi32>
    %select_n3A_3910 = arith.select %eq3A_3891, %concatenate3A_3900, %concatenate3A_3903 : vector<32x128xi1>, vector<32x128xi32>
    %select_n3A_3911 = arith.select %eq3A_3891, %concatenate3A_3906, %concatenate3A_3909 : vector<32x128xi1>, vector<32x128xi32>
    %gt3A_3912 = arith.cmpi sgt, %select_n3A_3884, %select_n3A_3910 : vector<32x128xi32>
    %eq3A_3913 = arith.cmpi eq, %select_n3A_3884, %select_n3A_3910 : vector<32x128xi32>
    %lt3A_3914 = arith.cmpi slt, %select_n3A_3885, %select_n3A_3911 : vector<32x128xi32>
    %and3A_3915 = arith.andi %eq3A_3913, %lt3A_3914 : vector<32x128xi1>
    %or3A_3916 = arith.ori %gt3A_3912, %and3A_3915 : vector<32x128xi1>
    %eq3A_3917 = arith.xori %eq3A_3891, %eq3A_3897 : vector<32x128xi1>
    %eq3A_3918 = arith.constant dense<true> : vector<32x128xi1>
    %eq3A_3919 = arith.xori %eq3A_3917, %eq3A_3918 : vector<32x128xi1>
    %eq3A_3920 = arith.xori %or3A_3916, %eq3A_3919 : vector<32x128xi1>
    %eq3A_3921 = arith.constant dense<true> : vector<32x128xi1>
    %eq3A_3922 = arith.xori %eq3A_3920, %eq3A_3921 : vector<32x128xi1>
    %select_n3A_3923 = arith.select %eq3A_3922, %select_n3A_3884, %select_n3A_3910 : vector<32x128xi1>, vector<32x128xi32>
    %select_n3A_3924 = arith.select %eq3A_3922, %select_n3A_3885, %select_n3A_3911 : vector<32x128xi1>, vector<32x128xi32>
    %and3A_3925 = arith.constant 2 : i32
    %and3A_3926 = vector.broadcast %and3A_3925 : i32 to vector<32x128xi32>
    %and3A_3927 = arith.andi %add3A_958, %and3A_3926 : vector<32x128xi32>
    %eq3A_3928 = arith.constant 0 : i32
    %eq3A_3929 = vector.broadcast %eq3A_3928 : i32 to vector<32x128xi32>
    %eq3A_3930 = arith.cmpi eq, %and3A_3927, %eq3A_3929 : vector<32x128xi32>
    %and3A_3931 = arith.constant 4096 : i32
    %and3A_3932 = vector.broadcast %and3A_3931 : i32 to vector<32x128xi32>
    %and3A_3933 = arith.andi %add3A_958, %and3A_3932 : vector<32x128xi32>
    %eq3A_3934 = arith.constant 0 : i32
    %eq3A_3935 = vector.broadcast %eq3A_3934 : i32 to vector<32x128xi32>
    %eq3A_3936 = arith.cmpi eq, %and3A_3933, %eq3A_3935 : vector<32x128xi32>
    %slice3A_3937 = vector.extract_strided_slice %select_n3A_3923 {offsets = [0, 2], sizes = [32, 126], strides = [1, 1]} : vector<32x128xi32> to vector<32x126xi32>
    %slice3A_3938 = vector.extract_strided_slice %select_n3A_3923 {offsets = [0, 0], sizes = [32, 2], strides = [1, 1]} : vector<32x128xi32> to vector<32x2xi32>
    %concatenate3A_3939 = tpu.concatenate %slice3A_3937, %slice3A_3938 in 1 : vector<32x126xi32>, vector<32x2xi32> -> vector<32x128xi32>
    %slice3A_3940 = vector.extract_strided_slice %select_n3A_3923 {offsets = [0, 126], sizes = [32, 2], strides = [1, 1]} : vector<32x128xi32> to vector<32x2xi32>
    %slice3A_3941 = vector.extract_strided_slice %select_n3A_3923 {offsets = [0, 0], sizes = [32, 126], strides = [1, 1]} : vector<32x128xi32> to vector<32x126xi32>
    %concatenate3A_3942 = tpu.concatenate %slice3A_3940, %slice3A_3941 in 1 : vector<32x2xi32>, vector<32x126xi32> -> vector<32x128xi32>
    %slice3A_3943 = vector.extract_strided_slice %select_n3A_3924 {offsets = [0, 2], sizes = [32, 126], strides = [1, 1]} : vector<32x128xi32> to vector<32x126xi32>
    %slice3A_3944 = vector.extract_strided_slice %select_n3A_3924 {offsets = [0, 0], sizes = [32, 2], strides = [1, 1]} : vector<32x128xi32> to vector<32x2xi32>
    %concatenate3A_3945 = tpu.concatenate %slice3A_3943, %slice3A_3944 in 1 : vector<32x126xi32>, vector<32x2xi32> -> vector<32x128xi32>
    %slice3A_3946 = vector.extract_strided_slice %select_n3A_3924 {offsets = [0, 126], sizes = [32, 2], strides = [1, 1]} : vector<32x128xi32> to vector<32x2xi32>
    %slice3A_3947 = vector.extract_strided_slice %select_n3A_3924 {offsets = [0, 0], sizes = [32, 126], strides = [1, 1]} : vector<32x128xi32> to vector<32x126xi32>
    %concatenate3A_3948 = tpu.concatenate %slice3A_3946, %slice3A_3947 in 1 : vector<32x2xi32>, vector<32x126xi32> -> vector<32x128xi32>
    %select_n3A_3949 = arith.select %eq3A_3930, %concatenate3A_3939, %concatenate3A_3942 : vector<32x128xi1>, vector<32x128xi32>
    %select_n3A_3950 = arith.select %eq3A_3930, %concatenate3A_3945, %concatenate3A_3948 : vector<32x128xi1>, vector<32x128xi32>
    %gt3A_3951 = arith.cmpi sgt, %select_n3A_3923, %select_n3A_3949 : vector<32x128xi32>
    %eq3A_3952 = arith.cmpi eq, %select_n3A_3923, %select_n3A_3949 : vector<32x128xi32>
    %lt3A_3953 = arith.cmpi slt, %select_n3A_3924, %select_n3A_3950 : vector<32x128xi32>
    %and3A_3954 = arith.andi %eq3A_3952, %lt3A_3953 : vector<32x128xi1>
    %or3A_3955 = arith.ori %gt3A_3951, %and3A_3954 : vector<32x128xi1>
    %eq3A_3956 = arith.xori %eq3A_3930, %eq3A_3936 : vector<32x128xi1>
    %eq3A_3957 = arith.constant dense<true> : vector<32x128xi1>
    %eq3A_3958 = arith.xori %eq3A_3956, %eq3A_3957 : vector<32x128xi1>
    %eq3A_3959 = arith.xori %or3A_3955, %eq3A_3958 : vector<32x128xi1>
    %eq3A_3960 = arith.constant dense<true> : vector<32x128xi1>
    %eq3A_3961 = arith.xori %eq3A_3959, %eq3A_3960 : vector<32x128xi1>
    %select_n3A_3962 = arith.select %eq3A_3961, %select_n3A_3923, %select_n3A_3949 : vector<32x128xi1>, vector<32x128xi32>
    %select_n3A_3963 = arith.select %eq3A_3961, %select_n3A_3924, %select_n3A_3950 : vector<32x128xi1>, vector<32x128xi32>
    %and3A_3964 = arith.constant 1 : i32
    %and3A_3965 = vector.broadcast %and3A_3964 : i32 to vector<32x128xi32>
    %and3A_3966 = arith.andi %add3A_958, %and3A_3965 : vector<32x128xi32>
    %eq3A_3967 = arith.constant 0 : i32
    %eq3A_3968 = vector.broadcast %eq3A_3967 : i32 to vector<32x128xi32>
    %eq3A_3969 = arith.cmpi eq, %and3A_3966, %eq3A_3968 : vector<32x128xi32>
    %and3A_3970 = arith.constant 4096 : i32
    %and3A_3971 = vector.broadcast %and3A_3970 : i32 to vector<32x128xi32>
    %and3A_3972 = arith.andi %add3A_958, %and3A_3971 : vector<32x128xi32>
    %eq3A_3973 = arith.constant 0 : i32
    %eq3A_3974 = vector.broadcast %eq3A_3973 : i32 to vector<32x128xi32>
    %eq3A_3975 = arith.cmpi eq, %and3A_3972, %eq3A_3974 : vector<32x128xi32>
    %slice3A_3976 = vector.extract_strided_slice %select_n3A_3962 {offsets = [0, 1], sizes = [32, 127], strides = [1, 1]} : vector<32x128xi32> to vector<32x127xi32>
    %slice3A_3977 = vector.extract_strided_slice %select_n3A_3962 {offsets = [0, 0], sizes = [32, 1], strides = [1, 1]} : vector<32x128xi32> to vector<32x1xi32>
    %concatenate3A_3978 = tpu.concatenate %slice3A_3976, %slice3A_3977 in 1 : vector<32x127xi32>, vector<32x1xi32> -> vector<32x128xi32>
    %slice3A_3979 = vector.extract_strided_slice %select_n3A_3962 {offsets = [0, 127], sizes = [32, 1], strides = [1, 1]} : vector<32x128xi32> to vector<32x1xi32>
    %slice3A_3980 = vector.extract_strided_slice %select_n3A_3962 {offsets = [0, 0], sizes = [32, 127], strides = [1, 1]} : vector<32x128xi32> to vector<32x127xi32>
    %concatenate3A_3981 = tpu.concatenate %slice3A_3979, %slice3A_3980 in 1 : vector<32x1xi32>, vector<32x127xi32> -> vector<32x128xi32>
    %slice3A_3982 = vector.extract_strided_slice %select_n3A_3963 {offsets = [0, 1], sizes = [32, 127], strides = [1, 1]} : vector<32x128xi32> to vector<32x127xi32>
    %slice3A_3983 = vector.extract_strided_slice %select_n3A_3963 {offsets = [0, 0], sizes = [32, 1], strides = [1, 1]} : vector<32x128xi32> to vector<32x1xi32>
    %concatenate3A_3984 = tpu.concatenate %slice3A_3982, %slice3A_3983 in 1 : vector<32x127xi32>, vector<32x1xi32> -> vector<32x128xi32>
    %slice3A_3985 = vector.extract_strided_slice %select_n3A_3963 {offsets = [0, 127], sizes = [32, 1], strides = [1, 1]} : vector<32x128xi32> to vector<32x1xi32>
    %slice3A_3986 = vector.extract_strided_slice %select_n3A_3963 {offsets = [0, 0], sizes = [32, 127], strides = [1, 1]} : vector<32x128xi32> to vector<32x127xi32>
    %concatenate3A_3987 = tpu.concatenate %slice3A_3985, %slice3A_3986 in 1 : vector<32x1xi32>, vector<32x127xi32> -> vector<32x128xi32>
    %select_n3A_3988 = arith.select %eq3A_3969, %concatenate3A_3978, %concatenate3A_3981 : vector<32x128xi1>, vector<32x128xi32>
    %select_n3A_3989 = arith.select %eq3A_3969, %concatenate3A_3984, %concatenate3A_3987 : vector<32x128xi1>, vector<32x128xi32>
    %gt3A_3990 = arith.cmpi sgt, %select_n3A_3962, %select_n3A_3988 : vector<32x128xi32>
    %eq3A_3991 = arith.cmpi eq, %select_n3A_3962, %select_n3A_3988 : vector<32x128xi32>
    %lt3A_3992 = arith.cmpi slt, %select_n3A_3963, %select_n3A_3989 : vector<32x128xi32>
    %and3A_3993 = arith.andi %eq3A_3991, %lt3A_3992 : vector<32x128xi1>
    %or3A_3994 = arith.ori %gt3A_3990, %and3A_3993 : vector<32x128xi1>
    %eq3A_3995 = arith.xori %eq3A_3969, %eq3A_3975 : vector<32x128xi1>
    %eq3A_3996 = arith.constant dense<true> : vector<32x128xi1>
    %eq3A_3997 = arith.xori %eq3A_3995, %eq3A_3996 : vector<32x128xi1>
    %eq3A_3998 = arith.xori %or3A_3994, %eq3A_3997 : vector<32x128xi1>
    %eq3A_3999 = arith.constant dense<true> : vector<32x128xi1>
    %eq3A_4000 = arith.xori %eq3A_3998, %eq3A_3999 : vector<32x128xi1>
    %select_n3A_4001 = arith.select %eq3A_4000, %select_n3A_3963, %select_n3A_3989 : vector<32x128xi1>, vector<32x128xi32>
    %swap3A = arith.constant 0 : index
    %swap3A_4002 = arith.constant 0 : index
    %swap3A_4003 = arith.constant 0 : index
    %swap3A_4004 = vector.load %arg2[%swap3A, %swap3A_4002, %swap3A_4003] : memref<1x32x128xi32, #tpu.memory_space<vmem>>, vector<1x32x128xi32>
    %swap3A_4005 = vector.shape_cast %swap3A_4004 : vector<1x32x128xi32> to vector<32x128xi32>
    %swap3A_4006 = vector.shape_cast %select_n3A_4001 : vector<32x128xi32> to vector<1x32x128xi32>
    tpu.vector_store %arg2[%swap3A, %swap3A_4002, %swap3A_4003], %swap3A_4006 {strides = array<i32>} : memref<1x32x128xi32, #tpu.memory_space<vmem>>, vector<1x32x128xi32>,
    return
  }
  func.func @transform_0(%arg0: i32) -> (i32, i32, i32) {
    %c0_i32 = arith.constant 0 : i32
    %c0_i32_0 = arith.constant 0 : i32
    %c0_i32_1 = arith.constant 0 : i32
    return %arg0, %c0_i32, %c0_i32_0 : i32, i32, i32
  }
  func.func @transform_1(%arg0: i32) -> (i32, i32, i32) {
    %c0_i32 = arith.constant 0 : i32
    %c0_i32_0 = arith.constant 0 : i32
    %c0_i32_1 = arith.constant 0 : i32
    return %arg0, %c0_i32, %c0_i32_0 : i32, i32, i32
  }
}

module attributes {stable_mosaic.version = 14 : i64} {
  func.func @_reg_kernel(%arg0: i32, %arg1: memref<1x128xf32, #tpu.memory_space<vmem>>, %arg2: memref<1x128xf32, #tpu.memory_space<vmem>>, %arg3: memref<128x128xf32, #tpu.memory_space<vmem>>, %arg4: memref<3x128xf32, #tpu.memory_space<vmem>>, %arg5: memref<1x3xf32, #tpu.memory_space<vmem>>, %arg6: memref<1x4096x128xf32, #tpu.memory_space<vmem>>, %arg7: memref<1x4096x3xf32, #tpu.memory_space<vmem>>, %arg8: memref<1x4096x3xf32, #tpu.memory_space<vmem>>, %arg9: memref<1x4096x3xf32, #tpu.memory_space<vmem>>) attributes {dimension_semantics = [#tpu.dimension_semantics<arbitrary>], iteration_bounds = array<i64: 4>, scalar_prefetch = 0 : i64, scratch_operands = 0 : i64, tpu.core_type = #tpu.core_type<tc>, window_params = [{pipeline_mode = #tpu.pipeline_mode<synchronous>, transform_indices = @transform_0, window_bounds = array<i64: 1, 128>}, {pipeline_mode = #tpu.pipeline_mode<synchronous>, transform_indices = @transform_1, window_bounds = array<i64: 1, 128>}, {pipeline_mode = #tpu.pipeline_mode<synchronous>, transform_indices = @transform_2, window_bounds = array<i64: 128, 128>}, {pipeline_mode = #tpu.pipeline_mode<synchronous>, transform_indices = @transform_3, window_bounds = array<i64: 3, 128>}, {pipeline_mode = #tpu.pipeline_mode<synchronous>, transform_indices = @transform_4, window_bounds = array<i64: 1, 3>}, {transform_indices = @transform_5, window_bounds = array<i64: 1, 4096, 128>}, {transform_indices = @transform_6, window_bounds = array<i64: 1, 4096, 3>}, {transform_indices = @transform_7, window_bounds = array<i64: 1, 4096, 3>}, {transform_indices = @transform_8, window_bounds = array<i64: 1, 4096, 3>}]} {
    %get3A = arith.constant 0 : index
    %get3A_0 = arith.constant 0 : index
    %get3A_1 = arith.constant 0 : index
    %get3A_2 = vector.load %arg6[%get3A, %get3A_0, %get3A_1] : memref<1x4096x128xf32, #tpu.memory_space<vmem>>, vector<1x4096x128xf32>
    %get3A_3 = vector.shape_cast %get3A_2 : vector<1x4096x128xf32> to vector<4096x128xf32>
    %get3A_4 = arith.constant 0 : index
    %get3A_5 = arith.constant 0 : index
    %get3A_6 = vector.load %arg3[%get3A_4, %get3A_5] : memref<128x128xf32, #tpu.memory_space<vmem>>, vector<128x128xf32>
    %dot_general3A = arith.constant dense<0.000000e+00> : vector<4096x128xf32>
    %dot_general3A_7 = tpu.matmul %get3A_3, %get3A_6, %dot_general3A {dimension_numbers = #tpu.dot_dimension_numbers<[1], [1], [0], [0], [0, 0, 1, 0], [], []>, transpose_lhs_hint = false} : vector<4096x128xf32>, vector<128x128xf32>, vector<4096x128xf32> -> vector<4096x128xf32>
    %get3A_8 = arith.constant 0 : index
    %get3A_9 = arith.constant 0 : index
    %get3A_10 = vector.load %arg1[%get3A_8, %get3A_9] : memref<1x128xf32, #tpu.memory_space<vmem>>, vector<1x128xf32>
    %mul3A = vector.broadcast %get3A_10 : vector<1x128xf32> to vector<4096x128xf32>
    %mul3A_11 = arith.mulf %dot_general3A_7, %mul3A : vector<4096x128xf32>
    %get3A_12 = arith.constant 0 : index
    %get3A_13 = arith.constant 0 : index
    %get3A_14 = vector.load %arg2[%get3A_12, %get3A_13] : memref<1x128xf32, #tpu.memory_space<vmem>>, vector<1x128xf32>
    %add3A = vector.broadcast %get3A_14 : vector<1x128xf32> to vector<4096x128xf32>
    %add3A_15 = arith.addf %mul3A_11, %add3A : vector<4096x128xf32>
    %neg3A = arith.constant 0.000000e+00 : f32
    %neg3A_16 = vector.broadcast %neg3A : f32 to vector<4096x128xf32>
    %neg3A_17 = arith.subf %neg3A_16, %add3A_15 : vector<4096x128xf32>
    %mul3A_18 = arith.constant 0.707106769 : f32
    %mul3A_19 = vector.broadcast %mul3A_18 : f32 to vector<4096x128xf32>
    %mul3A_20 = arith.mulf %neg3A_17, %mul3A_19 : vector<4096x128xf32>
    %mul3A_21 = arith.constant 5.000000e-01 : f32
    %mul3A_22 = vector.broadcast %mul3A_21 : f32 to vector<4096x128xf32>
    %mul3A_23 = arith.mulf %add3A_15, %mul3A_22 : vector<4096x128xf32>
    %abs3A = math.absf %mul3A_20 : vector<4096x128xf32>
    %mul3A_24 = arith.mulf %mul3A_20, %mul3A_20 : vector<4096x128xf32>
    %mul3A_25 = arith.constant 7.85386146E-5 : f32
    %mul3A_26 = vector.broadcast %mul3A_25 : f32 to vector<4096x128xf32>
    %mul3A_27 = arith.mulf %mul3A_26, %mul3A_24 : vector<4096x128xf32>
    %add3A_28 = arith.constant -8.0101937E-4 : f32
    %add3A_29 = vector.broadcast %add3A_28 : f32 to vector<4096x128xf32>
    %add3A_30 = arith.addf %mul3A_27, %add3A_29 : vector<4096x128xf32>
    %mul3A_31 = arith.mulf %add3A_30, %mul3A_24 : vector<4096x128xf32>
    %add3A_32 = arith.constant 0.00518832775 : f32
    %add3A_33 = vector.broadcast %add3A_32 : f32 to vector<4096x128xf32>
    %add3A_34 = arith.addf %mul3A_31, %add3A_33 : vector<4096x128xf32>
    %mul3A_35 = arith.mulf %add3A_34, %mul3A_24 : vector<4096x128xf32>
    %add3A_36 = arith.constant -0.0268538129 : f32
    %add3A_37 = vector.broadcast %add3A_36 : f32 to vector<4096x128xf32>
    %add3A_38 = arith.addf %mul3A_35, %add3A_37 : vector<4096x128xf32>
    %mul3A_39 = arith.mulf %add3A_38, %mul3A_24 : vector<4096x128xf32>
    %add3A_40 = arith.constant 0.112835854 : f32
    %add3A_41 = vector.broadcast %add3A_40 : f32 to vector<4096x128xf32>
    %add3A_42 = arith.addf %mul3A_39, %add3A_41 : vector<4096x128xf32>
    %mul3A_43 = arith.mulf %add3A_42, %mul3A_24 : vector<4096x128xf32>
    %add3A_44 = arith.constant -0.37612626 : f32
    %add3A_45 = vector.broadcast %add3A_44 : f32 to vector<4096x128xf32>
    %add3A_46 = arith.addf %mul3A_43, %add3A_45 : vector<4096x128xf32>
    %mul3A_47 = arith.mulf %add3A_46, %mul3A_24 : vector<4096x128xf32>
    %add3A_48 = arith.constant 1.12837911 : f32
    %add3A_49 = vector.broadcast %add3A_48 : f32 to vector<4096x128xf32>
    %add3A_50 = arith.addf %mul3A_47, %add3A_49 : vector<4096x128xf32>
    %mul3A_51 = arith.mulf %mul3A_20, %add3A_50 : vector<4096x128xf32>
    %sub3A = arith.constant 1.000000e+00 : f32
    %sub3A_52 = vector.broadcast %sub3A : f32 to vector<4096x128xf32>
    %sub3A_53 = arith.subf %sub3A_52, %mul3A_51 : vector<4096x128xf32>
    %neg3A_54 = arith.constant 0.000000e+00 : f32
    %neg3A_55 = vector.broadcast %neg3A_54 : f32 to vector<4096x128xf32>
    %neg3A_56 = arith.subf %neg3A_55, %mul3A_24 : vector<4096x128xf32>
    %exp3A = math.exp %neg3A_56 : vector<4096x128xf32>
    %div3A = arith.constant 1.000000e+00 : f32
    %div3A_57 = vector.broadcast %div3A : f32 to vector<4096x128xf32>
    %div3A_58 = arith.divf %div3A_57, %abs3A : vector<4096x128xf32>
    %mul3A_59 = arith.mulf %exp3A, %div3A_58 : vector<4096x128xf32>
    %div3A_60 = arith.constant 1.000000e+00 : f32
    %div3A_61 = vector.broadcast %div3A_60 : f32 to vector<4096x128xf32>
    %div3A_62 = arith.divf %div3A_61, %mul3A_24 : vector<4096x128xf32>
    %mul3A_63 = arith.constant 2.326820e-02 : f32
    %mul3A_64 = vector.broadcast %mul3A_63 : f32 to vector<4096x128xf32>
    %mul3A_65 = arith.mulf %div3A_62, %mul3A_64 : vector<4096x128xf32>
    %add3A_66 = arith.constant -0.138703942 : f32
    %add3A_67 = vector.broadcast %add3A_66 : f32 to vector<4096x128xf32>
    %add3A_68 = arith.addf %mul3A_65, %add3A_67 : vector<4096x128xf32>
    %mul3A_69 = arith.mulf %add3A_68, %div3A_62 : vector<4096x128xf32>
    %add3A_70 = arith.constant 0.368742466 : f32
    %add3A_71 = vector.broadcast %add3A_70 : f32 to vector<4096x128xf32>
    %add3A_72 = arith.addf %mul3A_69, %add3A_71 : vector<4096x128xf32>
    %mul3A_73 = arith.mulf %add3A_72, %div3A_62 : vector<4096x128xf32>
    %add3A_74 = arith.constant -0.582473278 : f32
    %add3A_75 = vector.broadcast %add3A_74 : f32 to vector<4096x128xf32>
    %add3A_76 = arith.addf %mul3A_73, %add3A_75 : vector<4096x128xf32>
    %mul3A_77 = arith.mulf %add3A_76, %div3A_62 : vector<4096x128xf32>
    %add3A_78 = arith.constant 0.621000468 : f32
    %add3A_79 = vector.broadcast %add3A_78 : f32 to vector<4096x128xf32>
    %add3A_80 = arith.addf %mul3A_77, %add3A_79 : vector<4096x128xf32>
    %mul3A_81 = arith.mulf %add3A_80, %div3A_62 : vector<4096x128xf32>
    %add3A_82 = arith.constant -0.494451523 : f32
    %add3A_83 = vector.broadcast %add3A_82 : f32 to vector<4096x128xf32>
    %add3A_84 = arith.addf %mul3A_81, %add3A_83 : vector<4096x128xf32>
    %mul3A_85 = arith.mulf %add3A_84, %div3A_62 : vector<4096x128xf32>
    %add3A_86 = arith.constant 3.404880e-01 : f32
    %add3A_87 = vector.broadcast %add3A_86 : f32 to vector<4096x128xf32>
    %add3A_88 = arith.addf %mul3A_85, %add3A_87 : vector<4096x128xf32>
    %mul3A_89 = arith.mulf %add3A_88, %div3A_62 : vector<4096x128xf32>
    %add3A_90 = arith.constant -0.274112701 : f32
    %add3A_91 = vector.broadcast %add3A_90 : f32 to vector<4096x128xf32>
    %add3A_92 = arith.addf %mul3A_89, %add3A_91 : vector<4096x128xf32>
    %mul3A_93 = arith.mulf %add3A_92, %div3A_62 : vector<4096x128xf32>
    %add3A_94 = arith.constant 0.563825965 : f32
    %add3A_95 = vector.broadcast %add3A_94 : f32 to vector<4096x128xf32>
    %add3A_96 = arith.addf %mul3A_93, %add3A_95 : vector<4096x128xf32>
    %mul3A_97 = arith.constant -10.477664 : f32
    %mul3A_98 = vector.broadcast %mul3A_97 : f32 to vector<4096x128xf32>
    %mul3A_99 = arith.mulf %div3A_62, %mul3A_98 : vector<4096x128xf32>
    %add3A_100 = arith.constant 1.297720e+01 : f32
    %add3A_101 = vector.broadcast %add3A_100 : f32 to vector<4096x128xf32>
    %add3A_102 = arith.addf %mul3A_99, %add3A_101 : vector<4096x128xf32>
    %mul3A_103 = arith.mulf %add3A_102, %div3A_62 : vector<4096x128xf32>
    %add3A_104 = arith.constant -7.49551868 : f32
    %add3A_105 = vector.broadcast %add3A_104 : f32 to vector<4096x128xf32>
    %add3A_106 = arith.addf %mul3A_103, %add3A_105 : vector<4096x128xf32>
    %mul3A_107 = arith.mulf %add3A_106, %div3A_62 : vector<4096x128xf32>
    %add3A_108 = arith.constant 2.92101908 : f32
    %add3A_109 = vector.broadcast %add3A_108 : f32 to vector<4096x128xf32>
    %add3A_110 = arith.addf %mul3A_107, %add3A_109 : vector<4096x128xf32>
    %mul3A_111 = arith.mulf %add3A_110, %div3A_62 : vector<4096x128xf32>
    %add3A_112 = arith.constant -1.01526523 : f32
    %add3A_113 = vector.broadcast %add3A_112 : f32 to vector<4096x128xf32>
    %add3A_114 = arith.addf %mul3A_111, %add3A_113 : vector<4096x128xf32>
    %mul3A_115 = arith.mulf %add3A_114, %div3A_62 : vector<4096x128xf32>
    %add3A_116 = arith.constant 0.42184633 : f32
    %add3A_117 = vector.broadcast %add3A_116 : f32 to vector<4096x128xf32>
    %add3A_118 = arith.addf %mul3A_115, %add3A_117 : vector<4096x128xf32>
    %mul3A_119 = arith.mulf %add3A_118, %div3A_62 : vector<4096x128xf32>
    %add3A_120 = arith.constant -0.282076746 : f32
    %add3A_121 = vector.broadcast %add3A_120 : f32 to vector<4096x128xf32>
    %add3A_122 = arith.addf %mul3A_119, %add3A_121 : vector<4096x128xf32>
    %mul3A_123 = arith.mulf %add3A_122, %div3A_62 : vector<4096x128xf32>
    %add3A_124 = arith.constant 0.564189494 : f32
    %add3A_125 = vector.broadcast %add3A_124 : f32 to vector<4096x128xf32>
    %add3A_126 = arith.addf %mul3A_123, %add3A_125 : vector<4096x128xf32>
    %lt3A = arith.constant 2.000000e+00 : f32
    %lt3A_127 = vector.broadcast %lt3A : f32 to vector<4096x128xf32>
    %lt3A_128 = arith.cmpf olt, %abs3A, %lt3A_127 : vector<4096x128xf32>
    %select_n3A = arith.select %lt3A_128, %add3A_96, %add3A_126 : vector<4096x128xi1>, vector<4096x128xf32>
    %mul3A_129 = arith.mulf %mul3A_59, %select_n3A : vector<4096x128xf32>
    %lt3A_130 = arith.constant -88.7228394 : f32
    %lt3A_131 = vector.broadcast %lt3A_130 : f32 to vector<4096x128xf32>
    %lt3A_132 = arith.cmpf olt, %neg3A_56, %lt3A_131 : vector<4096x128xf32>
    %jit3A = arith.constant 0.000000e+00 : f32
    %broadcast_in_dim3A = vector.broadcast %jit3A : f32 to vector<4096x128xf32>
    %select_n3A_133 = arith.select %lt3A_132, %broadcast_in_dim3A, %mul3A_129 : vector<4096x128xi1>, vector<4096x128xf32>
    %lt3A_134 = arith.constant 0.000000e+00 : f32
    %lt3A_135 = vector.broadcast %lt3A_134 : f32 to vector<4096x128xf32>
    %lt3A_136 = arith.cmpf olt, %mul3A_20, %lt3A_135 : vector<4096x128xf32>
    %sub3A_137 = arith.constant 2.000000e+00 : f32
    %sub3A_138 = vector.broadcast %sub3A_137 : f32 to vector<4096x128xf32>
    %sub3A_139 = arith.subf %sub3A_138, %select_n3A_133 : vector<4096x128xf32>
    %select_n3A_140 = arith.select %lt3A_136, %sub3A_139, %select_n3A_133 : vector<4096x128xi1>, vector<4096x128xf32>
    %lt3A_141 = arith.constant 1.000000e+00 : f32
    %lt3A_142 = vector.broadcast %lt3A_141 : f32 to vector<4096x128xf32>
    %lt3A_143 = arith.cmpf olt, %abs3A, %lt3A_142 : vector<4096x128xf32>
    %select_n3A_144 = arith.select %lt3A_143, %sub3A_53, %select_n3A_140 : vector<4096x128xi1>, vector<4096x128xf32>
    %mul3A_145 = arith.mulf %mul3A_23, %select_n3A_144 : vector<4096x128xf32>
    %get3A_146 = arith.constant 0 : index
    %get3A_147 = arith.constant 0 : index
    %get3A_148 = vector.load %arg4[%get3A_146, %get3A_147] : memref<3x128xf32, #tpu.memory_space<vmem>>, vector<3x128xf32>
    %dot_general3A_149 = arith.constant dense<0.000000e+00> : vector<4096x3xf32>
    %dot_general3A_150 = tpu.matmul %mul3A_145, %get3A_148, %dot_general3A_149 {dimension_numbers = #tpu.dot_dimension_numbers<[1], [1], [0], [0], [0, 0, 1, 0], [], []>, transpose_lhs_hint = false} : vector<4096x128xf32>, vector<3x128xf32>, vector<4096x3xf32> -> vector<4096x3xf32>
    %get3A_151 = arith.constant 0 : index
    %get3A_152 = arith.constant 0 : index
    %get3A_153 = vector.load %arg5[%get3A_151, %get3A_152] : memref<1x3xf32, #tpu.memory_space<vmem>>, vector<1x3xf32>
    %add3A_154 = vector.broadcast %get3A_153 : vector<1x3xf32> to vector<4096x3xf32>
    %add3A_155 = arith.addf %dot_general3A_150, %add3A_154 : vector<4096x3xf32>
    %swap3A = arith.constant 0 : index
    %swap3A_156 = arith.constant 0 : index
    %swap3A_157 = arith.constant 0 : index
    %swap3A_158 = vector.load %arg8[%swap3A, %swap3A_156, %swap3A_157] : memref<1x4096x3xf32, #tpu.memory_space<vmem>>, vector<1x4096x3xf32>
    %swap3A_159 = vector.shape_cast %swap3A_158 : vector<1x4096x3xf32> to vector<4096x3xf32>
    %swap3A_160 = vector.shape_cast %add3A_155 : vector<4096x3xf32> to vector<1x4096x3xf32>
    tpu.vector_store %arg8[%swap3A, %swap3A_156, %swap3A_157], %swap3A_160 {strides = array<i32>} : memref<1x4096x3xf32, #tpu.memory_space<vmem>>, vector<1x4096x3xf32>,
    %iota3A = tpu.iota {dimensions = array<i32: 1>} : vector<4096x3xi32>
    %lt3A_161 = arith.constant 2 : i32
    %lt3A_162 = vector.broadcast %lt3A_161 : i32 to vector<4096x3xi32>
    %lt3A_163 = arith.cmpi slt, %iota3A, %lt3A_162 : vector<4096x3xi32>
    %jit3A_164 = arith.constant 3.000000e+00 : f32
    %jit3A_165 = arith.constant 2.000000e+00 : f32
    %broadcast_in_dim3A_166 = vector.broadcast %jit3A_164 : f32 to vector<4096x3xf32>
    %broadcast_in_dim3A_167 = vector.broadcast %jit3A_165 : f32 to vector<4096x3xf32>
    %select_n3A_168 = arith.select %lt3A_163, %broadcast_in_dim3A_166, %broadcast_in_dim3A_167 : vector<4096x3xi1>, vector<4096x3xf32>
    %gt3A = arith.cmpf ogt, %add3A_155, %select_n3A_168 : vector<4096x3xf32>
    %select_n3A_169 = arith.select %gt3A, %select_n3A_168, %add3A_155 : vector<4096x3xi1>, vector<4096x3xf32>
    %neg3A_170 = arith.constant 0.000000e+00 : f32
    %neg3A_171 = vector.broadcast %neg3A_170 : f32 to vector<4096x3xf32>
    %neg3A_172 = arith.subf %neg3A_171, %select_n3A_168 : vector<4096x3xf32>
    %lt3A_173 = arith.cmpf olt, %select_n3A_169, %neg3A_172 : vector<4096x3xf32>
    %neg3A_174 = arith.constant 0.000000e+00 : f32
    %neg3A_175 = vector.broadcast %neg3A_174 : f32 to vector<4096x3xf32>
    %neg3A_176 = arith.subf %neg3A_175, %select_n3A_168 : vector<4096x3xf32>
    %select_n3A_177 = arith.select %lt3A_173, %neg3A_176, %select_n3A_169 : vector<4096x3xi1>, vector<4096x3xf32>
    %get3A_178 = arith.constant 0 : index
    %get3A_179 = arith.constant 0 : index
    %get3A_180 = arith.constant 0 : index
    %get3A_181 = vector.load %arg7[%get3A_178, %get3A_179, %get3A_180] : memref<1x4096x3xf32, #tpu.memory_space<vmem>>, vector<1x4096x3xf32>
    %get3A_182 = vector.shape_cast %get3A_181 : vector<1x4096x3xf32> to vector<4096x3xf32>
    %add3A_183 = arith.addf %get3A_182, %select_n3A_177 : vector<4096x3xf32>
    %swap3A_184 = arith.constant 0 : index
    %swap3A_185 = arith.constant 0 : index
    %swap3A_186 = arith.constant 0 : index
    %swap3A_187 = vector.load %arg9[%swap3A_184, %swap3A_185, %swap3A_186] : memref<1x4096x3xf32, #tpu.memory_space<vmem>>, vector<1x4096x3xf32>
    %swap3A_188 = vector.shape_cast %swap3A_187 : vector<1x4096x3xf32> to vector<4096x3xf32>
    %swap3A_189 = vector.shape_cast %add3A_183 : vector<4096x3xf32> to vector<1x4096x3xf32>
    tpu.vector_store %arg9[%swap3A_184, %swap3A_185, %swap3A_186], %swap3A_189 {strides = array<i32>} : memref<1x4096x3xf32, #tpu.memory_space<vmem>>, vector<1x4096x3xf32>,
    return
  }
  func.func @transform_0(%arg0: i32) -> (i32, i32) {
    %c0_i32 = arith.constant 0 : i32
    %c0_i32_0 = arith.constant 0 : i32
    %c0_i32_1 = arith.constant 0 : i32
    return %c0_i32, %c0_i32_0 : i32, i32
  }
  func.func @transform_1(%arg0: i32) -> (i32, i32) {
    %c0_i32 = arith.constant 0 : i32
    %c0_i32_0 = arith.constant 0 : i32
    %c0_i32_1 = arith.constant 0 : i32
    return %c0_i32, %c0_i32_0 : i32, i32
  }
  func.func @transform_2(%arg0: i32) -> (i32, i32) {
    %c0_i32 = arith.constant 0 : i32
    %c0_i32_0 = arith.constant 0 : i32
    %c0_i32_1 = arith.constant 0 : i32
    return %c0_i32, %c0_i32_0 : i32, i32
  }
  func.func @transform_3(%arg0: i32) -> (i32, i32) {
    %c0_i32 = arith.constant 0 : i32
    %c0_i32_0 = arith.constant 0 : i32
    %c0_i32_1 = arith.constant 0 : i32
    return %c0_i32, %c0_i32_0 : i32, i32
  }
  func.func @transform_4(%arg0: i32) -> (i32, i32) {
    %c0_i32 = arith.constant 0 : i32
    %c0_i32_0 = arith.constant 0 : i32
    %c0_i32_1 = arith.constant 0 : i32
    return %c0_i32, %c0_i32_0 : i32, i32
  }
  func.func @transform_5(%arg0: i32) -> (i32, i32, i32) {
    %c0_i32 = arith.constant 0 : i32
    %c0_i32_0 = arith.constant 0 : i32
    %c0_i32_1 = arith.constant 0 : i32
    return %arg0, %c0_i32, %c0_i32_0 : i32, i32, i32
  }
  func.func @transform_6(%arg0: i32) -> (i32, i32, i32) {
    %c0_i32 = arith.constant 0 : i32
    %c0_i32_0 = arith.constant 0 : i32
    %c0_i32_1 = arith.constant 0 : i32
    return %arg0, %c0_i32, %c0_i32_0 : i32, i32, i32
  }
  func.func @transform_7(%arg0: i32) -> (i32, i32, i32) {
    %c0_i32 = arith.constant 0 : i32
    %c0_i32_0 = arith.constant 0 : i32
    %c0_i32_1 = arith.constant 0 : i32
    return %arg0, %c0_i32, %c0_i32_0 : i32, i32, i32
  }
  func.func @transform_8(%arg0: i32) -> (i32, i32, i32) {
    %c0_i32 = arith.constant 0 : i32
    %c0_i32_0 = arith.constant 0 : i32
    %c0_i32_1 = arith.constant 0 : i32
    return %arg0, %c0_i32, %c0_i32_0 : i32, i32, i32
  }
}

</mosaic_0001>

<sc_bundles>
// kernel: kernel.6.cloned.1.call-start
scs
__scs_entry_jumppad:
0x0: {  	(pc) =	sbr.rel $0x88, $3  }
0x1: {  	(tag) =	ssettag $0x0;
	lr =	simm.s32 $0x1  }
0x2: {  	[smem:$0x3F95] =	sst lr;
	_ =	strace $0xD0000000  }
0x3: {  	_ = 	snop  }
0x4: {  	_ = 	snop  }
0x5: {  	_ = 	snop  }
0x6: {  	_ = 	snop  }
0x7: {  	_ = 	snop  }
__scs_overlays_trampoline_lowered:
0x8: {  	[smem:$0x3FA4] =	sst s0  }
0x9: {  	[smem:$0x3FA5] =	sst s1  }
0xa: {  	[smem:$0x3FA6] =	sst s2  }
0xb: {  	[smem:$0x3FA7] =	sst s3  }
0xc: {  	[smem:$0x3FA8] =	sst s4  }
0xd: {  	[smem:$0x3FA9] =	sst s5  }
0xe: {  	[smem:$0x3FAA] =	sst s6  }
0xf: {  	[smem:$0x3FAB] =	sst s7  }
0x10: {  	[smem:$0x3FAC] =	sst s8  }
0x11: {  	[smem:$0x3FAD] =	sst s9;
	s0 =	simm.s32 @!p0 $0x0  }
0x12: {  	s1 =	sld [smem:$0x3F93];
	s0 =	simm.s32 @p0 $0x1  }
0x13: {  	[smem:$0x3FAE] =	sst s0;
	s0 =	simm.s32 @!p1 $0x0  }
0x14: {  	s2 =	sld [smem:$0x3F92];
	s0 =	simm.s32 @p1 $0x1  }
0x15: {  	[smem:$0x3FAF] =	sst s0;
	s0 =	simm.s32 @!p2 $0x0  }
0x16: {  	s3 =	sld [smem:$0x3FDB];
	s0 =	simm.s32 @p2 $0x1  }
0x17: {  	s4 =	simm.s32 $0x1BF5;
	[smem:$0x3FB1] =	sst s0  }
0x18: {  	s0 =	sld [smem:$0x3F94];
	_ =	swait.ge [sflag:s4], $0x0  }
0x19: {  	s7 =	sld [smem:$0x3F95]  }
0x1a: {  	s8 =	sadd.s32 $0xFFFFE003, lr  }
0x1b: {  	s9 =	sadd.s32 $0xFFFFFEF7, lr;
	s5 =	simm.s32 $0xFFFFFFFF;
	p2 =	slt.u32 s8, $0xFFFFF086  }
0x1c: {  	p1 =	slt.u32 s9, $0xF7A;
	s5 =	simm.s32 @!p2 $0x0  }
0x1d: {  	s5 =	simm.s32 @p1 $0x1;
	p0 =	seq.s32 s7, s2  }
0x1e: {  	s7 =	smul.u32 @!p0 $0xF7A, s2;
	p2 =	seq.s32 @!p0 s5, $0x0  }
0x1f: {  	s9 =	smul.u32 $0xF7A, s1;
	s8 =	simm.s32 @!p0 $0x1BF5;
	p2 =	por !p2, p0  }
0x20: {  	[sflag:s8] =	ssyncset.s32 @!p0 $0xFFFFF086;
	s6 =	sadd.s32 @!p0 s3, s7;
	s7 =	simm.s32 @!p0 $0x108  }
0x21: {  	s3 =	sadd.s32 s3, s9;
	s6 =	sadd.s32 @!p0 $0x88, s6;
	s7 =	simm.s32 @p2 $0x1082  }
0x22: {  	[simem:s7], [sflag:s8] =	dma.local @!p0 [hbm:s6], $0xF7A  }
0x23: {  	s9 =	sor.u32 $0xD0000000, s2;
	s6 =	simm.s32 $0x108;
	_ =	swait.ge @!p0 [sflag:s8], $0x0  }
0x24: {  	s3 =	sadd.s32 $0x88, s3;
	s6 =	simm.s32 @!p1 $0x1082;
	[sflag:s4] =	ssyncset.s32 $0xFFFFF086  }
0x25: {  	[simem:s6], [sflag:s4] =	dma.local [hbm:s3], $0xF7A  }
0x26: {  	[smem:$0x3F95] =	sst s1;
	(tag) =	ssettag s2;
	_ =	strace s9  }
0x27: {  	s1 =	sld [smem:$0x3FA5]  }
0x28: {  	s2 =	sld [smem:$0x3FA6]  }
0x29: {  	s4 =	sld [smem:$0x3FA8]  }
0x2a: {  	p0 =	seq.s32 s5, $0x0;
	s5 =	sld [smem:$0x3FA9]  }
0x2b: {  	s6 =	sld [smem:$0x3FAA]  }
0x2c: {  	s7 =	sld [smem:$0x3FAB]  }
0x2d: {  	s3 =	simm.s32 $0x108;
	s8 =	sld [smem:$0x3FAC]  }
0x2e: {  	s3 =	simm.s32 @!p0 $0x1082;
	s9 =	sld [smem:$0x3FAD]  }
0x2f: {  	lr =	sadd.s32 s0, s3;
	s0 =	sld [smem:$0x3FA4]  }
0x30: {  	s3 =	sld [smem:$0x3FA7]  }
0x31: {  	[smem:$0x3FB0] =	sst s10  }
0x32: {  	s10 =	sld [smem:$0x3FAE];
	_ =	sdelay $0x3  }
0x33: {  	p0 =	seq.s32 s10, $0x1;
	s10 =	sld [smem:$0x3FB0];
	_ =	sdelay $0x3  }
0x34: {  	[smem:$0x3FB0] =	sst s10  }
0x35: {  	s10 =	sld [smem:$0x3FAF];
	_ =	sdelay $0x3  }
0x36: {  	p1 =	seq.s32 s10, $0x1;
	s10 =	sld [smem:$0x3FB0];
	_ =	sdelay $0x3  }
0x37: {  	[smem:$0x3FB0] =	sst s10  }
0x38: {  	s10 =	sld [smem:$0x3FB1]  }
0x39: {  	_ = 	snop;
	(pc) =	sbr.ind lr, $3  }
0x3a: {  	_ = 	snop  }
0x3b: {  	_ = 	snop  }
0x3c: {  	p2 =	seq.s32 s10, $0x1;
	s10 =	sld [smem:$0x3FB0]  }
0x3d: {  	_ =	shalt  }
0x3e: {  	_ =	shalt  }
0x3f: {  	_ =	shalt  }
0x40: {  	_ =	shalt  }
0x41: {  	_ =	shalt  }
0x42: {  	_ =	shalt  }
0x43: {  	_ =	shalt  }
0x44: {  	_ =	shalt  }
0x45: {  	_ =	shalt  }
0x46: {  	_ =	shalt  }
0x47: {  	_ =	shalt  }
0x48: {  	_ =	shalt  }
0x49: {  	_ =	shalt  }
0x4a: {  	_ =	shalt  }
0x4b: {  	_ =	shalt  }
0x4c: {  	_ =	shalt  }
0x4d: {  	_ =	shalt  }
0x4e: {  	_ =	shalt  }
0x4f: {  	_ =	shalt  }
0x50: {  	_ =	shalt  }
0x51: {  	_ =	shalt  }
0x52: {  	_ =	shalt  }
0x53: {  	_ =	shalt  }
0x54: {  	_ =	shalt  }
0x55: {  	_ =	shalt  }
0x56: {  	_ =	shalt  }
0x57: {  	_ =	shalt  }
0x58: {  	_ =	shalt  }
0x59: {  	_ =	shalt  }
0x5a: {  	_ =	shalt  }
0x5b: {  	_ =	shalt  }
0x5c: {  	_ =	shalt  }
0x5d: {  	_ =	shalt  }
0x5e: {  	_ =	shalt  }
0x5f: {  	_ =	shalt  }
0x60: {  	_ =	shalt  }
0x61: {  	_ =	shalt  }
0x62: {  	_ =	shalt  }
0x63: {  	_ =	shalt  }
0x64: {  	_ =	shalt  }
0x65: {  	_ =	shalt  }
0x66: {  	_ =	shalt  }
0x67: {  	_ =	shalt  }
0x68: {  	_ =	shalt  }
0x69: {  	_ =	shalt  }
0x6a: {  	_ =	shalt  }
0x6b: {  	_ =	shalt  }
0x6c: {  	_ =	shalt  }
0x6d: {  	_ =	shalt  }
0x6e: {  	_ =	shalt  }
0x6f: {  	_ =	shalt  }
0x70: {  	_ =	shalt  }
0x71: {  	_ =	shalt  }
0x72: {  	_ =	shalt  }
0x73: {  	_ =	shalt  }
0x74: {  	_ =	shalt  }
0x75: {  	_ =	shalt  }
0x76: {  	_ =	shalt  }
0x77: {  	_ =	shalt  }
0x78: {  	_ =	shalt  }
0x79: {  	_ =	shalt  }
0x7a: {  	_ =	shalt  }
0x7b: {  	_ =	shalt  }
0x7c: {  	_ =	shalt  }
0x7d: {  	_ =	shalt  }
0x7e: {  	_ =	shalt  }
0x7f: {  	_ =	shalt  }
0x80: {  	_ =	shalt  }
0x81: {  	_ =	shalt  }
0x82: {  	_ =	shalt  }
0x83: {  	_ =	shalt  }
0x84: {  	_ =	shalt  }
0x85: {  	_ =	shalt  }
0x86: {  	_ =	shalt  }
0x87: {  	_ =	shalt  }
.Lfunc_end0:
.L_simem_size_0:
called_computation_lowered:
.L_overlay_start_0:
0x88: {  	s2 =	sld [smem:$0x3FD9]  }
0x89: {  	s3 =	sld [smem:$0x3FFE];
	_ =	sdelay $0x1  }
0x8a: {  	s1 =	srdreg.scid  }
0x8b: {  	s0 =	sand.u32 $0x1, s1  }
0x8c: {  	s14 =	sshll.u32 s0, $0xA;
	s2 =	sadd.s32 s3, s2  }
0x8d: {  	s2 =	sadd.s32 s2, s14  }
0x8e: {  	[smem:$0x3FBC] =	sst s2  }
0x8f: {  	_ = 	snop  }
0x90: {  	s2 =	sld [smem:$0x3FD0];
	_ =	sdelay $0x2  }
0x91: {  	s15 =	simm.s32 $0xA;
	s4 =	simm.s32 $0x10  }
0x92: {  	[smem:s4], [sflag:s15] =	dma.local [hbm:s2], $0x1  }
0x93: {  	_ =	swait.eq [sflag:s15], $0x1  }
0x94: {  	s16 =	sld [smem:$0x11];
	[sflag:s15] =	ssyncset.done $0x0  }
0x95: {  	s17 =	sld [smem:$0x12];
	[sflag:s15] =	ssyncadd.s32 $0xFFFFFFFF  }
0x96: {  	s18 =	sld [smem:$0x13];
	(tm) =	ssettm $0x1  }
0x97: {  	s5 =	sld [smem:$0x3FFB];
	_ =	sdelay $0x3  }
0x98: {  	_ =	strace s5  }
0x99: {  	s5 =	sld [smem:$0x3FFC];
	_ =	sdelay $0x3  }
0x9a: {  	_ =	strace s5  }
0x9b: {  	s5 =	sld [smem:$0x3FFD];
	_ =	sdelay $0x3  }
0x9c: {  	_ =	strace s5  }
0x9d: {  	_ =	strace $0x8FFFFFFF  }
0x9e: {  	s19 =	sld [smem:$0x3FDB];
	_ =	sdelay $0x1  }
0x9f: {  	s6 =	simm.s32 $_scs_section_size  }
0xa0: {  	s7 =	simm.s32 $_size__tile_overlayer_lowered;
	s8 =	simm.s32 $_tile_overlayer_lowered  }
0xa1: {  	s22 =	simm.s32 $0x1BFF;
	s21 =	sshll.u32 s8, $0x1;
	s5 =	sadd.s32 s6, s19  }
0xa2: {  	s9 =	simm.s32 $0x0;
	s20 =	sshll.u32 s7, $0x1;
	s7 =	sadd.s32 s21, s5  }
0xa3: {  	[timem:s9], [sflag:s22] =	dma.local [hbm:s7], s20  }
0xa4: {  	_ =	swait.ge [sflag:s22], s20  }
0xa5: {  	s6 =	ssub.s32 $0x0, s20;
	[sflag:s22] =	ssyncset.done $0x0  }
0xa6: {  	[sflag:s22] =	ssyncadd.s32 s6;
	_ =	sdelay $0x1  }
0xa7: {  	s23 =	simm.s32 $0x1B8B  }
0xa8: {  	_ =	swait.ge [sflag:s23], $0x1  }
0xa9: {  	[sflag:s23] =	ssyncset.done $0x0  }
0xaa: {  	s25 =	simm.s32 $0x1B8E;
	s24 =	sld [smem:$0x3FFE];
	[sflag:s23] =	ssyncadd.s32 $0xFFFFFFFF  }
0xab: {  	s26 =	simm.s32 $execute0_lowered;
	[smem:$0x3FD2] =	sst s25  }
0xac: {  	s7 =	sshll.u32 s26, $0x1;
	_ =	strace $0x80000046;
	[dreg:$0x1] =	wrdreg $0xFFFFFFFF  }
0xad: {  	s28 =	simm.s32 $_size_execute0_lowered;
	s5 =	sadd.s32 s5, s7;
	[dreg:$0x0] =	wrdreg $0x0  }
0xae: {  	s7 =	sshll.u32 s28, $0x1;
	[dreg:$0x2] =	wrdreg s5  }
0xaf: {  	[dreg:$0x3] =	wrdreg s7  }
0xb0: {  	[dreg:$0x4] =	wrdreg $0xC0  }
0xb1: {  	_ =	task [dreg:s9], $0x5FFFF  }
0xb2: {  	[dreg:$0x1] =	wrdreg $0xFFFFFFFF  }
0xb3: {  	[dreg:$0x0] =	wrdreg $0x60  }
0xb4: {  	[dreg:$0x2] =	wrdreg s24  }
0xb5: {  	[dreg:$0x3] =	wrdreg s18  }
0xb6: {  	[dreg:$0x4] =	wrdreg s17  }
0xb7: {  	[dreg:$0x5] =	wrdreg s16  }
0xb8: {  	[dreg:$0x6] =	wrdreg $0x9  }
0xb9: {  	_ =	task.clear_ibuf [dreg:s9], $0x7FFFF;
	_ =	strace $0x90000046  }
0xba: {  	s29 =	simm.s32 $0x9;
	_ =	strace $0x80000048  }
0xbb: {  	_ =	swait.ge [sflag:s29], $0x1  }
0xbc: {  	[sflag:s29] =	ssyncadd.s32 $0xFFFFFFFF  }
0xbd: {  	_ =	strace $0x90000048  }
0xbe: {  	_ =	sfence  }
0xbf: {  	s30 =	sld [smem:$0x0];
	_ =	sdelay $0x2  }
0xc0: {  	s31 =	sshll.u32 s1, $0xD;
	s1 =	sshrl.u32 s1, $0x2  }
0xc1: {  	s3 =	sand.u32 $0x4000, s31;
	s1 =	sadd.s32 s1, s30  }
0xc2: {  	s0 =	sor.u32 s3, s0;
	s1 =	sshll.u32 s1, $0x11  }
0xc3: {  	s0 =	sor.u32 s1, s0  }
0xc4: {  	s0 =	sadd.s32 $0x8F2B, s0  }
0xc5: {  	[sflag:s0] =	ssyncadd.remote.s32 $0x1  }
0xc6: {  	_ =	sfence.sel $0xFFFF  }
0xc7: {  	[dreg:$0x0] =	wrdreg $0xFFFFFFFF;
	(pc) =	sbr.abs _section_cstart, $3  }
0xc8: {  	[dreg:$0x1] =	wrdreg $0xFFFFFFFF  }
0xc9: {  	_ =	task.clear_ibuf [dreg:s9], $0x2FFFF;
	_ =	strace $0x9FFFFFFF  }
0xca: {  	(tm) =	ssettm $0x7FFFFFFF  }
0xcb: {  	_ =	shalt  }
tec
execute0_lowered:
.L_overlay_start_1:
0x0: {  	(tag) =	ssettag $0x1  }
0x1: {  	s18 =	rddreg [dreg:$0x0]  }
0x2: {  	s3 =	rddreg [dreg:$0x1];
	s1 =	srdreg.scid  }
0x3: {  	s14 =	rddreg [dreg:$0x2];
	s0 =	stileid.u32;
	s17 =	sand.u32 $0x1, s1  }
0x4: {  	s15 =	rddreg [dreg:$0x3];
	s4 =	sshll.u32 s0, $0xA;
	s5 =	sshll.u32 s17, $0x9  }
0x5: {  	s2 =	simm.s32 $0x0;
	s1 =	rddreg [dreg:$0x4];
	s19 =	sor.u32 s5, s4  }
0x6: {  	[smem:$0x7FF] =	sst s2;
	s16 =	sshrl.u32 s19, $0x3  }
0x7: {  	_ =	strace $0x80000047;
	s4 =	sadd.s32 s3, s16;
	s3 =	simm.s32 $0x3  }
0x8: {  	[tilespmem:s2], [sflag:$0x3] =	stream.linear.gather [hbm4b:s4+s2], $0x200, $0x38;
	[tilespmem:$0x10800] =	vst v63  }
0x9: {  	_ =	swait.ge [sflag:s3], $0x200  }
0xa: {  	s6 =	simm.s32 $0x200;
	[sflag:s3] =	ssyncset.done $0x0  }
0xb: {  	s7 =	simm.s32 $0x800;
	s5 =	sadd.s32 $0x19E00, s18;
	[sflag:s3] =	ssyncadd.s32 $0xFFFFFE00  }
0xc: {  	[tilespmem:s7], [sflag:$0x2] =	stream.indirect.gather [hbm4b:s5+s6], $0x80, s2, s6, $0xb8;
	[tilespmem:$0x10800] =	vst v63  }
0xd: {  	s8 =	sadd.s32 $0x1E00, s18  }
0xe: {  	[tilespmem:s6], [sflag:$0x1] =	stream.indirect.gather [hbm4b:s8+s6], $0x1, s2, s6, $0xb8;
	[tilespmem:$0x10800] =	vst v63  }
0xf: {  	s10 =	simm.s32 $0x400;
	s9 =	sadd.s32 $0x11E00, s18  }
0x10: {  	[tilespmem:s10], [sflag:$0x1] =	stream.indirect.gather [hbm4b:s9+s6], $0x1, s2, s6, $0xb8;
	[tilespmem:$0x10800] =	vst v63  }
0x11: {  	s12 =	simm.s32 $0x600;
	s13 =	simm.s32 $0x1;
	s11 =	sadd.s32 $0x9E00, s18  }
0x12: {  	[tilespmem:s12], [sflag:$0x1] =	stream.indirect.gather [hbm4b:s11+s6], $0x1, s2, s6, $0xb8;
	[tilespmem:$0x10800] =	vst v63  }
0x13: {  	_ =	swait.ge [sflag:s13], $0x200  }
0x14: {  	[sflag:s13] =	ssyncset.done $0x0  }
0x15: {  	[sflag:s13] =	ssyncadd.s32 $0xFFFFFE00  }
0x16: {  	_ =	swait.ge [sflag:s13], $0x200  }
0x17: {  	[sflag:s13] =	ssyncset.done $0x0  }
0x18: {  	[sflag:s13] =	ssyncadd.s32 $0xFFFFFE00  }
0x19: {  	_ =	swait.ge [sflag:s13], $0x200  }
0x1a: {  	[sflag:s13] =	ssyncset.done $0x0  }
0x1b: {  	s14 =	sadd.s32 s14, s16;
	[sflag:s13] =	ssyncadd.s32 $0xFFFFFE00  }
0x1c: {  	[hbm4b:s14+s2] =	stream.linear.scatter [tilespmem:s6], [sflag:$0x3], $0x200, $0x38;
	[tilespmem:$0x10800] =	vst v63  }
0x1d: {  	_ =	swait.ge [sflag:s3], $0x200  }
0x1e: {  	[sflag:s3] =	ssyncset.done $0x0  }
0x1f: {  	s15 =	sadd.s32 s15, s16;
	[sflag:s3] =	ssyncadd.s32 $0xFFFFFE00  }
0x20: {  	[hbm4b:s15+s2] =	stream.linear.scatter [tilespmem:s10], [sflag:$0x3], $0x200, $0x38;
	[tilespmem:$0x10800] =	vst v63  }
0x21: {  	_ =	swait.ge [sflag:s3], $0x200  }
0x22: {  	s16 =	sadd.s32 s16, s18;
	[sflag:s3] =	ssyncset.done $0x0  }
0x23: {  	s20 =	ssub.s32 $0x2, s17;
	s16 =	sadd.s32 $0x419E00, s16;
	[sflag:s3] =	ssyncadd.s32 $0xFFFFFE00  }
0x24: {  	[hbm4b:s16+s2] =	stream.linear.scatter [tilespmem:s12], [sflag:$0x3], $0x200, $0x38;
	[tilespmem:$0x10800] =	vst v63  }
0x25: {  	s17 =	simm.s32 $0x2;
	s21 =	sshrl.u32 s20, $0x1;
	_ =	swait.ge [sflag:s3], $0x200  }
0x26: {  	s19 =	sshll.u32 s19, $0x4;
	s31 =	ssub.s32 s20, s21;
	[sflag:s3] =	ssyncset.done $0x0  }
0x27: {  	s18 =	sadd.s32 s19, s18;
	s19 =	smax.u32 s31, $0x1;
	[sflag:s3] =	ssyncadd.s32 $0xFFFFFE00  }
0x28: {  	p0 =	sne.s32 s19, $0x1;
	_ =	swait.ge [sflag:s17], $0x10000  }
.Ltmp0:
0x29: {  	[sflag:s17] =	ssyncset.done $0x0;
	(pc) =	sbr.rel @!p0 .LBB2_2-.Ltmp0, $4  }
0x2a: {  	s18 =	sadd.s32 $0x41A600, s18;
	[sflag:s17] =	ssyncadd.s32 $0xFFFF0000  }
0x2b: {  	[hbm4b:s18+s2] =	stream.linear.scatter [tilespmem:s7], [sflag:$0x3], $0x10000, $0x38;
	[tilespmem:$0x10800] =	vst v63  }
0x2c: {  	_ =	swait.ge [sflag:s3], $0x10000  }
0x2d: {  	s19 =	sadd.s32 $0xFFFFFFFF, s19;
	[sflag:s3] =	ssyncset.done $0x0  }
.LBB2_1:
0x2e: {  	p0 =	sne.s32 s19, $0x1;
	s19 =	sadd.s32 $0xFFFFFFFF, s19;
	[sflag:s3] =	ssyncadd.s32 $0xFFFF0000  }
0x2f: {  	[tilespmem:s2], [sflag:$0x3] =	stream.linear.gather [hbm4b:s4+s2], $0x200, $0x38;
	[tilespmem:$0x10800] =	vst v63  }
0x30: {  	_ =	swait.ge [sflag:s3], $0x200  }
0x31: {  	[sflag:s3] =	ssyncset.done $0x0  }
0x32: {  	[sflag:s3] =	ssyncadd.s32 $0xFFFFFE00  }
0x33: {  	[tilespmem:s7], [sflag:$0x2] =	stream.indirect.gather [hbm4b:s5+s6], $0x80, s2, s6, $0xb8;
	[tilespmem:$0x10800] =	vst v63  }
0x34: {  	_ = 	snop  }
0x35: {  	[tilespmem:s6], [sflag:$0x1] =	stream.indirect.gather [hbm4b:s8+s6], $0x1, s2, s6, $0xb8;
	[tilespmem:$0x10800] =	vst v63  }
0x36: {  	_ = 	snop  }
0x37: {  	[tilespmem:s10], [sflag:$0x1] =	stream.indirect.gather [hbm4b:s9+s6], $0x1, s2, s6, $0xb8;
	[tilespmem:$0x10800] =	vst v63  }
0x38: {  	_ = 	snop  }
0x39: {  	[tilespmem:s12], [sflag:$0x1] =	stream.indirect.gather [hbm4b:s11+s6], $0x1, s2, s6, $0xb8;
	[tilespmem:$0x10800] =	vst v63  }
0x3a: {  	_ =	swait.ge [sflag:s13], $0x200  }
0x3b: {  	[sflag:s13] =	ssyncset.done $0x0  }
0x3c: {  	[sflag:s13] =	ssyncadd.s32 $0xFFFFFE00  }
0x3d: {  	_ =	swait.ge [sflag:s13], $0x200  }
0x3e: {  	[sflag:s13] =	ssyncset.done $0x0  }
0x3f: {  	[sflag:s13] =	ssyncadd.s32 $0xFFFFFE00  }
0x40: {  	_ =	swait.ge [sflag:s13], $0x200  }
0x41: {  	[sflag:s13] =	ssyncset.done $0x0  }
0x42: {  	[sflag:s13] =	ssyncadd.s32 $0xFFFFFE00  }
0x43: {  	[hbm4b:s14+s2] =	stream.linear.scatter [tilespmem:s6], [sflag:$0x3], $0x200, $0x38;
	[tilespmem:$0x10800] =	vst v63  }
0x44: {  	_ =	swait.ge [sflag:s3], $0x200  }
0x45: {  	[sflag:s3] =	ssyncset.done $0x0  }
0x46: {  	[sflag:s3] =	ssyncadd.s32 $0xFFFFFE00  }
0x47: {  	[hbm4b:s15+s2] =	stream.linear.scatter [tilespmem:s10], [sflag:$0x3], $0x200, $0x38;
	[tilespmem:$0x10800] =	vst v63  }
0x48: {  	_ =	swait.ge [sflag:s3], $0x200  }
0x49: {  	[sflag:s3] =	ssyncset.done $0x0  }
0x4a: {  	[sflag:s3] =	ssyncadd.s32 $0xFFFFFE00  }
0x4b: {  	[hbm4b:s16+s2] =	stream.linear.scatter [tilespmem:s12], [sflag:$0x3], $0x200, $0x38;
	[tilespmem:$0x10800] =	vst v63  }
0x4c: {  	_ =	swait.ge [sflag:s3], $0x200  }
0x4d: {  	[sflag:s3] =	ssyncset.done $0x0  }
0x4e: {  	[sflag:s3] =	ssyncadd.s32 $0xFFFFFE00  }
0x4f: {  	_ =	swait.ge [sflag:s17], $0x10000  }
.Ltmp1:
0x50: {  	[sflag:s17] =	ssyncset.done $0x0;
	(pc) =	sbr.rel @p0 .LBB2_1-.Ltmp1, $4  }
0x51: {  	[sflag:s17] =	ssyncadd.s32 $0xFFFF0000  }
0x52: {  	[hbm4b:s18+s2] =	stream.linear.scatter [tilespmem:s7], [sflag:$0x3], $0x10000, $0x38;
	[tilespmem:$0x10800] =	vst v63  }
0x53: {  	_ =	swait.ge [sflag:s3], $0x10000  }
0x54: {  	[sflag:s3] =	ssyncset.done $0x0  }
.LBB2_2:
0x55: {  	[sflag:s3] =	ssyncadd.s32 $0xFFFF0000  }
0x56: {  	_ =	sfence.sel $0x180000  }
0x57: {  	[bflag:$0x0] =	sbarrier.arrive $0xFFFF  }
0x58: {  	p0 =	sne.s32 s0, $0x0;
	_ =	strace $0x90000047  }
0x59: {  	s0 =	sadd.s32 @!p0 $0x100000, s1;
	[bflag:$0x2] =	sbarrier.arrive $0xFFFF  }
0x5a: {  	[sflag:s0] =	ssyncadd.tile.s32 @!p0 $0x1;
	_ =	shalt  }
.Lfunc_end2:
_tile_overlayer_lowered:
.L_overlay_start_2:
0x5b: {  	(tag) =	ssettag $0x2  }
0x5c: {  	s0 =	rddreg [dreg:$0x0];
	s2 =	stileid.u32  }
0x5d: {  	s1 =	rddreg [dreg:$0x1];
	p0 =	sne.s32 s2, $0x0  }
0x5e: {  	s3 =	rddreg [dreg:$0x2];
	[bflag:$0x3] =	sbarrier.arrive $0xFFFF;
	s2 =	simm.s32 @!p0 $0x1C03  }
0x5f: {  	[timem:s3], [sflag:s2] =	dma.local @!p0 [hbm:s0], s1  }
0x60: {  	s0 =	simm.s32 @!p0 $0x3  }
0x61: {  	_ =	swait.ge @!p0 [sflag:s0], s1  }
0x62: {  	s1 =	ssub.s32 @!p0 $0x0, s1;
	[sflag:s0] =	ssyncset.done @!p0 $0x0  }
0x63: {  	[sflag:s0] =	ssyncadd.s32 @!p0 s1  }
0x64: {  	[bflag:$0x3] =	sbarrier.arrive $0xFFFF  }
0x65: {  	_ =	shalt  }

</sc_bundles>
